<compile_context>
chip_gen: v7x
topology: tpu7x:2x2x1
jax: 0.10.2.dev20260603
libtpu: 0.0.44.dev20260713+nightly
codegen_flags: <defaults>
</compile_context>

<pallas_src>
import functools

import jax
import jax.numpy as jnp
from jax import lax
from jax.experimental import pallas as pl
from jax.experimental.pallas import tpu as pltpu
from jax.experimental.pallas import tpu_sc as plsc

N_NODES = 100000
D = 16
NGRAPH = 64
GP = 128
E_EDGES = 3200000
NC = 2
NS = 16
NW = NC * NS
NP = 102400
EP = 3276800
CH = 128
PT_N = NP // NW
PT_E = EP // NW
ROWS_SC = NP // NS
BLK = 2048

_MESH = plsc.VectorSubcoreMesh(core_axis_name="c", subcore_axis_name="s")
_SC_PARAMS = pltpu.CompilerParams(use_tc_tiling_on_sc=False)


def _fill_rows(ref, val):
    def body(i, _):
        ref[i, :] = jnp.full((16,), val, jnp.float32)
        return 0
    lax.fori_loop(0, CH, body, 0)


def _fill_vec(ref, val):
    def body(i, _):
        ref[pl.ds(i * 16, 16)] = jnp.full((16,), val, jnp.float32)
        return 0
    lax.fori_loop(0, CH // 16, body, 0)



def _emb_body(s_hbm, c_hbm, p_hbm, se_hbm, ce_hbm, pe_hbm, h_hbm,
              si_v, ci_v, pi_v, rs_v, rc_v, rp_v, sem):
    wid = lax.axis_index("c") * NS + lax.axis_index("s")
    base = wid * PT_N

    def chunk(k, _):
        b = base + k * CH
        pltpu.sync_copy(s_hbm.at[pl.ds(b, CH)], si_v)
        pltpu.sync_copy(c_hbm.at[pl.ds(b, CH)], ci_v)
        pltpu.sync_copy(p_hbm.at[pl.ds(b, CH)], pi_v)
        pltpu.async_copy(se_hbm.at[si_v], rs_v, sem).wait()
        pltpu.async_copy(ce_hbm.at[ci_v], rc_v, sem).wait()
        pltpu.async_copy(pe_hbm.at[pi_v], rp_v, sem).wait()

        def row(i, _):
            rs_v[i, :] = rs_v[i, :] + rc_v[i, :] + rp_v[i, :]
            return 0
        lax.fori_loop(0, CH, row, 0)
        pltpu.sync_copy(rs_v, h_hbm.at[pl.ds(b, CH)])
        return 0
    lax.fori_loop(0, PT_N // CH, chunk, 0)


_emb_call = pl.kernel(
    _emb_body,
    out_type=jax.ShapeDtypeStruct((NP, D), jnp.float32),
    mesh=_MESH,
    compiler_params=_SC_PARAMS,
    scratch_types=[pltpu.VMEM((CH,), jnp.int32)] * 3
                  + [pltpu.VMEM((CH, D), jnp.float32)] * 3
                  + [pltpu.SemaphoreType.DMA],
)



NBUF = 8
KLEAD = 6


def _agg_body(with_deg, h_hbm, src_hbm, dst_hbm, *refs):
    if with_deg:
        (agg_hbm, deg_hbm, acc_sh, dacc_sh, zrow_v, zvec_v, ones_v) = refs[:7]
        rest = refs[7:]
    else:
        (agg_hbm, acc_sh, zrow_v) = refs[:3]
        rest = refs[3:]
    src_vs = rest[0:NBUF]
    dst_vs = rest[NBUF:2 * NBUF]
    rows_vs = rest[2 * NBUF:3 * NBUF]
    isems = rest[3 * NBUF:4 * NBUF]
    gsems = rest[4 * NBUF:5 * NBUF]
    cid = lax.axis_index("c")
    sid = lax.axis_index("s")
    wid = cid * NS + sid

    _fill_rows(zrow_v, 0.0)
    if with_deg:
        _fill_vec(zvec_v, 0.0)
        _fill_vec(ones_v, 1.0)

    rbase = sid * ROWS_SC

    def zero_chunk(k, _):
        pltpu.sync_copy(zrow_v, acc_sh.at[pl.ds(rbase + k * CH, CH)])
        if with_deg:
            pltpu.sync_copy(zvec_v, dacc_sh.at[pl.ds(rbase + k * CH, CH)])
        return 0
    lax.fori_loop(0, ROWS_SC // CH, zero_chunk, 0)
    plsc.subcore_barrier()

    ncht = PT_E // CH
    row0 = wid * ncht

    def wait_idx(m):
        pltpu.make_async_copy(src_hbm.at[row0], src_vs[m], isems[m]).wait()
        pltpu.make_async_copy(src_hbm.at[row0], dst_vs[m], isems[m]).wait()

    for m in range(NBUF):
        pltpu.async_copy(src_hbm.at[row0 + m], src_vs[m], isems[m])
        pltpu.async_copy(dst_hbm.at[row0 + m], dst_vs[m], isems[m])
    for m in range(KLEAD):
        wait_idx(m)
        pltpu.async_copy(h_hbm.at[src_vs[m]], rows_vs[m], gsems[m])

    def group(g, _):
        for u in range(NBUF):
            j = g * NBUF + u
            bg = (u + KLEAD) % NBUF
            pltpu.make_async_copy(h_hbm.at[src_vs[0]], rows_vs[u],
                                  gsems[u]).wait()
            pltpu.sync_copy(rows_vs[u], acc_sh.at[dst_vs[u]], add=True)
            if with_deg:
                pltpu.sync_copy(ones_v, dacc_sh.at[dst_vs[u]], add=True)

            @pl.when(j + NBUF < ncht)
            def _():
                pltpu.async_copy(src_hbm.at[row0 + j + NBUF], src_vs[u],
                                 isems[u])
                pltpu.async_copy(dst_hbm.at[row0 + j + NBUF], dst_vs[u],
                                 isems[u])

            @pl.when(j + KLEAD < ncht)
            def _():
                wait_idx(bg)
                pltpu.async_copy(h_hbm.at[src_vs[bg]], rows_vs[bg],
                                 gsems[bg])
        return 0
    lax.fori_loop(0, ncht // NBUF, group, 0)
    plsc.subcore_barrier()

    pltpu.sync_copy(acc_sh.at[pl.ds(rbase, ROWS_SC)],
                    agg_hbm.at[cid, pl.ds(rbase, ROWS_SC)])
    if with_deg:
        pltpu.sync_copy(dacc_sh.at[pl.ds(rbase, ROWS_SC)],
                        deg_hbm.at[cid, pl.ds(rbase, ROWS_SC)])


_agg_deg_call = pl.kernel(
    functools.partial(_agg_body, True),
    out_type=(jax.ShapeDtypeStruct((NC, NP, D), jnp.float32),
              jax.ShapeDtypeStruct((NC, NP), jnp.float32)),
    mesh=_MESH,
    compiler_params=_SC_PARAMS,
    scratch_types=[pltpu.VMEM_SHARED((NP, D), jnp.float32),
                   pltpu.VMEM_SHARED((NP,), jnp.float32),
                   pltpu.VMEM((CH, D), jnp.float32),
                   pltpu.VMEM((CH,), jnp.float32),
                   pltpu.VMEM((CH,), jnp.float32)]
                  + [pltpu.VMEM((CH,), jnp.int32)] * (2 * NBUF)
                  + [pltpu.VMEM((CH, D), jnp.float32)] * NBUF
                  + [pltpu.SemaphoreType.DMA] * (2 * NBUF),
)

_agg_call = pl.kernel(
    functools.partial(_agg_body, False),
    out_type=jax.ShapeDtypeStruct((NC, NP, D), jnp.float32),
    mesh=_MESH,
    compiler_params=_SC_PARAMS,
    scratch_types=[pltpu.VMEM_SHARED((NP, D), jnp.float32),
                   pltpu.VMEM((CH, D), jnp.float32)]
                  + [pltpu.VMEM((CH,), jnp.int32)] * (2 * NBUF)
                  + [pltpu.VMEM((CH, D), jnp.float32)] * NBUF
                  + [pltpu.SemaphoreType.DMA] * (2 * NBUF),
)



def _dense_body(ap_ref, dp_ref, h_ref, wl_ref, bl_ref, wr_ref, o_ref):
    a = ap_ref[0] + ap_ref[1]
    dg = jnp.maximum(dp_ref[0] + dp_ref[1], 1.0)
    a = a / dg[:, None]
    o = (jnp.dot(a, wl_ref[...].T, preferred_element_type=jnp.float32)
         + bl_ref[...][None, :]
         + jnp.dot(h_ref[...], wr_ref[...].T,
                   preferred_element_type=jnp.float32))
    o_ref[...] = jnp.maximum(o, 0.0)


_dense_call = pl.pallas_call(
    _dense_body,
    grid=(NP // BLK,),
    in_specs=[
        pl.BlockSpec((NC, BLK, D), lambda i: (0, i, 0)),
        pl.BlockSpec((NC, BLK), lambda i: (0, i)),
        pl.BlockSpec((BLK, D), lambda i: (i, 0)),
        pl.BlockSpec((D, D), lambda i: (0, 0)),
        pl.BlockSpec((D,), lambda i: (0,)),
        pl.BlockSpec((D, D), lambda i: (0, 0)),
    ],
    out_specs=pl.BlockSpec((BLK, D), lambda i: (i, 0)),
    out_shape=jax.ShapeDtypeStruct((NP, D), jnp.float32),
)



def _pool_body(h_hbm, b_hbm, sum_hbm, cnt_hbm,
               acc_sh, dacc_sh, rows_v, idx_v, zrow_v, zvec_v, ones_v, sem):
    cid = lax.axis_index("c")
    sid = lax.axis_index("s")
    wid = cid * NS + sid

    _fill_rows(zrow_v, 0.0)
    _fill_vec(zvec_v, 0.0)
    _fill_vec(ones_v, 1.0)

    @pl.when(sid == 0)
    def _():
        pltpu.sync_copy(zrow_v, acc_sh)
        pltpu.sync_copy(zvec_v, dacc_sh)
    plsc.subcore_barrier()

    base = wid * PT_N

    def chunk(k, _):
        b = base + k * CH
        pltpu.sync_copy(h_hbm.at[pl.ds(b, CH)], rows_v)
        pltpu.sync_copy(b_hbm.at[pl.ds(b, CH)], idx_v)
        pltpu.sync_copy(rows_v, acc_sh.at[idx_v], add=True)
        pltpu.sync_copy(ones_v, dacc_sh.at[idx_v], add=True)
        return 0
    lax.fori_loop(0, PT_N // CH, chunk, 0)
    plsc.subcore_barrier()

    @pl.when(sid == 0)
    def _():
        pltpu.sync_copy(acc_sh, sum_hbm.at[cid])
        pltpu.sync_copy(dacc_sh, cnt_hbm.at[cid])


_pool_call = pl.kernel(
    _pool_body,
    out_type=(jax.ShapeDtypeStruct((NC, GP, D), jnp.float32),
              jax.ShapeDtypeStruct((NC, GP), jnp.float32)),
    mesh=_MESH,
    compiler_params=_SC_PARAMS,
    scratch_types=[pltpu.VMEM_SHARED((GP, D), jnp.float32),
                   pltpu.VMEM_SHARED((GP,), jnp.float32),
                   pltpu.VMEM((CH, D), jnp.float32),
                   pltpu.VMEM((CH,), jnp.int32),
                   pltpu.VMEM((CH, D), jnp.float32),
                   pltpu.VMEM((CH,), jnp.float32),
                   pltpu.VMEM((CH,), jnp.float32),
                   pltpu.SemaphoreType.DMA],
)



def _head_body(sum_ref, cnt_ref, w_ref, b_ref, o_ref):
    s = sum_ref[0, :NGRAPH, :] + sum_ref[1, :NGRAPH, :]
    c = jnp.maximum(cnt_ref[0, :NGRAPH] + cnt_ref[1, :NGRAPH], 1.0)
    pooled = s / c[:, None]
    o_ref[...] = (jnp.dot(pooled, w_ref[...].T,
                          preferred_element_type=jnp.float32)
                  + b_ref[...][None, :])


_head_call = pl.pallas_call(
    _head_body,
    out_shape=jax.ShapeDtypeStruct((NGRAPH, 10), jnp.float32),
)


def kernel(x, edge_index, batch, shape_emb, color_emb, pos_emb,
           W_l1, b_l1, W_r1, W_l2, b_l2, W_r2, lin_W, lin_b):
    x = x.astype(jnp.int32)
    zpadn = jnp.zeros((NP - N_NODES,), jnp.int32)
    s_arr = jnp.concatenate([x[:, 0], zpadn])
    c_arr = jnp.concatenate([x[:, 1], zpadn])
    p_arr = jnp.concatenate([x[:, 2], zpadn])
    src = jnp.concatenate([edge_index[0].astype(jnp.int32),
                           jnp.zeros((EP - E_EDGES,), jnp.int32)]
                          ).reshape(EP // CH, CH)
    dst = jnp.concatenate([edge_index[1].astype(jnp.int32),
                           jnp.full((EP - E_EDGES,), N_NODES, jnp.int32)]
                          ).reshape(EP // CH, CH)
    bat = jnp.concatenate([batch.astype(jnp.int32),
                           jnp.full((NP - N_NODES,), NGRAPH, jnp.int32)])

    h0 = _emb_call(s_arr, c_arr, p_arr, shape_emb, color_emb, pos_emb)
    agg0, deg = _agg_deg_call(h0, src, dst)
    h1 = _dense_call(agg0, deg, h0, W_l1, b_l1, W_r1)
    agg1 = _agg_call(h1, src, dst)
    h2 = _dense_call(agg1, deg, h1, W_l2, b_l2, W_r2)
    sums, cnts = _pool_call(h2, bat)
    return _head_call(sums, cnts, lin_W, lin_b)

# --- scband reference (transcript-rebuilt; emitter-appended) ---
"""Pipeline reference for scband-gnnclassifier-88648124990060 (READ-ONLY COPY).

The authoritative reference and input builder live on the scoring server;
editing this copy changes nothing except your own understanding.
"""

import jax, jax.numpy as jnp
import numpy as np

N = 100000
E = 3200000
EMB = 16
HID = 16
NCLS = 10
NGRAPH = 64
N_SHAPE = 16
N_COLOR = 16
MAX_POS = 1024


def setup_inputs(seed: int = 0) -> dict:
    key = jax.random.key(seed)
    ks = jax.random.split(key, 16)
    x = jax.random.randint(ks[0], (N, 3), 0, 16)
    edge_index = jax.random.randint(ks[1], (2, E), 0, N)
    batch = jnp.sort(jax.random.randint(ks[2], (N,), 0, NGRAPH))
    s = 0.05
    shape_emb = jax.random.normal(ks[3], (N_SHAPE, EMB), dtype=jnp.float32) * s
    color_emb = jax.random.normal(ks[4], (N_COLOR, EMB), dtype=jnp.float32) * s
    pos_emb = jax.random.normal(ks[5], (MAX_POS, EMB), dtype=jnp.float32) * s
    W_l1 = jax.random.normal(ks[6], (HID, EMB), dtype=jnp.float32) * s
    b_l1 = jnp.zeros((HID,), dtype=jnp.float32)
    W_r1 = jax.random.normal(ks[7], (HID, EMB), dtype=jnp.float32) * s
    W_l2 = jax.random.normal(ks[8], (HID, HID), dtype=jnp.float32) * s
    b_l2 = jnp.zeros((HID,), dtype=jnp.float32)
    W_r2 = jax.random.normal(ks[9], (HID, HID), dtype=jnp.float32) * s
    lin_W = jax.random.normal(ks[10], (NCLS, HID), dtype=jnp.float32) * s
    lin_b = jnp.zeros((NCLS,), dtype=jnp.float32)
    return {"x": x, "edge_index": edge_index, "batch": batch,
            "shape_emb": shape_emb, "color_emb": color_emb, "pos_emb": pos_emb,
            "W_l1": W_l1, "b_l1": b_l1, "W_r1": W_r1,
            "W_l2": W_l2, "b_l2": b_l2, "W_r2": W_r2,
            "lin_W": lin_W, "lin_b": lin_b}


def _sage_conv(h, edge_index, W_l, b_l, W_r):
    # PyG SAGEConv (aggr='mean'): out = lin_l(mean_j x_j) + lin_r(x_i)
    src = edge_index[0]
    dst = edge_index[1]
    msgs = jnp.take(h, src, axis=0)
    agg = jax.ops.segment_sum(msgs, dst, num_segments=N)
    deg = jax.ops.segment_sum(jnp.ones((E,), dtype=h.dtype), dst, num_segments=N)
    agg = agg / jnp.maximum(deg, 1.0)[:, None]
    return agg @ W_l.T + b_l + h @ W_r.T


def reference(x, edge_index, batch, shape_emb, color_emb, pos_emb,
              W_l1, b_l1, W_r1, W_l2, b_l2, W_r2, lin_W, lin_b):
    s = x[:, 0]
    c = x[:, 1]
    p = x[:, 2]
    h = jnp.take(shape_emb, s, axis=0) + jnp.take(color_emb, c, axis=0) + jnp.take(pos_emb, p, axis=0)
    h = jax.nn.relu(_sage_conv(h, edge_index, W_l1, b_l1, W_r1))
    h = jax.nn.relu(_sage_conv(h, edge_index, W_l2, b_l2, W_r2))
    sums = jax.ops.segment_sum(h, batch, num_segments=NGRAPH)
    cnt = jax.ops.segment_sum(jnp.ones((N,), dtype=h.dtype), batch, num_segments=NGRAPH)
    pooled = sums / jnp.maximum(cnt, 1.0)[:, None]
    return pooled @ lin_W.T + lin_b

if __name__ == "__main__":
    import jax
    _d = setup_inputs()
    print(jax.jit(kernel)(*tuple(_d.values())))

</pallas_src>

<mosaic_0001>
#map = affine_map<(d0, d1) -> (0, 0)>
#map1 = affine_map<(d0, d1) -> (0, 0, 0)>
module attributes {stable_mosaic.version = 14 : i64} {
  func.func @_agg_body(%arg0: i32, %arg1: i32, %arg2: memref<102400x16xf32, #tpu.memory_space<hbm>>, %arg3: memref<25600x128xi32, #tpu.memory_space<hbm>>, %arg4: memref<25600x128xi32, #tpu.memory_space<hbm>>, %arg5: memref<2x102400x16xf32, #tpu.memory_space<hbm>>, %arg6: memref<2x102400xf32, #tpu.memory_space<hbm>>, %arg7: memref<102400x16xf32, #tpu.memory_space<vmem_shared>>, %arg8: memref<102400xf32, #tpu.memory_space<vmem_shared>>, %arg9: memref<128x16xf32, #tpu.memory_space<vmem>>, %arg10: memref<128xf32, #tpu.memory_space<vmem>>, %arg11: memref<128xf32, #tpu.memory_space<vmem>>, %arg12: memref<128xi32, #tpu.memory_space<vmem>>, %arg13: memref<128xi32, #tpu.memory_space<vmem>>, %arg14: memref<128xi32, #tpu.memory_space<vmem>>, %arg15: memref<128xi32, #tpu.memory_space<vmem>>, %arg16: memref<128xi32, #tpu.memory_space<vmem>>, %arg17: memref<128xi32, #tpu.memory_space<vmem>>, %arg18: memref<128xi32, #tpu.memory_space<vmem>>, %arg19: memref<128xi32, #tpu.memory_space<vmem>>, %arg20: memref<128xi32, #tpu.memory_space<vmem>>, %arg21: memref<128xi32, #tpu.memory_space<vmem>>, %arg22: memref<128xi32, #tpu.memory_space<vmem>>, %arg23: memref<128xi32, #tpu.memory_space<vmem>>, %arg24: memref<128xi32, #tpu.memory_space<vmem>>, %arg25: memref<128xi32, #tpu.memory_space<vmem>>, %arg26: memref<128xi32, #tpu.memory_space<vmem>>, %arg27: memref<128xi32, #tpu.memory_space<vmem>>, %arg28: memref<128x16xf32, #tpu.memory_space<vmem>>, %arg29: memref<128x16xf32, #tpu.memory_space<vmem>>, %arg30: memref<128x16xf32, #tpu.memory_space<vmem>>, %arg31: memref<128x16xf32, #tpu.memory_space<vmem>>, %arg32: memref<128x16xf32, #tpu.memory_space<vmem>>, %arg33: memref<128x16xf32, #tpu.memory_space<vmem>>, %arg34: memref<128x16xf32, #tpu.memory_space<vmem>>, %arg35: memref<128x16xf32, #tpu.memory_space<vmem>>, %arg36: memref<!tpu.dma_semaphore, #tpu.memory_space<semaphore_mem>>, %arg37: memref<!tpu.dma_semaphore, #tpu.memory_space<semaphore_mem>>, %arg38: memref<!tpu.dma_semaphore, #tpu.memory_space<semaphore_mem>>, %arg39: memref<!tpu.dma_semaphore, #tpu.memory_space<semaphore_mem>>, %arg40: memref<!tpu.dma_semaphore, #tpu.memory_space<semaphore_mem>>, %arg41: memref<!tpu.dma_semaphore, #tpu.memory_space<semaphore_mem>>, %arg42: memref<!tpu.dma_semaphore, #tpu.memory_space<semaphore_mem>>, %arg43: memref<!tpu.dma_semaphore, #tpu.memory_space<semaphore_mem>>, %arg44: memref<!tpu.dma_semaphore, #tpu.memory_space<semaphore_mem>>, %arg45: memref<!tpu.dma_semaphore, #tpu.memory_space<semaphore_mem>>, %arg46: memref<!tpu.dma_semaphore, #tpu.memory_space<semaphore_mem>>, %arg47: memref<!tpu.dma_semaphore, #tpu.memory_space<semaphore_mem>>, %arg48: memref<!tpu.dma_semaphore, #tpu.memory_space<semaphore_mem>>, %arg49: memref<!tpu.dma_semaphore, #tpu.memory_space<semaphore_mem>>, %arg50: memref<!tpu.dma_semaphore, #tpu.memory_space<semaphore_mem>>, %arg51: memref<!tpu.dma_semaphore, #tpu.memory_space<semaphore_mem>>) attributes {dimension_semantics = [#tpu.dimension_semantics<core_parallel>, #tpu.dimension_semantics<subcore_parallel>], iteration_bounds = array<i64: 2, 16>, scalar_prefetch = 0 : i64, scratch_operands = 45 : i64, tpu.core_type = #tpu.core_type<sc_vector_subcore>, window_params = [{transform_indices = #map}, {transform_indices = #map}, {transform_indices = #map}, {transform_indices = #map1}, {transform_indices = #map}]} {
    %mul3A = arith.constant 16 : i32
    %mul3A_0 = arith.muli %arg0, %mul3A : i32
    %add3A = arith.addi %mul3A_0, %arg1 : i32
    %scan3A = arith.constant 0 : i32
    %scan3A_1 = arith.constant 0 : i32
    %scan3A_2 = arith.constant 128 : i32
    %scan3A_3 = arith.addi %scan3A_1, %scan3A_2 : i32
    %scan3A_4 = arith.constant 1 : i32
    %scan3A_5 = scf.for %scan3A_256 = %scan3A_1 to %scan3A_3 step %scan3A_4 iter_args(%scan3A_257 = %scan3A) -> (i32)  : i32 {
      %broadcast_in_dim3A = arith.constant 0.000000e+00 : f32
      %broadcast_in_dim3A_258 = vector.broadcast %broadcast_in_dim3A : f32 to vector<16xf32>
      %swap3A = arith.index_cast %scan3A_256 : i32 to index
      %swap3A_259 = arith.constant 0 : index
      %swap3A_260 = tpu.vector_load %arg9[%swap3A, %swap3A_259] {strides = array<i32>} : memref<128x16xf32, #tpu.memory_space<vmem>>, vector<1x16xf32>,
      %swap3A_261 = vector.shape_cast %swap3A_260 : vector<1x16xf32> to vector<16xf32>
      %swap3A_262 = vector.shape_cast %broadcast_in_dim3A_258 : vector<16xf32> to vector<1x16xf32>
      tpu.vector_store %arg9[%swap3A, %swap3A_259], %swap3A_262 {strides = array<i32>} : memref<128x16xf32, #tpu.memory_space<vmem>>, vector<1x16xf32>,
      %scan3A_263 = arith.constant 0 : i32
      scf.yield %scan3A_263 : i32
    }
    %scan3A_6 = arith.constant 128 : i32
    %scan3A_7 = arith.constant 0 : i32
    %scan3A_8 = arith.constant 0 : i32
    %scan3A_9 = arith.constant 8 : i32
    %scan3A_10 = arith.addi %scan3A_8, %scan3A_9 : i32
    %scan3A_11 = arith.constant 1 : i32
    %scan3A_12 = scf.for %scan3A_256 = %scan3A_8 to %scan3A_10 step %scan3A_11 iter_args(%scan3A_257 = %scan3A_7) -> (i32)  : i32 {
      %broadcast_in_dim3A = arith.constant 0.000000e+00 : f32
      %broadcast_in_dim3A_258 = vector.broadcast %broadcast_in_dim3A : f32 to vector<16xf32>
      %mul3A_259 = arith.constant 16 : i32
      %mul3A_260 = arith.muli %scan3A_256, %mul3A_259 : i32
      %swap3A = arith.index_cast %mul3A_260 : i32 to index
      %swap3A_261 = tpu.vector_load %arg10[%swap3A] {strides = array<i32>} : memref<128xf32, #tpu.memory_space<vmem>>, vector<16xf32>,
      %swap3A_262 = vector.shape_cast %swap3A_261 : vector<16xf32> to vector<16xf32>
      %swap3A_263 = vector.shape_cast %broadcast_in_dim3A_258 : vector<16xf32> to vector<16xf32>
      tpu.vector_store %arg10[%swap3A], %swap3A_263 {strides = array<i32>} : memref<128xf32, #tpu.memory_space<vmem>>, vector<16xf32>,
      %scan3A_264 = arith.constant 0 : i32
      scf.yield %scan3A_264 : i32
    }
    %scan3A_13 = arith.constant 8 : i32
    %scan3A_14 = arith.constant 0 : i32
    %scan3A_15 = arith.constant 0 : i32
    %scan3A_16 = arith.constant 8 : i32
    %scan3A_17 = arith.addi %scan3A_15, %scan3A_16 : i32
    %scan3A_18 = arith.constant 1 : i32
    %scan3A_19 = scf.for %scan3A_256 = %scan3A_15 to %scan3A_17 step %scan3A_18 iter_args(%scan3A_257 = %scan3A_14) -> (i32)  : i32 {
      %broadcast_in_dim3A = arith.constant 1.000000e+00 : f32
      %broadcast_in_dim3A_258 = vector.broadcast %broadcast_in_dim3A : f32 to vector<16xf32>
      %mul3A_259 = arith.constant 16 : i32
      %mul3A_260 = arith.muli %scan3A_256, %mul3A_259 : i32
      %swap3A = arith.index_cast %mul3A_260 : i32 to index
      %swap3A_261 = tpu.vector_load %arg11[%swap3A] {strides = array<i32>} : memref<128xf32, #tpu.memory_space<vmem>>, vector<16xf32>,
      %swap3A_262 = vector.shape_cast %swap3A_261 : vector<16xf32> to vector<16xf32>
      %swap3A_263 = vector.shape_cast %broadcast_in_dim3A_258 : vector<16xf32> to vector<16xf32>
      tpu.vector_store %arg11[%swap3A], %swap3A_263 {strides = array<i32>} : memref<128xf32, #tpu.memory_space<vmem>>, vector<16xf32>,
      %scan3A_264 = arith.constant 0 : i32
      scf.yield %scan3A_264 : i32
    }
    %scan3A_20 = arith.constant 8 : i32
    %mul3A_21 = arith.constant 6400 : i32
    %mul3A_22 = arith.muli %arg1, %mul3A_21 : i32
    %scan3A_23 = arith.constant 0 : i32
    %scan3A_24 = arith.constant 0 : i32
    %scan3A_25 = arith.constant 50 : i32
    %scan3A_26 = arith.addi %scan3A_24, %scan3A_25 : i32
    %scan3A_27 = arith.constant 1 : i32
    %scan3A_28 = scf.for %scan3A_256 = %scan3A_24 to %scan3A_26 step %scan3A_27 iter_args(%scan3A_257 = %scan3A_23) -> (i32)  : i32 {
      %mul3A_258 = arith.constant 128 : i32
      %mul3A_259 = arith.muli %scan3A_256, %mul3A_258 : i32
      %add3A_260 = arith.addi %mul3A_22, %mul3A_259 : i32
      "tpu.region"() ({
        %run_scoped3A = tpu.sem_alloc : memref<!tpu.dma_semaphore, #tpu.memory_space<semaphore_mem>>
        %dma_start3A_265 = arith.constant 0 : i32
        %dma_start3A_266 = tpu.memref_slice %arg7[%add3A_260, %dma_start3A_265] : memref<102400x16xf32, #tpu.memory_space<vmem_shared>> -> memref<128x16xf32, #tpu.memory_space<vmem_shared>>
        %dma_start3A_267 = arith.constant 0 : i32
        %dma_start3A_268 = tpu.memref_slice %arg7[%add3A_260, %dma_start3A_267] : memref<102400x16xf32, #tpu.memory_space<vmem_shared>> -> memref<128x16xf32, #tpu.memory_space<vmem_shared>>
        tpu.enqueue_dma source(%arg9 : memref<128x16xf32, #tpu.memory_space<vmem>>) target(%dma_start3A_268 : memref<128x16xf32, #tpu.memory_space<vmem_shared>>) target_semaphore(%run_scoped3A : memref<!tpu.dma_semaphore, #tpu.memory_space<semaphore_mem>>)
        %dma_wait3A_269 = arith.constant 0 : i32
        %dma_wait3A_270 = tpu.memref_slice %arg7[%add3A_260, %dma_wait3A_269] : memref<102400x16xf32, #tpu.memory_space<vmem_shared>> -> memref<128x16xf32, #tpu.memory_space<vmem_shared>>
        %dma_wait3A_271 = arith.constant 0 : i32
        %dma_wait3A_272 = tpu.memref_slice %arg7[%add3A_260, %dma_wait3A_271] : memref<102400x16xf32, #tpu.memory_space<vmem_shared>> -> memref<128x16xf32, #tpu.memory_space<vmem_shared>>
        tpu.wait_dma2 semaphore(%run_scoped3A : memref<!tpu.dma_semaphore, #tpu.memory_space<semaphore_mem>>) src(%arg9 : memref<128x16xf32, #tpu.memory_space<vmem>>) dst(%dma_wait3A_272 : memref<128x16xf32, #tpu.memory_space<vmem_shared>>)
        tpu.yield
      }) : () -> ()
      %mul3A_261 = arith.constant 128 : i32
      %mul3A_262 = arith.muli %scan3A_256, %mul3A_261 : i32
      %add3A_263 = arith.addi %mul3A_22, %mul3A_262 : i32
      "tpu.region"() ({
        %run_scoped3A = tpu.sem_alloc : memref<!tpu.dma_semaphore, #tpu.memory_space<semaphore_mem>>
        %dma_start3A_265 = tpu.memref_slice %arg8[%add3A_263] : memref<102400xf32, #tpu.memory_space<vmem_shared>> -> memref<128xf32, #tpu.memory_space<vmem_shared>>
        %dma_start3A_266 = tpu.memref_slice %arg8[%add3A_263] : memref<102400xf32, #tpu.memory_space<vmem_shared>> -> memref<128xf32, #tpu.memory_space<vmem_shared>>
        tpu.enqueue_dma source(%arg10 : memref<128xf32, #tpu.memory_space<vmem>>) target(%dma_start3A_266 : memref<128xf32, #tpu.memory_space<vmem_shared>>) target_semaphore(%run_scoped3A : memref<!tpu.dma_semaphore, #tpu.memory_space<semaphore_mem>>)
        %dma_wait3A_267 = tpu.memref_slice %arg8[%add3A_263] : memref<102400xf32, #tpu.memory_space<vmem_shared>> -> memref<128xf32, #tpu.memory_space<vmem_shared>>
        %dma_wait3A_268 = tpu.memref_slice %arg8[%add3A_263] : memref<102400xf32, #tpu.memory_space<vmem_shared>> -> memref<128xf32, #tpu.memory_space<vmem_shared>>
        tpu.wait_dma2 semaphore(%run_scoped3A : memref<!tpu.dma_semaphore, #tpu.memory_space<semaphore_mem>>) src(%arg10 : memref<128xf32, #tpu.memory_space<vmem>>) dst(%dma_wait3A_268 : memref<128xf32, #tpu.memory_space<vmem_shared>>)
        tpu.yield
      }) : () -> ()
      %scan3A_264 = arith.constant 0 : i32
      scf.yield %scan3A_264 : i32
    }
    %scan3A_29 = arith.constant 50 : i32
    %barrier3A = arith.constant 0 : index
    tpu.barrier barrier_id(%barrier3A)
    %mul3A_30 = arith.constant 800 : i32
    %mul3A_31 = arith.muli %add3A, %mul3A_30 : i32
    %add3A_32 = arith.constant 0 : i32
    %add3A_33 = arith.addi %mul3A_31, %add3A_32 : i32
    %dma_start3A = arith.constant 0 : i32
    %dma_start3A_34 = tpu.memref_slice %arg3[%add3A_33, %dma_start3A] : memref<25600x128xi32, #tpu.memory_space<hbm>> -> memref<1x128xi32, #tpu.memory_space<hbm>>
    %dma_start3A_35 = tpu.memref_squeeze %dma_start3A_34 : memref<1x128xi32, #tpu.memory_space<hbm>> -> memref<128xi32, #tpu.memory_space<hbm>>
    %dma_start3A_36 = arith.constant 0 : i32
    %dma_start3A_37 = tpu.memref_slice %arg3[%add3A_33, %dma_start3A_36] : memref<25600x128xi32, #tpu.memory_space<hbm>> -> memref<1x128xi32, #tpu.memory_space<hbm>>
    %dma_start3A_38 = tpu.memref_squeeze %dma_start3A_37 : memref<1x128xi32, #tpu.memory_space<hbm>> -> memref<128xi32, #tpu.memory_space<hbm>>
    tpu.enqueue_dma source(%dma_start3A_38 : memref<128xi32, #tpu.memory_space<hbm>>) target(%arg12 : memref<128xi32, #tpu.memory_space<vmem>>) target_semaphore(%arg36 : memref<!tpu.dma_semaphore, #tpu.memory_space<semaphore_mem>>)
    %add3A_39 = arith.constant 0 : i32
    %add3A_40 = arith.addi %mul3A_31, %add3A_39 : i32
    %dma_start3A_41 = arith.constant 0 : i32
    %dma_start3A_42 = tpu.memref_slice %arg4[%add3A_40, %dma_start3A_41] : memref<25600x128xi32, #tpu.memory_space<hbm>> -> memref<1x128xi32, #tpu.memory_space<hbm>>
    %dma_start3A_43 = tpu.memref_squeeze %dma_start3A_42 : memref<1x128xi32, #tpu.memory_space<hbm>> -> memref<128xi32, #tpu.memory_space<hbm>>
    %dma_start3A_44 = arith.constant 0 : i32
    %dma_start3A_45 = tpu.memref_slice %arg4[%add3A_40, %dma_start3A_44] : memref<25600x128xi32, #tpu.memory_space<hbm>> -> memref<1x128xi32, #tpu.memory_space<hbm>>
    %dma_start3A_46 = tpu.memref_squeeze %dma_start3A_45 : memref<1x128xi32, #tpu.memory_space<hbm>> -> memref<128xi32, #tpu.memory_space<hbm>>
    tpu.enqueue_dma source(%dma_start3A_46 : memref<128xi32, #tpu.memory_space<hbm>>) target(%arg20 : memref<128xi32, #tpu.memory_space<vmem>>) target_semaphore(%arg36 : memref<!tpu.dma_semaphore, #tpu.memory_space<semaphore_mem>>)
    %add3A_47 = arith.constant 1 : i32
    %add3A_48 = arith.addi %mul3A_31, %add3A_47 : i32
    %dma_start3A_49 = arith.constant 0 : i32
    %dma_start3A_50 = tpu.memref_slice %arg3[%add3A_48, %dma_start3A_49] : memref<25600x128xi32, #tpu.memory_space<hbm>> -> memref<1x128xi32, #tpu.memory_space<hbm>>
    %dma_start3A_51 = tpu.memref_squeeze %dma_start3A_50 : memref<1x128xi32, #tpu.memory_space<hbm>> -> memref<128xi32, #tpu.memory_space<hbm>>
    %dma_start3A_52 = arith.constant 0 : i32
    %dma_start3A_53 = tpu.memref_slice %arg3[%add3A_48, %dma_start3A_52] : memref<25600x128xi32, #tpu.memory_space<hbm>> -> memref<1x128xi32, #tpu.memory_space<hbm>>
    %dma_start3A_54 = tpu.memref_squeeze %dma_start3A_53 : memref<1x128xi32, #tpu.memory_space<hbm>> -> memref<128xi32, #tpu.memory_space<hbm>>
    tpu.enqueue_dma source(%dma_start3A_54 : memref<128xi32, #tpu.memory_space<hbm>>) target(%arg13 : memref<128xi32, #tpu.memory_space<vmem>>) target_semaphore(%arg37 : memref<!tpu.dma_semaphore, #tpu.memory_space<semaphore_mem>>)
    %add3A_55 = arith.constant 1 : i32
    %add3A_56 = arith.addi %mul3A_31, %add3A_55 : i32
    %dma_start3A_57 = arith.constant 0 : i32
    %dma_start3A_58 = tpu.memref_slice %arg4[%add3A_56, %dma_start3A_57] : memref<25600x128xi32, #tpu.memory_space<hbm>> -> memref<1x128xi32, #tpu.memory_space<hbm>>
    %dma_start3A_59 = tpu.memref_squeeze %dma_start3A_58 : memref<1x128xi32, #tpu.memory_space<hbm>> -> memref<128xi32, #tpu.memory_space<hbm>>
    %dma_start3A_60 = arith.constant 0 : i32
    %dma_start3A_61 = tpu.memref_slice %arg4[%add3A_56, %dma_start3A_60] : memref<25600x128xi32, #tpu.memory_space<hbm>> -> memref<1x128xi32, #tpu.memory_space<hbm>>
    %dma_start3A_62 = tpu.memref_squeeze %dma_start3A_61 : memref<1x128xi32, #tpu.memory_space<hbm>> -> memref<128xi32, #tpu.memory_space<hbm>>
    tpu.enqueue_dma source(%dma_start3A_62 : memref<128xi32, #tpu.memory_space<hbm>>) target(%arg21 : memref<128xi32, #tpu.memory_space<vmem>>) target_semaphore(%arg37 : memref<!tpu.dma_semaphore, #tpu.memory_space<semaphore_mem>>)
    %add3A_63 = arith.constant 2 : i32
    %add3A_64 = arith.addi %mul3A_31, %add3A_63 : i32
    %dma_start3A_65 = arith.constant 0 : i32
    %dma_start3A_66 = tpu.memref_slice %arg3[%add3A_64, %dma_start3A_65] : memref<25600x128xi32, #tpu.memory_space<hbm>> -> memref<1x128xi32, #tpu.memory_space<hbm>>
    %dma_start3A_67 = tpu.memref_squeeze %dma_start3A_66 : memref<1x128xi32, #tpu.memory_space<hbm>> -> memref<128xi32, #tpu.memory_space<hbm>>
    %dma_start3A_68 = arith.constant 0 : i32
    %dma_start3A_69 = tpu.memref_slice %arg3[%add3A_64, %dma_start3A_68] : memref<25600x128xi32, #tpu.memory_space<hbm>> -> memref<1x128xi32, #tpu.memory_space<hbm>>
    %dma_start3A_70 = tpu.memref_squeeze %dma_start3A_69 : memref<1x128xi32, #tpu.memory_space<hbm>> -> memref<128xi32, #tpu.memory_space<hbm>>
    tpu.enqueue_dma source(%dma_start3A_70 : memref<128xi32, #tpu.memory_space<hbm>>) target(%arg14 : memref<128xi32, #tpu.memory_space<vmem>>) target_semaphore(%arg38 : memref<!tpu.dma_semaphore, #tpu.memory_space<semaphore_mem>>)
    %add3A_71 = arith.constant 2 : i32
    %add3A_72 = arith.addi %mul3A_31, %add3A_71 : i32
    %dma_start3A_73 = arith.constant 0 : i32
    %dma_start3A_74 = tpu.memref_slice %arg4[%add3A_72, %dma_start3A_73] : memref<25600x128xi32, #tpu.memory_space<hbm>> -> memref<1x128xi32, #tpu.memory_space<hbm>>
    %dma_start3A_75 = tpu.memref_squeeze %dma_start3A_74 : memref<1x128xi32, #tpu.memory_space<hbm>> -> memref<128xi32, #tpu.memory_space<hbm>>
    %dma_start3A_76 = arith.constant 0 : i32
    %dma_start3A_77 = tpu.memref_slice %arg4[%add3A_72, %dma_start3A_76] : memref<25600x128xi32, #tpu.memory_space<hbm>> -> memref<1x128xi32, #tpu.memory_space<hbm>>
    %dma_start3A_78 = tpu.memref_squeeze %dma_start3A_77 : memref<1x128xi32, #tpu.memory_space<hbm>> -> memref<128xi32, #tpu.memory_space<hbm>>
    tpu.enqueue_dma source(%dma_start3A_78 : memref<128xi32, #tpu.memory_space<hbm>>) target(%arg22 : memref<128xi32, #tpu.memory_space<vmem>>) target_semaphore(%arg38 : memref<!tpu.dma_semaphore, #tpu.memory_space<semaphore_mem>>)
    %add3A_79 = arith.constant 3 : i32
    %add3A_80 = arith.addi %mul3A_31, %add3A_79 : i32
    %dma_start3A_81 = arith.constant 0 : i32
    %dma_start3A_82 = tpu.memref_slice %arg3[%add3A_80, %dma_start3A_81] : memref<25600x128xi32, #tpu.memory_space<hbm>> -> memref<1x128xi32, #tpu.memory_space<hbm>>
    %dma_start3A_83 = tpu.memref_squeeze %dma_start3A_82 : memref<1x128xi32, #tpu.memory_space<hbm>> -> memref<128xi32, #tpu.memory_space<hbm>>
    %dma_start3A_84 = arith.constant 0 : i32
    %dma_start3A_85 = tpu.memref_slice %arg3[%add3A_80, %dma_start3A_84] : memref<25600x128xi32, #tpu.memory_space<hbm>> -> memref<1x128xi32, #tpu.memory_space<hbm>>
    %dma_start3A_86 = tpu.memref_squeeze %dma_start3A_85 : memref<1x128xi32, #tpu.memory_space<hbm>> -> memref<128xi32, #tpu.memory_space<hbm>>
    tpu.enqueue_dma source(%dma_start3A_86 : memref<128xi32, #tpu.memory_space<hbm>>) target(%arg15 : memref<128xi32, #tpu.memory_space<vmem>>) target_semaphore(%arg39 : memref<!tpu.dma_semaphore, #tpu.memory_space<semaphore_mem>>)
    %add3A_87 = arith.constant 3 : i32
    %add3A_88 = arith.addi %mul3A_31, %add3A_87 : i32
    %dma_start3A_89 = arith.constant 0 : i32
    %dma_start3A_90 = tpu.memref_slice %arg4[%add3A_88, %dma_start3A_89] : memref<25600x128xi32, #tpu.memory_space<hbm>> -> memref<1x128xi32, #tpu.memory_space<hbm>>
    %dma_start3A_91 = tpu.memref_squeeze %dma_start3A_90 : memref<1x128xi32, #tpu.memory_space<hbm>> -> memref<128xi32, #tpu.memory_space<hbm>>
    %dma_start3A_92 = arith.constant 0 : i32
    %dma_start3A_93 = tpu.memref_slice %arg4[%add3A_88, %dma_start3A_92] : memref<25600x128xi32, #tpu.memory_space<hbm>> -> memref<1x128xi32, #tpu.memory_space<hbm>>
    %dma_start3A_94 = tpu.memref_squeeze %dma_start3A_93 : memref<1x128xi32, #tpu.memory_space<hbm>> -> memref<128xi32, #tpu.memory_space<hbm>>
    tpu.enqueue_dma source(%dma_start3A_94 : memref<128xi32, #tpu.memory_space<hbm>>) target(%arg23 : memref<128xi32, #tpu.memory_space<vmem>>) target_semaphore(%arg39 : memref<!tpu.dma_semaphore, #tpu.memory_space<semaphore_mem>>)
    %add3A_95 = arith.constant 4 : i32
    %add3A_96 = arith.addi %mul3A_31, %add3A_95 : i32
    %dma_start3A_97 = arith.constant 0 : i32
    %dma_start3A_98 = tpu.memref_slice %arg3[%add3A_96, %dma_start3A_97] : memref<25600x128xi32, #tpu.memory_space<hbm>> -> memref<1x128xi32, #tpu.memory_space<hbm>>
    %dma_start3A_99 = tpu.memref_squeeze %dma_start3A_98 : memref<1x128xi32, #tpu.memory_space<hbm>> -> memref<128xi32, #tpu.memory_space<hbm>>
    %dma_start3A_100 = arith.constant 0 : i32
    %dma_start3A_101 = tpu.memref_slice %arg3[%add3A_96, %dma_start3A_100] : memref<25600x128xi32, #tpu.memory_space<hbm>> -> memref<1x128xi32, #tpu.memory_space<hbm>>
    %dma_start3A_102 = tpu.memref_squeeze %dma_start3A_101 : memref<1x128xi32, #tpu.memory_space<hbm>> -> memref<128xi32, #tpu.memory_space<hbm>>
    tpu.enqueue_dma source(%dma_start3A_102 : memref<128xi32, #tpu.memory_space<hbm>>) target(%arg16 : memref<128xi32, #tpu.memory_space<vmem>>) target_semaphore(%arg40 : memref<!tpu.dma_semaphore, #tpu.memory_space<semaphore_mem>>)
    %add3A_103 = arith.constant 4 : i32
    %add3A_104 = arith.addi %mul3A_31, %add3A_103 : i32
    %dma_start3A_105 = arith.constant 0 : i32
    %dma_start3A_106 = tpu.memref_slice %arg4[%add3A_104, %dma_start3A_105] : memref<25600x128xi32, #tpu.memory_space<hbm>> -> memref<1x128xi32, #tpu.memory_space<hbm>>
    %dma_start3A_107 = tpu.memref_squeeze %dma_start3A_106 : memref<1x128xi32, #tpu.memory_space<hbm>> -> memref<128xi32, #tpu.memory_space<hbm>>
    %dma_start3A_108 = arith.constant 0 : i32
    %dma_start3A_109 = tpu.memref_slice %arg4[%add3A_104, %dma_start3A_108] : memref<25600x128xi32, #tpu.memory_space<hbm>> -> memref<1x128xi32, #tpu.memory_space<hbm>>
    %dma_start3A_110 = tpu.memref_squeeze %dma_start3A_109 : memref<1x128xi32, #tpu.memory_space<hbm>> -> memref<128xi32, #tpu.memory_space<hbm>>
    tpu.enqueue_dma source(%dma_start3A_110 : memref<128xi32, #tpu.memory_space<hbm>>) target(%arg24 : memref<128xi32, #tpu.memory_space<vmem>>) target_semaphore(%arg40 : memref<!tpu.dma_semaphore, #tpu.memory_space<semaphore_mem>>)
    %add3A_111 = arith.constant 5 : i32
    %add3A_112 = arith.addi %mul3A_31, %add3A_111 : i32
    %dma_start3A_113 = arith.constant 0 : i32
    %dma_start3A_114 = tpu.memref_slice %arg3[%add3A_112, %dma_start3A_113] : memref<25600x128xi32, #tpu.memory_space<hbm>> -> memref<1x128xi32, #tpu.memory_space<hbm>>
    %dma_start3A_115 = tpu.memref_squeeze %dma_start3A_114 : memref<1x128xi32, #tpu.memory_space<hbm>> -> memref<128xi32, #tpu.memory_space<hbm>>
    %dma_start3A_116 = arith.constant 0 : i32
    %dma_start3A_117 = tpu.memref_slice %arg3[%add3A_112, %dma_start3A_116] : memref<25600x128xi32, #tpu.memory_space<hbm>> -> memref<1x128xi32, #tpu.memory_space<hbm>>
    %dma_start3A_118 = tpu.memref_squeeze %dma_start3A_117 : memref<1x128xi32, #tpu.memory_space<hbm>> -> memref<128xi32, #tpu.memory_space<hbm>>
    tpu.enqueue_dma source(%dma_start3A_118 : memref<128xi32, #tpu.memory_space<hbm>>) target(%arg17 : memref<128xi32, #tpu.memory_space<vmem>>) target_semaphore(%arg41 : memref<!tpu.dma_semaphore, #tpu.memory_space<semaphore_mem>>)
    %add3A_119 = arith.constant 5 : i32
    %add3A_120 = arith.addi %mul3A_31, %add3A_119 : i32
    %dma_start3A_121 = arith.constant 0 : i32
    %dma_start3A_122 = tpu.memref_slice %arg4[%add3A_120, %dma_start3A_121] : memref<25600x128xi32, #tpu.memory_space<hbm>> -> memref<1x128xi32, #tpu.memory_space<hbm>>
    %dma_start3A_123 = tpu.memref_squeeze %dma_start3A_122 : memref<1x128xi32, #tpu.memory_space<hbm>> -> memref<128xi32, #tpu.memory_space<hbm>>
    %dma_start3A_124 = arith.constant 0 : i32
    %dma_start3A_125 = tpu.memref_slice %arg4[%add3A_120, %dma_start3A_124] : memref<25600x128xi32, #tpu.memory_space<hbm>> -> memref<1x128xi32, #tpu.memory_space<hbm>>
    %dma_start3A_126 = tpu.memref_squeeze %dma_start3A_125 : memref<1x128xi32, #tpu.memory_space<hbm>> -> memref<128xi32, #tpu.memory_space<hbm>>
    tpu.enqueue_dma source(%dma_start3A_126 : memref<128xi32, #tpu.memory_space<hbm>>) target(%arg25 : memref<128xi32, #tpu.memory_space<vmem>>) target_semaphore(%arg41 : memref<!tpu.dma_semaphore, #tpu.memory_space<semaphore_mem>>)
    %add3A_127 = arith.constant 6 : i32
    %add3A_128 = arith.addi %mul3A_31, %add3A_127 : i32
    %dma_start3A_129 = arith.constant 0 : i32
    %dma_start3A_130 = tpu.memref_slice %arg3[%add3A_128, %dma_start3A_129] : memref<25600x128xi32, #tpu.memory_space<hbm>> -> memref<1x128xi32, #tpu.memory_space<hbm>>
    %dma_start3A_131 = tpu.memref_squeeze %dma_start3A_130 : memref<1x128xi32, #tpu.memory_space<hbm>> -> memref<128xi32, #tpu.memory_space<hbm>>
    %dma_start3A_132 = arith.constant 0 : i32
    %dma_start3A_133 = tpu.memref_slice %arg3[%add3A_128, %dma_start3A_132] : memref<25600x128xi32, #tpu.memory_space<hbm>> -> memref<1x128xi32, #tpu.memory_space<hbm>>
    %dma_start3A_134 = tpu.memref_squeeze %dma_start3A_133 : memref<1x128xi32, #tpu.memory_space<hbm>> -> memref<128xi32, #tpu.memory_space<hbm>>
    tpu.enqueue_dma source(%dma_start3A_134 : memref<128xi32, #tpu.memory_space<hbm>>) target(%arg18 : memref<128xi32, #tpu.memory_space<vmem>>) target_semaphore(%arg42 : memref<!tpu.dma_semaphore, #tpu.memory_space<semaphore_mem>>)
    %add3A_135 = arith.constant 6 : i32
    %add3A_136 = arith.addi %mul3A_31, %add3A_135 : i32
    %dma_start3A_137 = arith.constant 0 : i32
    %dma_start3A_138 = tpu.memref_slice %arg4[%add3A_136, %dma_start3A_137] : memref<25600x128xi32, #tpu.memory_space<hbm>> -> memref<1x128xi32, #tpu.memory_space<hbm>>
    %dma_start3A_139 = tpu.memref_squeeze %dma_start3A_138 : memref<1x128xi32, #tpu.memory_space<hbm>> -> memref<128xi32, #tpu.memory_space<hbm>>
    %dma_start3A_140 = arith.constant 0 : i32
    %dma_start3A_141 = tpu.memref_slice %arg4[%add3A_136, %dma_start3A_140] : memref<25600x128xi32, #tpu.memory_space<hbm>> -> memref<1x128xi32, #tpu.memory_space<hbm>>
    %dma_start3A_142 = tpu.memref_squeeze %dma_start3A_141 : memref<1x128xi32, #tpu.memory_space<hbm>> -> memref<128xi32, #tpu.memory_space<hbm>>
    tpu.enqueue_dma source(%dma_start3A_142 : memref<128xi32, #tpu.memory_space<hbm>>) target(%arg26 : memref<128xi32, #tpu.memory_space<vmem>>) target_semaphore(%arg42 : memref<!tpu.dma_semaphore, #tpu.memory_space<semaphore_mem>>)
    %add3A_143 = arith.constant 7 : i32
    %add3A_144 = arith.addi %mul3A_31, %add3A_143 : i32
    %dma_start3A_145 = arith.constant 0 : i32
    %dma_start3A_146 = tpu.memref_slice %arg3[%add3A_144, %dma_start3A_145] : memref<25600x128xi32, #tpu.memory_space<hbm>> -> memref<1x128xi32, #tpu.memory_space<hbm>>
    %dma_start3A_147 = tpu.memref_squeeze %dma_start3A_146 : memref<1x128xi32, #tpu.memory_space<hbm>> -> memref<128xi32, #tpu.memory_space<hbm>>
    %dma_start3A_148 = arith.constant 0 : i32
    %dma_start3A_149 = tpu.memref_slice %arg3[%add3A_144, %dma_start3A_148] : memref<25600x128xi32, #tpu.memory_space<hbm>> -> memref<1x128xi32, #tpu.memory_space<hbm>>
    %dma_start3A_150 = tpu.memref_squeeze %dma_start3A_149 : memref<1x128xi32, #tpu.memory_space<hbm>> -> memref<128xi32, #tpu.memory_space<hbm>>
    tpu.enqueue_dma source(%dma_start3A_150 : memref<128xi32, #tpu.memory_space<hbm>>) target(%arg19 : memref<128xi32, #tpu.memory_space<vmem>>) target_semaphore(%arg43 : memref<!tpu.dma_semaphore, #tpu.memory_space<semaphore_mem>>)
    %add3A_151 = arith.constant 7 : i32
    %add3A_152 = arith.addi %mul3A_31, %add3A_151 : i32
    %dma_start3A_153 = arith.constant 0 : i32
    %dma_start3A_154 = tpu.memref_slice %arg4[%add3A_152, %dma_start3A_153] : memref<25600x128xi32, #tpu.memory_space<hbm>> -> memref<1x128xi32, #tpu.memory_space<hbm>>
    %dma_start3A_155 = tpu.memref_squeeze %dma_start3A_154 : memref<1x128xi32, #tpu.memory_space<hbm>> -> memref<128xi32, #tpu.memory_space<hbm>>
    %dma_start3A_156 = arith.constant 0 : i32
    %dma_start3A_157 = tpu.memref_slice %arg4[%add3A_152, %dma_start3A_156] : memref<25600x128xi32, #tpu.memory_space<hbm>> -> memref<1x128xi32, #tpu.memory_space<hbm>>
    %dma_start3A_158 = tpu.memref_squeeze %dma_start3A_157 : memref<1x128xi32, #tpu.memory_space<hbm>> -> memref<128xi32, #tpu.memory_space<hbm>>
    tpu.enqueue_dma source(%dma_start3A_158 : memref<128xi32, #tpu.memory_space<hbm>>) target(%arg27 : memref<128xi32, #tpu.memory_space<vmem>>) target_semaphore(%arg43 : memref<!tpu.dma_semaphore, #tpu.memory_space<semaphore_mem>>)
    %dma_wait3A = arith.constant 0 : i32
    %dma_wait3A_159 = tpu.memref_slice %arg3[%mul3A_31, %dma_wait3A] : memref<25600x128xi32, #tpu.memory_space<hbm>> -> memref<1x128xi32, #tpu.memory_space<hbm>>
    %dma_wait3A_160 = tpu.memref_squeeze %dma_wait3A_159 : memref<1x128xi32, #tpu.memory_space<hbm>> -> memref<128xi32, #tpu.memory_space<hbm>>
    %dma_wait3A_161 = arith.constant 0 : i32
    %dma_wait3A_162 = tpu.memref_slice %arg3[%mul3A_31, %dma_wait3A_161] : memref<25600x128xi32, #tpu.memory_space<hbm>> -> memref<1x128xi32, #tpu.memory_space<hbm>>
    %dma_wait3A_163 = tpu.memref_squeeze %dma_wait3A_162 : memref<1x128xi32, #tpu.memory_space<hbm>> -> memref<128xi32, #tpu.memory_space<hbm>>
    tpu.wait_dma2 semaphore(%arg36 : memref<!tpu.dma_semaphore, #tpu.memory_space<semaphore_mem>>) src(%dma_wait3A_163 : memref<128xi32, #tpu.memory_space<hbm>>) dst(%arg12 : memref<128xi32, #tpu.memory_space<vmem>>)
    %dma_wait3A_164 = arith.constant 0 : i32
    %dma_wait3A_165 = tpu.memref_slice %arg3[%mul3A_31, %dma_wait3A_164] : memref<25600x128xi32, #tpu.memory_space<hbm>> -> memref<1x128xi32, #tpu.memory_space<hbm>>
    %dma_wait3A_166 = tpu.memref_squeeze %dma_wait3A_165 : memref<1x128xi32, #tpu.memory_space<hbm>> -> memref<128xi32, #tpu.memory_space<hbm>>
    %dma_wait3A_167 = arith.constant 0 : i32
    %dma_wait3A_168 = tpu.memref_slice %arg3[%mul3A_31, %dma_wait3A_167] : memref<25600x128xi32, #tpu.memory_space<hbm>> -> memref<1x128xi32, #tpu.memory_space<hbm>>
    %dma_wait3A_169 = tpu.memref_squeeze %dma_wait3A_168 : memref<1x128xi32, #tpu.memory_space<hbm>> -> memref<128xi32, #tpu.memory_space<hbm>>
    tpu.wait_dma2 semaphore(%arg36 : memref<!tpu.dma_semaphore, #tpu.memory_space<semaphore_mem>>) src(%dma_wait3A_169 : memref<128xi32, #tpu.memory_space<hbm>>) dst(%arg20 : memref<128xi32, #tpu.memory_space<vmem>>)
    %dma_start3A_170 = arith.constant 0 : i32
    %dma_start3A_171 = arith.constant 0 : i32
    %dma_start3A_172 = tpu.memref_slice %arg2[%dma_start3A_170, %dma_start3A_171] : memref<102400x16xf32, #tpu.memory_space<hbm>> -> memref<102400x16xf32, #tpu.memory_space<hbm>>
    tpu.enqueue_indirect_dma source(%dma_start3A_172 : memref<102400x16xf32, #tpu.memory_space<hbm>>) target(%arg28 : memref<128x16xf32, #tpu.memory_space<vmem>>) offsets(%arg12 : memref<128xi32, #tpu.memory_space<vmem>>) semaphore(%arg44 : memref<!tpu.dma_semaphore, #tpu.memory_space<semaphore_mem>>)
    %dma_wait3A_173 = arith.constant 0 : i32
    %dma_wait3A_174 = tpu.memref_slice %arg3[%mul3A_31, %dma_wait3A_173] : memref<25600x128xi32, #tpu.memory_space<hbm>> -> memref<1x128xi32, #tpu.memory_space<hbm>>
    %dma_wait3A_175 = tpu.memref_squeeze %dma_wait3A_174 : memref<1x128xi32, #tpu.memory_space<hbm>> -> memref<128xi32, #tpu.memory_space<hbm>>
    %dma_wait3A_176 = arith.constant 0 : i32
    %dma_wait3A_177 = tpu.memref_slice %arg3[%mul3A_31, %dma_wait3A_176] : memref<25600x128xi32, #tpu.memory_space<hbm>> -> memref<1x128xi32, #tpu.memory_space<hbm>>
    %dma_wait3A_178 = tpu.memref_squeeze %dma_wait3A_177 : memref<1x128xi32, #tpu.memory_space<hbm>> -> memref<128xi32, #tpu.memory_space<hbm>>
    tpu.wait_dma2 semaphore(%arg37 : memref<!tpu.dma_semaphore, #tpu.memory_space<semaphore_mem>>) src(%dma_wait3A_178 : memref<128xi32, #tpu.memory_space<hbm>>) dst(%arg13 : memref<128xi32, #tpu.memory_space<vmem>>)
    %dma_wait3A_179 = arith.constant 0 : i32
    %dma_wait3A_180 = tpu.memref_slice %arg3[%mul3A_31, %dma_wait3A_179] : memref<25600x128xi32, #tpu.memory_space<hbm>> -> memref<1x128xi32, #tpu.memory_space<hbm>>
    %dma_wait3A_181 = tpu.memref_squeeze %dma_wait3A_180 : memref<1x128xi32, #tpu.memory_space<hbm>> -> memref<128xi32, #tpu.memory_space<hbm>>
    %dma_wait3A_182 = arith.constant 0 : i32
    %dma_wait3A_183 = tpu.memref_slice %arg3[%mul3A_31, %dma_wait3A_182] : memref<25600x128xi32, #tpu.memory_space<hbm>> -> memref<1x128xi32, #tpu.memory_space<hbm>>
    %dma_wait3A_184 = tpu.memref_squeeze %dma_wait3A_183 : memref<1x128xi32, #tpu.memory_space<hbm>> -> memref<128xi32, #tpu.memory_space<hbm>>
    tpu.wait_dma2 semaphore(%arg37 : memref<!tpu.dma_semaphore, #tpu.memory_space<semaphore_mem>>) src(%dma_wait3A_184 : memref<128xi32, #tpu.memory_space<hbm>>) dst(%arg21 : memref<128xi32, #tpu.memory_space<vmem>>)
    %dma_start3A_185 = arith.constant 0 : i32
    %dma_start3A_186 = arith.constant 0 : i32
    %dma_start3A_187 = tpu.memref_slice %arg2[%dma_start3A_185, %dma_start3A_186] : memref<102400x16xf32, #tpu.memory_space<hbm>> -> memref<102400x16xf32, #tpu.memory_space<hbm>>
    tpu.enqueue_indirect_dma source(%dma_start3A_187 : memref<102400x16xf32, #tpu.memory_space<hbm>>) target(%arg29 : memref<128x16xf32, #tpu.memory_space<vmem>>) offsets(%arg13 : memref<128xi32, #tpu.memory_space<vmem>>) semaphore(%arg45 : memref<!tpu.dma_semaphore, #tpu.memory_space<semaphore_mem>>)
    %dma_wait3A_188 = arith.constant 0 : i32
    %dma_wait3A_189 = tpu.memref_slice %arg3[%mul3A_31, %dma_wait3A_188] : memref<25600x128xi32, #tpu.memory_space<hbm>> -> memref<1x128xi32, #tpu.memory_space<hbm>>
    %dma_wait3A_190 = tpu.memref_squeeze %dma_wait3A_189 : memref<1x128xi32, #tpu.memory_space<hbm>> -> memref<128xi32, #tpu.memory_space<hbm>>
    %dma_wait3A_191 = arith.constant 0 : i32
    %dma_wait3A_192 = tpu.memref_slice %arg3[%mul3A_31, %dma_wait3A_191] : memref<25600x128xi32, #tpu.memory_space<hbm>> -> memref<1x128xi32, #tpu.memory_space<hbm>>
    %dma_wait3A_193 = tpu.memref_squeeze %dma_wait3A_192 : memref<1x128xi32, #tpu.memory_space<hbm>> -> memref<128xi32, #tpu.memory_space<hbm>>
    tpu.wait_dma2 semaphore(%arg38 : memref<!tpu.dma_semaphore, #tpu.memory_space<semaphore_mem>>) src(%dma_wait3A_193 : memref<128xi32, #tpu.memory_space<hbm>>) dst(%arg14 : memref<128xi32, #tpu.memory_space<vmem>>)
    %dma_wait3A_194 = arith.constant 0 : i32
    %dma_wait3A_195 = tpu.memref_slice %arg3[%mul3A_31, %dma_wait3A_194] : memref<25600x128xi32, #tpu.memory_space<hbm>> -> memref<1x128xi32, #tpu.memory_space<hbm>>
    %dma_wait3A_196 = tpu.memref_squeeze %dma_wait3A_195 : memref<1x128xi32, #tpu.memory_space<hbm>> -> memref<128xi32, #tpu.memory_space<hbm>>
    %dma_wait3A_197 = arith.constant 0 : i32
    %dma_wait3A_198 = tpu.memref_slice %arg3[%mul3A_31, %dma_wait3A_197] : memref<25600x128xi32, #tpu.memory_space<hbm>> -> memref<1x128xi32, #tpu.memory_space<hbm>>
    %dma_wait3A_199 = tpu.memref_squeeze %dma_wait3A_198 : memref<1x128xi32, #tpu.memory_space<hbm>> -> memref<128xi32, #tpu.memory_space<hbm>>
    tpu.wait_dma2 semaphore(%arg38 : memref<!tpu.dma_semaphore, #tpu.memory_space<semaphore_mem>>) src(%dma_wait3A_199 : memref<128xi32, #tpu.memory_space<hbm>>) dst(%arg22 : memref<128xi32, #tpu.memory_space<vmem>>)
    %dma_start3A_200 = arith.constant 0 : i32
    %dma_start3A_201 = arith.constant 0 : i32
    %dma_start3A_202 = tpu.memref_slice %arg2[%dma_start3A_200, %dma_start3A_201] : memref<102400x16xf32, #tpu.memory_space<hbm>> -> memref<102400x16xf32, #tpu.memory_space<hbm>>
    tpu.enqueue_indirect_dma source(%dma_start3A_202 : memref<102400x16xf32, #tpu.memory_space<hbm>>) target(%arg30 : memref<128x16xf32, #tpu.memory_space<vmem>>) offsets(%arg14 : memref<128xi32, #tpu.memory_space<vmem>>) semaphore(%arg46 : memref<!tpu.dma_semaphore, #tpu.memory_space<semaphore_mem>>)
    %dma_wait3A_203 = arith.constant 0 : i32
    %dma_wait3A_204 = tpu.memref_slice %arg3[%mul3A_31, %dma_wait3A_203] : memref<25600x128xi32, #tpu.memory_space<hbm>> -> memref<1x128xi32, #tpu.memory_space<hbm>>
    %dma_wait3A_205 = tpu.memref_squeeze %dma_wait3A_204 : memref<1x128xi32, #tpu.memory_space<hbm>> -> memref<128xi32, #tpu.memory_space<hbm>>
    %dma_wait3A_206 = arith.constant 0 : i32
    %dma_wait3A_207 = tpu.memref_slice %arg3[%mul3A_31, %dma_wait3A_206] : memref<25600x128xi32, #tpu.memory_space<hbm>> -> memref<1x128xi32, #tpu.memory_space<hbm>>
    %dma_wait3A_208 = tpu.memref_squeeze %dma_wait3A_207 : memref<1x128xi32, #tpu.memory_space<hbm>> -> memref<128xi32, #tpu.memory_space<hbm>>
    tpu.wait_dma2 semaphore(%arg39 : memref<!tpu.dma_semaphore, #tpu.memory_space<semaphore_mem>>) src(%dma_wait3A_208 : memref<128xi32, #tpu.memory_space<hbm>>) dst(%arg15 : memref<128xi32, #tpu.memory_space<vmem>>)
    %dma_wait3A_209 = arith.constant 0 : i32
    %dma_wait3A_210 = tpu.memref_slice %arg3[%mul3A_31, %dma_wait3A_209] : memref<25600x128xi32, #tpu.memory_space<hbm>> -> memref<1x128xi32, #tpu.memory_space<hbm>>
    %dma_wait3A_211 = tpu.memref_squeeze %dma_wait3A_210 : memref<1x128xi32, #tpu.memory_space<hbm>> -> memref<128xi32, #tpu.memory_space<hbm>>
    %dma_wait3A_212 = arith.constant 0 : i32
    %dma_wait3A_213 = tpu.memref_slice %arg3[%mul3A_31, %dma_wait3A_212] : memref<25600x128xi32, #tpu.memory_space<hbm>> -> memref<1x128xi32, #tpu.memory_space<hbm>>
    %dma_wait3A_214 = tpu.memref_squeeze %dma_wait3A_213 : memref<1x128xi32, #tpu.memory_space<hbm>> -> memref<128xi32, #tpu.memory_space<hbm>>
    tpu.wait_dma2 semaphore(%arg39 : memref<!tpu.dma_semaphore, #tpu.memory_space<semaphore_mem>>) src(%dma_wait3A_214 : memref<128xi32, #tpu.memory_space<hbm>>) dst(%arg23 : memref<128xi32, #tpu.memory_space<vmem>>)
    %dma_start3A_215 = arith.constant 0 : i32
    %dma_start3A_216 = arith.constant 0 : i32
    %dma_start3A_217 = tpu.memref_slice %arg2[%dma_start3A_215, %dma_start3A_216] : memref<102400x16xf32, #tpu.memory_space<hbm>> -> memref<102400x16xf32, #tpu.memory_space<hbm>>
    tpu.enqueue_indirect_dma source(%dma_start3A_217 : memref<102400x16xf32, #tpu.memory_space<hbm>>) target(%arg31 : memref<128x16xf32, #tpu.memory_space<vmem>>) offsets(%arg15 : memref<128xi32, #tpu.memory_space<vmem>>) semaphore(%arg47 : memref<!tpu.dma_semaphore, #tpu.memory_space<semaphore_mem>>)
    %dma_wait3A_218 = arith.constant 0 : i32
    %dma_wait3A_219 = tpu.memref_slice %arg3[%mul3A_31, %dma_wait3A_218] : memref<25600x128xi32, #tpu.memory_space<hbm>> -> memref<1x128xi32, #tpu.memory_space<hbm>>
    %dma_wait3A_220 = tpu.memref_squeeze %dma_wait3A_219 : memref<1x128xi32, #tpu.memory_space<hbm>> -> memref<128xi32, #tpu.memory_space<hbm>>
    %dma_wait3A_221 = arith.constant 0 : i32
    %dma_wait3A_222 = tpu.memref_slice %arg3[%mul3A_31, %dma_wait3A_221] : memref<25600x128xi32, #tpu.memory_space<hbm>> -> memref<1x128xi32, #tpu.memory_space<hbm>>
    %dma_wait3A_223 = tpu.memref_squeeze %dma_wait3A_222 : memref<1x128xi32, #tpu.memory_space<hbm>> -> memref<128xi32, #tpu.memory_space<hbm>>
    tpu.wait_dma2 semaphore(%arg40 : memref<!tpu.dma_semaphore, #tpu.memory_space<semaphore_mem>>) src(%dma_wait3A_223 : memref<128xi32, #tpu.memory_space<hbm>>) dst(%arg16 : memref<128xi32, #tpu.memory_space<vmem>>)
    %dma_wait3A_224 = arith.constant 0 : i32
    %dma_wait3A_225 = tpu.memref_slice %arg3[%mul3A_31, %dma_wait3A_224] : memref<25600x128xi32, #tpu.memory_space<hbm>> -> memref<1x128xi32, #tpu.memory_space<hbm>>
    %dma_wait3A_226 = tpu.memref_squeeze %dma_wait3A_225 : memref<1x128xi32, #tpu.memory_space<hbm>> -> memref<128xi32, #tpu.memory_space<hbm>>
    %dma_wait3A_227 = arith.constant 0 : i32
    %dma_wait3A_228 = tpu.memref_slice %arg3[%mul3A_31, %dma_wait3A_227] : memref<25600x128xi32, #tpu.memory_space<hbm>> -> memref<1x128xi32, #tpu.memory_space<hbm>>
    %dma_wait3A_229 = tpu.memref_squeeze %dma_wait3A_228 : memref<1x128xi32, #tpu.memory_space<hbm>> -> memref<128xi32, #tpu.memory_space<hbm>>
    tpu.wait_dma2 semaphore(%arg40 : memref<!tpu.dma_semaphore, #tpu.memory_space<semaphore_mem>>) src(%dma_wait3A_229 : memref<128xi32, #tpu.memory_space<hbm>>) dst(%arg24 : memref<128xi32, #tpu.memory_space<vmem>>)
    %dma_start3A_230 = arith.constant 0 : i32
    %dma_start3A_231 = arith.constant 0 : i32
    %dma_start3A_232 = tpu.memref_slice %arg2[%dma_start3A_230, %dma_start3A_231] : memref<102400x16xf32, #tpu.memory_space<hbm>> -> memref<102400x16xf32, #tpu.memory_space<hbm>>
    tpu.enqueue_indirect_dma source(%dma_start3A_232 : memref<102400x16xf32, #tpu.memory_space<hbm>>) target(%arg32 : memref<128x16xf32, #tpu.memory_space<vmem>>) offsets(%arg16 : memref<128xi32, #tpu.memory_space<vmem>>) semaphore(%arg48 : memref<!tpu.dma_semaphore, #tpu.memory_space<semaphore_mem>>)
    %dma_wait3A_233 = arith.constant 0 : i32
    %dma_wait3A_234 = tpu.memref_slice %arg3[%mul3A_31, %dma_wait3A_233] : memref<25600x128xi32, #tpu.memory_space<hbm>> -> memref<1x128xi32, #tpu.memory_space<hbm>>
    %dma_wait3A_235 = tpu.memref_squeeze %dma_wait3A_234 : memref<1x128xi32, #tpu.memory_space<hbm>> -> memref<128xi32, #tpu.memory_space<hbm>>
    %dma_wait3A_236 = arith.constant 0 : i32
    %dma_wait3A_237 = tpu.memref_slice %arg3[%mul3A_31, %dma_wait3A_236] : memref<25600x128xi32, #tpu.memory_space<hbm>> -> memref<1x128xi32, #tpu.memory_space<hbm>>
    %dma_wait3A_238 = tpu.memref_squeeze %dma_wait3A_237 : memref<1x128xi32, #tpu.memory_space<hbm>> -> memref<128xi32, #tpu.memory_space<hbm>>
    tpu.wait_dma2 semaphore(%arg41 : memref<!tpu.dma_semaphore, #tpu.memory_space<semaphore_mem>>) src(%dma_wait3A_238 : memref<128xi32, #tpu.memory_space<hbm>>) dst(%arg17 : memref<128xi32, #tpu.memory_space<vmem>>)
    %dma_wait3A_239 = arith.constant 0 : i32
    %dma_wait3A_240 = tpu.memref_slice %arg3[%mul3A_31, %dma_wait3A_239] : memref<25600x128xi32, #tpu.memory_space<hbm>> -> memref<1x128xi32, #tpu.memory_space<hbm>>
    %dma_wait3A_241 = tpu.memref_squeeze %dma_wait3A_240 : memref<1x128xi32, #tpu.memory_space<hbm>> -> memref<128xi32, #tpu.memory_space<hbm>>
    %dma_wait3A_242 = arith.constant 0 : i32
    %dma_wait3A_243 = tpu.memref_slice %arg3[%mul3A_31, %dma_wait3A_242] : memref<25600x128xi32, #tpu.memory_space<hbm>> -> memref<1x128xi32, #tpu.memory_space<hbm>>
    %dma_wait3A_244 = tpu.memref_squeeze %dma_wait3A_243 : memref<1x128xi32, #tpu.memory_space<hbm>> -> memref<128xi32, #tpu.memory_space<hbm>>
    tpu.wait_dma2 semaphore(%arg41 : memref<!tpu.dma_semaphore, #tpu.memory_space<semaphore_mem>>) src(%dma_wait3A_244 : memref<128xi32, #tpu.memory_space<hbm>>) dst(%arg25 : memref<128xi32, #tpu.memory_space<vmem>>)
    %dma_start3A_245 = arith.constant 0 : i32
    %dma_start3A_246 = arith.constant 0 : i32
    %dma_start3A_247 = tpu.memref_slice %arg2[%dma_start3A_245, %dma_start3A_246] : memref<102400x16xf32, #tpu.memory_space<hbm>> -> memref<102400x16xf32, #tpu.memory_space<hbm>>
    tpu.enqueue_indirect_dma source(%dma_start3A_247 : memref<102400x16xf32, #tpu.memory_space<hbm>>) target(%arg33 : memref<128x16xf32, #tpu.memory_space<vmem>>) offsets(%arg17 : memref<128xi32, #tpu.memory_space<vmem>>) semaphore(%arg49 : memref<!tpu.dma_semaphore, #tpu.memory_space<semaphore_mem>>)
    %scan3A_248 = arith.constant 0 : i32
    %scan3A_249 = arith.constant 0 : i32
    %scan3A_250 = arith.constant 100 : i32
    %scan3A_251 = arith.addi %scan3A_249, %scan3A_250 : i32
    %scan3A_252 = arith.constant 1 : i32
    %scan3A_253 = scf.for %scan3A_256 = %scan3A_249 to %scan3A_251 step %scan3A_252 iter_args(%scan3A_257 = %scan3A_248) -> (i32)  : i32 {
      %mul3A_258 = arith.constant 8 : i32
      %mul3A_259 = arith.muli %scan3A_256, %mul3A_258 : i32
      %add3A_260 = arith.constant 0 : i32
      %add3A_261 = arith.addi %mul3A_259, %add3A_260 : i32
      %dma_wait3A_262 = arith.constant 0 : i32
      %dma_wait3A_263 = arith.constant 0 : i32
      %dma_wait3A_264 = tpu.memref_slice %arg2[%dma_wait3A_262, %dma_wait3A_263] : memref<102400x16xf32, #tpu.memory_space<hbm>> -> memref<102400x16xf32, #tpu.memory_space<hbm>>
      tpu.wait_indirect_dma semaphore(%arg44 : memref<!tpu.dma_semaphore, #tpu.memory_space<semaphore_mem>>) src(%dma_wait3A_264 : memref<102400x16xf32, #tpu.memory_space<hbm>>) dst(%arg28 : memref<128x16xf32, #tpu.memory_space<vmem>>)
      "tpu.region"() ({
        %run_scoped3A = tpu.sem_alloc : memref<!tpu.dma_semaphore, #tpu.memory_space<semaphore_mem>>
        %dma_start3A_424 = arith.constant 0 : i32
        %dma_start3A_425 = arith.constant 0 : i32
        %dma_start3A_426 = tpu.memref_slice %arg7[%dma_start3A_424, %dma_start3A_425] : memref<102400x16xf32, #tpu.memory_space<vmem_shared>> -> memref<102400x16xf32, #tpu.memory_space<vmem_shared>>
        tpu.enqueue_indirect_dma source(%arg28 : memref<128x16xf32, #tpu.memory_space<vmem>>) target(%dma_start3A_426 : memref<102400x16xf32, #tpu.memory_space<vmem_shared>>) offsets(%arg20 : memref<128xi32, #tpu.memory_space<vmem>>) semaphore(%run_scoped3A : memref<!tpu.dma_semaphore, #tpu.memory_space<semaphore_mem>>) {add = true}
        %dma_wait3A_427 = arith.constant 0 : i32
        %dma_wait3A_428 = arith.constant 0 : i32
        %dma_wait3A_429 = tpu.memref_slice %arg7[%dma_wait3A_427, %dma_wait3A_428] : memref<102400x16xf32, #tpu.memory_space<vmem_shared>> -> memref<102400x16xf32, #tpu.memory_space<vmem_shared>>
        tpu.wait_indirect_dma semaphore(%run_scoped3A : memref<!tpu.dma_semaphore, #tpu.memory_space<semaphore_mem>>) src(%arg28 : memref<128x16xf32, #tpu.memory_space<vmem>>) dst(%dma_wait3A_429 : memref<102400x16xf32, #tpu.memory_space<vmem_shared>>)
        tpu.yield
      }) : () -> ()
      "tpu.region"() ({
        %run_scoped3A = tpu.sem_alloc : memref<!tpu.dma_semaphore, #tpu.memory_space<semaphore_mem>>
        %dma_start3A_424 = arith.constant 0 : i32
        %dma_start3A_425 = tpu.memref_slice %arg8[%dma_start3A_424] : memref<102400xf32, #tpu.memory_space<vmem_shared>> -> memref<102400xf32, #tpu.memory_space<vmem_shared>>
        tpu.enqueue_indirect_dma source(%arg11 : memref<128xf32, #tpu.memory_space<vmem>>) target(%dma_start3A_425 : memref<102400xf32, #tpu.memory_space<vmem_shared>>) offsets(%arg20 : memref<128xi32, #tpu.memory_space<vmem>>) semaphore(%run_scoped3A : memref<!tpu.dma_semaphore, #tpu.memory_space<semaphore_mem>>) {add = true}
        %dma_wait3A_426 = arith.constant 0 : i32
        %dma_wait3A_427 = tpu.memref_slice %arg8[%dma_wait3A_426] : memref<102400xf32, #tpu.memory_space<vmem_shared>> -> memref<102400xf32, #tpu.memory_space<vmem_shared>>
        tpu.wait_indirect_dma semaphore(%run_scoped3A : memref<!tpu.dma_semaphore, #tpu.memory_space<semaphore_mem>>) src(%arg11 : memref<128xf32, #tpu.memory_space<vmem>>) dst(%dma_wait3A_427 : memref<102400xf32, #tpu.memory_space<vmem_shared>>)
        tpu.yield
      }) : () -> ()
      %add3A_265 = arith.constant 8 : i32
      %add3A_266 = arith.addi %add3A_261, %add3A_265 : i32
      %lt3A = arith.constant 800 : i32
      %lt3A_267 = arith.cmpi slt, %add3A_266, %lt3A : i32
      %convert_element_type3A = arith.extui %lt3A_267 : i1 to i32
      %cond3A = arith.constant 0 : i32
      %cond3A_268 = arith.cmpi ne, %convert_element_type3A, %cond3A : i32
      scf.if %cond3A_268 {
        %add3A_424 = arith.addi %mul3A_31, %add3A_261 : i32
        %add3A_425 = arith.constant 8 : i32
        %add3A_426 = arith.addi %add3A_424, %add3A_425 : i32
        %dma_start3A_427 = arith.constant 0 : i32
        %dma_start3A_428 = tpu.memref_slice %arg3[%add3A_426, %dma_start3A_427] : memref<25600x128xi32, #tpu.memory_space<hbm>> -> memref<1x128xi32, #tpu.memory_space<hbm>>
        %dma_start3A_429 = tpu.memref_squeeze %dma_start3A_428 : memref<1x128xi32, #tpu.memory_space<hbm>> -> memref<128xi32, #tpu.memory_space<hbm>>
        %dma_start3A_430 = arith.constant 0 : i32
        %dma_start3A_431 = tpu.memref_slice %arg3[%add3A_426, %dma_start3A_430] : memref<25600x128xi32, #tpu.memory_space<hbm>> -> memref<1x128xi32, #tpu.memory_space<hbm>>
        %dma_start3A_432 = tpu.memref_squeeze %dma_start3A_431 : memref<1x128xi32, #tpu.memory_space<hbm>> -> memref<128xi32, #tpu.memory_space<hbm>>
        tpu.enqueue_dma source(%dma_start3A_432 : memref<128xi32, #tpu.memory_space<hbm>>) target(%arg12 : memref<128xi32, #tpu.memory_space<vmem>>) target_semaphore(%arg36 : memref<!tpu.dma_semaphore, #tpu.memory_space<semaphore_mem>>)
        %add3A_433 = arith.addi %mul3A_31, %add3A_261 : i32
        %add3A_434 = arith.constant 8 : i32
        %add3A_435 = arith.addi %add3A_433, %add3A_434 : i32
        %dma_start3A_436 = arith.constant 0 : i32
        %dma_start3A_437 = tpu.memref_slice %arg4[%add3A_435, %dma_start3A_436] : memref<25600x128xi32, #tpu.memory_space<hbm>> -> memref<1x128xi32, #tpu.memory_space<hbm>>
        %dma_start3A_438 = tpu.memref_squeeze %dma_start3A_437 : memref<1x128xi32, #tpu.memory_space<hbm>> -> memref<128xi32, #tpu.memory_space<hbm>>
        %dma_start3A_439 = arith.constant 0 : i32
        %dma_start3A_440 = tpu.memref_slice %arg4[%add3A_435, %dma_start3A_439] : memref<25600x128xi32, #tpu.memory_space<hbm>> -> memref<1x128xi32, #tpu.memory_space<hbm>>
        %dma_start3A_441 = tpu.memref_squeeze %dma_start3A_440 : memref<1x128xi32, #tpu.memory_space<hbm>> -> memref<128xi32, #tpu.memory_space<hbm>>
        tpu.enqueue_dma source(%dma_start3A_441 : memref<128xi32, #tpu.memory_space<hbm>>) target(%arg20 : memref<128xi32, #tpu.memory_space<vmem>>) target_semaphore(%arg36 : memref<!tpu.dma_semaphore, #tpu.memory_space<semaphore_mem>>)
      } else {
      }
      %add3A_269 = arith.constant 6 : i32
      %add3A_270 = arith.addi %add3A_261, %add3A_269 : i32
      %lt3A_271 = arith.constant 800 : i32
      %lt3A_272 = arith.cmpi slt, %add3A_270, %lt3A_271 : i32
      %convert_element_type3A_273 = arith.extui %lt3A_272 : i1 to i32
      %cond3A_274 = arith.constant 0 : i32
      %cond3A_275 = arith.cmpi ne, %convert_element_type3A_273, %cond3A_274 : i32
      scf.if %cond3A_275 {
        %dma_wait3A_424 = arith.constant 0 : i32
        %dma_wait3A_425 = tpu.memref_slice %arg3[%mul3A_31, %dma_wait3A_424] : memref<25600x128xi32, #tpu.memory_space<hbm>> -> memref<1x128xi32, #tpu.memory_space<hbm>>
        %dma_wait3A_426 = tpu.memref_squeeze %dma_wait3A_425 : memref<1x128xi32, #tpu.memory_space<hbm>> -> memref<128xi32, #tpu.memory_space<hbm>>
        %dma_wait3A_427 = arith.constant 0 : i32
        %dma_wait3A_428 = tpu.memref_slice %arg3[%mul3A_31, %dma_wait3A_427] : memref<25600x128xi32, #tpu.memory_space<hbm>> -> memref<1x128xi32, #tpu.memory_space<hbm>>
        %dma_wait3A_429 = tpu.memref_squeeze %dma_wait3A_428 : memref<1x128xi32, #tpu.memory_space<hbm>> -> memref<128xi32, #tpu.memory_space<hbm>>
        tpu.wait_dma2 semaphore(%arg42 : memref<!tpu.dma_semaphore, #tpu.memory_space<semaphore_mem>>) src(%dma_wait3A_429 : memref<128xi32, #tpu.memory_space<hbm>>) dst(%arg18 : memref<128xi32, #tpu.memory_space<vmem>>)
        %dma_wait3A_430 = arith.constant 0 : i32
        %dma_wait3A_431 = tpu.memref_slice %arg3[%mul3A_31, %dma_wait3A_430] : memref<25600x128xi32, #tpu.memory_space<hbm>> -> memref<1x128xi32, #tpu.memory_space<hbm>>
        %dma_wait3A_432 = tpu.memref_squeeze %dma_wait3A_431 : memref<1x128xi32, #tpu.memory_space<hbm>> -> memref<128xi32, #tpu.memory_space<hbm>>
        %dma_wait3A_433 = arith.constant 0 : i32
        %dma_wait3A_434 = tpu.memref_slice %arg3[%mul3A_31, %dma_wait3A_433] : memref<25600x128xi32, #tpu.memory_space<hbm>> -> memref<1x128xi32, #tpu.memory_space<hbm>>
        %dma_wait3A_435 = tpu.memref_squeeze %dma_wait3A_434 : memref<1x128xi32, #tpu.memory_space<hbm>> -> memref<128xi32, #tpu.memory_space<hbm>>
        tpu.wait_dma2 semaphore(%arg42 : memref<!tpu.dma_semaphore, #tpu.memory_space<semaphore_mem>>) src(%dma_wait3A_435 : memref<128xi32, #tpu.memory_space<hbm>>) dst(%arg26 : memref<128xi32, #tpu.memory_space<vmem>>)
        %dma_start3A_436 = arith.constant 0 : i32
        %dma_start3A_437 = arith.constant 0 : i32
        %dma_start3A_438 = tpu.memref_slice %arg2[%dma_start3A_436, %dma_start3A_437] : memref<102400x16xf32, #tpu.memory_space<hbm>> -> memref<102400x16xf32, #tpu.memory_space<hbm>>
        tpu.enqueue_indirect_dma source(%dma_start3A_438 : memref<102400x16xf32, #tpu.memory_space<hbm>>) target(%arg34 : memref<128x16xf32, #tpu.memory_space<vmem>>) offsets(%arg18 : memref<128xi32, #tpu.memory_space<vmem>>) semaphore(%arg50 : memref<!tpu.dma_semaphore, #tpu.memory_space<semaphore_mem>>)
      } else {
      }
      %mul3A_276 = arith.constant 8 : i32
      %mul3A_277 = arith.muli %scan3A_256, %mul3A_276 : i32
      %add3A_278 = arith.constant 1 : i32
      %add3A_279 = arith.addi %mul3A_277, %add3A_278 : i32
      %dma_wait3A_280 = arith.constant 0 : i32
      %dma_wait3A_281 = arith.constant 0 : i32
      %dma_wait3A_282 = tpu.memref_slice %arg2[%dma_wait3A_280, %dma_wait3A_281] : memref<102400x16xf32, #tpu.memory_space<hbm>> -> memref<102400x16xf32, #tpu.memory_space<hbm>>
      tpu.wait_indirect_dma semaphore(%arg45 : memref<!tpu.dma_semaphore, #tpu.memory_space<semaphore_mem>>) src(%dma_wait3A_282 : memref<102400x16xf32, #tpu.memory_space<hbm>>) dst(%arg29 : memref<128x16xf32, #tpu.memory_space<vmem>>)
      "tpu.region"() ({
        %run_scoped3A = tpu.sem_alloc : memref<!tpu.dma_semaphore, #tpu.memory_space<semaphore_mem>>
        %dma_start3A_424 = arith.constant 0 : i32
        %dma_start3A_425 = arith.constant 0 : i32
        %dma_start3A_426 = tpu.memref_slice %arg7[%dma_start3A_424, %dma_start3A_425] : memref<102400x16xf32, #tpu.memory_space<vmem_shared>> -> memref<102400x16xf32, #tpu.memory_space<vmem_shared>>
        tpu.enqueue_indirect_dma source(%arg29 : memref<128x16xf32, #tpu.memory_space<vmem>>) target(%dma_start3A_426 : memref<102400x16xf32, #tpu.memory_space<vmem_shared>>) offsets(%arg21 : memref<128xi32, #tpu.memory_space<vmem>>) semaphore(%run_scoped3A : memref<!tpu.dma_semaphore, #tpu.memory_space<semaphore_mem>>) {add = true}
        %dma_wait3A_427 = arith.constant 0 : i32
        %dma_wait3A_428 = arith.constant 0 : i32
        %dma_wait3A_429 = tpu.memref_slice %arg7[%dma_wait3A_427, %dma_wait3A_428] : memref<102400x16xf32, #tpu.memory_space<vmem_shared>> -> memref<102400x16xf32, #tpu.memory_space<vmem_shared>>
        tpu.wait_indirect_dma semaphore(%run_scoped3A : memref<!tpu.dma_semaphore, #tpu.memory_space<semaphore_mem>>) src(%arg29 : memref<128x16xf32, #tpu.memory_space<vmem>>) dst(%dma_wait3A_429 : memref<102400x16xf32, #tpu.memory_space<vmem_shared>>)
        tpu.yield
      }) : () -> ()
      "tpu.region"() ({
        %run_scoped3A = tpu.sem_alloc : memref<!tpu.dma_semaphore, #tpu.memory_space<semaphore_mem>>
        %dma_start3A_424 = arith.constant 0 : i32
        %dma_start3A_425 = tpu.memref_slice %arg8[%dma_start3A_424] : memref<102400xf32, #tpu.memory_space<vmem_shared>> -> memref<102400xf32, #tpu.memory_space<vmem_shared>>
        tpu.enqueue_indirect_dma source(%arg11 : memref<128xf32, #tpu.memory_space<vmem>>) target(%dma_start3A_425 : memref<102400xf32, #tpu.memory_space<vmem_shared>>) offsets(%arg21 : memref<128xi32, #tpu.memory_space<vmem>>) semaphore(%run_scoped3A : memref<!tpu.dma_semaphore, #tpu.memory_space<semaphore_mem>>) {add = true}
        %dma_wait3A_426 = arith.constant 0 : i32
        %dma_wait3A_427 = tpu.memref_slice %arg8[%dma_wait3A_426] : memref<102400xf32, #tpu.memory_space<vmem_shared>> -> memref<102400xf32, #tpu.memory_space<vmem_shared>>
        tpu.wait_indirect_dma semaphore(%run_scoped3A : memref<!tpu.dma_semaphore, #tpu.memory_space<semaphore_mem>>) src(%arg11 : memref<128xf32, #tpu.memory_space<vmem>>) dst(%dma_wait3A_427 : memref<102400xf32, #tpu.memory_space<vmem_shared>>)
        tpu.yield
      }) : () -> ()
      %add3A_283 = arith.constant 8 : i32
      %add3A_284 = arith.addi %add3A_279, %add3A_283 : i32
      %lt3A_285 = arith.constant 800 : i32
      %lt3A_286 = arith.cmpi slt, %add3A_284, %lt3A_285 : i32
      %convert_element_type3A_287 = arith.extui %lt3A_286 : i1 to i32
      %cond3A_288 = arith.constant 0 : i32
      %cond3A_289 = arith.cmpi ne, %convert_element_type3A_287, %cond3A_288 : i32
      scf.if %cond3A_289 {
        %add3A_424 = arith.addi %mul3A_31, %add3A_279 : i32
        %add3A_425 = arith.constant 8 : i32
        %add3A_426 = arith.addi %add3A_424, %add3A_425 : i32
        %dma_start3A_427 = arith.constant 0 : i32
        %dma_start3A_428 = tpu.memref_slice %arg3[%add3A_426, %dma_start3A_427] : memref<25600x128xi32, #tpu.memory_space<hbm>> -> memref<1x128xi32, #tpu.memory_space<hbm>>
        %dma_start3A_429 = tpu.memref_squeeze %dma_start3A_428 : memref<1x128xi32, #tpu.memory_space<hbm>> -> memref<128xi32, #tpu.memory_space<hbm>>
        %dma_start3A_430 = arith.constant 0 : i32
        %dma_start3A_431 = tpu.memref_slice %arg3[%add3A_426, %dma_start3A_430] : memref<25600x128xi32, #tpu.memory_space<hbm>> -> memref<1x128xi32, #tpu.memory_space<hbm>>
        %dma_start3A_432 = tpu.memref_squeeze %dma_start3A_431 : memref<1x128xi32, #tpu.memory_space<hbm>> -> memref<128xi32, #tpu.memory_space<hbm>>
        tpu.enqueue_dma source(%dma_start3A_432 : memref<128xi32, #tpu.memory_space<hbm>>) target(%arg13 : memref<128xi32, #tpu.memory_space<vmem>>) target_semaphore(%arg37 : memref<!tpu.dma_semaphore, #tpu.memory_space<semaphore_mem>>)
        %add3A_433 = arith.addi %mul3A_31, %add3A_279 : i32
        %add3A_434 = arith.constant 8 : i32
        %add3A_435 = arith.addi %add3A_433, %add3A_434 : i32
        %dma_start3A_436 = arith.constant 0 : i32
        %dma_start3A_437 = tpu.memref_slice %arg4[%add3A_435, %dma_start3A_436] : memref<25600x128xi32, #tpu.memory_space<hbm>> -> memref<1x128xi32, #tpu.memory_space<hbm>>
        %dma_start3A_438 = tpu.memref_squeeze %dma_start3A_437 : memref<1x128xi32, #tpu.memory_space<hbm>> -> memref<128xi32, #tpu.memory_space<hbm>>
        %dma_start3A_439 = arith.constant 0 : i32
        %dma_start3A_440 = tpu.memref_slice %arg4[%add3A_435, %dma_start3A_439] : memref<25600x128xi32, #tpu.memory_space<hbm>> -> memref<1x128xi32, #tpu.memory_space<hbm>>
        %dma_start3A_441 = tpu.memref_squeeze %dma_start3A_440 : memref<1x128xi32, #tpu.memory_space<hbm>> -> memref<128xi32, #tpu.memory_space<hbm>>
        tpu.enqueue_dma source(%dma_start3A_441 : memref<128xi32, #tpu.memory_space<hbm>>) target(%arg21 : memref<128xi32, #tpu.memory_space<vmem>>) target_semaphore(%arg37 : memref<!tpu.dma_semaphore, #tpu.memory_space<semaphore_mem>>)
      } else {
      }
      %add3A_290 = arith.constant 6 : i32
      %add3A_291 = arith.addi %add3A_279, %add3A_290 : i32
      %lt3A_292 = arith.constant 800 : i32
      %lt3A_293 = arith.cmpi slt, %add3A_291, %lt3A_292 : i32
      %convert_element_type3A_294 = arith.extui %lt3A_293 : i1 to i32
      %cond3A_295 = arith.constant 0 : i32
      %cond3A_296 = arith.cmpi ne, %convert_element_type3A_294, %cond3A_295 : i32
      scf.if %cond3A_296 {
        %dma_wait3A_424 = arith.constant 0 : i32
        %dma_wait3A_425 = tpu.memref_slice %arg3[%mul3A_31, %dma_wait3A_424] : memref<25600x128xi32, #tpu.memory_space<hbm>> -> memref<1x128xi32, #tpu.memory_space<hbm>>
        %dma_wait3A_426 = tpu.memref_squeeze %dma_wait3A_425 : memref<1x128xi32, #tpu.memory_space<hbm>> -> memref<128xi32, #tpu.memory_space<hbm>>
        %dma_wait3A_427 = arith.constant 0 : i32
        %dma_wait3A_428 = tpu.memref_slice %arg3[%mul3A_31, %dma_wait3A_427] : memref<25600x128xi32, #tpu.memory_space<hbm>> -> memref<1x128xi32, #tpu.memory_space<hbm>>
        %dma_wait3A_429 = tpu.memref_squeeze %dma_wait3A_428 : memref<1x128xi32, #tpu.memory_space<hbm>> -> memref<128xi32, #tpu.memory_space<hbm>>
        tpu.wait_dma2 semaphore(%arg43 : memref<!tpu.dma_semaphore, #tpu.memory_space<semaphore_mem>>) src(%dma_wait3A_429 : memref<128xi32, #tpu.memory_space<hbm>>) dst(%arg19 : memref<128xi32, #tpu.memory_space<vmem>>)
        %dma_wait3A_430 = arith.constant 0 : i32
        %dma_wait3A_431 = tpu.memref_slice %arg3[%mul3A_31, %dma_wait3A_430] : memref<25600x128xi32, #tpu.memory_space<hbm>> -> memref<1x128xi32, #tpu.memory_space<hbm>>
        %dma_wait3A_432 = tpu.memref_squeeze %dma_wait3A_431 : memref<1x128xi32, #tpu.memory_space<hbm>> -> memref<128xi32, #tpu.memory_space<hbm>>
        %dma_wait3A_433 = arith.constant 0 : i32
        %dma_wait3A_434 = tpu.memref_slice %arg3[%mul3A_31, %dma_wait3A_433] : memref<25600x128xi32, #tpu.memory_space<hbm>> -> memref<1x128xi32, #tpu.memory_space<hbm>>
        %dma_wait3A_435 = tpu.memref_squeeze %dma_wait3A_434 : memref<1x128xi32, #tpu.memory_space<hbm>> -> memref<128xi32, #tpu.memory_space<hbm>>
        tpu.wait_dma2 semaphore(%arg43 : memref<!tpu.dma_semaphore, #tpu.memory_space<semaphore_mem>>) src(%dma_wait3A_435 : memref<128xi32, #tpu.memory_space<hbm>>) dst(%arg27 : memref<128xi32, #tpu.memory_space<vmem>>)
        %dma_start3A_436 = arith.constant 0 : i32
        %dma_start3A_437 = arith.constant 0 : i32
        %dma_start3A_438 = tpu.memref_slice %arg2[%dma_start3A_436, %dma_start3A_437] : memref<102400x16xf32, #tpu.memory_space<hbm>> -> memref<102400x16xf32, #tpu.memory_space<hbm>>
        tpu.enqueue_indirect_dma source(%dma_start3A_438 : memref<102400x16xf32, #tpu.memory_space<hbm>>) target(%arg35 : memref<128x16xf32, #tpu.memory_space<vmem>>) offsets(%arg19 : memref<128xi32, #tpu.memory_space<vmem>>) semaphore(%arg51 : memref<!tpu.dma_semaphore, #tpu.memory_space<semaphore_mem>>)
      } else {
      }
      %mul3A_297 = arith.constant 8 : i32
      %mul3A_298 = arith.muli %scan3A_256, %mul3A_297 : i32
      %add3A_299 = arith.constant 2 : i32
      %add3A_300 = arith.addi %mul3A_298, %add3A_299 : i32
      %dma_wait3A_301 = arith.constant 0 : i32
      %dma_wait3A_302 = arith.constant 0 : i32
      %dma_wait3A_303 = tpu.memref_slice %arg2[%dma_wait3A_301, %dma_wait3A_302] : memref<102400x16xf32, #tpu.memory_space<hbm>> -> memref<102400x16xf32, #tpu.memory_space<hbm>>
      tpu.wait_indirect_dma semaphore(%arg46 : memref<!tpu.dma_semaphore, #tpu.memory_space<semaphore_mem>>) src(%dma_wait3A_303 : memref<102400x16xf32, #tpu.memory_space<hbm>>) dst(%arg30 : memref<128x16xf32, #tpu.memory_space<vmem>>)
      "tpu.region"() ({
        %run_scoped3A = tpu.sem_alloc : memref<!tpu.dma_semaphore, #tpu.memory_space<semaphore_mem>>
        %dma_start3A_424 = arith.constant 0 : i32
        %dma_start3A_425 = arith.constant 0 : i32
        %dma_start3A_426 = tpu.memref_slice %arg7[%dma_start3A_424, %dma_start3A_425] : memref<102400x16xf32, #tpu.memory_space<vmem_shared>> -> memref<102400x16xf32, #tpu.memory_space<vmem_shared>>
        tpu.enqueue_indirect_dma source(%arg30 : memref<128x16xf32, #tpu.memory_space<vmem>>) target(%dma_start3A_426 : memref<102400x16xf32, #tpu.memory_space<vmem_shared>>) offsets(%arg22 : memref<128xi32, #tpu.memory_space<vmem>>) semaphore(%run_scoped3A : memref<!tpu.dma_semaphore, #tpu.memory_space<semaphore_mem>>) {add = true}
        %dma_wait3A_427 = arith.constant 0 : i32
        %dma_wait3A_428 = arith.constant 0 : i32
        %dma_wait3A_429 = tpu.memref_slice %arg7[%dma_wait3A_427, %dma_wait3A_428] : memref<102400x16xf32, #tpu.memory_space<vmem_shared>> -> memref<102400x16xf32, #tpu.memory_space<vmem_shared>>
        tpu.wait_indirect_dma semaphore(%run_scoped3A : memref<!tpu.dma_semaphore, #tpu.memory_space<semaphore_mem>>) src(%arg30 : memref<128x16xf32, #tpu.memory_space<vmem>>) dst(%dma_wait3A_429 : memref<102400x16xf32, #tpu.memory_space<vmem_shared>>)
        tpu.yield
      }) : () -> ()
      "tpu.region"() ({
        %run_scoped3A = tpu.sem_alloc : memref<!tpu.dma_semaphore, #tpu.memory_space<semaphore_mem>>
        %dma_start3A_424 = arith.constant 0 : i32
        %dma_start3A_425 = tpu.memref_slice %arg8[%dma_start3A_424] : memref<102400xf32, #tpu.memory_space<vmem_shared>> -> memref<102400xf32, #tpu.memory_space<vmem_shared>>
        tpu.enqueue_indirect_dma source(%arg11 : memref<128xf32, #tpu.memory_space<vmem>>) target(%dma_start3A_425 : memref<102400xf32, #tpu.memory_space<vmem_shared>>) offsets(%arg22 : memref<128xi32, #tpu.memory_space<vmem>>) semaphore(%run_scoped3A : memref<!tpu.dma_semaphore, #tpu.memory_space<semaphore_mem>>) {add = true}
        %dma_wait3A_426 = arith.constant 0 : i32
        %dma_wait3A_427 = tpu.memref_slice %arg8[%dma_wait3A_426] : memref<102400xf32, #tpu.memory_space<vmem_shared>> -> memref<102400xf32, #tpu.memory_space<vmem_shared>>
        tpu.wait_indirect_dma semaphore(%run_scoped3A : memref<!tpu.dma_semaphore, #tpu.memory_space<semaphore_mem>>) src(%arg11 : memref<128xf32, #tpu.memory_space<vmem>>) dst(%dma_wait3A_427 : memref<102400xf32, #tpu.memory_space<vmem_shared>>)
        tpu.yield
      }) : () -> ()
      %add3A_304 = arith.constant 8 : i32
      %add3A_305 = arith.addi %add3A_300, %add3A_304 : i32
      %lt3A_306 = arith.constant 800 : i32
      %lt3A_307 = arith.cmpi slt, %add3A_305, %lt3A_306 : i32
      %convert_element_type3A_308 = arith.extui %lt3A_307 : i1 to i32
      %cond3A_309 = arith.constant 0 : i32
      %cond3A_310 = arith.cmpi ne, %convert_element_type3A_308, %cond3A_309 : i32
      scf.if %cond3A_310 {
        %add3A_424 = arith.addi %mul3A_31, %add3A_300 : i32
        %add3A_425 = arith.constant 8 : i32
        %add3A_426 = arith.addi %add3A_424, %add3A_425 : i32
        %dma_start3A_427 = arith.constant 0 : i32
        %dma_start3A_428 = tpu.memref_slice %arg3[%add3A_426, %dma_start3A_427] : memref<25600x128xi32, #tpu.memory_space<hbm>> -> memref<1x128xi32, #tpu.memory_space<hbm>>
        %dma_start3A_429 = tpu.memref_squeeze %dma_start3A_428 : memref<1x128xi32, #tpu.memory_space<hbm>> -> memref<128xi32, #tpu.memory_space<hbm>>
        %dma_start3A_430 = arith.constant 0 : i32
        %dma_start3A_431 = tpu.memref_slice %arg3[%add3A_426, %dma_start3A_430] : memref<25600x128xi32, #tpu.memory_space<hbm>> -> memref<1x128xi32, #tpu.memory_space<hbm>>
        %dma_start3A_432 = tpu.memref_squeeze %dma_start3A_431 : memref<1x128xi32, #tpu.memory_space<hbm>> -> memref<128xi32, #tpu.memory_space<hbm>>
        tpu.enqueue_dma source(%dma_start3A_432 : memref<128xi32, #tpu.memory_space<hbm>>) target(%arg14 : memref<128xi32, #tpu.memory_space<vmem>>) target_semaphore(%arg38 : memref<!tpu.dma_semaphore, #tpu.memory_space<semaphore_mem>>)
        %add3A_433 = arith.addi %mul3A_31, %add3A_300 : i32
        %add3A_434 = arith.constant 8 : i32
        %add3A_435 = arith.addi %add3A_433, %add3A_434 : i32
        %dma_start3A_436 = arith.constant 0 : i32
        %dma_start3A_437 = tpu.memref_slice %arg4[%add3A_435, %dma_start3A_436] : memref<25600x128xi32, #tpu.memory_space<hbm>> -> memref<1x128xi32, #tpu.memory_space<hbm>>
        %dma_start3A_438 = tpu.memref_squeeze %dma_start3A_437 : memref<1x128xi32, #tpu.memory_space<hbm>> -> memref<128xi32, #tpu.memory_space<hbm>>
        %dma_start3A_439 = arith.constant 0 : i32
        %dma_start3A_440 = tpu.memref_slice %arg4[%add3A_435, %dma_start3A_439] : memref<25600x128xi32, #tpu.memory_space<hbm>> -> memref<1x128xi32, #tpu.memory_space<hbm>>
        %dma_start3A_441 = tpu.memref_squeeze %dma_start3A_440 : memref<1x128xi32, #tpu.memory_space<hbm>> -> memref<128xi32, #tpu.memory_space<hbm>>
        tpu.enqueue_dma source(%dma_start3A_441 : memref<128xi32, #tpu.memory_space<hbm>>) target(%arg22 : memref<128xi32, #tpu.memory_space<vmem>>) target_semaphore(%arg38 : memref<!tpu.dma_semaphore, #tpu.memory_space<semaphore_mem>>)
      } else {
      }
      %add3A_311 = arith.constant 6 : i32
      %add3A_312 = arith.addi %add3A_300, %add3A_311 : i32
      %lt3A_313 = arith.constant 800 : i32
      %lt3A_314 = arith.cmpi slt, %add3A_312, %lt3A_313 : i32
      %convert_element_type3A_315 = arith.extui %lt3A_314 : i1 to i32
      %cond3A_316 = arith.constant 0 : i32
      %cond3A_317 = arith.cmpi ne, %convert_element_type3A_315, %cond3A_316 : i32
      scf.if %cond3A_317 {
        %dma_wait3A_424 = arith.constant 0 : i32
        %dma_wait3A_425 = tpu.memref_slice %arg3[%mul3A_31, %dma_wait3A_424] : memref<25600x128xi32, #tpu.memory_space<hbm>> -> memref<1x128xi32, #tpu.memory_space<hbm>>
        %dma_wait3A_426 = tpu.memref_squeeze %dma_wait3A_425 : memref<1x128xi32, #tpu.memory_space<hbm>> -> memref<128xi32, #tpu.memory_space<hbm>>
        %dma_wait3A_427 = arith.constant 0 : i32
        %dma_wait3A_428 = tpu.memref_slice %arg3[%mul3A_31, %dma_wait3A_427] : memref<25600x128xi32, #tpu.memory_space<hbm>> -> memref<1x128xi32, #tpu.memory_space<hbm>>
        %dma_wait3A_429 = tpu.memref_squeeze %dma_wait3A_428 : memref<1x128xi32, #tpu.memory_space<hbm>> -> memref<128xi32, #tpu.memory_space<hbm>>
        tpu.wait_dma2 semaphore(%arg36 : memref<!tpu.dma_semaphore, #tpu.memory_space<semaphore_mem>>) src(%dma_wait3A_429 : memref<128xi32, #tpu.memory_space<hbm>>) dst(%arg12 : memref<128xi32, #tpu.memory_space<vmem>>)
        %dma_wait3A_430 = arith.constant 0 : i32
        %dma_wait3A_431 = tpu.memref_slice %arg3[%mul3A_31, %dma_wait3A_430] : memref<25600x128xi32, #tpu.memory_space<hbm>> -> memref<1x128xi32, #tpu.memory_space<hbm>>
        %dma_wait3A_432 = tpu.memref_squeeze %dma_wait3A_431 : memref<1x128xi32, #tpu.memory_space<hbm>> -> memref<128xi32, #tpu.memory_space<hbm>>
        %dma_wait3A_433 = arith.constant 0 : i32
        %dma_wait3A_434 = tpu.memref_slice %arg3[%mul3A_31, %dma_wait3A_433] : memref<25600x128xi32, #tpu.memory_space<hbm>> -> memref<1x128xi32, #tpu.memory_space<hbm>>
        %dma_wait3A_435 = tpu.memref_squeeze %dma_wait3A_434 : memref<1x128xi32, #tpu.memory_space<hbm>> -> memref<128xi32, #tpu.memory_space<hbm>>
        tpu.wait_dma2 semaphore(%arg36 : memref<!tpu.dma_semaphore, #tpu.memory_space<semaphore_mem>>) src(%dma_wait3A_435 : memref<128xi32, #tpu.memory_space<hbm>>) dst(%arg20 : memref<128xi32, #tpu.memory_space<vmem>>)
        %dma_start3A_436 = arith.constant 0 : i32
        %dma_start3A_437 = arith.constant 0 : i32
        %dma_start3A_438 = tpu.memref_slice %arg2[%dma_start3A_436, %dma_start3A_437] : memref<102400x16xf32, #tpu.memory_space<hbm>> -> memref<102400x16xf32, #tpu.memory_space<hbm>>
        tpu.enqueue_indirect_dma source(%dma_start3A_438 : memref<102400x16xf32, #tpu.memory_space<hbm>>) target(%arg28 : memref<128x16xf32, #tpu.memory_space<vmem>>) offsets(%arg12 : memref<128xi32, #tpu.memory_space<vmem>>) semaphore(%arg44 : memref<!tpu.dma_semaphore, #tpu.memory_space<semaphore_mem>>)
      } else {
      }
      %mul3A_318 = arith.constant 8 : i32
      %mul3A_319 = arith.muli %scan3A_256, %mul3A_318 : i32
      %add3A_320 = arith.constant 3 : i32
      %add3A_321 = arith.addi %mul3A_319, %add3A_320 : i32
      %dma_wait3A_322 = arith.constant 0 : i32
      %dma_wait3A_323 = arith.constant 0 : i32
      %dma_wait3A_324 = tpu.memref_slice %arg2[%dma_wait3A_322, %dma_wait3A_323] : memref<102400x16xf32, #tpu.memory_space<hbm>> -> memref<102400x16xf32, #tpu.memory_space<hbm>>
      tpu.wait_indirect_dma semaphore(%arg47 : memref<!tpu.dma_semaphore, #tpu.memory_space<semaphore_mem>>) src(%dma_wait3A_324 : memref<102400x16xf32, #tpu.memory_space<hbm>>) dst(%arg31 : memref<128x16xf32, #tpu.memory_space<vmem>>)
      "tpu.region"() ({
        %run_scoped3A = tpu.sem_alloc : memref<!tpu.dma_semaphore, #tpu.memory_space<semaphore_mem>>
        %dma_start3A_424 = arith.constant 0 : i32
        %dma_start3A_425 = arith.constant 0 : i32
        %dma_start3A_426 = tpu.memref_slice %arg7[%dma_start3A_424, %dma_start3A_425] : memref<102400x16xf32, #tpu.memory_space<vmem_shared>> -> memref<102400x16xf32, #tpu.memory_space<vmem_shared>>
        tpu.enqueue_indirect_dma source(%arg31 : memref<128x16xf32, #tpu.memory_space<vmem>>) target(%dma_start3A_426 : memref<102400x16xf32, #tpu.memory_space<vmem_shared>>) offsets(%arg23 : memref<128xi32, #tpu.memory_space<vmem>>) semaphore(%run_scoped3A : memref<!tpu.dma_semaphore, #tpu.memory_space<semaphore_mem>>) {add = true}
        %dma_wait3A_427 = arith.constant 0 : i32
        %dma_wait3A_428 = arith.constant 0 : i32
        %dma_wait3A_429 = tpu.memref_slice %arg7[%dma_wait3A_427, %dma_wait3A_428] : memref<102400x16xf32, #tpu.memory_space<vmem_shared>> -> memref<102400x16xf32, #tpu.memory_space<vmem_shared>>
        tpu.wait_indirect_dma semaphore(%run_scoped3A : memref<!tpu.dma_semaphore, #tpu.memory_space<semaphore_mem>>) src(%arg31 : memref<128x16xf32, #tpu.memory_space<vmem>>) dst(%dma_wait3A_429 : memref<102400x16xf32, #tpu.memory_space<vmem_shared>>)
        tpu.yield
      }) : () -> ()
      "tpu.region"() ({
        %run_scoped3A = tpu.sem_alloc : memref<!tpu.dma_semaphore, #tpu.memory_space<semaphore_mem>>
        %dma_start3A_424 = arith.constant 0 : i32
        %dma_start3A_425 = tpu.memref_slice %arg8[%dma_start3A_424] : memref<102400xf32, #tpu.memory_space<vmem_shared>> -> memref<102400xf32, #tpu.memory_space<vmem_shared>>
        tpu.enqueue_indirect_dma source(%arg11 : memref<128xf32, #tpu.memory_space<vmem>>) target(%dma_start3A_425 : memref<102400xf32, #tpu.memory_space<vmem_shared>>) offsets(%arg23 : memref<128xi32, #tpu.memory_space<vmem>>) semaphore(%run_scoped3A : memref<!tpu.dma_semaphore, #tpu.memory_space<semaphore_mem>>) {add = true}
        %dma_wait3A_426 = arith.constant 0 : i32
        %dma_wait3A_427 = tpu.memref_slice %arg8[%dma_wait3A_426] : memref<102400xf32, #tpu.memory_space<vmem_shared>> -> memref<102400xf32, #tpu.memory_space<vmem_shared>>
        tpu.wait_indirect_dma semaphore(%run_scoped3A : memref<!tpu.dma_semaphore, #tpu.memory_space<semaphore_mem>>) src(%arg11 : memref<128xf32, #tpu.memory_space<vmem>>) dst(%dma_wait3A_427 : memref<102400xf32, #tpu.memory_space<vmem_shared>>)
        tpu.yield
      }) : () -> ()
      %add3A_325 = arith.constant 8 : i32
      %add3A_326 = arith.addi %add3A_321, %add3A_325 : i32
      %lt3A_327 = arith.constant 800 : i32
      %lt3A_328 = arith.cmpi slt, %add3A_326, %lt3A_327 : i32
      %convert_element_type3A_329 = arith.extui %lt3A_328 : i1 to i32
      %cond3A_330 = arith.constant 0 : i32
      %cond3A_331 = arith.cmpi ne, %convert_element_type3A_329, %cond3A_330 : i32
      scf.if %cond3A_331 {
        %add3A_424 = arith.addi %mul3A_31, %add3A_321 : i32
        %add3A_425 = arith.constant 8 : i32
        %add3A_426 = arith.addi %add3A_424, %add3A_425 : i32
        %dma_start3A_427 = arith.constant 0 : i32
        %dma_start3A_428 = tpu.memref_slice %arg3[%add3A_426, %dma_start3A_427] : memref<25600x128xi32, #tpu.memory_space<hbm>> -> memref<1x128xi32, #tpu.memory_space<hbm>>
        %dma_start3A_429 = tpu.memref_squeeze %dma_start3A_428 : memref<1x128xi32, #tpu.memory_space<hbm>> -> memref<128xi32, #tpu.memory_space<hbm>>
        %dma_start3A_430 = arith.constant 0 : i32
        %dma_start3A_431 = tpu.memref_slice %arg3[%add3A_426, %dma_start3A_430] : memref<25600x128xi32, #tpu.memory_space<hbm>> -> memref<1x128xi32, #tpu.memory_space<hbm>>
        %dma_start3A_432 = tpu.memref_squeeze %dma_start3A_431 : memref<1x128xi32, #tpu.memory_space<hbm>> -> memref<128xi32, #tpu.memory_space<hbm>>
        tpu.enqueue_dma source(%dma_start3A_432 : memref<128xi32, #tpu.memory_space<hbm>>) target(%arg15 : memref<128xi32, #tpu.memory_space<vmem>>) target_semaphore(%arg39 : memref<!tpu.dma_semaphore, #tpu.memory_space<semaphore_mem>>)
        %add3A_433 = arith.addi %mul3A_31, %add3A_321 : i32
        %add3A_434 = arith.constant 8 : i32
        %add3A_435 = arith.addi %add3A_433, %add3A_434 : i32
        %dma_start3A_436 = arith.constant 0 : i32
        %dma_start3A_437 = tpu.memref_slice %arg4[%add3A_435, %dma_start3A_436] : memref<25600x128xi32, #tpu.memory_space<hbm>> -> memref<1x128xi32, #tpu.memory_space<hbm>>
        %dma_start3A_438 = tpu.memref_squeeze %dma_start3A_437 : memref<1x128xi32, #tpu.memory_space<hbm>> -> memref<128xi32, #tpu.memory_space<hbm>>
        %dma_start3A_439 = arith.constant 0 : i32
        %dma_start3A_440 = tpu.memref_slice %arg4[%add3A_435, %dma_start3A_439] : memref<25600x128xi32, #tpu.memory_space<hbm>> -> memref<1x128xi32, #tpu.memory_space<hbm>>
        %dma_start3A_441 = tpu.memref_squeeze %dma_start3A_440 : memref<1x128xi32, #tpu.memory_space<hbm>> -> memref<128xi32, #tpu.memory_space<hbm>>
        tpu.enqueue_dma source(%dma_start3A_441 : memref<128xi32, #tpu.memory_space<hbm>>) target(%arg23 : memref<128xi32, #tpu.memory_space<vmem>>) target_semaphore(%arg39 : memref<!tpu.dma_semaphore, #tpu.memory_space<semaphore_mem>>)
      } else {
      }
      %add3A_332 = arith.constant 6 : i32
      %add3A_333 = arith.addi %add3A_321, %add3A_332 : i32
      %lt3A_334 = arith.constant 800 : i32
      %lt3A_335 = arith.cmpi slt, %add3A_333, %lt3A_334 : i32
      %convert_element_type3A_336 = arith.extui %lt3A_335 : i1 to i32
      %cond3A_337 = arith.constant 0 : i32
      %cond3A_338 = arith.cmpi ne, %convert_element_type3A_336, %cond3A_337 : i32
      scf.if %cond3A_338 {
        %dma_wait3A_424 = arith.constant 0 : i32
        %dma_wait3A_425 = tpu.memref_slice %arg3[%mul3A_31, %dma_wait3A_424] : memref<25600x128xi32, #tpu.memory_space<hbm>> -> memref<1x128xi32, #tpu.memory_space<hbm>>
        %dma_wait3A_426 = tpu.memref_squeeze %dma_wait3A_425 : memref<1x128xi32, #tpu.memory_space<hbm>> -> memref<128xi32, #tpu.memory_space<hbm>>
        %dma_wait3A_427 = arith.constant 0 : i32
        %dma_wait3A_428 = tpu.memref_slice %arg3[%mul3A_31, %dma_wait3A_427] : memref<25600x128xi32, #tpu.memory_space<hbm>> -> memref<1x128xi32, #tpu.memory_space<hbm>>
        %dma_wait3A_429 = tpu.memref_squeeze %dma_wait3A_428 : memref<1x128xi32, #tpu.memory_space<hbm>> -> memref<128xi32, #tpu.memory_space<hbm>>
        tpu.wait_dma2 semaphore(%arg37 : memref<!tpu.dma_semaphore, #tpu.memory_space<semaphore_mem>>) src(%dma_wait3A_429 : memref<128xi32, #tpu.memory_space<hbm>>) dst(%arg13 : memref<128xi32, #tpu.memory_space<vmem>>)
        %dma_wait3A_430 = arith.constant 0 : i32
        %dma_wait3A_431 = tpu.memref_slice %arg3[%mul3A_31, %dma_wait3A_430] : memref<25600x128xi32, #tpu.memory_space<hbm>> -> memref<1x128xi32, #tpu.memory_space<hbm>>
        %dma_wait3A_432 = tpu.memref_squeeze %dma_wait3A_431 : memref<1x128xi32, #tpu.memory_space<hbm>> -> memref<128xi32, #tpu.memory_space<hbm>>
        %dma_wait3A_433 = arith.constant 0 : i32
        %dma_wait3A_434 = tpu.memref_slice %arg3[%mul3A_31, %dma_wait3A_433] : memref<25600x128xi32, #tpu.memory_space<hbm>> -> memref<1x128xi32, #tpu.memory_space<hbm>>
        %dma_wait3A_435 = tpu.memref_squeeze %dma_wait3A_434 : memref<1x128xi32, #tpu.memory_space<hbm>> -> memref<128xi32, #tpu.memory_space<hbm>>
        tpu.wait_dma2 semaphore(%arg37 : memref<!tpu.dma_semaphore, #tpu.memory_space<semaphore_mem>>) src(%dma_wait3A_435 : memref<128xi32, #tpu.memory_space<hbm>>) dst(%arg21 : memref<128xi32, #tpu.memory_space<vmem>>)
        %dma_start3A_436 = arith.constant 0 : i32
        %dma_start3A_437 = arith.constant 0 : i32
        %dma_start3A_438 = tpu.memref_slice %arg2[%dma_start3A_436, %dma_start3A_437] : memref<102400x16xf32, #tpu.memory_space<hbm>> -> memref<102400x16xf32, #tpu.memory_space<hbm>>
        tpu.enqueue_indirect_dma source(%dma_start3A_438 : memref<102400x16xf32, #tpu.memory_space<hbm>>) target(%arg29 : memref<128x16xf32, #tpu.memory_space<vmem>>) offsets(%arg13 : memref<128xi32, #tpu.memory_space<vmem>>) semaphore(%arg45 : memref<!tpu.dma_semaphore, #tpu.memory_space<semaphore_mem>>)
      } else {
      }
      %mul3A_339 = arith.constant 8 : i32
      %mul3A_340 = arith.muli %scan3A_256, %mul3A_339 : i32
      %add3A_341 = arith.constant 4 : i32
      %add3A_342 = arith.addi %mul3A_340, %add3A_341 : i32
      %dma_wait3A_343 = arith.constant 0 : i32
      %dma_wait3A_344 = arith.constant 0 : i32
      %dma_wait3A_345 = tpu.memref_slice %arg2[%dma_wait3A_343, %dma_wait3A_344] : memref<102400x16xf32, #tpu.memory_space<hbm>> -> memref<102400x16xf32, #tpu.memory_space<hbm>>
      tpu.wait_indirect_dma semaphore(%arg48 : memref<!tpu.dma_semaphore, #tpu.memory_space<semaphore_mem>>) src(%dma_wait3A_345 : memref<102400x16xf32, #tpu.memory_space<hbm>>) dst(%arg32 : memref<128x16xf32, #tpu.memory_space<vmem>>)
      "tpu.region"() ({
        %run_scoped3A = tpu.sem_alloc : memref<!tpu.dma_semaphore, #tpu.memory_space<semaphore_mem>>
        %dma_start3A_424 = arith.constant 0 : i32
        %dma_start3A_425 = arith.constant 0 : i32
        %dma_start3A_426 = tpu.memref_slice %arg7[%dma_start3A_424, %dma_start3A_425] : memref<102400x16xf32, #tpu.memory_space<vmem_shared>> -> memref<102400x16xf32, #tpu.memory_space<vmem_shared>>
        tpu.enqueue_indirect_dma source(%arg32 : memref<128x16xf32, #tpu.memory_space<vmem>>) target(%dma_start3A_426 : memref<102400x16xf32, #tpu.memory_space<vmem_shared>>) offsets(%arg24 : memref<128xi32, #tpu.memory_space<vmem>>) semaphore(%run_scoped3A : memref<!tpu.dma_semaphore, #tpu.memory_space<semaphore_mem>>) {add = true}
        %dma_wait3A_427 = arith.constant 0 : i32
        %dma_wait3A_428 = arith.constant 0 : i32
        %dma_wait3A_429 = tpu.memref_slice %arg7[%dma_wait3A_427, %dma_wait3A_428] : memref<102400x16xf32, #tpu.memory_space<vmem_shared>> -> memref<102400x16xf32, #tpu.memory_space<vmem_shared>>
        tpu.wait_indirect_dma semaphore(%run_scoped3A : memref<!tpu.dma_semaphore, #tpu.memory_space<semaphore_mem>>) src(%arg32 : memref<128x16xf32, #tpu.memory_space<vmem>>) dst(%dma_wait3A_429 : memref<102400x16xf32, #tpu.memory_space<vmem_shared>>)
        tpu.yield
      }) : () -> ()
      "tpu.region"() ({
        %run_scoped3A = tpu.sem_alloc : memref<!tpu.dma_semaphore, #tpu.memory_space<semaphore_mem>>
        %dma_start3A_424 = arith.constant 0 : i32
        %dma_start3A_425 = tpu.memref_slice %arg8[%dma_start3A_424] : memref<102400xf32, #tpu.memory_space<vmem_shared>> -> memref<102400xf32, #tpu.memory_space<vmem_shared>>
        tpu.enqueue_indirect_dma source(%arg11 : memref<128xf32, #tpu.memory_space<vmem>>) target(%dma_start3A_425 : memref<102400xf32, #tpu.memory_space<vmem_shared>>) offsets(%arg24 : memref<128xi32, #tpu.memory_space<vmem>>) semaphore(%run_scoped3A : memref<!tpu.dma_semaphore, #tpu.memory_space<semaphore_mem>>) {add = true}
        %dma_wait3A_426 = arith.constant 0 : i32
        %dma_wait3A_427 = tpu.memref_slice %arg8[%dma_wait3A_426] : memref<102400xf32, #tpu.memory_space<vmem_shared>> -> memref<102400xf32, #tpu.memory_space<vmem_shared>>
        tpu.wait_indirect_dma semaphore(%run_scoped3A : memref<!tpu.dma_semaphore, #tpu.memory_space<semaphore_mem>>) src(%arg11 : memref<128xf32, #tpu.memory_space<vmem>>) dst(%dma_wait3A_427 : memref<102400xf32, #tpu.memory_space<vmem_shared>>)
        tpu.yield
      }) : () -> ()
      %add3A_346 = arith.constant 8 : i32
      %add3A_347 = arith.addi %add3A_342, %add3A_346 : i32
      %lt3A_348 = arith.constant 800 : i32
      %lt3A_349 = arith.cmpi slt, %add3A_347, %lt3A_348 : i32
      %convert_element_type3A_350 = arith.extui %lt3A_349 : i1 to i32
      %cond3A_351 = arith.constant 0 : i32
      %cond3A_352 = arith.cmpi ne, %convert_element_type3A_350, %cond3A_351 : i32
      scf.if %cond3A_352 {
        %add3A_424 = arith.addi %mul3A_31, %add3A_342 : i32
        %add3A_425 = arith.constant 8 : i32
        %add3A_426 = arith.addi %add3A_424, %add3A_425 : i32
        %dma_start3A_427 = arith.constant 0 : i32
        %dma_start3A_428 = tpu.memref_slice %arg3[%add3A_426, %dma_start3A_427] : memref<25600x128xi32, #tpu.memory_space<hbm>> -> memref<1x128xi32, #tpu.memory_space<hbm>>
        %dma_start3A_429 = tpu.memref_squeeze %dma_start3A_428 : memref<1x128xi32, #tpu.memory_space<hbm>> -> memref<128xi32, #tpu.memory_space<hbm>>
        %dma_start3A_430 = arith.constant 0 : i32
        %dma_start3A_431 = tpu.memref_slice %arg3[%add3A_426, %dma_start3A_430] : memref<25600x128xi32, #tpu.memory_space<hbm>> -> memref<1x128xi32, #tpu.memory_space<hbm>>
        %dma_start3A_432 = tpu.memref_squeeze %dma_start3A_431 : memref<1x128xi32, #tpu.memory_space<hbm>> -> memref<128xi32, #tpu.memory_space<hbm>>
        tpu.enqueue_dma source(%dma_start3A_432 : memref<128xi32, #tpu.memory_space<hbm>>) target(%arg16 : memref<128xi32, #tpu.memory_space<vmem>>) target_semaphore(%arg40 : memref<!tpu.dma_semaphore, #tpu.memory_space<semaphore_mem>>)
        %add3A_433 = arith.addi %mul3A_31, %add3A_342 : i32
        %add3A_434 = arith.constant 8 : i32
        %add3A_435 = arith.addi %add3A_433, %add3A_434 : i32
        %dma_start3A_436 = arith.constant 0 : i32
        %dma_start3A_437 = tpu.memref_slice %arg4[%add3A_435, %dma_start3A_436] : memref<25600x128xi32, #tpu.memory_space<hbm>> -> memref<1x128xi32, #tpu.memory_space<hbm>>
        %dma_start3A_438 = tpu.memref_squeeze %dma_start3A_437 : memref<1x128xi32, #tpu.memory_space<hbm>> -> memref<128xi32, #tpu.memory_space<hbm>>
        %dma_start3A_439 = arith.constant 0 : i32
        %dma_start3A_440 = tpu.memref_slice %arg4[%add3A_435, %dma_start3A_439] : memref<25600x128xi32, #tpu.memory_space<hbm>> -> memref<1x128xi32, #tpu.memory_space<hbm>>
        %dma_start3A_441 = tpu.memref_squeeze %dma_start3A_440 : memref<1x128xi32, #tpu.memory_space<hbm>> -> memref<128xi32, #tpu.memory_space<hbm>>
        tpu.enqueue_dma source(%dma_start3A_441 : memref<128xi32, #tpu.memory_space<hbm>>) target(%arg24 : memref<128xi32, #tpu.memory_space<vmem>>) target_semaphore(%arg40 : memref<!tpu.dma_semaphore, #tpu.memory_space<semaphore_mem>>)
      } else {
      }
      %add3A_353 = arith.constant 6 : i32
      %add3A_354 = arith.addi %add3A_342, %add3A_353 : i32
      %lt3A_355 = arith.constant 800 : i32
      %lt3A_356 = arith.cmpi slt, %add3A_354, %lt3A_355 : i32
      %convert_element_type3A_357 = arith.extui %lt3A_356 : i1 to i32
      %cond3A_358 = arith.constant 0 : i32
      %cond3A_359 = arith.cmpi ne, %convert_element_type3A_357, %cond3A_358 : i32
      scf.if %cond3A_359 {
        %dma_wait3A_424 = arith.constant 0 : i32
        %dma_wait3A_425 = tpu.memref_slice %arg3[%mul3A_31, %dma_wait3A_424] : memref<25600x128xi32, #tpu.memory_space<hbm>> -> memref<1x128xi32, #tpu.memory_space<hbm>>
        %dma_wait3A_426 = tpu.memref_squeeze %dma_wait3A_425 : memref<1x128xi32, #tpu.memory_space<hbm>> -> memref<128xi32, #tpu.memory_space<hbm>>
        %dma_wait3A_427 = arith.constant 0 : i32
        %dma_wait3A_428 = tpu.memref_slice %arg3[%mul3A_31, %dma_wait3A_427] : memref<25600x128xi32, #tpu.memory_space<hbm>> -> memref<1x128xi32, #tpu.memory_space<hbm>>
        %dma_wait3A_429 = tpu.memref_squeeze %dma_wait3A_428 : memref<1x128xi32, #tpu.memory_space<hbm>> -> memref<128xi32, #tpu.memory_space<hbm>>
        tpu.wait_dma2 semaphore(%arg38 : memref<!tpu.dma_semaphore, #tpu.memory_space<semaphore_mem>>) src(%dma_wait3A_429 : memref<128xi32, #tpu.memory_space<hbm>>) dst(%arg14 : memref<128xi32, #tpu.memory_space<vmem>>)
        %dma_wait3A_430 = arith.constant 0 : i32
        %dma_wait3A_431 = tpu.memref_slice %arg3[%mul3A_31, %dma_wait3A_430] : memref<25600x128xi32, #tpu.memory_space<hbm>> -> memref<1x128xi32, #tpu.memory_space<hbm>>
        %dma_wait3A_432 = tpu.memref_squeeze %dma_wait3A_431 : memref<1x128xi32, #tpu.memory_space<hbm>> -> memref<128xi32, #tpu.memory_space<hbm>>
        %dma_wait3A_433 = arith.constant 0 : i32
        %dma_wait3A_434 = tpu.memref_slice %arg3[%mul3A_31, %dma_wait3A_433] : memref<25600x128xi32, #tpu.memory_space<hbm>> -> memref<1x128xi32, #tpu.memory_space<hbm>>
        %dma_wait3A_435 = tpu.memref_squeeze %dma_wait3A_434 : memref<1x128xi32, #tpu.memory_space<hbm>> -> memref<128xi32, #tpu.memory_space<hbm>>
        tpu.wait_dma2 semaphore(%arg38 : memref<!tpu.dma_semaphore, #tpu.memory_space<semaphore_mem>>) src(%dma_wait3A_435 : memref<128xi32, #tpu.memory_space<hbm>>) dst(%arg22 : memref<128xi32, #tpu.memory_space<vmem>>)
        %dma_start3A_436 = arith.constant 0 : i32
        %dma_start3A_437 = arith.constant 0 : i32
        %dma_start3A_438 = tpu.memref_slice %arg2[%dma_start3A_436, %dma_start3A_437] : memref<102400x16xf32, #tpu.memory_space<hbm>> -> memref<102400x16xf32, #tpu.memory_space<hbm>>
        tpu.enqueue_indirect_dma source(%dma_start3A_438 : memref<102400x16xf32, #tpu.memory_space<hbm>>) target(%arg30 : memref<128x16xf32, #tpu.memory_space<vmem>>) offsets(%arg14 : memref<128xi32, #tpu.memory_space<vmem>>) semaphore(%arg46 : memref<!tpu.dma_semaphore, #tpu.memory_space<semaphore_mem>>)
      } else {
      }
      %mul3A_360 = arith.constant 8 : i32
      %mul3A_361 = arith.muli %scan3A_256, %mul3A_360 : i32
      %add3A_362 = arith.constant 5 : i32
      %add3A_363 = arith.addi %mul3A_361, %add3A_362 : i32
      %dma_wait3A_364 = arith.constant 0 : i32
      %dma_wait3A_365 = arith.constant 0 : i32
      %dma_wait3A_366 = tpu.memref_slice %arg2[%dma_wait3A_364, %dma_wait3A_365] : memref<102400x16xf32, #tpu.memory_space<hbm>> -> memref<102400x16xf32, #tpu.memory_space<hbm>>
      tpu.wait_indirect_dma semaphore(%arg49 : memref<!tpu.dma_semaphore, #tpu.memory_space<semaphore_mem>>) src(%dma_wait3A_366 : memref<102400x16xf32, #tpu.memory_space<hbm>>) dst(%arg33 : memref<128x16xf32, #tpu.memory_space<vmem>>)
      "tpu.region"() ({
        %run_scoped3A = tpu.sem_alloc : memref<!tpu.dma_semaphore, #tpu.memory_space<semaphore_mem>>
        %dma_start3A_424 = arith.constant 0 : i32
        %dma_start3A_425 = arith.constant 0 : i32
        %dma_start3A_426 = tpu.memref_slice %arg7[%dma_start3A_424, %dma_start3A_425] : memref<102400x16xf32, #tpu.memory_space<vmem_shared>> -> memref<102400x16xf32, #tpu.memory_space<vmem_shared>>
        tpu.enqueue_indirect_dma source(%arg33 : memref<128x16xf32, #tpu.memory_space<vmem>>) target(%dma_start3A_426 : memref<102400x16xf32, #tpu.memory_space<vmem_shared>>) offsets(%arg25 : memref<128xi32, #tpu.memory_space<vmem>>) semaphore(%run_scoped3A : memref<!tpu.dma_semaphore, #tpu.memory_space<semaphore_mem>>) {add = true}
        %dma_wait3A_427 = arith.constant 0 : i32
        %dma_wait3A_428 = arith.constant 0 : i32
        %dma_wait3A_429 = tpu.memref_slice %arg7[%dma_wait3A_427, %dma_wait3A_428] : memref<102400x16xf32, #tpu.memory_space<vmem_shared>> -> memref<102400x16xf32, #tpu.memory_space<vmem_shared>>
        tpu.wait_indirect_dma semaphore(%run_scoped3A : memref<!tpu.dma_semaphore, #tpu.memory_space<semaphore_mem>>) src(%arg33 : memref<128x16xf32, #tpu.memory_space<vmem>>) dst(%dma_wait3A_429 : memref<102400x16xf32, #tpu.memory_space<vmem_shared>>)
        tpu.yield
      }) : () -> ()
      "tpu.region"() ({
        %run_scoped3A = tpu.sem_alloc : memref<!tpu.dma_semaphore, #tpu.memory_space<semaphore_mem>>
        %dma_start3A_424 = arith.constant 0 : i32
        %dma_start3A_425 = tpu.memref_slice %arg8[%dma_start3A_424] : memref<102400xf32, #tpu.memory_space<vmem_shared>> -> memref<102400xf32, #tpu.memory_space<vmem_shared>>
        tpu.enqueue_indirect_dma source(%arg11 : memref<128xf32, #tpu.memory_space<vmem>>) target(%dma_start3A_425 : memref<102400xf32, #tpu.memory_space<vmem_shared>>) offsets(%arg25 : memref<128xi32, #tpu.memory_space<vmem>>) semaphore(%run_scoped3A : memref<!tpu.dma_semaphore, #tpu.memory_space<semaphore_mem>>) {add = true}
        %dma_wait3A_426 = arith.constant 0 : i32
        %dma_wait3A_427 = tpu.memref_slice %arg8[%dma_wait3A_426] : memref<102400xf32, #tpu.memory_space<vmem_shared>> -> memref<102400xf32, #tpu.memory_space<vmem_shared>>
        tpu.wait_indirect_dma semaphore(%run_scoped3A : memref<!tpu.dma_semaphore, #tpu.memory_space<semaphore_mem>>) src(%arg11 : memref<128xf32, #tpu.memory_space<vmem>>) dst(%dma_wait3A_427 : memref<102400xf32, #tpu.memory_space<vmem_shared>>)
        tpu.yield
      }) : () -> ()
      %add3A_367 = arith.constant 8 : i32
      %add3A_368 = arith.addi %add3A_363, %add3A_367 : i32
      %lt3A_369 = arith.constant 800 : i32
      %lt3A_370 = arith.cmpi slt, %add3A_368, %lt3A_369 : i32
      %convert_element_type3A_371 = arith.extui %lt3A_370 : i1 to i32
      %cond3A_372 = arith.constant 0 : i32
      %cond3A_373 = arith.cmpi ne, %convert_element_type3A_371, %cond3A_372 : i32
      scf.if %cond3A_373 {
        %add3A_424 = arith.addi %mul3A_31, %add3A_363 : i32
        %add3A_425 = arith.constant 8 : i32
        %add3A_426 = arith.addi %add3A_424, %add3A_425 : i32
        %dma_start3A_427 = arith.constant 0 : i32
        %dma_start3A_428 = tpu.memref_slice %arg3[%add3A_426, %dma_start3A_427] : memref<25600x128xi32, #tpu.memory_space<hbm>> -> memref<1x128xi32, #tpu.memory_space<hbm>>
        %dma_start3A_429 = tpu.memref_squeeze %dma_start3A_428 : memref<1x128xi32, #tpu.memory_space<hbm>> -> memref<128xi32, #tpu.memory_space<hbm>>
        %dma_start3A_430 = arith.constant 0 : i32
        %dma_start3A_431 = tpu.memref_slice %arg3[%add3A_426, %dma_start3A_430] : memref<25600x128xi32, #tpu.memory_space<hbm>> -> memref<1x128xi32, #tpu.memory_space<hbm>>
        %dma_start3A_432 = tpu.memref_squeeze %dma_start3A_431 : memref<1x128xi32, #tpu.memory_space<hbm>> -> memref<128xi32, #tpu.memory_space<hbm>>
        tpu.enqueue_dma source(%dma_start3A_432 : memref<128xi32, #tpu.memory_space<hbm>>) target(%arg17 : memref<128xi32, #tpu.memory_space<vmem>>) target_semaphore(%arg41 : memref<!tpu.dma_semaphore, #tpu.memory_space<semaphore_mem>>)
        %add3A_433 = arith.addi %mul3A_31, %add3A_363 : i32
        %add3A_434 = arith.constant 8 : i32
        %add3A_435 = arith.addi %add3A_433, %add3A_434 : i32
        %dma_start3A_436 = arith.constant 0 : i32
        %dma_start3A_437 = tpu.memref_slice %arg4[%add3A_435, %dma_start3A_436] : memref<25600x128xi32, #tpu.memory_space<hbm>> -> memref<1x128xi32, #tpu.memory_space<hbm>>
        %dma_start3A_438 = tpu.memref_squeeze %dma_start3A_437 : memref<1x128xi32, #tpu.memory_space<hbm>> -> memref<128xi32, #tpu.memory_space<hbm>>
        %dma_start3A_439 = arith.constant 0 : i32
        %dma_start3A_440 = tpu.memref_slice %arg4[%add3A_435, %dma_start3A_439] : memref<25600x128xi32, #tpu.memory_space<hbm>> -> memref<1x128xi32, #tpu.memory_space<hbm>>
        %dma_start3A_441 = tpu.memref_squeeze %dma_start3A_440 : memref<1x128xi32, #tpu.memory_space<hbm>> -> memref<128xi32, #tpu.memory_space<hbm>>
        tpu.enqueue_dma source(%dma_start3A_441 : memref<128xi32, #tpu.memory_space<hbm>>) target(%arg25 : memref<128xi32, #tpu.memory_space<vmem>>) target_semaphore(%arg41 : memref<!tpu.dma_semaphore, #tpu.memory_space<semaphore_mem>>)
      } else {
      }
      %add3A_374 = arith.constant 6 : i32
      %add3A_375 = arith.addi %add3A_363, %add3A_374 : i32
      %lt3A_376 = arith.constant 800 : i32
      %lt3A_377 = arith.cmpi slt, %add3A_375, %lt3A_376 : i32
      %convert_element_type3A_378 = arith.extui %lt3A_377 : i1 to i32
      %cond3A_379 = arith.constant 0 : i32
      %cond3A_380 = arith.cmpi ne, %convert_element_type3A_378, %cond3A_379 : i32
      scf.if %cond3A_380 {
        %dma_wait3A_424 = arith.constant 0 : i32
        %dma_wait3A_425 = tpu.memref_slice %arg3[%mul3A_31, %dma_wait3A_424] : memref<25600x128xi32, #tpu.memory_space<hbm>> -> memref<1x128xi32, #tpu.memory_space<hbm>>
        %dma_wait3A_426 = tpu.memref_squeeze %dma_wait3A_425 : memref<1x128xi32, #tpu.memory_space<hbm>> -> memref<128xi32, #tpu.memory_space<hbm>>
        %dma_wait3A_427 = arith.constant 0 : i32
        %dma_wait3A_428 = tpu.memref_slice %arg3[%mul3A_31, %dma_wait3A_427] : memref<25600x128xi32, #tpu.memory_space<hbm>> -> memref<1x128xi32, #tpu.memory_space<hbm>>
        %dma_wait3A_429 = tpu.memref_squeeze %dma_wait3A_428 : memref<1x128xi32, #tpu.memory_space<hbm>> -> memref<128xi32, #tpu.memory_space<hbm>>
        tpu.wait_dma2 semaphore(%arg39 : memref<!tpu.dma_semaphore, #tpu.memory_space<semaphore_mem>>) src(%dma_wait3A_429 : memref<128xi32, #tpu.memory_space<hbm>>) dst(%arg15 : memref<128xi32, #tpu.memory_space<vmem>>)
        %dma_wait3A_430 = arith.constant 0 : i32
        %dma_wait3A_431 = tpu.memref_slice %arg3[%mul3A_31, %dma_wait3A_430] : memref<25600x128xi32, #tpu.memory_space<hbm>> -> memref<1x128xi32, #tpu.memory_space<hbm>>
        %dma_wait3A_432 = tpu.memref_squeeze %dma_wait3A_431 : memref<1x128xi32, #tpu.memory_space<hbm>> -> memref<128xi32, #tpu.memory_space<hbm>>
        %dma_wait3A_433 = arith.constant 0 : i32
        %dma_wait3A_434 = tpu.memref_slice %arg3[%mul3A_31, %dma_wait3A_433] : memref<25600x128xi32, #tpu.memory_space<hbm>> -> memref<1x128xi32, #tpu.memory_space<hbm>>
        %dma_wait3A_435 = tpu.memref_squeeze %dma_wait3A_434 : memref<1x128xi32, #tpu.memory_space<hbm>> -> memref<128xi32, #tpu.memory_space<hbm>>
        tpu.wait_dma2 semaphore(%arg39 : memref<!tpu.dma_semaphore, #tpu.memory_space<semaphore_mem>>) src(%dma_wait3A_435 : memref<128xi32, #tpu.memory_space<hbm>>) dst(%arg23 : memref<128xi32, #tpu.memory_space<vmem>>)
        %dma_start3A_436 = arith.constant 0 : i32
        %dma_start3A_437 = arith.constant 0 : i32
        %dma_start3A_438 = tpu.memref_slice %arg2[%dma_start3A_436, %dma_start3A_437] : memref<102400x16xf32, #tpu.memory_space<hbm>> -> memref<102400x16xf32, #tpu.memory_space<hbm>>
        tpu.enqueue_indirect_dma source(%dma_start3A_438 : memref<102400x16xf32, #tpu.memory_space<hbm>>) target(%arg31 : memref<128x16xf32, #tpu.memory_space<vmem>>) offsets(%arg15 : memref<128xi32, #tpu.memory_space<vmem>>) semaphore(%arg47 : memref<!tpu.dma_semaphore, #tpu.memory_space<semaphore_mem>>)
      } else {
      }
      %mul3A_381 = arith.constant 8 : i32
      %mul3A_382 = arith.muli %scan3A_256, %mul3A_381 : i32
      %add3A_383 = arith.constant 6 : i32
      %add3A_384 = arith.addi %mul3A_382, %add3A_383 : i32
      %dma_wait3A_385 = arith.constant 0 : i32
      %dma_wait3A_386 = arith.constant 0 : i32
      %dma_wait3A_387 = tpu.memref_slice %arg2[%dma_wait3A_385, %dma_wait3A_386] : memref<102400x16xf32, #tpu.memory_space<hbm>> -> memref<102400x16xf32, #tpu.memory_space<hbm>>
      tpu.wait_indirect_dma semaphore(%arg50 : memref<!tpu.dma_semaphore, #tpu.memory_space<semaphore_mem>>) src(%dma_wait3A_387 : memref<102400x16xf32, #tpu.memory_space<hbm>>) dst(%arg34 : memref<128x16xf32, #tpu.memory_space<vmem>>)
      "tpu.region"() ({
        %run_scoped3A = tpu.sem_alloc : memref<!tpu.dma_semaphore, #tpu.memory_space<semaphore_mem>>
        %dma_start3A_424 = arith.constant 0 : i32
        %dma_start3A_425 = arith.constant 0 : i32
        %dma_start3A_426 = tpu.memref_slice %arg7[%dma_start3A_424, %dma_start3A_425] : memref<102400x16xf32, #tpu.memory_space<vmem_shared>> -> memref<102400x16xf32, #tpu.memory_space<vmem_shared>>
        tpu.enqueue_indirect_dma source(%arg34 : memref<128x16xf32, #tpu.memory_space<vmem>>) target(%dma_start3A_426 : memref<102400x16xf32, #tpu.memory_space<vmem_shared>>) offsets(%arg26 : memref<128xi32, #tpu.memory_space<vmem>>) semaphore(%run_scoped3A : memref<!tpu.dma_semaphore, #tpu.memory_space<semaphore_mem>>) {add = true}
        %dma_wait3A_427 = arith.constant 0 : i32
        %dma_wait3A_428 = arith.constant 0 : i32
        %dma_wait3A_429 = tpu.memref_slice %arg7[%dma_wait3A_427, %dma_wait3A_428] : memref<102400x16xf32, #tpu.memory_space<vmem_shared>> -> memref<102400x16xf32, #tpu.memory_space<vmem_shared>>
        tpu.wait_indirect_dma semaphore(%run_scoped3A : memref<!tpu.dma_semaphore, #tpu.memory_space<semaphore_mem>>) src(%arg34 : memref<128x16xf32, #tpu.memory_space<vmem>>) dst(%dma_wait3A_429 : memref<102400x16xf32, #tpu.memory_space<vmem_shared>>)
        tpu.yield
      }) : () -> ()
      "tpu.region"() ({
        %run_scoped3A = tpu.sem_alloc : memref<!tpu.dma_semaphore, #tpu.memory_space<semaphore_mem>>
        %dma_start3A_424 = arith.constant 0 : i32
        %dma_start3A_425 = tpu.memref_slice %arg8[%dma_start3A_424] : memref<102400xf32, #tpu.memory_space<vmem_shared>> -> memref<102400xf32, #tpu.memory_space<vmem_shared>>
        tpu.enqueue_indirect_dma source(%arg11 : memref<128xf32, #tpu.memory_space<vmem>>) target(%dma_start3A_425 : memref<102400xf32, #tpu.memory_space<vmem_shared>>) offsets(%arg26 : memref<128xi32, #tpu.memory_space<vmem>>) semaphore(%run_scoped3A : memref<!tpu.dma_semaphore, #tpu.memory_space<semaphore_mem>>) {add = true}
        %dma_wait3A_426 = arith.constant 0 : i32
        %dma_wait3A_427 = tpu.memref_slice %arg8[%dma_wait3A_426] : memref<102400xf32, #tpu.memory_space<vmem_shared>> -> memref<102400xf32, #tpu.memory_space<vmem_shared>>
        tpu.wait_indirect_dma semaphore(%run_scoped3A : memref<!tpu.dma_semaphore, #tpu.memory_space<semaphore_mem>>) src(%arg11 : memref<128xf32, #tpu.memory_space<vmem>>) dst(%dma_wait3A_427 : memref<102400xf32, #tpu.memory_space<vmem_shared>>)
        tpu.yield
      }) : () -> ()
      %add3A_388 = arith.constant 8 : i32
      %add3A_389 = arith.addi %add3A_384, %add3A_388 : i32
      %lt3A_390 = arith.constant 800 : i32
      %lt3A_391 = arith.cmpi slt, %add3A_389, %lt3A_390 : i32
      %convert_element_type3A_392 = arith.extui %lt3A_391 : i1 to i32
      %cond3A_393 = arith.constant 0 : i32
      %cond3A_394 = arith.cmpi ne, %convert_element_type3A_392, %cond3A_393 : i32
      scf.if %cond3A_394 {
        %add3A_424 = arith.addi %mul3A_31, %add3A_384 : i32
        %add3A_425 = arith.constant 8 : i32
        %add3A_426 = arith.addi %add3A_424, %add3A_425 : i32
        %dma_start3A_427 = arith.constant 0 : i32
        %dma_start3A_428 = tpu.memref_slice %arg3[%add3A_426, %dma_start3A_427] : memref<25600x128xi32, #tpu.memory_space<hbm>> -> memref<1x128xi32, #tpu.memory_space<hbm>>
        %dma_start3A_429 = tpu.memref_squeeze %dma_start3A_428 : memref<1x128xi32, #tpu.memory_space<hbm>> -> memref<128xi32, #tpu.memory_space<hbm>>
        %dma_start3A_430 = arith.constant 0 : i32
        %dma_start3A_431 = tpu.memref_slice %arg3[%add3A_426, %dma_start3A_430] : memref<25600x128xi32, #tpu.memory_space<hbm>> -> memref<1x128xi32, #tpu.memory_space<hbm>>
        %dma_start3A_432 = tpu.memref_squeeze %dma_start3A_431 : memref<1x128xi32, #tpu.memory_space<hbm>> -> memref<128xi32, #tpu.memory_space<hbm>>
        tpu.enqueue_dma source(%dma_start3A_432 : memref<128xi32, #tpu.memory_space<hbm>>) target(%arg18 : memref<128xi32, #tpu.memory_space<vmem>>) target_semaphore(%arg42 : memref<!tpu.dma_semaphore, #tpu.memory_space<semaphore_mem>>)
        %add3A_433 = arith.addi %mul3A_31, %add3A_384 : i32
        %add3A_434 = arith.constant 8 : i32
        %add3A_435 = arith.addi %add3A_433, %add3A_434 : i32
        %dma_start3A_436 = arith.constant 0 : i32
        %dma_start3A_437 = tpu.memref_slice %arg4[%add3A_435, %dma_start3A_436] : memref<25600x128xi32, #tpu.memory_space<hbm>> -> memref<1x128xi32, #tpu.memory_space<hbm>>
        %dma_start3A_438 = tpu.memref_squeeze %dma_start3A_437 : memref<1x128xi32, #tpu.memory_space<hbm>> -> memref<128xi32, #tpu.memory_space<hbm>>
        %dma_start3A_439 = arith.constant 0 : i32
        %dma_start3A_440 = tpu.memref_slice %arg4[%add3A_435, %dma_start3A_439] : memref<25600x128xi32, #tpu.memory_space<hbm>> -> memref<1x128xi32, #tpu.memory_space<hbm>>
        %dma_start3A_441 = tpu.memref_squeeze %dma_start3A_440 : memref<1x128xi32, #tpu.memory_space<hbm>> -> memref<128xi32, #tpu.memory_space<hbm>>
        tpu.enqueue_dma source(%dma_start3A_441 : memref<128xi32, #tpu.memory_space<hbm>>) target(%arg26 : memref<128xi32, #tpu.memory_space<vmem>>) target_semaphore(%arg42 : memref<!tpu.dma_semaphore, #tpu.memory_space<semaphore_mem>>)
      } else {
      }
      %add3A_395 = arith.constant 6 : i32
      %add3A_396 = arith.addi %add3A_384, %add3A_395 : i32
      %lt3A_397 = arith.constant 800 : i32
      %lt3A_398 = arith.cmpi slt, %add3A_396, %lt3A_397 : i32
      %convert_element_type3A_399 = arith.extui %lt3A_398 : i1 to i32
      %cond3A_400 = arith.constant 0 : i32
      %cond3A_401 = arith.cmpi ne, %convert_element_type3A_399, %cond3A_400 : i32
      scf.if %cond3A_401 {
        %dma_wait3A_424 = arith.constant 0 : i32
        %dma_wait3A_425 = tpu.memref_slice %arg3[%mul3A_31, %dma_wait3A_424] : memref<25600x128xi32, #tpu.memory_space<hbm>> -> memref<1x128xi32, #tpu.memory_space<hbm>>
        %dma_wait3A_426 = tpu.memref_squeeze %dma_wait3A_425 : memref<1x128xi32, #tpu.memory_space<hbm>> -> memref<128xi32, #tpu.memory_space<hbm>>
        %dma_wait3A_427 = arith.constant 0 : i32
        %dma_wait3A_428 = tpu.memref_slice %arg3[%mul3A_31, %dma_wait3A_427] : memref<25600x128xi32, #tpu.memory_space<hbm>> -> memref<1x128xi32, #tpu.memory_space<hbm>>
        %dma_wait3A_429 = tpu.memref_squeeze %dma_wait3A_428 : memref<1x128xi32, #tpu.memory_space<hbm>> -> memref<128xi32, #tpu.memory_space<hbm>>
        tpu.wait_dma2 semaphore(%arg40 : memref<!tpu.dma_semaphore, #tpu.memory_space<semaphore_mem>>) src(%dma_wait3A_429 : memref<128xi32, #tpu.memory_space<hbm>>) dst(%arg16 : memref<128xi32, #tpu.memory_space<vmem>>)
        %dma_wait3A_430 = arith.constant 0 : i32
        %dma_wait3A_431 = tpu.memref_slice %arg3[%mul3A_31, %dma_wait3A_430] : memref<25600x128xi32, #tpu.memory_space<hbm>> -> memref<1x128xi32, #tpu.memory_space<hbm>>
        %dma_wait3A_432 = tpu.memref_squeeze %dma_wait3A_431 : memref<1x128xi32, #tpu.memory_space<hbm>> -> memref<128xi32, #tpu.memory_space<hbm>>
        %dma_wait3A_433 = arith.constant 0 : i32
        %dma_wait3A_434 = tpu.memref_slice %arg3[%mul3A_31, %dma_wait3A_433] : memref<25600x128xi32, #tpu.memory_space<hbm>> -> memref<1x128xi32, #tpu.memory_space<hbm>>
        %dma_wait3A_435 = tpu.memref_squeeze %dma_wait3A_434 : memref<1x128xi32, #tpu.memory_space<hbm>> -> memref<128xi32, #tpu.memory_space<hbm>>
        tpu.wait_dma2 semaphore(%arg40 : memref<!tpu.dma_semaphore, #tpu.memory_space<semaphore_mem>>) src(%dma_wait3A_435 : memref<128xi32, #tpu.memory_space<hbm>>) dst(%arg24 : memref<128xi32, #tpu.memory_space<vmem>>)
        %dma_start3A_436 = arith.constant 0 : i32
        %dma_start3A_437 = arith.constant 0 : i32
        %dma_start3A_438 = tpu.memref_slice %arg2[%dma_start3A_436, %dma_start3A_437] : memref<102400x16xf32, #tpu.memory_space<hbm>> -> memref<102400x16xf32, #tpu.memory_space<hbm>>
        tpu.enqueue_indirect_dma source(%dma_start3A_438 : memref<102400x16xf32, #tpu.memory_space<hbm>>) target(%arg32 : memref<128x16xf32, #tpu.memory_space<vmem>>) offsets(%arg16 : memref<128xi32, #tpu.memory_space<vmem>>) semaphore(%arg48 : memref<!tpu.dma_semaphore, #tpu.memory_space<semaphore_mem>>)
      } else {
      }
      %mul3A_402 = arith.constant 8 : i32
      %mul3A_403 = arith.muli %scan3A_256, %mul3A_402 : i32
      %add3A_404 = arith.constant 7 : i32
      %add3A_405 = arith.addi %mul3A_403, %add3A_404 : i32
      %dma_wait3A_406 = arith.constant 0 : i32
      %dma_wait3A_407 = arith.constant 0 : i32
      %dma_wait3A_408 = tpu.memref_slice %arg2[%dma_wait3A_406, %dma_wait3A_407] : memref<102400x16xf32, #tpu.memory_space<hbm>> -> memref<102400x16xf32, #tpu.memory_space<hbm>>
      tpu.wait_indirect_dma semaphore(%arg51 : memref<!tpu.dma_semaphore, #tpu.memory_space<semaphore_mem>>) src(%dma_wait3A_408 : memref<102400x16xf32, #tpu.memory_space<hbm>>) dst(%arg35 : memref<128x16xf32, #tpu.memory_space<vmem>>)
      "tpu.region"() ({
        %run_scoped3A = tpu.sem_alloc : memref<!tpu.dma_semaphore, #tpu.memory_space<semaphore_mem>>
        %dma_start3A_424 = arith.constant 0 : i32
        %dma_start3A_425 = arith.constant 0 : i32
        %dma_start3A_426 = tpu.memref_slice %arg7[%dma_start3A_424, %dma_start3A_425] : memref<102400x16xf32, #tpu.memory_space<vmem_shared>> -> memref<102400x16xf32, #tpu.memory_space<vmem_shared>>
        tpu.enqueue_indirect_dma source(%arg35 : memref<128x16xf32, #tpu.memory_space<vmem>>) target(%dma_start3A_426 : memref<102400x16xf32, #tpu.memory_space<vmem_shared>>) offsets(%arg27 : memref<128xi32, #tpu.memory_space<vmem>>) semaphore(%run_scoped3A : memref<!tpu.dma_semaphore, #tpu.memory_space<semaphore_mem>>) {add = true}
        %dma_wait3A_427 = arith.constant 0 : i32
        %dma_wait3A_428 = arith.constant 0 : i32
        %dma_wait3A_429 = tpu.memref_slice %arg7[%dma_wait3A_427, %dma_wait3A_428] : memref<102400x16xf32, #tpu.memory_space<vmem_shared>> -> memref<102400x16xf32, #tpu.memory_space<vmem_shared>>
        tpu.wait_indirect_dma semaphore(%run_scoped3A : memref<!tpu.dma_semaphore, #tpu.memory_space<semaphore_mem>>) src(%arg35 : memref<128x16xf32, #tpu.memory_space<vmem>>) dst(%dma_wait3A_429 : memref<102400x16xf32, #tpu.memory_space<vmem_shared>>)
        tpu.yield
      }) : () -> ()
      "tpu.region"() ({
        %run_scoped3A = tpu.sem_alloc : memref<!tpu.dma_semaphore, #tpu.memory_space<semaphore_mem>>
        %dma_start3A_424 = arith.constant 0 : i32
        %dma_start3A_425 = tpu.memref_slice %arg8[%dma_start3A_424] : memref<102400xf32, #tpu.memory_space<vmem_shared>> -> memref<102400xf32, #tpu.memory_space<vmem_shared>>
        tpu.enqueue_indirect_dma source(%arg11 : memref<128xf32, #tpu.memory_space<vmem>>) target(%dma_start3A_425 : memref<102400xf32, #tpu.memory_space<vmem_shared>>) offsets(%arg27 : memref<128xi32, #tpu.memory_space<vmem>>) semaphore(%run_scoped3A : memref<!tpu.dma_semaphore, #tpu.memory_space<semaphore_mem>>) {add = true}
        %dma_wait3A_426 = arith.constant 0 : i32
        %dma_wait3A_427 = tpu.memref_slice %arg8[%dma_wait3A_426] : memref<102400xf32, #tpu.memory_space<vmem_shared>> -> memref<102400xf32, #tpu.memory_space<vmem_shared>>
        tpu.wait_indirect_dma semaphore(%run_scoped3A : memref<!tpu.dma_semaphore, #tpu.memory_space<semaphore_mem>>) src(%arg11 : memref<128xf32, #tpu.memory_space<vmem>>) dst(%dma_wait3A_427 : memref<102400xf32, #tpu.memory_space<vmem_shared>>)
        tpu.yield
      }) : () -> ()
      %add3A_409 = arith.constant 8 : i32
      %add3A_410 = arith.addi %add3A_405, %add3A_409 : i32
      %lt3A_411 = arith.constant 800 : i32
      %lt3A_412 = arith.cmpi slt, %add3A_410, %lt3A_411 : i32
      %convert_element_type3A_413 = arith.extui %lt3A_412 : i1 to i32
      %cond3A_414 = arith.constant 0 : i32
      %cond3A_415 = arith.cmpi ne, %convert_element_type3A_413, %cond3A_414 : i32
      scf.if %cond3A_415 {
        %add3A_424 = arith.addi %mul3A_31, %add3A_405 : i32
        %add3A_425 = arith.constant 8 : i32
        %add3A_426 = arith.addi %add3A_424, %add3A_425 : i32
        %dma_start3A_427 = arith.constant 0 : i32
        %dma_start3A_428 = tpu.memref_slice %arg3[%add3A_426, %dma_start3A_427] : memref<25600x128xi32, #tpu.memory_space<hbm>> -> memref<1x128xi32, #tpu.memory_space<hbm>>
        %dma_start3A_429 = tpu.memref_squeeze %dma_start3A_428 : memref<1x128xi32, #tpu.memory_space<hbm>> -> memref<128xi32, #tpu.memory_space<hbm>>
        %dma_start3A_430 = arith.constant 0 : i32
        %dma_start3A_431 = tpu.memref_slice %arg3[%add3A_426, %dma_start3A_430] : memref<25600x128xi32, #tpu.memory_space<hbm>> -> memref<1x128xi32, #tpu.memory_space<hbm>>
        %dma_start3A_432 = tpu.memref_squeeze %dma_start3A_431 : memref<1x128xi32, #tpu.memory_space<hbm>> -> memref<128xi32, #tpu.memory_space<hbm>>
        tpu.enqueue_dma source(%dma_start3A_432 : memref<128xi32, #tpu.memory_space<hbm>>) target(%arg19 : memref<128xi32, #tpu.memory_space<vmem>>) target_semaphore(%arg43 : memref<!tpu.dma_semaphore, #tpu.memory_space<semaphore_mem>>)
        %add3A_433 = arith.addi %mul3A_31, %add3A_405 : i32
        %add3A_434 = arith.constant 8 : i32
        %add3A_435 = arith.addi %add3A_433, %add3A_434 : i32
        %dma_start3A_436 = arith.constant 0 : i32
        %dma_start3A_437 = tpu.memref_slice %arg4[%add3A_435, %dma_start3A_436] : memref<25600x128xi32, #tpu.memory_space<hbm>> -> memref<1x128xi32, #tpu.memory_space<hbm>>
        %dma_start3A_438 = tpu.memref_squeeze %dma_start3A_437 : memref<1x128xi32, #tpu.memory_space<hbm>> -> memref<128xi32, #tpu.memory_space<hbm>>
        %dma_start3A_439 = arith.constant 0 : i32
        %dma_start3A_440 = tpu.memref_slice %arg4[%add3A_435, %dma_start3A_439] : memref<25600x128xi32, #tpu.memory_space<hbm>> -> memref<1x128xi32, #tpu.memory_space<hbm>>
        %dma_start3A_441 = tpu.memref_squeeze %dma_start3A_440 : memref<1x128xi32, #tpu.memory_space<hbm>> -> memref<128xi32, #tpu.memory_space<hbm>>
        tpu.enqueue_dma source(%dma_start3A_441 : memref<128xi32, #tpu.memory_space<hbm>>) target(%arg27 : memref<128xi32, #tpu.memory_space<vmem>>) target_semaphore(%arg43 : memref<!tpu.dma_semaphore, #tpu.memory_space<semaphore_mem>>)
      } else {
      }
      %add3A_416 = arith.constant 6 : i32
      %add3A_417 = arith.addi %add3A_405, %add3A_416 : i32
      %lt3A_418 = arith.constant 800 : i32
      %lt3A_419 = arith.cmpi slt, %add3A_417, %lt3A_418 : i32
      %convert_element_type3A_420 = arith.extui %lt3A_419 : i1 to i32
      %cond3A_421 = arith.constant 0 : i32
      %cond3A_422 = arith.cmpi ne, %convert_element_type3A_420, %cond3A_421 : i32
      scf.if %cond3A_422 {
        %dma_wait3A_424 = arith.constant 0 : i32
        %dma_wait3A_425 = tpu.memref_slice %arg3[%mul3A_31, %dma_wait3A_424] : memref<25600x128xi32, #tpu.memory_space<hbm>> -> memref<1x128xi32, #tpu.memory_space<hbm>>
        %dma_wait3A_426 = tpu.memref_squeeze %dma_wait3A_425 : memref<1x128xi32, #tpu.memory_space<hbm>> -> memref<128xi32, #tpu.memory_space<hbm>>
        %dma_wait3A_427 = arith.constant 0 : i32
        %dma_wait3A_428 = tpu.memref_slice %arg3[%mul3A_31, %dma_wait3A_427] : memref<25600x128xi32, #tpu.memory_space<hbm>> -> memref<1x128xi32, #tpu.memory_space<hbm>>
        %dma_wait3A_429 = tpu.memref_squeeze %dma_wait3A_428 : memref<1x128xi32, #tpu.memory_space<hbm>> -> memref<128xi32, #tpu.memory_space<hbm>>
        tpu.wait_dma2 semaphore(%arg41 : memref<!tpu.dma_semaphore, #tpu.memory_space<semaphore_mem>>) src(%dma_wait3A_429 : memref<128xi32, #tpu.memory_space<hbm>>) dst(%arg17 : memref<128xi32, #tpu.memory_space<vmem>>)
        %dma_wait3A_430 = arith.constant 0 : i32
        %dma_wait3A_431 = tpu.memref_slice %arg3[%mul3A_31, %dma_wait3A_430] : memref<25600x128xi32, #tpu.memory_space<hbm>> -> memref<1x128xi32, #tpu.memory_space<hbm>>
        %dma_wait3A_432 = tpu.memref_squeeze %dma_wait3A_431 : memref<1x128xi32, #tpu.memory_space<hbm>> -> memref<128xi32, #tpu.memory_space<hbm>>
        %dma_wait3A_433 = arith.constant 0 : i32
        %dma_wait3A_434 = tpu.memref_slice %arg3[%mul3A_31, %dma_wait3A_433] : memref<25600x128xi32, #tpu.memory_space<hbm>> -> memref<1x128xi32, #tpu.memory_space<hbm>>
        %dma_wait3A_435 = tpu.memref_squeeze %dma_wait3A_434 : memref<1x128xi32, #tpu.memory_space<hbm>> -> memref<128xi32, #tpu.memory_space<hbm>>
        tpu.wait_dma2 semaphore(%arg41 : memref<!tpu.dma_semaphore, #tpu.memory_space<semaphore_mem>>) src(%dma_wait3A_435 : memref<128xi32, #tpu.memory_space<hbm>>) dst(%arg25 : memref<128xi32, #tpu.memory_space<vmem>>)
        %dma_start3A_436 = arith.constant 0 : i32
        %dma_start3A_437 = arith.constant 0 : i32
        %dma_start3A_438 = tpu.memref_slice %arg2[%dma_start3A_436, %dma_start3A_437] : memref<102400x16xf32, #tpu.memory_space<hbm>> -> memref<102400x16xf32, #tpu.memory_space<hbm>>
        tpu.enqueue_indirect_dma source(%dma_start3A_438 : memref<102400x16xf32, #tpu.memory_space<hbm>>) target(%arg33 : memref<128x16xf32, #tpu.memory_space<vmem>>) offsets(%arg17 : memref<128xi32, #tpu.memory_space<vmem>>) semaphore(%arg49 : memref<!tpu.dma_semaphore, #tpu.memory_space<semaphore_mem>>)
      } else {
      }
      %scan3A_423 = arith.constant 0 : i32
      scf.yield %scan3A_423 : i32
    }
    %scan3A_254 = arith.constant 100 : i32
    %barrier3A_255 = arith.constant 0 : index
    tpu.barrier barrier_id(%barrier3A_255)
    "tpu.region"() ({
      %run_scoped3A = tpu.sem_alloc : memref<!tpu.dma_semaphore, #tpu.memory_space<semaphore_mem>>
      %dma_start3A_256 = arith.constant 0 : i32
      %dma_start3A_257 = tpu.memref_slice %arg5[%arg0, %mul3A_22, %dma_start3A_256] : memref<2x102400x16xf32, #tpu.memory_space<hbm>> -> memref<1x6400x16xf32, #tpu.memory_space<hbm>>
      %dma_start3A_258 = tpu.memref_squeeze %dma_start3A_257 : memref<1x6400x16xf32, #tpu.memory_space<hbm>> -> memref<6400x16xf32, #tpu.memory_space<hbm>>
      %dma_start3A_259 = arith.constant 0 : i32
      %dma_start3A_260 = tpu.memref_slice %arg7[%mul3A_22, %dma_start3A_259] : memref<102400x16xf32, #tpu.memory_space<vmem_shared>> -> memref<6400x16xf32, #tpu.memory_space<vmem_shared>>
      tpu.enqueue_dma source(%dma_start3A_260 : memref<6400x16xf32, #tpu.memory_space<vmem_shared>>) target(%dma_start3A_258 : memref<6400x16xf32, #tpu.memory_space<hbm>>) target_semaphore(%run_scoped3A : memref<!tpu.dma_semaphore, #tpu.memory_space<semaphore_mem>>)
      %dma_wait3A_261 = arith.constant 0 : i32
      %dma_wait3A_262 = tpu.memref_slice %arg5[%arg0, %mul3A_22, %dma_wait3A_261] : memref<2x102400x16xf32, #tpu.memory_space<hbm>> -> memref<1x6400x16xf32, #tpu.memory_space<hbm>>
      %dma_wait3A_263 = tpu.memref_squeeze %dma_wait3A_262 : memref<1x6400x16xf32, #tpu.memory_space<hbm>> -> memref<6400x16xf32, #tpu.memory_space<hbm>>
      %dma_wait3A_264 = arith.constant 0 : i32
      %dma_wait3A_265 = tpu.memref_slice %arg7[%mul3A_22, %dma_wait3A_264] : memref<102400x16xf32, #tpu.memory_space<vmem_shared>> -> memref<6400x16xf32, #tpu.memory_space<vmem_shared>>
      tpu.wait_dma2 semaphore(%run_scoped3A : memref<!tpu.dma_semaphore, #tpu.memory_space<semaphore_mem>>) src(%dma_wait3A_265 : memref<6400x16xf32, #tpu.memory_space<vmem_shared>>) dst(%dma_wait3A_263 : memref<6400x16xf32, #tpu.memory_space<hbm>>)
      tpu.yield
    }) : () -> ()
    "tpu.region"() ({
      %run_scoped3A = tpu.sem_alloc : memref<!tpu.dma_semaphore, #tpu.memory_space<semaphore_mem>>
      %dma_start3A_256 = tpu.memref_slice %arg6[%arg0, %mul3A_22] : memref<2x102400xf32, #tpu.memory_space<hbm>> -> memref<1x6400xf32, #tpu.memory_space<hbm>>
      %dma_start3A_257 = tpu.memref_squeeze %dma_start3A_256 : memref<1x6400xf32, #tpu.memory_space<hbm>> -> memref<6400xf32, #tpu.memory_space<hbm>>
      %dma_start3A_258 = tpu.memref_slice %arg8[%mul3A_22] : memref<102400xf32, #tpu.memory_space<vmem_shared>> -> memref<6400xf32, #tpu.memory_space<vmem_shared>>
      tpu.enqueue_dma source(%dma_start3A_258 : memref<6400xf32, #tpu.memory_space<vmem_shared>>) target(%dma_start3A_257 : memref<6400xf32, #tpu.memory_space<hbm>>) target_semaphore(%run_scoped3A : memref<!tpu.dma_semaphore, #tpu.memory_space<semaphore_mem>>)
      %dma_wait3A_259 = tpu.memref_slice %arg6[%arg0, %mul3A_22] : memref<2x102400xf32, #tpu.memory_space<hbm>> -> memref<1x6400xf32, #tpu.memory_space<hbm>>
      %dma_wait3A_260 = tpu.memref_squeeze %dma_wait3A_259 : memref<1x6400xf32, #tpu.memory_space<hbm>> -> memref<6400xf32, #tpu.memory_space<hbm>>
      %dma_wait3A_261 = tpu.memref_slice %arg8[%mul3A_22] : memref<102400xf32, #tpu.memory_space<vmem_shared>> -> memref<6400xf32, #tpu.memory_space<vmem_shared>>
      tpu.wait_dma2 semaphore(%run_scoped3A : memref<!tpu.dma_semaphore, #tpu.memory_space<semaphore_mem>>) src(%dma_wait3A_261 : memref<6400xf32, #tpu.memory_space<vmem_shared>>) dst(%dma_wait3A_260 : memref<6400xf32, #tpu.memory_space<hbm>>)
      tpu.yield
    }) : () -> ()
    return
  }
}

#map = affine_map<(d0, d1) -> (0, 0)>
#map1 = affine_map<(d0, d1) -> (0)>
#map2 = affine_map<(d0, d1) -> (0, 0, 0)>
module attributes {stable_mosaic.version = 14 : i64} {
  func.func @_pool_body(%arg0: i32, %arg1: i32, %arg2: memref<102400x16xf32, #tpu.memory_space<hbm>>, %arg3: memref<102400xi32, #tpu.memory_space<hbm>>, %arg4: memref<2x128x16xf32, #tpu.memory_space<hbm>>, %arg5: memref<2x128xf32, #tpu.memory_space<hbm>>, %arg6: memref<128x16xf32, #tpu.memory_space<vmem_shared>>, %arg7: memref<128xf32, #tpu.memory_space<vmem_shared>>, %arg8: memref<128x16xf32, #tpu.memory_space<vmem>>, %arg9: memref<128xi32, #tpu.memory_space<vmem>>, %arg10: memref<128x16xf32, #tpu.memory_space<vmem>>, %arg11: memref<128xf32, #tpu.memory_space<vmem>>, %arg12: memref<128xf32, #tpu.memory_space<vmem>>, %arg13: memref<!tpu.dma_semaphore, #tpu.memory_space<semaphore_mem>>) attributes {dimension_semantics = [#tpu.dimension_semantics<core_parallel>, #tpu.dimension_semantics<subcore_parallel>], iteration_bounds = array<i64: 2, 16>, scalar_prefetch = 0 : i64, scratch_operands = 8 : i64, tpu.core_type = #tpu.core_type<sc_vector_subcore>, window_params = [{transform_indices = #map}, {transform_indices = #map1}, {transform_indices = #map2}, {transform_indices = #map}]} {
    %mul3A = arith.constant 16 : i32
    %mul3A_0 = arith.muli %arg0, %mul3A : i32
    %add3A = arith.addi %mul3A_0, %arg1 : i32
    %scan3A = arith.constant 0 : i32
    %scan3A_1 = arith.constant 0 : i32
    %scan3A_2 = arith.constant 128 : i32
    %scan3A_3 = arith.addi %scan3A_1, %scan3A_2 : i32
    %scan3A_4 = arith.constant 1 : i32
    %scan3A_5 = scf.for %scan3A_38 = %scan3A_1 to %scan3A_3 step %scan3A_4 iter_args(%scan3A_39 = %scan3A) -> (i32)  : i32 {
      %broadcast_in_dim3A = arith.constant 0.000000e+00 : f32
      %broadcast_in_dim3A_40 = vector.broadcast %broadcast_in_dim3A : f32 to vector<16xf32>
      %swap3A = arith.index_cast %scan3A_38 : i32 to index
      %swap3A_41 = arith.constant 0 : index
      %swap3A_42 = tpu.vector_load %arg10[%swap3A, %swap3A_41] {strides = array<i32>} : memref<128x16xf32, #tpu.memory_space<vmem>>, vector<1x16xf32>,
      %swap3A_43 = vector.shape_cast %swap3A_42 : vector<1x16xf32> to vector<16xf32>
      %swap3A_44 = vector.shape_cast %broadcast_in_dim3A_40 : vector<16xf32> to vector<1x16xf32>
      tpu.vector_store %arg10[%swap3A, %swap3A_41], %swap3A_44 {strides = array<i32>} : memref<128x16xf32, #tpu.memory_space<vmem>>, vector<1x16xf32>,
      %scan3A_45 = arith.constant 0 : i32
      scf.yield %scan3A_45 : i32
    }
    %scan3A_6 = arith.constant 128 : i32
    %scan3A_7 = arith.constant 0 : i32
    %scan3A_8 = arith.constant 0 : i32
    %scan3A_9 = arith.constant 8 : i32
    %scan3A_10 = arith.addi %scan3A_8, %scan3A_9 : i32
    %scan3A_11 = arith.constant 1 : i32
    %scan3A_12 = scf.for %scan3A_38 = %scan3A_8 to %scan3A_10 step %scan3A_11 iter_args(%scan3A_39 = %scan3A_7) -> (i32)  : i32 {
      %broadcast_in_dim3A = arith.constant 0.000000e+00 : f32
      %broadcast_in_dim3A_40 = vector.broadcast %broadcast_in_dim3A : f32 to vector<16xf32>
      %mul3A_41 = arith.constant 16 : i32
      %mul3A_42 = arith.muli %scan3A_38, %mul3A_41 : i32
      %swap3A = arith.index_cast %mul3A_42 : i32 to index
      %swap3A_43 = tpu.vector_load %arg11[%swap3A] {strides = array<i32>} : memref<128xf32, #tpu.memory_space<vmem>>, vector<16xf32>,
      %swap3A_44 = vector.shape_cast %swap3A_43 : vector<16xf32> to vector<16xf32>
      %swap3A_45 = vector.shape_cast %broadcast_in_dim3A_40 : vector<16xf32> to vector<16xf32>
      tpu.vector_store %arg11[%swap3A], %swap3A_45 {strides = array<i32>} : memref<128xf32, #tpu.memory_space<vmem>>, vector<16xf32>,
      %scan3A_46 = arith.constant 0 : i32
      scf.yield %scan3A_46 : i32
    }
    %scan3A_13 = arith.constant 8 : i32
    %scan3A_14 = arith.constant 0 : i32
    %scan3A_15 = arith.constant 0 : i32
    %scan3A_16 = arith.constant 8 : i32
    %scan3A_17 = arith.addi %scan3A_15, %scan3A_16 : i32
    %scan3A_18 = arith.constant 1 : i32
    %scan3A_19 = scf.for %scan3A_38 = %scan3A_15 to %scan3A_17 step %scan3A_18 iter_args(%scan3A_39 = %scan3A_14) -> (i32)  : i32 {
      %broadcast_in_dim3A = arith.constant 1.000000e+00 : f32
      %broadcast_in_dim3A_40 = vector.broadcast %broadcast_in_dim3A : f32 to vector<16xf32>
      %mul3A_41 = arith.constant 16 : i32
      %mul3A_42 = arith.muli %scan3A_38, %mul3A_41 : i32
      %swap3A = arith.index_cast %mul3A_42 : i32 to index
      %swap3A_43 = tpu.vector_load %arg12[%swap3A] {strides = array<i32>} : memref<128xf32, #tpu.memory_space<vmem>>, vector<16xf32>,
      %swap3A_44 = vector.shape_cast %swap3A_43 : vector<16xf32> to vector<16xf32>
      %swap3A_45 = vector.shape_cast %broadcast_in_dim3A_40 : vector<16xf32> to vector<16xf32>
      tpu.vector_store %arg12[%swap3A], %swap3A_45 {strides = array<i32>} : memref<128xf32, #tpu.memory_space<vmem>>, vector<16xf32>,
      %scan3A_46 = arith.constant 0 : i32
      scf.yield %scan3A_46 : i32
    }
    %scan3A_20 = arith.constant 8 : i32
    %eq3A = arith.constant 0 : i32
    %eq3A_21 = arith.cmpi eq, %arg1, %eq3A : i32
    %convert_element_type3A = arith.extui %eq3A_21 : i1 to i32
    %cond3A = arith.constant 0 : i32
    %cond3A_22 = arith.cmpi ne, %convert_element_type3A, %cond3A : i32
    scf.if %cond3A_22 {
      "tpu.region"() ({
        %run_scoped3A = tpu.sem_alloc : memref<!tpu.dma_semaphore, #tpu.memory_space<semaphore_mem>>
        tpu.enqueue_dma source(%arg10 : memref<128x16xf32, #tpu.memory_space<vmem>>) target(%arg6 : memref<128x16xf32, #tpu.memory_space<vmem_shared>>) target_semaphore(%run_scoped3A : memref<!tpu.dma_semaphore, #tpu.memory_space<semaphore_mem>>)
        tpu.wait_dma2 semaphore(%run_scoped3A : memref<!tpu.dma_semaphore, #tpu.memory_space<semaphore_mem>>) src(%arg10 : memref<128x16xf32, #tpu.memory_space<vmem>>) dst(%arg6 : memref<128x16xf32, #tpu.memory_space<vmem_shared>>)
        tpu.yield
      }) : () -> ()
      "tpu.region"() ({
        %run_scoped3A = tpu.sem_alloc : memref<!tpu.dma_semaphore, #tpu.memory_space<semaphore_mem>>
        tpu.enqueue_dma source(%arg11 : memref<128xf32, #tpu.memory_space<vmem>>) target(%arg7 : memref<128xf32, #tpu.memory_space<vmem_shared>>) target_semaphore(%run_scoped3A : memref<!tpu.dma_semaphore, #tpu.memory_space<semaphore_mem>>)
        tpu.wait_dma2 semaphore(%run_scoped3A : memref<!tpu.dma_semaphore, #tpu.memory_space<semaphore_mem>>) src(%arg11 : memref<128xf32, #tpu.memory_space<vmem>>) dst(%arg7 : memref<128xf32, #tpu.memory_space<vmem_shared>>)
        tpu.yield
      }) : () -> ()
    } else {
    }
    %barrier3A = arith.constant 0 : index
    tpu.barrier barrier_id(%barrier3A)
    %mul3A_23 = arith.constant 3200 : i32
    %mul3A_24 = arith.muli %add3A, %mul3A_23 : i32
    %scan3A_25 = arith.constant 0 : i32
    %scan3A_26 = arith.constant 0 : i32
    %scan3A_27 = arith.constant 25 : i32
    %scan3A_28 = arith.addi %scan3A_26, %scan3A_27 : i32
    %scan3A_29 = arith.constant 1 : i32
    %scan3A_30 = scf.for %scan3A_38 = %scan3A_26 to %scan3A_28 step %scan3A_29 iter_args(%scan3A_39 = %scan3A_25) -> (i32)  : i32 {
      %mul3A_40 = arith.constant 128 : i32
      %mul3A_41 = arith.muli %scan3A_38, %mul3A_40 : i32
      %add3A_42 = arith.addi %mul3A_24, %mul3A_41 : i32
      "tpu.region"() ({
        %run_scoped3A = tpu.sem_alloc : memref<!tpu.dma_semaphore, #tpu.memory_space<semaphore_mem>>
        %dma_start3A = arith.constant 0 : i32
        %dma_start3A_44 = tpu.memref_slice %arg2[%add3A_42, %dma_start3A] : memref<102400x16xf32, #tpu.memory_space<hbm>> -> memref<128x16xf32, #tpu.memory_space<hbm>>
        %dma_start3A_45 = arith.constant 0 : i32
        %dma_start3A_46 = tpu.memref_slice %arg2[%add3A_42, %dma_start3A_45] : memref<102400x16xf32, #tpu.memory_space<hbm>> -> memref<128x16xf32, #tpu.memory_space<hbm>>
        tpu.enqueue_dma source(%dma_start3A_46 : memref<128x16xf32, #tpu.memory_space<hbm>>) target(%arg8 : memref<128x16xf32, #tpu.memory_space<vmem>>) target_semaphore(%run_scoped3A : memref<!tpu.dma_semaphore, #tpu.memory_space<semaphore_mem>>)
        %dma_wait3A = arith.constant 0 : i32
        %dma_wait3A_47 = tpu.memref_slice %arg2[%add3A_42, %dma_wait3A] : memref<102400x16xf32, #tpu.memory_space<hbm>> -> memref<128x16xf32, #tpu.memory_space<hbm>>
        %dma_wait3A_48 = arith.constant 0 : i32
        %dma_wait3A_49 = tpu.memref_slice %arg2[%add3A_42, %dma_wait3A_48] : memref<102400x16xf32, #tpu.memory_space<hbm>> -> memref<128x16xf32, #tpu.memory_space<hbm>>
        tpu.wait_dma2 semaphore(%run_scoped3A : memref<!tpu.dma_semaphore, #tpu.memory_space<semaphore_mem>>) src(%dma_wait3A_49 : memref<128x16xf32, #tpu.memory_space<hbm>>) dst(%arg8 : memref<128x16xf32, #tpu.memory_space<vmem>>)
        tpu.yield
      }) : () -> ()
      "tpu.region"() ({
        %run_scoped3A = tpu.sem_alloc : memref<!tpu.dma_semaphore, #tpu.memory_space<semaphore_mem>>
        %dma_start3A = tpu.memref_slice %arg3[%add3A_42] : memref<102400xi32, #tpu.memory_space<hbm>> -> memref<128xi32, #tpu.memory_space<hbm>>
        %dma_start3A_44 = tpu.memref_slice %arg3[%add3A_42] : memref<102400xi32, #tpu.memory_space<hbm>> -> memref<128xi32, #tpu.memory_space<hbm>>
        tpu.enqueue_dma source(%dma_start3A_44 : memref<128xi32, #tpu.memory_space<hbm>>) target(%arg9 : memref<128xi32, #tpu.memory_space<vmem>>) target_semaphore(%run_scoped3A : memref<!tpu.dma_semaphore, #tpu.memory_space<semaphore_mem>>)
        %dma_wait3A = tpu.memref_slice %arg3[%add3A_42] : memref<102400xi32, #tpu.memory_space<hbm>> -> memref<128xi32, #tpu.memory_space<hbm>>
        %dma_wait3A_45 = tpu.memref_slice %arg3[%add3A_42] : memref<102400xi32, #tpu.memory_space<hbm>> -> memref<128xi32, #tpu.memory_space<hbm>>
        tpu.wait_dma2 semaphore(%run_scoped3A : memref<!tpu.dma_semaphore, #tpu.memory_space<semaphore_mem>>) src(%dma_wait3A_45 : memref<128xi32, #tpu.memory_space<hbm>>) dst(%arg9 : memref<128xi32, #tpu.memory_space<vmem>>)
        tpu.yield
      }) : () -> ()
      "tpu.region"() ({
        %run_scoped3A = tpu.sem_alloc : memref<!tpu.dma_semaphore, #tpu.memory_space<semaphore_mem>>
        %dma_start3A = arith.constant 0 : i32
        %dma_start3A_44 = arith.constant 0 : i32
        %dma_start3A_45 = tpu.memref_slice %arg6[%dma_start3A, %dma_start3A_44] : memref<128x16xf32, #tpu.memory_space<vmem_shared>> -> memref<128x16xf32, #tpu.memory_space<vmem_shared>>
        tpu.enqueue_indirect_dma source(%arg8 : memref<128x16xf32, #tpu.memory_space<vmem>>) target(%dma_start3A_45 : memref<128x16xf32, #tpu.memory_space<vmem_shared>>) offsets(%arg9 : memref<128xi32, #tpu.memory_space<vmem>>) semaphore(%run_scoped3A : memref<!tpu.dma_semaphore, #tpu.memory_space<semaphore_mem>>) {add = true}
        %dma_wait3A = arith.constant 0 : i32
        %dma_wait3A_46 = arith.constant 0 : i32
        %dma_wait3A_47 = tpu.memref_slice %arg6[%dma_wait3A, %dma_wait3A_46] : memref<128x16xf32, #tpu.memory_space<vmem_shared>> -> memref<128x16xf32, #tpu.memory_space<vmem_shared>>
        tpu.wait_indirect_dma semaphore(%run_scoped3A : memref<!tpu.dma_semaphore, #tpu.memory_space<semaphore_mem>>) src(%arg8 : memref<128x16xf32, #tpu.memory_space<vmem>>) dst(%dma_wait3A_47 : memref<128x16xf32, #tpu.memory_space<vmem_shared>>)
        tpu.yield
      }) : () -> ()
      "tpu.region"() ({
        %run_scoped3A = tpu.sem_alloc : memref<!tpu.dma_semaphore, #tpu.memory_space<semaphore_mem>>
        %dma_start3A = arith.constant 0 : i32
        %dma_start3A_44 = tpu.memref_slice %arg7[%dma_start3A] : memref<128xf32, #tpu.memory_space<vmem_shared>> -> memref<128xf32, #tpu.memory_space<vmem_shared>>
        tpu.enqueue_indirect_dma source(%arg12 : memref<128xf32, #tpu.memory_space<vmem>>) target(%dma_start3A_44 : memref<128xf32, #tpu.memory_space<vmem_shared>>) offsets(%arg9 : memref<128xi32, #tpu.memory_space<vmem>>) semaphore(%run_scoped3A : memref<!tpu.dma_semaphore, #tpu.memory_space<semaphore_mem>>) {add = true}
        %dma_wait3A = arith.constant 0 : i32
        %dma_wait3A_45 = tpu.memref_slice %arg7[%dma_wait3A] : memref<128xf32, #tpu.memory_space<vmem_shared>> -> memref<128xf32, #tpu.memory_space<vmem_shared>>
        tpu.wait_indirect_dma semaphore(%run_scoped3A : memref<!tpu.dma_semaphore, #tpu.memory_space<semaphore_mem>>) src(%arg12 : memref<128xf32, #tpu.memory_space<vmem>>) dst(%dma_wait3A_45 : memref<128xf32, #tpu.memory_space<vmem_shared>>)
        tpu.yield
      }) : () -> ()
      %scan3A_43 = arith.constant 0 : i32
      scf.yield %scan3A_43 : i32
    }
    %scan3A_31 = arith.constant 25 : i32
    %barrier3A_32 = arith.constant 0 : index
    tpu.barrier barrier_id(%barrier3A_32)
    %eq3A_33 = arith.constant 0 : i32
    %eq3A_34 = arith.cmpi eq, %arg1, %eq3A_33 : i32
    %convert_element_type3A_35 = arith.extui %eq3A_34 : i1 to i32
    %cond3A_36 = arith.constant 0 : i32
    %cond3A_37 = arith.cmpi ne, %convert_element_type3A_35, %cond3A_36 : i32
    scf.if %cond3A_37 {
      "tpu.region"() ({
        %run_scoped3A = tpu.sem_alloc : memref<!tpu.dma_semaphore, #tpu.memory_space<semaphore_mem>>
        %dma_start3A = arith.constant 0 : i32
        %dma_start3A_38 = arith.constant 0 : i32
        %dma_start3A_39 = tpu.memref_slice %arg4[%arg0, %dma_start3A, %dma_start3A_38] : memref<2x128x16xf32, #tpu.memory_space<hbm>> -> memref<1x128x16xf32, #tpu.memory_space<hbm>>
        %dma_start3A_40 = tpu.memref_squeeze %dma_start3A_39 : memref<1x128x16xf32, #tpu.memory_space<hbm>> -> memref<128x16xf32, #tpu.memory_space<hbm>>
        tpu.enqueue_dma source(%arg6 : memref<128x16xf32, #tpu.memory_space<vmem_shared>>) target(%dma_start3A_40 : memref<128x16xf32, #tpu.memory_space<hbm>>) target_semaphore(%run_scoped3A : memref<!tpu.dma_semaphore, #tpu.memory_space<semaphore_mem>>)
        %dma_wait3A = arith.constant 0 : i32
        %dma_wait3A_41 = arith.constant 0 : i32
        %dma_wait3A_42 = tpu.memref_slice %arg4[%arg0, %dma_wait3A, %dma_wait3A_41] : memref<2x128x16xf32, #tpu.memory_space<hbm>> -> memref<1x128x16xf32, #tpu.memory_space<hbm>>
        %dma_wait3A_43 = tpu.memref_squeeze %dma_wait3A_42 : memref<1x128x16xf32, #tpu.memory_space<hbm>> -> memref<128x16xf32, #tpu.memory_space<hbm>>
        tpu.wait_dma2 semaphore(%run_scoped3A : memref<!tpu.dma_semaphore, #tpu.memory_space<semaphore_mem>>) src(%arg6 : memref<128x16xf32, #tpu.memory_space<vmem_shared>>) dst(%dma_wait3A_43 : memref<128x16xf32, #tpu.memory_space<hbm>>)
        tpu.yield
      }) : () -> ()
      "tpu.region"() ({
        %run_scoped3A = tpu.sem_alloc : memref<!tpu.dma_semaphore, #tpu.memory_space<semaphore_mem>>
        %dma_start3A = arith.constant 0 : i32
        %dma_start3A_38 = tpu.memref_slice %arg5[%arg0, %dma_start3A] : memref<2x128xf32, #tpu.memory_space<hbm>> -> memref<1x128xf32, #tpu.memory_space<hbm>>
        %dma_start3A_39 = tpu.memref_squeeze %dma_start3A_38 : memref<1x128xf32, #tpu.memory_space<hbm>> -> memref<128xf32, #tpu.memory_space<hbm>>
        tpu.enqueue_dma source(%arg7 : memref<128xf32, #tpu.memory_space<vmem_shared>>) target(%dma_start3A_39 : memref<128xf32, #tpu.memory_space<hbm>>) target_semaphore(%run_scoped3A : memref<!tpu.dma_semaphore, #tpu.memory_space<semaphore_mem>>)
        %dma_wait3A = arith.constant 0 : i32
        %dma_wait3A_40 = tpu.memref_slice %arg5[%arg0, %dma_wait3A] : memref<2x128xf32, #tpu.memory_space<hbm>> -> memref<1x128xf32, #tpu.memory_space<hbm>>
        %dma_wait3A_41 = tpu.memref_squeeze %dma_wait3A_40 : memref<1x128xf32, #tpu.memory_space<hbm>> -> memref<128xf32, #tpu.memory_space<hbm>>
        tpu.wait_dma2 semaphore(%run_scoped3A : memref<!tpu.dma_semaphore, #tpu.memory_space<semaphore_mem>>) src(%arg7 : memref<128xf32, #tpu.memory_space<vmem_shared>>) dst(%dma_wait3A_41 : memref<128xf32, #tpu.memory_space<hbm>>)
        tpu.yield
      }) : () -> ()
    } else {
    }
    return
  }
}

#map = affine_map<(d0, d1) -> (0, 0)>
#map1 = affine_map<(d0, d1) -> (0, 0, 0)>
module attributes {stable_mosaic.version = 14 : i64} {
  func.func @_agg_body(%arg0: i32, %arg1: i32, %arg2: memref<102400x16xf32, #tpu.memory_space<hbm>>, %arg3: memref<25600x128xi32, #tpu.memory_space<hbm>>, %arg4: memref<25600x128xi32, #tpu.memory_space<hbm>>, %arg5: memref<2x102400x16xf32, #tpu.memory_space<hbm>>, %arg6: memref<102400x16xf32, #tpu.memory_space<vmem_shared>>, %arg7: memref<128x16xf32, #tpu.memory_space<vmem>>, %arg8: memref<128xi32, #tpu.memory_space<vmem>>, %arg9: memref<128xi32, #tpu.memory_space<vmem>>, %arg10: memref<128xi32, #tpu.memory_space<vmem>>, %arg11: memref<128xi32, #tpu.memory_space<vmem>>, %arg12: memref<128xi32, #tpu.memory_space<vmem>>, %arg13: memref<128xi32, #tpu.memory_space<vmem>>, %arg14: memref<128xi32, #tpu.memory_space<vmem>>, %arg15: memref<128xi32, #tpu.memory_space<vmem>>, %arg16: memref<128xi32, #tpu.memory_space<vmem>>, %arg17: memref<128xi32, #tpu.memory_space<vmem>>, %arg18: memref<128xi32, #tpu.memory_space<vmem>>, %arg19: memref<128xi32, #tpu.memory_space<vmem>>, %arg20: memref<128xi32, #tpu.memory_space<vmem>>, %arg21: memref<128xi32, #tpu.memory_space<vmem>>, %arg22: memref<128xi32, #tpu.memory_space<vmem>>, %arg23: memref<128xi32, #tpu.memory_space<vmem>>, %arg24: memref<128x16xf32, #tpu.memory_space<vmem>>, %arg25: memref<128x16xf32, #tpu.memory_space<vmem>>, %arg26: memref<128x16xf32, #tpu.memory_space<vmem>>, %arg27: memref<128x16xf32, #tpu.memory_space<vmem>>, %arg28: memref<128x16xf32, #tpu.memory_space<vmem>>, %arg29: memref<128x16xf32, #tpu.memory_space<vmem>>, %arg30: memref<128x16xf32, #tpu.memory_space<vmem>>, %arg31: memref<128x16xf32, #tpu.memory_space<vmem>>, %arg32: memref<!tpu.dma_semaphore, #tpu.memory_space<semaphore_mem>>, %arg33: memref<!tpu.dma_semaphore, #tpu.memory_space<semaphore_mem>>, %arg34: memref<!tpu.dma_semaphore, #tpu.memory_space<semaphore_mem>>, %arg35: memref<!tpu.dma_semaphore, #tpu.memory_space<semaphore_mem>>, %arg36: memref<!tpu.dma_semaphore, #tpu.memory_space<semaphore_mem>>, %arg37: memref<!tpu.dma_semaphore, #tpu.memory_space<semaphore_mem>>, %arg38: memref<!tpu.dma_semaphore, #tpu.memory_space<semaphore_mem>>, %arg39: memref<!tpu.dma_semaphore, #tpu.memory_space<semaphore_mem>>, %arg40: memref<!tpu.dma_semaphore, #tpu.memory_space<semaphore_mem>>, %arg41: memref<!tpu.dma_semaphore, #tpu.memory_space<semaphore_mem>>, %arg42: memref<!tpu.dma_semaphore, #tpu.memory_space<semaphore_mem>>, %arg43: memref<!tpu.dma_semaphore, #tpu.memory_space<semaphore_mem>>, %arg44: memref<!tpu.dma_semaphore, #tpu.memory_space<semaphore_mem>>, %arg45: memref<!tpu.dma_semaphore, #tpu.memory_space<semaphore_mem>>, %arg46: memref<!tpu.dma_semaphore, #tpu.memory_space<semaphore_mem>>, %arg47: memref<!tpu.dma_semaphore, #tpu.memory_space<semaphore_mem>>) attributes {dimension_semantics = [#tpu.dimension_semantics<core_parallel>, #tpu.dimension_semantics<subcore_parallel>], iteration_bounds = array<i64: 2, 16>, scalar_prefetch = 0 : i64, scratch_operands = 42 : i64, tpu.core_type = #tpu.core_type<sc_vector_subcore>, window_params = [{transform_indices = #map}, {transform_indices = #map}, {transform_indices = #map}, {transform_indices = #map1}]} {
    %mul3A = arith.constant 16 : i32
    %mul3A_0 = arith.muli %arg0, %mul3A : i32
    %add3A = arith.addi %mul3A_0, %arg1 : i32
    %scan3A = arith.constant 0 : i32
    %scan3A_1 = arith.constant 0 : i32
    %scan3A_2 = arith.constant 128 : i32
    %scan3A_3 = arith.addi %scan3A_1, %scan3A_2 : i32
    %scan3A_4 = arith.constant 1 : i32
    %scan3A_5 = scf.for %scan3A_242 = %scan3A_1 to %scan3A_3 step %scan3A_4 iter_args(%scan3A_243 = %scan3A) -> (i32)  : i32 {
      %broadcast_in_dim3A = arith.constant 0.000000e+00 : f32
      %broadcast_in_dim3A_244 = vector.broadcast %broadcast_in_dim3A : f32 to vector<16xf32>
      %swap3A = arith.index_cast %scan3A_242 : i32 to index
      %swap3A_245 = arith.constant 0 : index
      %swap3A_246 = tpu.vector_load %arg7[%swap3A, %swap3A_245] {strides = array<i32>} : memref<128x16xf32, #tpu.memory_space<vmem>>, vector<1x16xf32>,
      %swap3A_247 = vector.shape_cast %swap3A_246 : vector<1x16xf32> to vector<16xf32>
      %swap3A_248 = vector.shape_cast %broadcast_in_dim3A_244 : vector<16xf32> to vector<1x16xf32>
      tpu.vector_store %arg7[%swap3A, %swap3A_245], %swap3A_248 {strides = array<i32>} : memref<128x16xf32, #tpu.memory_space<vmem>>, vector<1x16xf32>,
      %scan3A_249 = arith.constant 0 : i32
      scf.yield %scan3A_249 : i32
    }
    %scan3A_6 = arith.constant 128 : i32
    %mul3A_7 = arith.constant 6400 : i32
    %mul3A_8 = arith.muli %arg1, %mul3A_7 : i32
    %scan3A_9 = arith.constant 0 : i32
    %scan3A_10 = arith.constant 0 : i32
    %scan3A_11 = arith.constant 50 : i32
    %scan3A_12 = arith.addi %scan3A_10, %scan3A_11 : i32
    %scan3A_13 = arith.constant 1 : i32
    %scan3A_14 = scf.for %scan3A_242 = %scan3A_10 to %scan3A_12 step %scan3A_13 iter_args(%scan3A_243 = %scan3A_9) -> (i32)  : i32 {
      %mul3A_244 = arith.constant 128 : i32
      %mul3A_245 = arith.muli %scan3A_242, %mul3A_244 : i32
      %add3A_246 = arith.addi %mul3A_8, %mul3A_245 : i32
      "tpu.region"() ({
        %run_scoped3A = tpu.sem_alloc : memref<!tpu.dma_semaphore, #tpu.memory_space<semaphore_mem>>
        %dma_start3A_248 = arith.constant 0 : i32
        %dma_start3A_249 = tpu.memref_slice %arg6[%add3A_246, %dma_start3A_248] : memref<102400x16xf32, #tpu.memory_space<vmem_shared>> -> memref<128x16xf32, #tpu.memory_space<vmem_shared>>
        %dma_start3A_250 = arith.constant 0 : i32
        %dma_start3A_251 = tpu.memref_slice %arg6[%add3A_246, %dma_start3A_250] : memref<102400x16xf32, #tpu.memory_space<vmem_shared>> -> memref<128x16xf32, #tpu.memory_space<vmem_shared>>
        tpu.enqueue_dma source(%arg7 : memref<128x16xf32, #tpu.memory_space<vmem>>) target(%dma_start3A_251 : memref<128x16xf32, #tpu.memory_space<vmem_shared>>) target_semaphore(%run_scoped3A : memref<!tpu.dma_semaphore, #tpu.memory_space<semaphore_mem>>)
        %dma_wait3A_252 = arith.constant 0 : i32
        %dma_wait3A_253 = tpu.memref_slice %arg6[%add3A_246, %dma_wait3A_252] : memref<102400x16xf32, #tpu.memory_space<vmem_shared>> -> memref<128x16xf32, #tpu.memory_space<vmem_shared>>
        %dma_wait3A_254 = arith.constant 0 : i32
        %dma_wait3A_255 = tpu.memref_slice %arg6[%add3A_246, %dma_wait3A_254] : memref<102400x16xf32, #tpu.memory_space<vmem_shared>> -> memref<128x16xf32, #tpu.memory_space<vmem_shared>>
        tpu.wait_dma2 semaphore(%run_scoped3A : memref<!tpu.dma_semaphore, #tpu.memory_space<semaphore_mem>>) src(%arg7 : memref<128x16xf32, #tpu.memory_space<vmem>>) dst(%dma_wait3A_255 : memref<128x16xf32, #tpu.memory_space<vmem_shared>>)
        tpu.yield
      }) : () -> ()
      %scan3A_247 = arith.constant 0 : i32
      scf.yield %scan3A_247 : i32
    }
    %scan3A_15 = arith.constant 50 : i32
    %barrier3A = arith.constant 0 : index
    tpu.barrier barrier_id(%barrier3A)
    %mul3A_16 = arith.constant 800 : i32
    %mul3A_17 = arith.muli %add3A, %mul3A_16 : i32
    %add3A_18 = arith.constant 0 : i32
    %add3A_19 = arith.addi %mul3A_17, %add3A_18 : i32
    %dma_start3A = arith.constant 0 : i32
    %dma_start3A_20 = tpu.memref_slice %arg3[%add3A_19, %dma_start3A] : memref<25600x128xi32, #tpu.memory_space<hbm>> -> memref<1x128xi32, #tpu.memory_space<hbm>>
    %dma_start3A_21 = tpu.memref_squeeze %dma_start3A_20 : memref<1x128xi32, #tpu.memory_space<hbm>> -> memref<128xi32, #tpu.memory_space<hbm>>
    %dma_start3A_22 = arith.constant 0 : i32
    %dma_start3A_23 = tpu.memref_slice %arg3[%add3A_19, %dma_start3A_22] : memref<25600x128xi32, #tpu.memory_space<hbm>> -> memref<1x128xi32, #tpu.memory_space<hbm>>
    %dma_start3A_24 = tpu.memref_squeeze %dma_start3A_23 : memref<1x128xi32, #tpu.memory_space<hbm>> -> memref<128xi32, #tpu.memory_space<hbm>>
    tpu.enqueue_dma source(%dma_start3A_24 : memref<128xi32, #tpu.memory_space<hbm>>) target(%arg8 : memref<128xi32, #tpu.memory_space<vmem>>) target_semaphore(%arg32 : memref<!tpu.dma_semaphore, #tpu.memory_space<semaphore_mem>>)
    %add3A_25 = arith.constant 0 : i32
    %add3A_26 = arith.addi %mul3A_17, %add3A_25 : i32
    %dma_start3A_27 = arith.constant 0 : i32
    %dma_start3A_28 = tpu.memref_slice %arg4[%add3A_26, %dma_start3A_27] : memref<25600x128xi32, #tpu.memory_space<hbm>> -> memref<1x128xi32, #tpu.memory_space<hbm>>
    %dma_start3A_29 = tpu.memref_squeeze %dma_start3A_28 : memref<1x128xi32, #tpu.memory_space<hbm>> -> memref<128xi32, #tpu.memory_space<hbm>>
    %dma_start3A_30 = arith.constant 0 : i32
    %dma_start3A_31 = tpu.memref_slice %arg4[%add3A_26, %dma_start3A_30] : memref<25600x128xi32, #tpu.memory_space<hbm>> -> memref<1x128xi32, #tpu.memory_space<hbm>>
    %dma_start3A_32 = tpu.memref_squeeze %dma_start3A_31 : memref<1x128xi32, #tpu.memory_space<hbm>> -> memref<128xi32, #tpu.memory_space<hbm>>
    tpu.enqueue_dma source(%dma_start3A_32 : memref<128xi32, #tpu.memory_space<hbm>>) target(%arg16 : memref<128xi32, #tpu.memory_space<vmem>>) target_semaphore(%arg32 : memref<!tpu.dma_semaphore, #tpu.memory_space<semaphore_mem>>)
    %add3A_33 = arith.constant 1 : i32
    %add3A_34 = arith.addi %mul3A_17, %add3A_33 : i32
    %dma_start3A_35 = arith.constant 0 : i32
    %dma_start3A_36 = tpu.memref_slice %arg3[%add3A_34, %dma_start3A_35] : memref<25600x128xi32, #tpu.memory_space<hbm>> -> memref<1x128xi32, #tpu.memory_space<hbm>>
    %dma_start3A_37 = tpu.memref_squeeze %dma_start3A_36 : memref<1x128xi32, #tpu.memory_space<hbm>> -> memref<128xi32, #tpu.memory_space<hbm>>
    %dma_start3A_38 = arith.constant 0 : i32
    %dma_start3A_39 = tpu.memref_slice %arg3[%add3A_34, %dma_start3A_38] : memref<25600x128xi32, #tpu.memory_space<hbm>> -> memref<1x128xi32, #tpu.memory_space<hbm>>
    %dma_start3A_40 = tpu.memref_squeeze %dma_start3A_39 : memref<1x128xi32, #tpu.memory_space<hbm>> -> memref<128xi32, #tpu.memory_space<hbm>>
    tpu.enqueue_dma source(%dma_start3A_40 : memref<128xi32, #tpu.memory_space<hbm>>) target(%arg9 : memref<128xi32, #tpu.memory_space<vmem>>) target_semaphore(%arg33 : memref<!tpu.dma_semaphore, #tpu.memory_space<semaphore_mem>>)
    %add3A_41 = arith.constant 1 : i32
    %add3A_42 = arith.addi %mul3A_17, %add3A_41 : i32
    %dma_start3A_43 = arith.constant 0 : i32
    %dma_start3A_44 = tpu.memref_slice %arg4[%add3A_42, %dma_start3A_43] : memref<25600x128xi32, #tpu.memory_space<hbm>> -> memref<1x128xi32, #tpu.memory_space<hbm>>
    %dma_start3A_45 = tpu.memref_squeeze %dma_start3A_44 : memref<1x128xi32, #tpu.memory_space<hbm>> -> memref<128xi32, #tpu.memory_space<hbm>>
    %dma_start3A_46 = arith.constant 0 : i32
    %dma_start3A_47 = tpu.memref_slice %arg4[%add3A_42, %dma_start3A_46] : memref<25600x128xi32, #tpu.memory_space<hbm>> -> memref<1x128xi32, #tpu.memory_space<hbm>>
    %dma_start3A_48 = tpu.memref_squeeze %dma_start3A_47 : memref<1x128xi32, #tpu.memory_space<hbm>> -> memref<128xi32, #tpu.memory_space<hbm>>
    tpu.enqueue_dma source(%dma_start3A_48 : memref<128xi32, #tpu.memory_space<hbm>>) target(%arg17 : memref<128xi32, #tpu.memory_space<vmem>>) target_semaphore(%arg33 : memref<!tpu.dma_semaphore, #tpu.memory_space<semaphore_mem>>)
    %add3A_49 = arith.constant 2 : i32
    %add3A_50 = arith.addi %mul3A_17, %add3A_49 : i32
    %dma_start3A_51 = arith.constant 0 : i32
    %dma_start3A_52 = tpu.memref_slice %arg3[%add3A_50, %dma_start3A_51] : memref<25600x128xi32, #tpu.memory_space<hbm>> -> memref<1x128xi32, #tpu.memory_space<hbm>>
    %dma_start3A_53 = tpu.memref_squeeze %dma_start3A_52 : memref<1x128xi32, #tpu.memory_space<hbm>> -> memref<128xi32, #tpu.memory_space<hbm>>
    %dma_start3A_54 = arith.constant 0 : i32
    %dma_start3A_55 = tpu.memref_slice %arg3[%add3A_50, %dma_start3A_54] : memref<25600x128xi32, #tpu.memory_space<hbm>> -> memref<1x128xi32, #tpu.memory_space<hbm>>
    %dma_start3A_56 = tpu.memref_squeeze %dma_start3A_55 : memref<1x128xi32, #tpu.memory_space<hbm>> -> memref<128xi32, #tpu.memory_space<hbm>>
    tpu.enqueue_dma source(%dma_start3A_56 : memref<128xi32, #tpu.memory_space<hbm>>) target(%arg10 : memref<128xi32, #tpu.memory_space<vmem>>) target_semaphore(%arg34 : memref<!tpu.dma_semaphore, #tpu.memory_space<semaphore_mem>>)
    %add3A_57 = arith.constant 2 : i32
    %add3A_58 = arith.addi %mul3A_17, %add3A_57 : i32
    %dma_start3A_59 = arith.constant 0 : i32
    %dma_start3A_60 = tpu.memref_slice %arg4[%add3A_58, %dma_start3A_59] : memref<25600x128xi32, #tpu.memory_space<hbm>> -> memref<1x128xi32, #tpu.memory_space<hbm>>
    %dma_start3A_61 = tpu.memref_squeeze %dma_start3A_60 : memref<1x128xi32, #tpu.memory_space<hbm>> -> memref<128xi32, #tpu.memory_space<hbm>>
    %dma_start3A_62 = arith.constant 0 : i32
    %dma_start3A_63 = tpu.memref_slice %arg4[%add3A_58, %dma_start3A_62] : memref<25600x128xi32, #tpu.memory_space<hbm>> -> memref<1x128xi32, #tpu.memory_space<hbm>>
    %dma_start3A_64 = tpu.memref_squeeze %dma_start3A_63 : memref<1x128xi32, #tpu.memory_space<hbm>> -> memref<128xi32, #tpu.memory_space<hbm>>
    tpu.enqueue_dma source(%dma_start3A_64 : memref<128xi32, #tpu.memory_space<hbm>>) target(%arg18 : memref<128xi32, #tpu.memory_space<vmem>>) target_semaphore(%arg34 : memref<!tpu.dma_semaphore, #tpu.memory_space<semaphore_mem>>)
    %add3A_65 = arith.constant 3 : i32
    %add3A_66 = arith.addi %mul3A_17, %add3A_65 : i32
    %dma_start3A_67 = arith.constant 0 : i32
    %dma_start3A_68 = tpu.memref_slice %arg3[%add3A_66, %dma_start3A_67] : memref<25600x128xi32, #tpu.memory_space<hbm>> -> memref<1x128xi32, #tpu.memory_space<hbm>>
    %dma_start3A_69 = tpu.memref_squeeze %dma_start3A_68 : memref<1x128xi32, #tpu.memory_space<hbm>> -> memref<128xi32, #tpu.memory_space<hbm>>
    %dma_start3A_70 = arith.constant 0 : i32
    %dma_start3A_71 = tpu.memref_slice %arg3[%add3A_66, %dma_start3A_70] : memref<25600x128xi32, #tpu.memory_space<hbm>> -> memref<1x128xi32, #tpu.memory_space<hbm>>
    %dma_start3A_72 = tpu.memref_squeeze %dma_start3A_71 : memref<1x128xi32, #tpu.memory_space<hbm>> -> memref<128xi32, #tpu.memory_space<hbm>>
    tpu.enqueue_dma source(%dma_start3A_72 : memref<128xi32, #tpu.memory_space<hbm>>) target(%arg11 : memref<128xi32, #tpu.memory_space<vmem>>) target_semaphore(%arg35 : memref<!tpu.dma_semaphore, #tpu.memory_space<semaphore_mem>>)
    %add3A_73 = arith.constant 3 : i32
    %add3A_74 = arith.addi %mul3A_17, %add3A_73 : i32
    %dma_start3A_75 = arith.constant 0 : i32
    %dma_start3A_76 = tpu.memref_slice %arg4[%add3A_74, %dma_start3A_75] : memref<25600x128xi32, #tpu.memory_space<hbm>> -> memref<1x128xi32, #tpu.memory_space<hbm>>
    %dma_start3A_77 = tpu.memref_squeeze %dma_start3A_76 : memref<1x128xi32, #tpu.memory_space<hbm>> -> memref<128xi32, #tpu.memory_space<hbm>>
    %dma_start3A_78 = arith.constant 0 : i32
    %dma_start3A_79 = tpu.memref_slice %arg4[%add3A_74, %dma_start3A_78] : memref<25600x128xi32, #tpu.memory_space<hbm>> -> memref<1x128xi32, #tpu.memory_space<hbm>>
    %dma_start3A_80 = tpu.memref_squeeze %dma_start3A_79 : memref<1x128xi32, #tpu.memory_space<hbm>> -> memref<128xi32, #tpu.memory_space<hbm>>
    tpu.enqueue_dma source(%dma_start3A_80 : memref<128xi32, #tpu.memory_space<hbm>>) target(%arg19 : memref<128xi32, #tpu.memory_space<vmem>>) target_semaphore(%arg35 : memref<!tpu.dma_semaphore, #tpu.memory_space<semaphore_mem>>)
    %add3A_81 = arith.constant 4 : i32
    %add3A_82 = arith.addi %mul3A_17, %add3A_81 : i32
    %dma_start3A_83 = arith.constant 0 : i32
    %dma_start3A_84 = tpu.memref_slice %arg3[%add3A_82, %dma_start3A_83] : memref<25600x128xi32, #tpu.memory_space<hbm>> -> memref<1x128xi32, #tpu.memory_space<hbm>>
    %dma_start3A_85 = tpu.memref_squeeze %dma_start3A_84 : memref<1x128xi32, #tpu.memory_space<hbm>> -> memref<128xi32, #tpu.memory_space<hbm>>
    %dma_start3A_86 = arith.constant 0 : i32
    %dma_start3A_87 = tpu.memref_slice %arg3[%add3A_82, %dma_start3A_86] : memref<25600x128xi32, #tpu.memory_space<hbm>> -> memref<1x128xi32, #tpu.memory_space<hbm>>
    %dma_start3A_88 = tpu.memref_squeeze %dma_start3A_87 : memref<1x128xi32, #tpu.memory_space<hbm>> -> memref<128xi32, #tpu.memory_space<hbm>>
    tpu.enqueue_dma source(%dma_start3A_88 : memref<128xi32, #tpu.memory_space<hbm>>) target(%arg12 : memref<128xi32, #tpu.memory_space<vmem>>) target_semaphore(%arg36 : memref<!tpu.dma_semaphore, #tpu.memory_space<semaphore_mem>>)
    %add3A_89 = arith.constant 4 : i32
    %add3A_90 = arith.addi %mul3A_17, %add3A_89 : i32
    %dma_start3A_91 = arith.constant 0 : i32
    %dma_start3A_92 = tpu.memref_slice %arg4[%add3A_90, %dma_start3A_91] : memref<25600x128xi32, #tpu.memory_space<hbm>> -> memref<1x128xi32, #tpu.memory_space<hbm>>
    %dma_start3A_93 = tpu.memref_squeeze %dma_start3A_92 : memref<1x128xi32, #tpu.memory_space<hbm>> -> memref<128xi32, #tpu.memory_space<hbm>>
    %dma_start3A_94 = arith.constant 0 : i32
    %dma_start3A_95 = tpu.memref_slice %arg4[%add3A_90, %dma_start3A_94] : memref<25600x128xi32, #tpu.memory_space<hbm>> -> memref<1x128xi32, #tpu.memory_space<hbm>>
    %dma_start3A_96 = tpu.memref_squeeze %dma_start3A_95 : memref<1x128xi32, #tpu.memory_space<hbm>> -> memref<128xi32, #tpu.memory_space<hbm>>
    tpu.enqueue_dma source(%dma_start3A_96 : memref<128xi32, #tpu.memory_space<hbm>>) target(%arg20 : memref<128xi32, #tpu.memory_space<vmem>>) target_semaphore(%arg36 : memref<!tpu.dma_semaphore, #tpu.memory_space<semaphore_mem>>)
    %add3A_97 = arith.constant 5 : i32
    %add3A_98 = arith.addi %mul3A_17, %add3A_97 : i32
    %dma_start3A_99 = arith.constant 0 : i32
    %dma_start3A_100 = tpu.memref_slice %arg3[%add3A_98, %dma_start3A_99] : memref<25600x128xi32, #tpu.memory_space<hbm>> -> memref<1x128xi32, #tpu.memory_space<hbm>>
    %dma_start3A_101 = tpu.memref_squeeze %dma_start3A_100 : memref<1x128xi32, #tpu.memory_space<hbm>> -> memref<128xi32, #tpu.memory_space<hbm>>
    %dma_start3A_102 = arith.constant 0 : i32
    %dma_start3A_103 = tpu.memref_slice %arg3[%add3A_98, %dma_start3A_102] : memref<25600x128xi32, #tpu.memory_space<hbm>> -> memref<1x128xi32, #tpu.memory_space<hbm>>
    %dma_start3A_104 = tpu.memref_squeeze %dma_start3A_103 : memref<1x128xi32, #tpu.memory_space<hbm>> -> memref<128xi32, #tpu.memory_space<hbm>>
    tpu.enqueue_dma source(%dma_start3A_104 : memref<128xi32, #tpu.memory_space<hbm>>) target(%arg13 : memref<128xi32, #tpu.memory_space<vmem>>) target_semaphore(%arg37 : memref<!tpu.dma_semaphore, #tpu.memory_space<semaphore_mem>>)
    %add3A_105 = arith.constant 5 : i32
    %add3A_106 = arith.addi %mul3A_17, %add3A_105 : i32
    %dma_start3A_107 = arith.constant 0 : i32
    %dma_start3A_108 = tpu.memref_slice %arg4[%add3A_106, %dma_start3A_107] : memref<25600x128xi32, #tpu.memory_space<hbm>> -> memref<1x128xi32, #tpu.memory_space<hbm>>
    %dma_start3A_109 = tpu.memref_squeeze %dma_start3A_108 : memref<1x128xi32, #tpu.memory_space<hbm>> -> memref<128xi32, #tpu.memory_space<hbm>>
    %dma_start3A_110 = arith.constant 0 : i32
    %dma_start3A_111 = tpu.memref_slice %arg4[%add3A_106, %dma_start3A_110] : memref<25600x128xi32, #tpu.memory_space<hbm>> -> memref<1x128xi32, #tpu.memory_space<hbm>>
    %dma_start3A_112 = tpu.memref_squeeze %dma_start3A_111 : memref<1x128xi32, #tpu.memory_space<hbm>> -> memref<128xi32, #tpu.memory_space<hbm>>
    tpu.enqueue_dma source(%dma_start3A_112 : memref<128xi32, #tpu.memory_space<hbm>>) target(%arg21 : memref<128xi32, #tpu.memory_space<vmem>>) target_semaphore(%arg37 : memref<!tpu.dma_semaphore, #tpu.memory_space<semaphore_mem>>)
    %add3A_113 = arith.constant 6 : i32
    %add3A_114 = arith.addi %mul3A_17, %add3A_113 : i32
    %dma_start3A_115 = arith.constant 0 : i32
    %dma_start3A_116 = tpu.memref_slice %arg3[%add3A_114, %dma_start3A_115] : memref<25600x128xi32, #tpu.memory_space<hbm>> -> memref<1x128xi32, #tpu.memory_space<hbm>>
    %dma_start3A_117 = tpu.memref_squeeze %dma_start3A_116 : memref<1x128xi32, #tpu.memory_space<hbm>> -> memref<128xi32, #tpu.memory_space<hbm>>
    %dma_start3A_118 = arith.constant 0 : i32
    %dma_start3A_119 = tpu.memref_slice %arg3[%add3A_114, %dma_start3A_118] : memref<25600x128xi32, #tpu.memory_space<hbm>> -> memref<1x128xi32, #tpu.memory_space<hbm>>
    %dma_start3A_120 = tpu.memref_squeeze %dma_start3A_119 : memref<1x128xi32, #tpu.memory_space<hbm>> -> memref<128xi32, #tpu.memory_space<hbm>>
    tpu.enqueue_dma source(%dma_start3A_120 : memref<128xi32, #tpu.memory_space<hbm>>) target(%arg14 : memref<128xi32, #tpu.memory_space<vmem>>) target_semaphore(%arg38 : memref<!tpu.dma_semaphore, #tpu.memory_space<semaphore_mem>>)
    %add3A_121 = arith.constant 6 : i32
    %add3A_122 = arith.addi %mul3A_17, %add3A_121 : i32
    %dma_start3A_123 = arith.constant 0 : i32
    %dma_start3A_124 = tpu.memref_slice %arg4[%add3A_122, %dma_start3A_123] : memref<25600x128xi32, #tpu.memory_space<hbm>> -> memref<1x128xi32, #tpu.memory_space<hbm>>
    %dma_start3A_125 = tpu.memref_squeeze %dma_start3A_124 : memref<1x128xi32, #tpu.memory_space<hbm>> -> memref<128xi32, #tpu.memory_space<hbm>>
    %dma_start3A_126 = arith.constant 0 : i32
    %dma_start3A_127 = tpu.memref_slice %arg4[%add3A_122, %dma_start3A_126] : memref<25600x128xi32, #tpu.memory_space<hbm>> -> memref<1x128xi32, #tpu.memory_space<hbm>>
    %dma_start3A_128 = tpu.memref_squeeze %dma_start3A_127 : memref<1x128xi32, #tpu.memory_space<hbm>> -> memref<128xi32, #tpu.memory_space<hbm>>
    tpu.enqueue_dma source(%dma_start3A_128 : memref<128xi32, #tpu.memory_space<hbm>>) target(%arg22 : memref<128xi32, #tpu.memory_space<vmem>>) target_semaphore(%arg38 : memref<!tpu.dma_semaphore, #tpu.memory_space<semaphore_mem>>)
    %add3A_129 = arith.constant 7 : i32
    %add3A_130 = arith.addi %mul3A_17, %add3A_129 : i32
    %dma_start3A_131 = arith.constant 0 : i32
    %dma_start3A_132 = tpu.memref_slice %arg3[%add3A_130, %dma_start3A_131] : memref<25600x128xi32, #tpu.memory_space<hbm>> -> memref<1x128xi32, #tpu.memory_space<hbm>>
    %dma_start3A_133 = tpu.memref_squeeze %dma_start3A_132 : memref<1x128xi32, #tpu.memory_space<hbm>> -> memref<128xi32, #tpu.memory_space<hbm>>
    %dma_start3A_134 = arith.constant 0 : i32
    %dma_start3A_135 = tpu.memref_slice %arg3[%add3A_130, %dma_start3A_134] : memref<25600x128xi32, #tpu.memory_space<hbm>> -> memref<1x128xi32, #tpu.memory_space<hbm>>
    %dma_start3A_136 = tpu.memref_squeeze %dma_start3A_135 : memref<1x128xi32, #tpu.memory_space<hbm>> -> memref<128xi32, #tpu.memory_space<hbm>>
    tpu.enqueue_dma source(%dma_start3A_136 : memref<128xi32, #tpu.memory_space<hbm>>) target(%arg15 : memref<128xi32, #tpu.memory_space<vmem>>) target_semaphore(%arg39 : memref<!tpu.dma_semaphore, #tpu.memory_space<semaphore_mem>>)
    %add3A_137 = arith.constant 7 : i32
    %add3A_138 = arith.addi %mul3A_17, %add3A_137 : i32
    %dma_start3A_139 = arith.constant 0 : i32
    %dma_start3A_140 = tpu.memref_slice %arg4[%add3A_138, %dma_start3A_139] : memref<25600x128xi32, #tpu.memory_space<hbm>> -> memref<1x128xi32, #tpu.memory_space<hbm>>
    %dma_start3A_141 = tpu.memref_squeeze %dma_start3A_140 : memref<1x128xi32, #tpu.memory_space<hbm>> -> memref<128xi32, #tpu.memory_space<hbm>>
    %dma_start3A_142 = arith.constant 0 : i32
    %dma_start3A_143 = tpu.memref_slice %arg4[%add3A_138, %dma_start3A_142] : memref<25600x128xi32, #tpu.memory_space<hbm>> -> memref<1x128xi32, #tpu.memory_space<hbm>>
    %dma_start3A_144 = tpu.memref_squeeze %dma_start3A_143 : memref<1x128xi32, #tpu.memory_space<hbm>> -> memref<128xi32, #tpu.memory_space<hbm>>
    tpu.enqueue_dma source(%dma_start3A_144 : memref<128xi32, #tpu.memory_space<hbm>>) target(%arg23 : memref<128xi32, #tpu.memory_space<vmem>>) target_semaphore(%arg39 : memref<!tpu.dma_semaphore, #tpu.memory_space<semaphore_mem>>)
    %dma_wait3A = arith.constant 0 : i32
    %dma_wait3A_145 = tpu.memref_slice %arg3[%mul3A_17, %dma_wait3A] : memref<25600x128xi32, #tpu.memory_space<hbm>> -> memref<1x128xi32, #tpu.memory_space<hbm>>
    %dma_wait3A_146 = tpu.memref_squeeze %dma_wait3A_145 : memref<1x128xi32, #tpu.memory_space<hbm>> -> memref<128xi32, #tpu.memory_space<hbm>>
    %dma_wait3A_147 = arith.constant 0 : i32
    %dma_wait3A_148 = tpu.memref_slice %arg3[%mul3A_17, %dma_wait3A_147] : memref<25600x128xi32, #tpu.memory_space<hbm>> -> memref<1x128xi32, #tpu.memory_space<hbm>>
    %dma_wait3A_149 = tpu.memref_squeeze %dma_wait3A_148 : memref<1x128xi32, #tpu.memory_space<hbm>> -> memref<128xi32, #tpu.memory_space<hbm>>
    tpu.wait_dma2 semaphore(%arg32 : memref<!tpu.dma_semaphore, #tpu.memory_space<semaphore_mem>>) src(%dma_wait3A_149 : memref<128xi32, #tpu.memory_space<hbm>>) dst(%arg8 : memref<128xi32, #tpu.memory_space<vmem>>)
    %dma_wait3A_150 = arith.constant 0 : i32
    %dma_wait3A_151 = tpu.memref_slice %arg3[%mul3A_17, %dma_wait3A_150] : memref<25600x128xi32, #tpu.memory_space<hbm>> -> memref<1x128xi32, #tpu.memory_space<hbm>>
    %dma_wait3A_152 = tpu.memref_squeeze %dma_wait3A_151 : memref<1x128xi32, #tpu.memory_space<hbm>> -> memref<128xi32, #tpu.memory_space<hbm>>
    %dma_wait3A_153 = arith.constant 0 : i32
    %dma_wait3A_154 = tpu.memref_slice %arg3[%mul3A_17, %dma_wait3A_153] : memref<25600x128xi32, #tpu.memory_space<hbm>> -> memref<1x128xi32, #tpu.memory_space<hbm>>
    %dma_wait3A_155 = tpu.memref_squeeze %dma_wait3A_154 : memref<1x128xi32, #tpu.memory_space<hbm>> -> memref<128xi32, #tpu.memory_space<hbm>>
    tpu.wait_dma2 semaphore(%arg32 : memref<!tpu.dma_semaphore, #tpu.memory_space<semaphore_mem>>) src(%dma_wait3A_155 : memref<128xi32, #tpu.memory_space<hbm>>) dst(%arg16 : memref<128xi32, #tpu.memory_space<vmem>>)
    %dma_start3A_156 = arith.constant 0 : i32
    %dma_start3A_157 = arith.constant 0 : i32
    %dma_start3A_158 = tpu.memref_slice %arg2[%dma_start3A_156, %dma_start3A_157] : memref<102400x16xf32, #tpu.memory_space<hbm>> -> memref<102400x16xf32, #tpu.memory_space<hbm>>
    tpu.enqueue_indirect_dma source(%dma_start3A_158 : memref<102400x16xf32, #tpu.memory_space<hbm>>) target(%arg24 : memref<128x16xf32, #tpu.memory_space<vmem>>) offsets(%arg8 : memref<128xi32, #tpu.memory_space<vmem>>) semaphore(%arg40 : memref<!tpu.dma_semaphore, #tpu.memory_space<semaphore_mem>>)
    %dma_wait3A_159 = arith.constant 0 : i32
    %dma_wait3A_160 = tpu.memref_slice %arg3[%mul3A_17, %dma_wait3A_159] : memref<25600x128xi32, #tpu.memory_space<hbm>> -> memref<1x128xi32, #tpu.memory_space<hbm>>
    %dma_wait3A_161 = tpu.memref_squeeze %dma_wait3A_160 : memref<1x128xi32, #tpu.memory_space<hbm>> -> memref<128xi32, #tpu.memory_space<hbm>>
    %dma_wait3A_162 = arith.constant 0 : i32
    %dma_wait3A_163 = tpu.memref_slice %arg3[%mul3A_17, %dma_wait3A_162] : memref<25600x128xi32, #tpu.memory_space<hbm>> -> memref<1x128xi32, #tpu.memory_space<hbm>>
    %dma_wait3A_164 = tpu.memref_squeeze %dma_wait3A_163 : memref<1x128xi32, #tpu.memory_space<hbm>> -> memref<128xi32, #tpu.memory_space<hbm>>
    tpu.wait_dma2 semaphore(%arg33 : memref<!tpu.dma_semaphore, #tpu.memory_space<semaphore_mem>>) src(%dma_wait3A_164 : memref<128xi32, #tpu.memory_space<hbm>>) dst(%arg9 : memref<128xi32, #tpu.memory_space<vmem>>)
    %dma_wait3A_165 = arith.constant 0 : i32
    %dma_wait3A_166 = tpu.memref_slice %arg3[%mul3A_17, %dma_wait3A_165] : memref<25600x128xi32, #tpu.memory_space<hbm>> -> memref<1x128xi32, #tpu.memory_space<hbm>>
    %dma_wait3A_167 = tpu.memref_squeeze %dma_wait3A_166 : memref<1x128xi32, #tpu.memory_space<hbm>> -> memref<128xi32, #tpu.memory_space<hbm>>
    %dma_wait3A_168 = arith.constant 0 : i32
    %dma_wait3A_169 = tpu.memref_slice %arg3[%mul3A_17, %dma_wait3A_168] : memref<25600x128xi32, #tpu.memory_space<hbm>> -> memref<1x128xi32, #tpu.memory_space<hbm>>
    %dma_wait3A_170 = tpu.memref_squeeze %dma_wait3A_169 : memref<1x128xi32, #tpu.memory_space<hbm>> -> memref<128xi32, #tpu.memory_space<hbm>>
    tpu.wait_dma2 semaphore(%arg33 : memref<!tpu.dma_semaphore, #tpu.memory_space<semaphore_mem>>) src(%dma_wait3A_170 : memref<128xi32, #tpu.memory_space<hbm>>) dst(%arg17 : memref<128xi32, #tpu.memory_space<vmem>>)
    %dma_start3A_171 = arith.constant 0 : i32
    %dma_start3A_172 = arith.constant 0 : i32
    %dma_start3A_173 = tpu.memref_slice %arg2[%dma_start3A_171, %dma_start3A_172] : memref<102400x16xf32, #tpu.memory_space<hbm>> -> memref<102400x16xf32, #tpu.memory_space<hbm>>
    tpu.enqueue_indirect_dma source(%dma_start3A_173 : memref<102400x16xf32, #tpu.memory_space<hbm>>) target(%arg25 : memref<128x16xf32, #tpu.memory_space<vmem>>) offsets(%arg9 : memref<128xi32, #tpu.memory_space<vmem>>) semaphore(%arg41 : memref<!tpu.dma_semaphore, #tpu.memory_space<semaphore_mem>>)
    %dma_wait3A_174 = arith.constant 0 : i32
    %dma_wait3A_175 = tpu.memref_slice %arg3[%mul3A_17, %dma_wait3A_174] : memref<25600x128xi32, #tpu.memory_space<hbm>> -> memref<1x128xi32, #tpu.memory_space<hbm>>
    %dma_wait3A_176 = tpu.memref_squeeze %dma_wait3A_175 : memref<1x128xi32, #tpu.memory_space<hbm>> -> memref<128xi32, #tpu.memory_space<hbm>>
    %dma_wait3A_177 = arith.constant 0 : i32
    %dma_wait3A_178 = tpu.memref_slice %arg3[%mul3A_17, %dma_wait3A_177] : memref<25600x128xi32, #tpu.memory_space<hbm>> -> memref<1x128xi32, #tpu.memory_space<hbm>>
    %dma_wait3A_179 = tpu.memref_squeeze %dma_wait3A_178 : memref<1x128xi32, #tpu.memory_space<hbm>> -> memref<128xi32, #tpu.memory_space<hbm>>
    tpu.wait_dma2 semaphore(%arg34 : memref<!tpu.dma_semaphore, #tpu.memory_space<semaphore_mem>>) src(%dma_wait3A_179 : memref<128xi32, #tpu.memory_space<hbm>>) dst(%arg10 : memref<128xi32, #tpu.memory_space<vmem>>)
    %dma_wait3A_180 = arith.constant 0 : i32
    %dma_wait3A_181 = tpu.memref_slice %arg3[%mul3A_17, %dma_wait3A_180] : memref<25600x128xi32, #tpu.memory_space<hbm>> -> memref<1x128xi32, #tpu.memory_space<hbm>>
    %dma_wait3A_182 = tpu.memref_squeeze %dma_wait3A_181 : memref<1x128xi32, #tpu.memory_space<hbm>> -> memref<128xi32, #tpu.memory_space<hbm>>
    %dma_wait3A_183 = arith.constant 0 : i32
    %dma_wait3A_184 = tpu.memref_slice %arg3[%mul3A_17, %dma_wait3A_183] : memref<25600x128xi32, #tpu.memory_space<hbm>> -> memref<1x128xi32, #tpu.memory_space<hbm>>
    %dma_wait3A_185 = tpu.memref_squeeze %dma_wait3A_184 : memref<1x128xi32, #tpu.memory_space<hbm>> -> memref<128xi32, #tpu.memory_space<hbm>>
    tpu.wait_dma2 semaphore(%arg34 : memref<!tpu.dma_semaphore, #tpu.memory_space<semaphore_mem>>) src(%dma_wait3A_185 : memref<128xi32, #tpu.memory_space<hbm>>) dst(%arg18 : memref<128xi32, #tpu.memory_space<vmem>>)
    %dma_start3A_186 = arith.constant 0 : i32
    %dma_start3A_187 = arith.constant 0 : i32
    %dma_start3A_188 = tpu.memref_slice %arg2[%dma_start3A_186, %dma_start3A_187] : memref<102400x16xf32, #tpu.memory_space<hbm>> -> memref<102400x16xf32, #tpu.memory_space<hbm>>
    tpu.enqueue_indirect_dma source(%dma_start3A_188 : memref<102400x16xf32, #tpu.memory_space<hbm>>) target(%arg26 : memref<128x16xf32, #tpu.memory_space<vmem>>) offsets(%arg10 : memref<128xi32, #tpu.memory_space<vmem>>) semaphore(%arg42 : memref<!tpu.dma_semaphore, #tpu.memory_space<semaphore_mem>>)
    %dma_wait3A_189 = arith.constant 0 : i32
    %dma_wait3A_190 = tpu.memref_slice %arg3[%mul3A_17, %dma_wait3A_189] : memref<25600x128xi32, #tpu.memory_space<hbm>> -> memref<1x128xi32, #tpu.memory_space<hbm>>
    %dma_wait3A_191 = tpu.memref_squeeze %dma_wait3A_190 : memref<1x128xi32, #tpu.memory_space<hbm>> -> memref<128xi32, #tpu.memory_space<hbm>>
    %dma_wait3A_192 = arith.constant 0 : i32
    %dma_wait3A_193 = tpu.memref_slice %arg3[%mul3A_17, %dma_wait3A_192] : memref<25600x128xi32, #tpu.memory_space<hbm>> -> memref<1x128xi32, #tpu.memory_space<hbm>>
    %dma_wait3A_194 = tpu.memref_squeeze %dma_wait3A_193 : memref<1x128xi32, #tpu.memory_space<hbm>> -> memref<128xi32, #tpu.memory_space<hbm>>
    tpu.wait_dma2 semaphore(%arg35 : memref<!tpu.dma_semaphore, #tpu.memory_space<semaphore_mem>>) src(%dma_wait3A_194 : memref<128xi32, #tpu.memory_space<hbm>>) dst(%arg11 : memref<128xi32, #tpu.memory_space<vmem>>)
    %dma_wait3A_195 = arith.constant 0 : i32
    %dma_wait3A_196 = tpu.memref_slice %arg3[%mul3A_17, %dma_wait3A_195] : memref<25600x128xi32, #tpu.memory_space<hbm>> -> memref<1x128xi32, #tpu.memory_space<hbm>>
    %dma_wait3A_197 = tpu.memref_squeeze %dma_wait3A_196 : memref<1x128xi32, #tpu.memory_space<hbm>> -> memref<128xi32, #tpu.memory_space<hbm>>
    %dma_wait3A_198 = arith.constant 0 : i32
    %dma_wait3A_199 = tpu.memref_slice %arg3[%mul3A_17, %dma_wait3A_198] : memref<25600x128xi32, #tpu.memory_space<hbm>> -> memref<1x128xi32, #tpu.memory_space<hbm>>
    %dma_wait3A_200 = tpu.memref_squeeze %dma_wait3A_199 : memref<1x128xi32, #tpu.memory_space<hbm>> -> memref<128xi32, #tpu.memory_space<hbm>>
    tpu.wait_dma2 semaphore(%arg35 : memref<!tpu.dma_semaphore, #tpu.memory_space<semaphore_mem>>) src(%dma_wait3A_200 : memref<128xi32, #tpu.memory_space<hbm>>) dst(%arg19 : memref<128xi32, #tpu.memory_space<vmem>>)
    %dma_start3A_201 = arith.constant 0 : i32
    %dma_start3A_202 = arith.constant 0 : i32
    %dma_start3A_203 = tpu.memref_slice %arg2[%dma_start3A_201, %dma_start3A_202] : memref<102400x16xf32, #tpu.memory_space<hbm>> -> memref<102400x16xf32, #tpu.memory_space<hbm>>
    tpu.enqueue_indirect_dma source(%dma_start3A_203 : memref<102400x16xf32, #tpu.memory_space<hbm>>) target(%arg27 : memref<128x16xf32, #tpu.memory_space<vmem>>) offsets(%arg11 : memref<128xi32, #tpu.memory_space<vmem>>) semaphore(%arg43 : memref<!tpu.dma_semaphore, #tpu.memory_space<semaphore_mem>>)
    %dma_wait3A_204 = arith.constant 0 : i32
    %dma_wait3A_205 = tpu.memref_slice %arg3[%mul3A_17, %dma_wait3A_204] : memref<25600x128xi32, #tpu.memory_space<hbm>> -> memref<1x128xi32, #tpu.memory_space<hbm>>
    %dma_wait3A_206 = tpu.memref_squeeze %dma_wait3A_205 : memref<1x128xi32, #tpu.memory_space<hbm>> -> memref<128xi32, #tpu.memory_space<hbm>>
    %dma_wait3A_207 = arith.constant 0 : i32
    %dma_wait3A_208 = tpu.memref_slice %arg3[%mul3A_17, %dma_wait3A_207] : memref<25600x128xi32, #tpu.memory_space<hbm>> -> memref<1x128xi32, #tpu.memory_space<hbm>>
    %dma_wait3A_209 = tpu.memref_squeeze %dma_wait3A_208 : memref<1x128xi32, #tpu.memory_space<hbm>> -> memref<128xi32, #tpu.memory_space<hbm>>
    tpu.wait_dma2 semaphore(%arg36 : memref<!tpu.dma_semaphore, #tpu.memory_space<semaphore_mem>>) src(%dma_wait3A_209 : memref<128xi32, #tpu.memory_space<hbm>>) dst(%arg12 : memref<128xi32, #tpu.memory_space<vmem>>)
    %dma_wait3A_210 = arith.constant 0 : i32
    %dma_wait3A_211 = tpu.memref_slice %arg3[%mul3A_17, %dma_wait3A_210] : memref<25600x128xi32, #tpu.memory_space<hbm>> -> memref<1x128xi32, #tpu.memory_space<hbm>>
    %dma_wait3A_212 = tpu.memref_squeeze %dma_wait3A_211 : memref<1x128xi32, #tpu.memory_space<hbm>> -> memref<128xi32, #tpu.memory_space<hbm>>
    %dma_wait3A_213 = arith.constant 0 : i32
    %dma_wait3A_214 = tpu.memref_slice %arg3[%mul3A_17, %dma_wait3A_213] : memref<25600x128xi32, #tpu.memory_space<hbm>> -> memref<1x128xi32, #tpu.memory_space<hbm>>
    %dma_wait3A_215 = tpu.memref_squeeze %dma_wait3A_214 : memref<1x128xi32, #tpu.memory_space<hbm>> -> memref<128xi32, #tpu.memory_space<hbm>>
    tpu.wait_dma2 semaphore(%arg36 : memref<!tpu.dma_semaphore, #tpu.memory_space<semaphore_mem>>) src(%dma_wait3A_215 : memref<128xi32, #tpu.memory_space<hbm>>) dst(%arg20 : memref<128xi32, #tpu.memory_space<vmem>>)
    %dma_start3A_216 = arith.constant 0 : i32
    %dma_start3A_217 = arith.constant 0 : i32
    %dma_start3A_218 = tpu.memref_slice %arg2[%dma_start3A_216, %dma_start3A_217] : memref<102400x16xf32, #tpu.memory_space<hbm>> -> memref<102400x16xf32, #tpu.memory_space<hbm>>
    tpu.enqueue_indirect_dma source(%dma_start3A_218 : memref<102400x16xf32, #tpu.memory_space<hbm>>) target(%arg28 : memref<128x16xf32, #tpu.memory_space<vmem>>) offsets(%arg12 : memref<128xi32, #tpu.memory_space<vmem>>) semaphore(%arg44 : memref<!tpu.dma_semaphore, #tpu.memory_space<semaphore_mem>>)
    %dma_wait3A_219 = arith.constant 0 : i32
    %dma_wait3A_220 = tpu.memref_slice %arg3[%mul3A_17, %dma_wait3A_219] : memref<25600x128xi32, #tpu.memory_space<hbm>> -> memref<1x128xi32, #tpu.memory_space<hbm>>
    %dma_wait3A_221 = tpu.memref_squeeze %dma_wait3A_220 : memref<1x128xi32, #tpu.memory_space<hbm>> -> memref<128xi32, #tpu.memory_space<hbm>>
    %dma_wait3A_222 = arith.constant 0 : i32
    %dma_wait3A_223 = tpu.memref_slice %arg3[%mul3A_17, %dma_wait3A_222] : memref<25600x128xi32, #tpu.memory_space<hbm>> -> memref<1x128xi32, #tpu.memory_space<hbm>>
    %dma_wait3A_224 = tpu.memref_squeeze %dma_wait3A_223 : memref<1x128xi32, #tpu.memory_space<hbm>> -> memref<128xi32, #tpu.memory_space<hbm>>
    tpu.wait_dma2 semaphore(%arg37 : memref<!tpu.dma_semaphore, #tpu.memory_space<semaphore_mem>>) src(%dma_wait3A_224 : memref<128xi32, #tpu.memory_space<hbm>>) dst(%arg13 : memref<128xi32, #tpu.memory_space<vmem>>)
    %dma_wait3A_225 = arith.constant 0 : i32
    %dma_wait3A_226 = tpu.memref_slice %arg3[%mul3A_17, %dma_wait3A_225] : memref<25600x128xi32, #tpu.memory_space<hbm>> -> memref<1x128xi32, #tpu.memory_space<hbm>>
    %dma_wait3A_227 = tpu.memref_squeeze %dma_wait3A_226 : memref<1x128xi32, #tpu.memory_space<hbm>> -> memref<128xi32, #tpu.memory_space<hbm>>
    %dma_wait3A_228 = arith.constant 0 : i32
    %dma_wait3A_229 = tpu.memref_slice %arg3[%mul3A_17, %dma_wait3A_228] : memref<25600x128xi32, #tpu.memory_space<hbm>> -> memref<1x128xi32, #tpu.memory_space<hbm>>
    %dma_wait3A_230 = tpu.memref_squeeze %dma_wait3A_229 : memref<1x128xi32, #tpu.memory_space<hbm>> -> memref<128xi32, #tpu.memory_space<hbm>>
    tpu.wait_dma2 semaphore(%arg37 : memref<!tpu.dma_semaphore, #tpu.memory_space<semaphore_mem>>) src(%dma_wait3A_230 : memref<128xi32, #tpu.memory_space<hbm>>) dst(%arg21 : memref<128xi32, #tpu.memory_space<vmem>>)
    %dma_start3A_231 = arith.constant 0 : i32
    %dma_start3A_232 = arith.constant 0 : i32
    %dma_start3A_233 = tpu.memref_slice %arg2[%dma_start3A_231, %dma_start3A_232] : memref<102400x16xf32, #tpu.memory_space<hbm>> -> memref<102400x16xf32, #tpu.memory_space<hbm>>
    tpu.enqueue_indirect_dma source(%dma_start3A_233 : memref<102400x16xf32, #tpu.memory_space<hbm>>) target(%arg29 : memref<128x16xf32, #tpu.memory_space<vmem>>) offsets(%arg13 : memref<128xi32, #tpu.memory_space<vmem>>) semaphore(%arg45 : memref<!tpu.dma_semaphore, #tpu.memory_space<semaphore_mem>>)
    %scan3A_234 = arith.constant 0 : i32
    %scan3A_235 = arith.constant 0 : i32
    %scan3A_236 = arith.constant 100 : i32
    %scan3A_237 = arith.addi %scan3A_235, %scan3A_236 : i32
    %scan3A_238 = arith.constant 1 : i32
    %scan3A_239 = scf.for %scan3A_242 = %scan3A_235 to %scan3A_237 step %scan3A_238 iter_args(%scan3A_243 = %scan3A_234) -> (i32)  : i32 {
      %mul3A_244 = arith.constant 8 : i32
      %mul3A_245 = arith.muli %scan3A_242, %mul3A_244 : i32
      %add3A_246 = arith.constant 0 : i32
      %add3A_247 = arith.addi %mul3A_245, %add3A_246 : i32
      %dma_wait3A_248 = arith.constant 0 : i32
      %dma_wait3A_249 = arith.constant 0 : i32
      %dma_wait3A_250 = tpu.memref_slice %arg2[%dma_wait3A_248, %dma_wait3A_249] : memref<102400x16xf32, #tpu.memory_space<hbm>> -> memref<102400x16xf32, #tpu.memory_space<hbm>>
      tpu.wait_indirect_dma semaphore(%arg40 : memref<!tpu.dma_semaphore, #tpu.memory_space<semaphore_mem>>) src(%dma_wait3A_250 : memref<102400x16xf32, #tpu.memory_space<hbm>>) dst(%arg24 : memref<128x16xf32, #tpu.memory_space<vmem>>)
      "tpu.region"() ({
        %run_scoped3A = tpu.sem_alloc : memref<!tpu.dma_semaphore, #tpu.memory_space<semaphore_mem>>
        %dma_start3A_410 = arith.constant 0 : i32
        %dma_start3A_411 = arith.constant 0 : i32
        %dma_start3A_412 = tpu.memref_slice %arg6[%dma_start3A_410, %dma_start3A_411] : memref<102400x16xf32, #tpu.memory_space<vmem_shared>> -> memref<102400x16xf32, #tpu.memory_space<vmem_shared>>
        tpu.enqueue_indirect_dma source(%arg24 : memref<128x16xf32, #tpu.memory_space<vmem>>) target(%dma_start3A_412 : memref<102400x16xf32, #tpu.memory_space<vmem_shared>>) offsets(%arg16 : memref<128xi32, #tpu.memory_space<vmem>>) semaphore(%run_scoped3A : memref<!tpu.dma_semaphore, #tpu.memory_space<semaphore_mem>>) {add = true}
        %dma_wait3A_413 = arith.constant 0 : i32
        %dma_wait3A_414 = arith.constant 0 : i32
        %dma_wait3A_415 = tpu.memref_slice %arg6[%dma_wait3A_413, %dma_wait3A_414] : memref<102400x16xf32, #tpu.memory_space<vmem_shared>> -> memref<102400x16xf32, #tpu.memory_space<vmem_shared>>
        tpu.wait_indirect_dma semaphore(%run_scoped3A : memref<!tpu.dma_semaphore, #tpu.memory_space<semaphore_mem>>) src(%arg24 : memref<128x16xf32, #tpu.memory_space<vmem>>) dst(%dma_wait3A_415 : memref<102400x16xf32, #tpu.memory_space<vmem_shared>>)
        tpu.yield
      }) : () -> ()
      %add3A_251 = arith.constant 8 : i32
      %add3A_252 = arith.addi %add3A_247, %add3A_251 : i32
      %lt3A = arith.constant 800 : i32
      %lt3A_253 = arith.cmpi slt, %add3A_252, %lt3A : i32
      %convert_element_type3A = arith.extui %lt3A_253 : i1 to i32
      %cond3A = arith.constant 0 : i32
      %cond3A_254 = arith.cmpi ne, %convert_element_type3A, %cond3A : i32
      scf.if %cond3A_254 {
        %add3A_410 = arith.addi %mul3A_17, %add3A_247 : i32
        %add3A_411 = arith.constant 8 : i32
        %add3A_412 = arith.addi %add3A_410, %add3A_411 : i32
        %dma_start3A_413 = arith.constant 0 : i32
        %dma_start3A_414 = tpu.memref_slice %arg3[%add3A_412, %dma_start3A_413] : memref<25600x128xi32, #tpu.memory_space<hbm>> -> memref<1x128xi32, #tpu.memory_space<hbm>>
        %dma_start3A_415 = tpu.memref_squeeze %dma_start3A_414 : memref<1x128xi32, #tpu.memory_space<hbm>> -> memref<128xi32, #tpu.memory_space<hbm>>
        %dma_start3A_416 = arith.constant 0 : i32
        %dma_start3A_417 = tpu.memref_slice %arg3[%add3A_412, %dma_start3A_416] : memref<25600x128xi32, #tpu.memory_space<hbm>> -> memref<1x128xi32, #tpu.memory_space<hbm>>
        %dma_start3A_418 = tpu.memref_squeeze %dma_start3A_417 : memref<1x128xi32, #tpu.memory_space<hbm>> -> memref<128xi32, #tpu.memory_space<hbm>>
        tpu.enqueue_dma source(%dma_start3A_418 : memref<128xi32, #tpu.memory_space<hbm>>) target(%arg8 : memref<128xi32, #tpu.memory_space<vmem>>) target_semaphore(%arg32 : memref<!tpu.dma_semaphore, #tpu.memory_space<semaphore_mem>>)
        %add3A_419 = arith.addi %mul3A_17, %add3A_247 : i32
        %add3A_420 = arith.constant 8 : i32
        %add3A_421 = arith.addi %add3A_419, %add3A_420 : i32
        %dma_start3A_422 = arith.constant 0 : i32
        %dma_start3A_423 = tpu.memref_slice %arg4[%add3A_421, %dma_start3A_422] : memref<25600x128xi32, #tpu.memory_space<hbm>> -> memref<1x128xi32, #tpu.memory_space<hbm>>
        %dma_start3A_424 = tpu.memref_squeeze %dma_start3A_423 : memref<1x128xi32, #tpu.memory_space<hbm>> -> memref<128xi32, #tpu.memory_space<hbm>>
        %dma_start3A_425 = arith.constant 0 : i32
        %dma_start3A_426 = tpu.memref_slice %arg4[%add3A_421, %dma_start3A_425] : memref<25600x128xi32, #tpu.memory_space<hbm>> -> memref<1x128xi32, #tpu.memory_space<hbm>>
        %dma_start3A_427 = tpu.memref_squeeze %dma_start3A_426 : memref<1x128xi32, #tpu.memory_space<hbm>> -> memref<128xi32, #tpu.memory_space<hbm>>
        tpu.enqueue_dma source(%dma_start3A_427 : memref<128xi32, #tpu.memory_space<hbm>>) target(%arg16 : memref<128xi32, #tpu.memory_space<vmem>>) target_semaphore(%arg32 : memref<!tpu.dma_semaphore, #tpu.memory_space<semaphore_mem>>)
      } else {
      }
      %add3A_255 = arith.constant 6 : i32
      %add3A_256 = arith.addi %add3A_247, %add3A_255 : i32
      %lt3A_257 = arith.constant 800 : i32
      %lt3A_258 = arith.cmpi slt, %add3A_256, %lt3A_257 : i32
      %convert_element_type3A_259 = arith.extui %lt3A_258 : i1 to i32
      %cond3A_260 = arith.constant 0 : i32
      %cond3A_261 = arith.cmpi ne, %convert_element_type3A_259, %cond3A_260 : i32
      scf.if %cond3A_261 {
        %dma_wait3A_410 = arith.constant 0 : i32
        %dma_wait3A_411 = tpu.memref_slice %arg3[%mul3A_17, %dma_wait3A_410] : memref<25600x128xi32, #tpu.memory_space<hbm>> -> memref<1x128xi32, #tpu.memory_space<hbm>>
        %dma_wait3A_412 = tpu.memref_squeeze %dma_wait3A_411 : memref<1x128xi32, #tpu.memory_space<hbm>> -> memref<128xi32, #tpu.memory_space<hbm>>
        %dma_wait3A_413 = arith.constant 0 : i32
        %dma_wait3A_414 = tpu.memref_slice %arg3[%mul3A_17, %dma_wait3A_413] : memref<25600x128xi32, #tpu.memory_space<hbm>> -> memref<1x128xi32, #tpu.memory_space<hbm>>
        %dma_wait3A_415 = tpu.memref_squeeze %dma_wait3A_414 : memref<1x128xi32, #tpu.memory_space<hbm>> -> memref<128xi32, #tpu.memory_space<hbm>>
        tpu.wait_dma2 semaphore(%arg38 : memref<!tpu.dma_semaphore, #tpu.memory_space<semaphore_mem>>) src(%dma_wait3A_415 : memref<128xi32, #tpu.memory_space<hbm>>) dst(%arg14 : memref<128xi32, #tpu.memory_space<vmem>>)
        %dma_wait3A_416 = arith.constant 0 : i32
        %dma_wait3A_417 = tpu.memref_slice %arg3[%mul3A_17, %dma_wait3A_416] : memref<25600x128xi32, #tpu.memory_space<hbm>> -> memref<1x128xi32, #tpu.memory_space<hbm>>
        %dma_wait3A_418 = tpu.memref_squeeze %dma_wait3A_417 : memref<1x128xi32, #tpu.memory_space<hbm>> -> memref<128xi32, #tpu.memory_space<hbm>>
        %dma_wait3A_419 = arith.constant 0 : i32
        %dma_wait3A_420 = tpu.memref_slice %arg3[%mul3A_17, %dma_wait3A_419] : memref<25600x128xi32, #tpu.memory_space<hbm>> -> memref<1x128xi32, #tpu.memory_space<hbm>>
        %dma_wait3A_421 = tpu.memref_squeeze %dma_wait3A_420 : memref<1x128xi32, #tpu.memory_space<hbm>> -> memref<128xi32, #tpu.memory_space<hbm>>
        tpu.wait_dma2 semaphore(%arg38 : memref<!tpu.dma_semaphore, #tpu.memory_space<semaphore_mem>>) src(%dma_wait3A_421 : memref<128xi32, #tpu.memory_space<hbm>>) dst(%arg22 : memref<128xi32, #tpu.memory_space<vmem>>)
        %dma_start3A_422 = arith.constant 0 : i32
        %dma_start3A_423 = arith.constant 0 : i32
        %dma_start3A_424 = tpu.memref_slice %arg2[%dma_start3A_422, %dma_start3A_423] : memref<102400x16xf32, #tpu.memory_space<hbm>> -> memref<102400x16xf32, #tpu.memory_space<hbm>>
        tpu.enqueue_indirect_dma source(%dma_start3A_424 : memref<102400x16xf32, #tpu.memory_space<hbm>>) target(%arg30 : memref<128x16xf32, #tpu.memory_space<vmem>>) offsets(%arg14 : memref<128xi32, #tpu.memory_space<vmem>>) semaphore(%arg46 : memref<!tpu.dma_semaphore, #tpu.memory_space<semaphore_mem>>)
      } else {
      }
      %mul3A_262 = arith.constant 8 : i32
      %mul3A_263 = arith.muli %scan3A_242, %mul3A_262 : i32
      %add3A_264 = arith.constant 1 : i32
      %add3A_265 = arith.addi %mul3A_263, %add3A_264 : i32
      %dma_wait3A_266 = arith.constant 0 : i32
      %dma_wait3A_267 = arith.constant 0 : i32
      %dma_wait3A_268 = tpu.memref_slice %arg2[%dma_wait3A_266, %dma_wait3A_267] : memref<102400x16xf32, #tpu.memory_space<hbm>> -> memref<102400x16xf32, #tpu.memory_space<hbm>>
      tpu.wait_indirect_dma semaphore(%arg41 : memref<!tpu.dma_semaphore, #tpu.memory_space<semaphore_mem>>) src(%dma_wait3A_268 : memref<102400x16xf32, #tpu.memory_space<hbm>>) dst(%arg25 : memref<128x16xf32, #tpu.memory_space<vmem>>)
      "tpu.region"() ({
        %run_scoped3A = tpu.sem_alloc : memref<!tpu.dma_semaphore, #tpu.memory_space<semaphore_mem>>
        %dma_start3A_410 = arith.constant 0 : i32
        %dma_start3A_411 = arith.constant 0 : i32
        %dma_start3A_412 = tpu.memref_slice %arg6[%dma_start3A_410, %dma_start3A_411] : memref<102400x16xf32, #tpu.memory_space<vmem_shared>> -> memref<102400x16xf32, #tpu.memory_space<vmem_shared>>
        tpu.enqueue_indirect_dma source(%arg25 : memref<128x16xf32, #tpu.memory_space<vmem>>) target(%dma_start3A_412 : memref<102400x16xf32, #tpu.memory_space<vmem_shared>>) offsets(%arg17 : memref<128xi32, #tpu.memory_space<vmem>>) semaphore(%run_scoped3A : memref<!tpu.dma_semaphore, #tpu.memory_space<semaphore_mem>>) {add = true}
        %dma_wait3A_413 = arith.constant 0 : i32
        %dma_wait3A_414 = arith.constant 0 : i32
        %dma_wait3A_415 = tpu.memref_slice %arg6[%dma_wait3A_413, %dma_wait3A_414] : memref<102400x16xf32, #tpu.memory_space<vmem_shared>> -> memref<102400x16xf32, #tpu.memory_space<vmem_shared>>
        tpu.wait_indirect_dma semaphore(%run_scoped3A : memref<!tpu.dma_semaphore, #tpu.memory_space<semaphore_mem>>) src(%arg25 : memref<128x16xf32, #tpu.memory_space<vmem>>) dst(%dma_wait3A_415 : memref<102400x16xf32, #tpu.memory_space<vmem_shared>>)
        tpu.yield
      }) : () -> ()
      %add3A_269 = arith.constant 8 : i32
      %add3A_270 = arith.addi %add3A_265, %add3A_269 : i32
      %lt3A_271 = arith.constant 800 : i32
      %lt3A_272 = arith.cmpi slt, %add3A_270, %lt3A_271 : i32
      %convert_element_type3A_273 = arith.extui %lt3A_272 : i1 to i32
      %cond3A_274 = arith.constant 0 : i32
      %cond3A_275 = arith.cmpi ne, %convert_element_type3A_273, %cond3A_274 : i32
      scf.if %cond3A_275 {
        %add3A_410 = arith.addi %mul3A_17, %add3A_265 : i32
        %add3A_411 = arith.constant 8 : i32
        %add3A_412 = arith.addi %add3A_410, %add3A_411 : i32
        %dma_start3A_413 = arith.constant 0 : i32
        %dma_start3A_414 = tpu.memref_slice %arg3[%add3A_412, %dma_start3A_413] : memref<25600x128xi32, #tpu.memory_space<hbm>> -> memref<1x128xi32, #tpu.memory_space<hbm>>
        %dma_start3A_415 = tpu.memref_squeeze %dma_start3A_414 : memref<1x128xi32, #tpu.memory_space<hbm>> -> memref<128xi32, #tpu.memory_space<hbm>>
        %dma_start3A_416 = arith.constant 0 : i32
        %dma_start3A_417 = tpu.memref_slice %arg3[%add3A_412, %dma_start3A_416] : memref<25600x128xi32, #tpu.memory_space<hbm>> -> memref<1x128xi32, #tpu.memory_space<hbm>>
        %dma_start3A_418 = tpu.memref_squeeze %dma_start3A_417 : memref<1x128xi32, #tpu.memory_space<hbm>> -> memref<128xi32, #tpu.memory_space<hbm>>
        tpu.enqueue_dma source(%dma_start3A_418 : memref<128xi32, #tpu.memory_space<hbm>>) target(%arg9 : memref<128xi32, #tpu.memory_space<vmem>>) target_semaphore(%arg33 : memref<!tpu.dma_semaphore, #tpu.memory_space<semaphore_mem>>)
        %add3A_419 = arith.addi %mul3A_17, %add3A_265 : i32
        %add3A_420 = arith.constant 8 : i32
        %add3A_421 = arith.addi %add3A_419, %add3A_420 : i32
        %dma_start3A_422 = arith.constant 0 : i32
        %dma_start3A_423 = tpu.memref_slice %arg4[%add3A_421, %dma_start3A_422] : memref<25600x128xi32, #tpu.memory_space<hbm>> -> memref<1x128xi32, #tpu.memory_space<hbm>>
        %dma_start3A_424 = tpu.memref_squeeze %dma_start3A_423 : memref<1x128xi32, #tpu.memory_space<hbm>> -> memref<128xi32, #tpu.memory_space<hbm>>
        %dma_start3A_425 = arith.constant 0 : i32
        %dma_start3A_426 = tpu.memref_slice %arg4[%add3A_421, %dma_start3A_425] : memref<25600x128xi32, #tpu.memory_space<hbm>> -> memref<1x128xi32, #tpu.memory_space<hbm>>
        %dma_start3A_427 = tpu.memref_squeeze %dma_start3A_426 : memref<1x128xi32, #tpu.memory_space<hbm>> -> memref<128xi32, #tpu.memory_space<hbm>>
        tpu.enqueue_dma source(%dma_start3A_427 : memref<128xi32, #tpu.memory_space<hbm>>) target(%arg17 : memref<128xi32, #tpu.memory_space<vmem>>) target_semaphore(%arg33 : memref<!tpu.dma_semaphore, #tpu.memory_space<semaphore_mem>>)
      } else {
      }
      %add3A_276 = arith.constant 6 : i32
      %add3A_277 = arith.addi %add3A_265, %add3A_276 : i32
      %lt3A_278 = arith.constant 800 : i32
      %lt3A_279 = arith.cmpi slt, %add3A_277, %lt3A_278 : i32
      %convert_element_type3A_280 = arith.extui %lt3A_279 : i1 to i32
      %cond3A_281 = arith.constant 0 : i32
      %cond3A_282 = arith.cmpi ne, %convert_element_type3A_280, %cond3A_281 : i32
      scf.if %cond3A_282 {
        %dma_wait3A_410 = arith.constant 0 : i32
        %dma_wait3A_411 = tpu.memref_slice %arg3[%mul3A_17, %dma_wait3A_410] : memref<25600x128xi32, #tpu.memory_space<hbm>> -> memref<1x128xi32, #tpu.memory_space<hbm>>
        %dma_wait3A_412 = tpu.memref_squeeze %dma_wait3A_411 : memref<1x128xi32, #tpu.memory_space<hbm>> -> memref<128xi32, #tpu.memory_space<hbm>>
        %dma_wait3A_413 = arith.constant 0 : i32
        %dma_wait3A_414 = tpu.memref_slice %arg3[%mul3A_17, %dma_wait3A_413] : memref<25600x128xi32, #tpu.memory_space<hbm>> -> memref<1x128xi32, #tpu.memory_space<hbm>>
        %dma_wait3A_415 = tpu.memref_squeeze %dma_wait3A_414 : memref<1x128xi32, #tpu.memory_space<hbm>> -> memref<128xi32, #tpu.memory_space<hbm>>
        tpu.wait_dma2 semaphore(%arg39 : memref<!tpu.dma_semaphore, #tpu.memory_space<semaphore_mem>>) src(%dma_wait3A_415 : memref<128xi32, #tpu.memory_space<hbm>>) dst(%arg15 : memref<128xi32, #tpu.memory_space<vmem>>)
        %dma_wait3A_416 = arith.constant 0 : i32
        %dma_wait3A_417 = tpu.memref_slice %arg3[%mul3A_17, %dma_wait3A_416] : memref<25600x128xi32, #tpu.memory_space<hbm>> -> memref<1x128xi32, #tpu.memory_space<hbm>>
        %dma_wait3A_418 = tpu.memref_squeeze %dma_wait3A_417 : memref<1x128xi32, #tpu.memory_space<hbm>> -> memref<128xi32, #tpu.memory_space<hbm>>
        %dma_wait3A_419 = arith.constant 0 : i32
        %dma_wait3A_420 = tpu.memref_slice %arg3[%mul3A_17, %dma_wait3A_419] : memref<25600x128xi32, #tpu.memory_space<hbm>> -> memref<1x128xi32, #tpu.memory_space<hbm>>
        %dma_wait3A_421 = tpu.memref_squeeze %dma_wait3A_420 : memref<1x128xi32, #tpu.memory_space<hbm>> -> memref<128xi32, #tpu.memory_space<hbm>>
        tpu.wait_dma2 semaphore(%arg39 : memref<!tpu.dma_semaphore, #tpu.memory_space<semaphore_mem>>) src(%dma_wait3A_421 : memref<128xi32, #tpu.memory_space<hbm>>) dst(%arg23 : memref<128xi32, #tpu.memory_space<vmem>>)
        %dma_start3A_422 = arith.constant 0 : i32
        %dma_start3A_423 = arith.constant 0 : i32
        %dma_start3A_424 = tpu.memref_slice %arg2[%dma_start3A_422, %dma_start3A_423] : memref<102400x16xf32, #tpu.memory_space<hbm>> -> memref<102400x16xf32, #tpu.memory_space<hbm>>
        tpu.enqueue_indirect_dma source(%dma_start3A_424 : memref<102400x16xf32, #tpu.memory_space<hbm>>) target(%arg31 : memref<128x16xf32, #tpu.memory_space<vmem>>) offsets(%arg15 : memref<128xi32, #tpu.memory_space<vmem>>) semaphore(%arg47 : memref<!tpu.dma_semaphore, #tpu.memory_space<semaphore_mem>>)
      } else {
      }
      %mul3A_283 = arith.constant 8 : i32
      %mul3A_284 = arith.muli %scan3A_242, %mul3A_283 : i32
      %add3A_285 = arith.constant 2 : i32
      %add3A_286 = arith.addi %mul3A_284, %add3A_285 : i32
      %dma_wait3A_287 = arith.constant 0 : i32
      %dma_wait3A_288 = arith.constant 0 : i32
      %dma_wait3A_289 = tpu.memref_slice %arg2[%dma_wait3A_287, %dma_wait3A_288] : memref<102400x16xf32, #tpu.memory_space<hbm>> -> memref<102400x16xf32, #tpu.memory_space<hbm>>
      tpu.wait_indirect_dma semaphore(%arg42 : memref<!tpu.dma_semaphore, #tpu.memory_space<semaphore_mem>>) src(%dma_wait3A_289 : memref<102400x16xf32, #tpu.memory_space<hbm>>) dst(%arg26 : memref<128x16xf32, #tpu.memory_space<vmem>>)
      "tpu.region"() ({
        %run_scoped3A = tpu.sem_alloc : memref<!tpu.dma_semaphore, #tpu.memory_space<semaphore_mem>>
        %dma_start3A_410 = arith.constant 0 : i32
        %dma_start3A_411 = arith.constant 0 : i32
        %dma_start3A_412 = tpu.memref_slice %arg6[%dma_start3A_410, %dma_start3A_411] : memref<102400x16xf32, #tpu.memory_space<vmem_shared>> -> memref<102400x16xf32, #tpu.memory_space<vmem_shared>>
        tpu.enqueue_indirect_dma source(%arg26 : memref<128x16xf32, #tpu.memory_space<vmem>>) target(%dma_start3A_412 : memref<102400x16xf32, #tpu.memory_space<vmem_shared>>) offsets(%arg18 : memref<128xi32, #tpu.memory_space<vmem>>) semaphore(%run_scoped3A : memref<!tpu.dma_semaphore, #tpu.memory_space<semaphore_mem>>) {add = true}
        %dma_wait3A_413 = arith.constant 0 : i32
        %dma_wait3A_414 = arith.constant 0 : i32
        %dma_wait3A_415 = tpu.memref_slice %arg6[%dma_wait3A_413, %dma_wait3A_414] : memref<102400x16xf32, #tpu.memory_space<vmem_shared>> -> memref<102400x16xf32, #tpu.memory_space<vmem_shared>>
        tpu.wait_indirect_dma semaphore(%run_scoped3A : memref<!tpu.dma_semaphore, #tpu.memory_space<semaphore_mem>>) src(%arg26 : memref<128x16xf32, #tpu.memory_space<vmem>>) dst(%dma_wait3A_415 : memref<102400x16xf32, #tpu.memory_space<vmem_shared>>)
        tpu.yield
      }) : () -> ()
      %add3A_290 = arith.constant 8 : i32
      %add3A_291 = arith.addi %add3A_286, %add3A_290 : i32
      %lt3A_292 = arith.constant 800 : i32
      %lt3A_293 = arith.cmpi slt, %add3A_291, %lt3A_292 : i32
      %convert_element_type3A_294 = arith.extui %lt3A_293 : i1 to i32
      %cond3A_295 = arith.constant 0 : i32
      %cond3A_296 = arith.cmpi ne, %convert_element_type3A_294, %cond3A_295 : i32
      scf.if %cond3A_296 {
        %add3A_410 = arith.addi %mul3A_17, %add3A_286 : i32
        %add3A_411 = arith.constant 8 : i32
        %add3A_412 = arith.addi %add3A_410, %add3A_411 : i32
        %dma_start3A_413 = arith.constant 0 : i32
        %dma_start3A_414 = tpu.memref_slice %arg3[%add3A_412, %dma_start3A_413] : memref<25600x128xi32, #tpu.memory_space<hbm>> -> memref<1x128xi32, #tpu.memory_space<hbm>>
        %dma_start3A_415 = tpu.memref_squeeze %dma_start3A_414 : memref<1x128xi32, #tpu.memory_space<hbm>> -> memref<128xi32, #tpu.memory_space<hbm>>
        %dma_start3A_416 = arith.constant 0 : i32
        %dma_start3A_417 = tpu.memref_slice %arg3[%add3A_412, %dma_start3A_416] : memref<25600x128xi32, #tpu.memory_space<hbm>> -> memref<1x128xi32, #tpu.memory_space<hbm>>
        %dma_start3A_418 = tpu.memref_squeeze %dma_start3A_417 : memref<1x128xi32, #tpu.memory_space<hbm>> -> memref<128xi32, #tpu.memory_space<hbm>>
        tpu.enqueue_dma source(%dma_start3A_418 : memref<128xi32, #tpu.memory_space<hbm>>) target(%arg10 : memref<128xi32, #tpu.memory_space<vmem>>) target_semaphore(%arg34 : memref<!tpu.dma_semaphore, #tpu.memory_space<semaphore_mem>>)
        %add3A_419 = arith.addi %mul3A_17, %add3A_286 : i32
        %add3A_420 = arith.constant 8 : i32
        %add3A_421 = arith.addi %add3A_419, %add3A_420 : i32
        %dma_start3A_422 = arith.constant 0 : i32
        %dma_start3A_423 = tpu.memref_slice %arg4[%add3A_421, %dma_start3A_422] : memref<25600x128xi32, #tpu.memory_space<hbm>> -> memref<1x128xi32, #tpu.memory_space<hbm>>
        %dma_start3A_424 = tpu.memref_squeeze %dma_start3A_423 : memref<1x128xi32, #tpu.memory_space<hbm>> -> memref<128xi32, #tpu.memory_space<hbm>>
        %dma_start3A_425 = arith.constant 0 : i32
        %dma_start3A_426 = tpu.memref_slice %arg4[%add3A_421, %dma_start3A_425] : memref<25600x128xi32, #tpu.memory_space<hbm>> -> memref<1x128xi32, #tpu.memory_space<hbm>>
        %dma_start3A_427 = tpu.memref_squeeze %dma_start3A_426 : memref<1x128xi32, #tpu.memory_space<hbm>> -> memref<128xi32, #tpu.memory_space<hbm>>
        tpu.enqueue_dma source(%dma_start3A_427 : memref<128xi32, #tpu.memory_space<hbm>>) target(%arg18 : memref<128xi32, #tpu.memory_space<vmem>>) target_semaphore(%arg34 : memref<!tpu.dma_semaphore, #tpu.memory_space<semaphore_mem>>)
      } else {
      }
      %add3A_297 = arith.constant 6 : i32
      %add3A_298 = arith.addi %add3A_286, %add3A_297 : i32
      %lt3A_299 = arith.constant 800 : i32
      %lt3A_300 = arith.cmpi slt, %add3A_298, %lt3A_299 : i32
      %convert_element_type3A_301 = arith.extui %lt3A_300 : i1 to i32
      %cond3A_302 = arith.constant 0 : i32
      %cond3A_303 = arith.cmpi ne, %convert_element_type3A_301, %cond3A_302 : i32
      scf.if %cond3A_303 {
        %dma_wait3A_410 = arith.constant 0 : i32
        %dma_wait3A_411 = tpu.memref_slice %arg3[%mul3A_17, %dma_wait3A_410] : memref<25600x128xi32, #tpu.memory_space<hbm>> -> memref<1x128xi32, #tpu.memory_space<hbm>>
        %dma_wait3A_412 = tpu.memref_squeeze %dma_wait3A_411 : memref<1x128xi32, #tpu.memory_space<hbm>> -> memref<128xi32, #tpu.memory_space<hbm>>
        %dma_wait3A_413 = arith.constant 0 : i32
        %dma_wait3A_414 = tpu.memref_slice %arg3[%mul3A_17, %dma_wait3A_413] : memref<25600x128xi32, #tpu.memory_space<hbm>> -> memref<1x128xi32, #tpu.memory_space<hbm>>
        %dma_wait3A_415 = tpu.memref_squeeze %dma_wait3A_414 : memref<1x128xi32, #tpu.memory_space<hbm>> -> memref<128xi32, #tpu.memory_space<hbm>>
        tpu.wait_dma2 semaphore(%arg32 : memref<!tpu.dma_semaphore, #tpu.memory_space<semaphore_mem>>) src(%dma_wait3A_415 : memref<128xi32, #tpu.memory_space<hbm>>) dst(%arg8 : memref<128xi32, #tpu.memory_space<vmem>>)
        %dma_wait3A_416 = arith.constant 0 : i32
        %dma_wait3A_417 = tpu.memref_slice %arg3[%mul3A_17, %dma_wait3A_416] : memref<25600x128xi32, #tpu.memory_space<hbm>> -> memref<1x128xi32, #tpu.memory_space<hbm>>
        %dma_wait3A_418 = tpu.memref_squeeze %dma_wait3A_417 : memref<1x128xi32, #tpu.memory_space<hbm>> -> memref<128xi32, #tpu.memory_space<hbm>>
        %dma_wait3A_419 = arith.constant 0 : i32
        %dma_wait3A_420 = tpu.memref_slice %arg3[%mul3A_17, %dma_wait3A_419] : memref<25600x128xi32, #tpu.memory_space<hbm>> -> memref<1x128xi32, #tpu.memory_space<hbm>>
        %dma_wait3A_421 = tpu.memref_squeeze %dma_wait3A_420 : memref<1x128xi32, #tpu.memory_space<hbm>> -> memref<128xi32, #tpu.memory_space<hbm>>
        tpu.wait_dma2 semaphore(%arg32 : memref<!tpu.dma_semaphore, #tpu.memory_space<semaphore_mem>>) src(%dma_wait3A_421 : memref<128xi32, #tpu.memory_space<hbm>>) dst(%arg16 : memref<128xi32, #tpu.memory_space<vmem>>)
        %dma_start3A_422 = arith.constant 0 : i32
        %dma_start3A_423 = arith.constant 0 : i32
        %dma_start3A_424 = tpu.memref_slice %arg2[%dma_start3A_422, %dma_start3A_423] : memref<102400x16xf32, #tpu.memory_space<hbm>> -> memref<102400x16xf32, #tpu.memory_space<hbm>>
        tpu.enqueue_indirect_dma source(%dma_start3A_424 : memref<102400x16xf32, #tpu.memory_space<hbm>>) target(%arg24 : memref<128x16xf32, #tpu.memory_space<vmem>>) offsets(%arg8 : memref<128xi32, #tpu.memory_space<vmem>>) semaphore(%arg40 : memref<!tpu.dma_semaphore, #tpu.memory_space<semaphore_mem>>)
      } else {
      }
      %mul3A_304 = arith.constant 8 : i32
      %mul3A_305 = arith.muli %scan3A_242, %mul3A_304 : i32
      %add3A_306 = arith.constant 3 : i32
      %add3A_307 = arith.addi %mul3A_305, %add3A_306 : i32
      %dma_wait3A_308 = arith.constant 0 : i32
      %dma_wait3A_309 = arith.constant 0 : i32
      %dma_wait3A_310 = tpu.memref_slice %arg2[%dma_wait3A_308, %dma_wait3A_309] : memref<102400x16xf32, #tpu.memory_space<hbm>> -> memref<102400x16xf32, #tpu.memory_space<hbm>>
      tpu.wait_indirect_dma semaphore(%arg43 : memref<!tpu.dma_semaphore, #tpu.memory_space<semaphore_mem>>) src(%dma_wait3A_310 : memref<102400x16xf32, #tpu.memory_space<hbm>>) dst(%arg27 : memref<128x16xf32, #tpu.memory_space<vmem>>)
      "tpu.region"() ({
        %run_scoped3A = tpu.sem_alloc : memref<!tpu.dma_semaphore, #tpu.memory_space<semaphore_mem>>
        %dma_start3A_410 = arith.constant 0 : i32
        %dma_start3A_411 = arith.constant 0 : i32
        %dma_start3A_412 = tpu.memref_slice %arg6[%dma_start3A_410, %dma_start3A_411] : memref<102400x16xf32, #tpu.memory_space<vmem_shared>> -> memref<102400x16xf32, #tpu.memory_space<vmem_shared>>
        tpu.enqueue_indirect_dma source(%arg27 : memref<128x16xf32, #tpu.memory_space<vmem>>) target(%dma_start3A_412 : memref<102400x16xf32, #tpu.memory_space<vmem_shared>>) offsets(%arg19 : memref<128xi32, #tpu.memory_space<vmem>>) semaphore(%run_scoped3A : memref<!tpu.dma_semaphore, #tpu.memory_space<semaphore_mem>>) {add = true}
        %dma_wait3A_413 = arith.constant 0 : i32
        %dma_wait3A_414 = arith.constant 0 : i32
        %dma_wait3A_415 = tpu.memref_slice %arg6[%dma_wait3A_413, %dma_wait3A_414] : memref<102400x16xf32, #tpu.memory_space<vmem_shared>> -> memref<102400x16xf32, #tpu.memory_space<vmem_shared>>
        tpu.wait_indirect_dma semaphore(%run_scoped3A : memref<!tpu.dma_semaphore, #tpu.memory_space<semaphore_mem>>) src(%arg27 : memref<128x16xf32, #tpu.memory_space<vmem>>) dst(%dma_wait3A_415 : memref<102400x16xf32, #tpu.memory_space<vmem_shared>>)
        tpu.yield
      }) : () -> ()
      %add3A_311 = arith.constant 8 : i32
      %add3A_312 = arith.addi %add3A_307, %add3A_311 : i32
      %lt3A_313 = arith.constant 800 : i32
      %lt3A_314 = arith.cmpi slt, %add3A_312, %lt3A_313 : i32
      %convert_element_type3A_315 = arith.extui %lt3A_314 : i1 to i32
      %cond3A_316 = arith.constant 0 : i32
      %cond3A_317 = arith.cmpi ne, %convert_element_type3A_315, %cond3A_316 : i32
      scf.if %cond3A_317 {
        %add3A_410 = arith.addi %mul3A_17, %add3A_307 : i32
        %add3A_411 = arith.constant 8 : i32
        %add3A_412 = arith.addi %add3A_410, %add3A_411 : i32
        %dma_start3A_413 = arith.constant 0 : i32
        %dma_start3A_414 = tpu.memref_slice %arg3[%add3A_412, %dma_start3A_413] : memref<25600x128xi32, #tpu.memory_space<hbm>> -> memref<1x128xi32, #tpu.memory_space<hbm>>
        %dma_start3A_415 = tpu.memref_squeeze %dma_start3A_414 : memref<1x128xi32, #tpu.memory_space<hbm>> -> memref<128xi32, #tpu.memory_space<hbm>>
        %dma_start3A_416 = arith.constant 0 : i32
        %dma_start3A_417 = tpu.memref_slice %arg3[%add3A_412, %dma_start3A_416] : memref<25600x128xi32, #tpu.memory_space<hbm>> -> memref<1x128xi32, #tpu.memory_space<hbm>>
        %dma_start3A_418 = tpu.memref_squeeze %dma_start3A_417 : memref<1x128xi32, #tpu.memory_space<hbm>> -> memref<128xi32, #tpu.memory_space<hbm>>
        tpu.enqueue_dma source(%dma_start3A_418 : memref<128xi32, #tpu.memory_space<hbm>>) target(%arg11 : memref<128xi32, #tpu.memory_space<vmem>>) target_semaphore(%arg35 : memref<!tpu.dma_semaphore, #tpu.memory_space<semaphore_mem>>)
        %add3A_419 = arith.addi %mul3A_17, %add3A_307 : i32
        %add3A_420 = arith.constant 8 : i32
        %add3A_421 = arith.addi %add3A_419, %add3A_420 : i32
        %dma_start3A_422 = arith.constant 0 : i32
        %dma_start3A_423 = tpu.memref_slice %arg4[%add3A_421, %dma_start3A_422] : memref<25600x128xi32, #tpu.memory_space<hbm>> -> memref<1x128xi32, #tpu.memory_space<hbm>>
        %dma_start3A_424 = tpu.memref_squeeze %dma_start3A_423 : memref<1x128xi32, #tpu.memory_space<hbm>> -> memref<128xi32, #tpu.memory_space<hbm>>
        %dma_start3A_425 = arith.constant 0 : i32
        %dma_start3A_426 = tpu.memref_slice %arg4[%add3A_421, %dma_start3A_425] : memref<25600x128xi32, #tpu.memory_space<hbm>> -> memref<1x128xi32, #tpu.memory_space<hbm>>
        %dma_start3A_427 = tpu.memref_squeeze %dma_start3A_426 : memref<1x128xi32, #tpu.memory_space<hbm>> -> memref<128xi32, #tpu.memory_space<hbm>>
        tpu.enqueue_dma source(%dma_start3A_427 : memref<128xi32, #tpu.memory_space<hbm>>) target(%arg19 : memref<128xi32, #tpu.memory_space<vmem>>) target_semaphore(%arg35 : memref<!tpu.dma_semaphore, #tpu.memory_space<semaphore_mem>>)
      } else {
      }
      %add3A_318 = arith.constant 6 : i32
      %add3A_319 = arith.addi %add3A_307, %add3A_318 : i32
      %lt3A_320 = arith.constant 800 : i32
      %lt3A_321 = arith.cmpi slt, %add3A_319, %lt3A_320 : i32
      %convert_element_type3A_322 = arith.extui %lt3A_321 : i1 to i32
      %cond3A_323 = arith.constant 0 : i32
      %cond3A_324 = arith.cmpi ne, %convert_element_type3A_322, %cond3A_323 : i32
      scf.if %cond3A_324 {
        %dma_wait3A_410 = arith.constant 0 : i32
        %dma_wait3A_411 = tpu.memref_slice %arg3[%mul3A_17, %dma_wait3A_410] : memref<25600x128xi32, #tpu.memory_space<hbm>> -> memref<1x128xi32, #tpu.memory_space<hbm>>
        %dma_wait3A_412 = tpu.memref_squeeze %dma_wait3A_411 : memref<1x128xi32, #tpu.memory_space<hbm>> -> memref<128xi32, #tpu.memory_space<hbm>>
        %dma_wait3A_413 = arith.constant 0 : i32
        %dma_wait3A_414 = tpu.memref_slice %arg3[%mul3A_17, %dma_wait3A_413] : memref<25600x128xi32, #tpu.memory_space<hbm>> -> memref<1x128xi32, #tpu.memory_space<hbm>>
        %dma_wait3A_415 = tpu.memref_squeeze %dma_wait3A_414 : memref<1x128xi32, #tpu.memory_space<hbm>> -> memref<128xi32, #tpu.memory_space<hbm>>
        tpu.wait_dma2 semaphore(%arg33 : memref<!tpu.dma_semaphore, #tpu.memory_space<semaphore_mem>>) src(%dma_wait3A_415 : memref<128xi32, #tpu.memory_space<hbm>>) dst(%arg9 : memref<128xi32, #tpu.memory_space<vmem>>)
        %dma_wait3A_416 = arith.constant 0 : i32
        %dma_wait3A_417 = tpu.memref_slice %arg3[%mul3A_17, %dma_wait3A_416] : memref<25600x128xi32, #tpu.memory_space<hbm>> -> memref<1x128xi32, #tpu.memory_space<hbm>>
        %dma_wait3A_418 = tpu.memref_squeeze %dma_wait3A_417 : memref<1x128xi32, #tpu.memory_space<hbm>> -> memref<128xi32, #tpu.memory_space<hbm>>
        %dma_wait3A_419 = arith.constant 0 : i32
        %dma_wait3A_420 = tpu.memref_slice %arg3[%mul3A_17, %dma_wait3A_419] : memref<25600x128xi32, #tpu.memory_space<hbm>> -> memref<1x128xi32, #tpu.memory_space<hbm>>
        %dma_wait3A_421 = tpu.memref_squeeze %dma_wait3A_420 : memref<1x128xi32, #tpu.memory_space<hbm>> -> memref<128xi32, #tpu.memory_space<hbm>>
        tpu.wait_dma2 semaphore(%arg33 : memref<!tpu.dma_semaphore, #tpu.memory_space<semaphore_mem>>) src(%dma_wait3A_421 : memref<128xi32, #tpu.memory_space<hbm>>) dst(%arg17 : memref<128xi32, #tpu.memory_space<vmem>>)
        %dma_start3A_422 = arith.constant 0 : i32
        %dma_start3A_423 = arith.constant 0 : i32
        %dma_start3A_424 = tpu.memref_slice %arg2[%dma_start3A_422, %dma_start3A_423] : memref<102400x16xf32, #tpu.memory_space<hbm>> -> memref<102400x16xf32, #tpu.memory_space<hbm>>
        tpu.enqueue_indirect_dma source(%dma_start3A_424 : memref<102400x16xf32, #tpu.memory_space<hbm>>) target(%arg25 : memref<128x16xf32, #tpu.memory_space<vmem>>) offsets(%arg9 : memref<128xi32, #tpu.memory_space<vmem>>) semaphore(%arg41 : memref<!tpu.dma_semaphore, #tpu.memory_space<semaphore_mem>>)
      } else {
      }
      %mul3A_325 = arith.constant 8 : i32
      %mul3A_326 = arith.muli %scan3A_242, %mul3A_325 : i32
      %add3A_327 = arith.constant 4 : i32
      %add3A_328 = arith.addi %mul3A_326, %add3A_327 : i32
      %dma_wait3A_329 = arith.constant 0 : i32
      %dma_wait3A_330 = arith.constant 0 : i32
      %dma_wait3A_331 = tpu.memref_slice %arg2[%dma_wait3A_329, %dma_wait3A_330] : memref<102400x16xf32, #tpu.memory_space<hbm>> -> memref<102400x16xf32, #tpu.memory_space<hbm>>
      tpu.wait_indirect_dma semaphore(%arg44 : memref<!tpu.dma_semaphore, #tpu.memory_space<semaphore_mem>>) src(%dma_wait3A_331 : memref<102400x16xf32, #tpu.memory_space<hbm>>) dst(%arg28 : memref<128x16xf32, #tpu.memory_space<vmem>>)
      "tpu.region"() ({
        %run_scoped3A = tpu.sem_alloc : memref<!tpu.dma_semaphore, #tpu.memory_space<semaphore_mem>>
        %dma_start3A_410 = arith.constant 0 : i32
        %dma_start3A_411 = arith.constant 0 : i32
        %dma_start3A_412 = tpu.memref_slice %arg6[%dma_start3A_410, %dma_start3A_411] : memref<102400x16xf32, #tpu.memory_space<vmem_shared>> -> memref<102400x16xf32, #tpu.memory_space<vmem_shared>>
        tpu.enqueue_indirect_dma source(%arg28 : memref<128x16xf32, #tpu.memory_space<vmem>>) target(%dma_start3A_412 : memref<102400x16xf32, #tpu.memory_space<vmem_shared>>) offsets(%arg20 : memref<128xi32, #tpu.memory_space<vmem>>) semaphore(%run_scoped3A : memref<!tpu.dma_semaphore, #tpu.memory_space<semaphore_mem>>) {add = true}
        %dma_wait3A_413 = arith.constant 0 : i32
        %dma_wait3A_414 = arith.constant 0 : i32
        %dma_wait3A_415 = tpu.memref_slice %arg6[%dma_wait3A_413, %dma_wait3A_414] : memref<102400x16xf32, #tpu.memory_space<vmem_shared>> -> memref<102400x16xf32, #tpu.memory_space<vmem_shared>>
        tpu.wait_indirect_dma semaphore(%run_scoped3A : memref<!tpu.dma_semaphore, #tpu.memory_space<semaphore_mem>>) src(%arg28 : memref<128x16xf32, #tpu.memory_space<vmem>>) dst(%dma_wait3A_415 : memref<102400x16xf32, #tpu.memory_space<vmem_shared>>)
        tpu.yield
      }) : () -> ()
      %add3A_332 = arith.constant 8 : i32
      %add3A_333 = arith.addi %add3A_328, %add3A_332 : i32
      %lt3A_334 = arith.constant 800 : i32
      %lt3A_335 = arith.cmpi slt, %add3A_333, %lt3A_334 : i32
      %convert_element_type3A_336 = arith.extui %lt3A_335 : i1 to i32
      %cond3A_337 = arith.constant 0 : i32
      %cond3A_338 = arith.cmpi ne, %convert_element_type3A_336, %cond3A_337 : i32
      scf.if %cond3A_338 {
        %add3A_410 = arith.addi %mul3A_17, %add3A_328 : i32
        %add3A_411 = arith.constant 8 : i32
        %add3A_412 = arith.addi %add3A_410, %add3A_411 : i32
        %dma_start3A_413 = arith.constant 0 : i32
        %dma_start3A_414 = tpu.memref_slice %arg3[%add3A_412, %dma_start3A_413] : memref<25600x128xi32, #tpu.memory_space<hbm>> -> memref<1x128xi32, #tpu.memory_space<hbm>>
        %dma_start3A_415 = tpu.memref_squeeze %dma_start3A_414 : memref<1x128xi32, #tpu.memory_space<hbm>> -> memref<128xi32, #tpu.memory_space<hbm>>
        %dma_start3A_416 = arith.constant 0 : i32
        %dma_start3A_417 = tpu.memref_slice %arg3[%add3A_412, %dma_start3A_416] : memref<25600x128xi32, #tpu.memory_space<hbm>> -> memref<1x128xi32, #tpu.memory_space<hbm>>
        %dma_start3A_418 = tpu.memref_squeeze %dma_start3A_417 : memref<1x128xi32, #tpu.memory_space<hbm>> -> memref<128xi32, #tpu.memory_space<hbm>>
        tpu.enqueue_dma source(%dma_start3A_418 : memref<128xi32, #tpu.memory_space<hbm>>) target(%arg12 : memref<128xi32, #tpu.memory_space<vmem>>) target_semaphore(%arg36 : memref<!tpu.dma_semaphore, #tpu.memory_space<semaphore_mem>>)
        %add3A_419 = arith.addi %mul3A_17, %add3A_328 : i32
        %add3A_420 = arith.constant 8 : i32
        %add3A_421 = arith.addi %add3A_419, %add3A_420 : i32
        %dma_start3A_422 = arith.constant 0 : i32
        %dma_start3A_423 = tpu.memref_slice %arg4[%add3A_421, %dma_start3A_422] : memref<25600x128xi32, #tpu.memory_space<hbm>> -> memref<1x128xi32, #tpu.memory_space<hbm>>
        %dma_start3A_424 = tpu.memref_squeeze %dma_start3A_423 : memref<1x128xi32, #tpu.memory_space<hbm>> -> memref<128xi32, #tpu.memory_space<hbm>>
        %dma_start3A_425 = arith.constant 0 : i32
        %dma_start3A_426 = tpu.memref_slice %arg4[%add3A_421, %dma_start3A_425] : memref<25600x128xi32, #tpu.memory_space<hbm>> -> memref<1x128xi32, #tpu.memory_space<hbm>>
        %dma_start3A_427 = tpu.memref_squeeze %dma_start3A_426 : memref<1x128xi32, #tpu.memory_space<hbm>> -> memref<128xi32, #tpu.memory_space<hbm>>
        tpu.enqueue_dma source(%dma_start3A_427 : memref<128xi32, #tpu.memory_space<hbm>>) target(%arg20 : memref<128xi32, #tpu.memory_space<vmem>>) target_semaphore(%arg36 : memref<!tpu.dma_semaphore, #tpu.memory_space<semaphore_mem>>)
      } else {
      }
      %add3A_339 = arith.constant 6 : i32
      %add3A_340 = arith.addi %add3A_328, %add3A_339 : i32
      %lt3A_341 = arith.constant 800 : i32
      %lt3A_342 = arith.cmpi slt, %add3A_340, %lt3A_341 : i32
      %convert_element_type3A_343 = arith.extui %lt3A_342 : i1 to i32
      %cond3A_344 = arith.constant 0 : i32
      %cond3A_345 = arith.cmpi ne, %convert_element_type3A_343, %cond3A_344 : i32
      scf.if %cond3A_345 {
        %dma_wait3A_410 = arith.constant 0 : i32
        %dma_wait3A_411 = tpu.memref_slice %arg3[%mul3A_17, %dma_wait3A_410] : memref<25600x128xi32, #tpu.memory_space<hbm>> -> memref<1x128xi32, #tpu.memory_space<hbm>>
        %dma_wait3A_412 = tpu.memref_squeeze %dma_wait3A_411 : memref<1x128xi32, #tpu.memory_space<hbm>> -> memref<128xi32, #tpu.memory_space<hbm>>
        %dma_wait3A_413 = arith.constant 0 : i32
        %dma_wait3A_414 = tpu.memref_slice %arg3[%mul3A_17, %dma_wait3A_413] : memref<25600x128xi32, #tpu.memory_space<hbm>> -> memref<1x128xi32, #tpu.memory_space<hbm>>
        %dma_wait3A_415 = tpu.memref_squeeze %dma_wait3A_414 : memref<1x128xi32, #tpu.memory_space<hbm>> -> memref<128xi32, #tpu.memory_space<hbm>>
        tpu.wait_dma2 semaphore(%arg34 : memref<!tpu.dma_semaphore, #tpu.memory_space<semaphore_mem>>) src(%dma_wait3A_415 : memref<128xi32, #tpu.memory_space<hbm>>) dst(%arg10 : memref<128xi32, #tpu.memory_space<vmem>>)
        %dma_wait3A_416 = arith.constant 0 : i32
        %dma_wait3A_417 = tpu.memref_slice %arg3[%mul3A_17, %dma_wait3A_416] : memref<25600x128xi32, #tpu.memory_space<hbm>> -> memref<1x128xi32, #tpu.memory_space<hbm>>
        %dma_wait3A_418 = tpu.memref_squeeze %dma_wait3A_417 : memref<1x128xi32, #tpu.memory_space<hbm>> -> memref<128xi32, #tpu.memory_space<hbm>>
        %dma_wait3A_419 = arith.constant 0 : i32
        %dma_wait3A_420 = tpu.memref_slice %arg3[%mul3A_17, %dma_wait3A_419] : memref<25600x128xi32, #tpu.memory_space<hbm>> -> memref<1x128xi32, #tpu.memory_space<hbm>>
        %dma_wait3A_421 = tpu.memref_squeeze %dma_wait3A_420 : memref<1x128xi32, #tpu.memory_space<hbm>> -> memref<128xi32, #tpu.memory_space<hbm>>
        tpu.wait_dma2 semaphore(%arg34 : memref<!tpu.dma_semaphore, #tpu.memory_space<semaphore_mem>>) src(%dma_wait3A_421 : memref<128xi32, #tpu.memory_space<hbm>>) dst(%arg18 : memref<128xi32, #tpu.memory_space<vmem>>)
        %dma_start3A_422 = arith.constant 0 : i32
        %dma_start3A_423 = arith.constant 0 : i32
        %dma_start3A_424 = tpu.memref_slice %arg2[%dma_start3A_422, %dma_start3A_423] : memref<102400x16xf32, #tpu.memory_space<hbm>> -> memref<102400x16xf32, #tpu.memory_space<hbm>>
        tpu.enqueue_indirect_dma source(%dma_start3A_424 : memref<102400x16xf32, #tpu.memory_space<hbm>>) target(%arg26 : memref<128x16xf32, #tpu.memory_space<vmem>>) offsets(%arg10 : memref<128xi32, #tpu.memory_space<vmem>>) semaphore(%arg42 : memref<!tpu.dma_semaphore, #tpu.memory_space<semaphore_mem>>)
      } else {
      }
      %mul3A_346 = arith.constant 8 : i32
      %mul3A_347 = arith.muli %scan3A_242, %mul3A_346 : i32
      %add3A_348 = arith.constant 5 : i32
      %add3A_349 = arith.addi %mul3A_347, %add3A_348 : i32
      %dma_wait3A_350 = arith.constant 0 : i32
      %dma_wait3A_351 = arith.constant 0 : i32
      %dma_wait3A_352 = tpu.memref_slice %arg2[%dma_wait3A_350, %dma_wait3A_351] : memref<102400x16xf32, #tpu.memory_space<hbm>> -> memref<102400x16xf32, #tpu.memory_space<hbm>>
      tpu.wait_indirect_dma semaphore(%arg45 : memref<!tpu.dma_semaphore, #tpu.memory_space<semaphore_mem>>) src(%dma_wait3A_352 : memref<102400x16xf32, #tpu.memory_space<hbm>>) dst(%arg29 : memref<128x16xf32, #tpu.memory_space<vmem>>)
      "tpu.region"() ({
        %run_scoped3A = tpu.sem_alloc : memref<!tpu.dma_semaphore, #tpu.memory_space<semaphore_mem>>
        %dma_start3A_410 = arith.constant 0 : i32
        %dma_start3A_411 = arith.constant 0 : i32
        %dma_start3A_412 = tpu.memref_slice %arg6[%dma_start3A_410, %dma_start3A_411] : memref<102400x16xf32, #tpu.memory_space<vmem_shared>> -> memref<102400x16xf32, #tpu.memory_space<vmem_shared>>
        tpu.enqueue_indirect_dma source(%arg29 : memref<128x16xf32, #tpu.memory_space<vmem>>) target(%dma_start3A_412 : memref<102400x16xf32, #tpu.memory_space<vmem_shared>>) offsets(%arg21 : memref<128xi32, #tpu.memory_space<vmem>>) semaphore(%run_scoped3A : memref<!tpu.dma_semaphore, #tpu.memory_space<semaphore_mem>>) {add = true}
        %dma_wait3A_413 = arith.constant 0 : i32
        %dma_wait3A_414 = arith.constant 0 : i32
        %dma_wait3A_415 = tpu.memref_slice %arg6[%dma_wait3A_413, %dma_wait3A_414] : memref<102400x16xf32, #tpu.memory_space<vmem_shared>> -> memref<102400x16xf32, #tpu.memory_space<vmem_shared>>
        tpu.wait_indirect_dma semaphore(%run_scoped3A : memref<!tpu.dma_semaphore, #tpu.memory_space<semaphore_mem>>) src(%arg29 : memref<128x16xf32, #tpu.memory_space<vmem>>) dst(%dma_wait3A_415 : memref<102400x16xf32, #tpu.memory_space<vmem_shared>>)
        tpu.yield
      }) : () -> ()
      %add3A_353 = arith.constant 8 : i32
      %add3A_354 = arith.addi %add3A_349, %add3A_353 : i32
      %lt3A_355 = arith.constant 800 : i32
      %lt3A_356 = arith.cmpi slt, %add3A_354, %lt3A_355 : i32
      %convert_element_type3A_357 = arith.extui %lt3A_356 : i1 to i32
      %cond3A_358 = arith.constant 0 : i32
      %cond3A_359 = arith.cmpi ne, %convert_element_type3A_357, %cond3A_358 : i32
      scf.if %cond3A_359 {
        %add3A_410 = arith.addi %mul3A_17, %add3A_349 : i32
        %add3A_411 = arith.constant 8 : i32
        %add3A_412 = arith.addi %add3A_410, %add3A_411 : i32
        %dma_start3A_413 = arith.constant 0 : i32
        %dma_start3A_414 = tpu.memref_slice %arg3[%add3A_412, %dma_start3A_413] : memref<25600x128xi32, #tpu.memory_space<hbm>> -> memref<1x128xi32, #tpu.memory_space<hbm>>
        %dma_start3A_415 = tpu.memref_squeeze %dma_start3A_414 : memref<1x128xi32, #tpu.memory_space<hbm>> -> memref<128xi32, #tpu.memory_space<hbm>>
        %dma_start3A_416 = arith.constant 0 : i32
        %dma_start3A_417 = tpu.memref_slice %arg3[%add3A_412, %dma_start3A_416] : memref<25600x128xi32, #tpu.memory_space<hbm>> -> memref<1x128xi32, #tpu.memory_space<hbm>>
        %dma_start3A_418 = tpu.memref_squeeze %dma_start3A_417 : memref<1x128xi32, #tpu.memory_space<hbm>> -> memref<128xi32, #tpu.memory_space<hbm>>
        tpu.enqueue_dma source(%dma_start3A_418 : memref<128xi32, #tpu.memory_space<hbm>>) target(%arg13 : memref<128xi32, #tpu.memory_space<vmem>>) target_semaphore(%arg37 : memref<!tpu.dma_semaphore, #tpu.memory_space<semaphore_mem>>)
        %add3A_419 = arith.addi %mul3A_17, %add3A_349 : i32
        %add3A_420 = arith.constant 8 : i32
        %add3A_421 = arith.addi %add3A_419, %add3A_420 : i32
        %dma_start3A_422 = arith.constant 0 : i32
        %dma_start3A_423 = tpu.memref_slice %arg4[%add3A_421, %dma_start3A_422] : memref<25600x128xi32, #tpu.memory_space<hbm>> -> memref<1x128xi32, #tpu.memory_space<hbm>>
        %dma_start3A_424 = tpu.memref_squeeze %dma_start3A_423 : memref<1x128xi32, #tpu.memory_space<hbm>> -> memref<128xi32, #tpu.memory_space<hbm>>
        %dma_start3A_425 = arith.constant 0 : i32
        %dma_start3A_426 = tpu.memref_slice %arg4[%add3A_421, %dma_start3A_425] : memref<25600x128xi32, #tpu.memory_space<hbm>> -> memref<1x128xi32, #tpu.memory_space<hbm>>
        %dma_start3A_427 = tpu.memref_squeeze %dma_start3A_426 : memref<1x128xi32, #tpu.memory_space<hbm>> -> memref<128xi32, #tpu.memory_space<hbm>>
        tpu.enqueue_dma source(%dma_start3A_427 : memref<128xi32, #tpu.memory_space<hbm>>) target(%arg21 : memref<128xi32, #tpu.memory_space<vmem>>) target_semaphore(%arg37 : memref<!tpu.dma_semaphore, #tpu.memory_space<semaphore_mem>>)
      } else {
      }
      %add3A_360 = arith.constant 6 : i32
      %add3A_361 = arith.addi %add3A_349, %add3A_360 : i32
      %lt3A_362 = arith.constant 800 : i32
      %lt3A_363 = arith.cmpi slt, %add3A_361, %lt3A_362 : i32
      %convert_element_type3A_364 = arith.extui %lt3A_363 : i1 to i32
      %cond3A_365 = arith.constant 0 : i32
      %cond3A_366 = arith.cmpi ne, %convert_element_type3A_364, %cond3A_365 : i32
      scf.if %cond3A_366 {
        %dma_wait3A_410 = arith.constant 0 : i32
        %dma_wait3A_411 = tpu.memref_slice %arg3[%mul3A_17, %dma_wait3A_410] : memref<25600x128xi32, #tpu.memory_space<hbm>> -> memref<1x128xi32, #tpu.memory_space<hbm>>
        %dma_wait3A_412 = tpu.memref_squeeze %dma_wait3A_411 : memref<1x128xi32, #tpu.memory_space<hbm>> -> memref<128xi32, #tpu.memory_space<hbm>>
        %dma_wait3A_413 = arith.constant 0 : i32
        %dma_wait3A_414 = tpu.memref_slice %arg3[%mul3A_17, %dma_wait3A_413] : memref<25600x128xi32, #tpu.memory_space<hbm>> -> memref<1x128xi32, #tpu.memory_space<hbm>>
        %dma_wait3A_415 = tpu.memref_squeeze %dma_wait3A_414 : memref<1x128xi32, #tpu.memory_space<hbm>> -> memref<128xi32, #tpu.memory_space<hbm>>
        tpu.wait_dma2 semaphore(%arg35 : memref<!tpu.dma_semaphore, #tpu.memory_space<semaphore_mem>>) src(%dma_wait3A_415 : memref<128xi32, #tpu.memory_space<hbm>>) dst(%arg11 : memref<128xi32, #tpu.memory_space<vmem>>)
        %dma_wait3A_416 = arith.constant 0 : i32
        %dma_wait3A_417 = tpu.memref_slice %arg3[%mul3A_17, %dma_wait3A_416] : memref<25600x128xi32, #tpu.memory_space<hbm>> -> memref<1x128xi32, #tpu.memory_space<hbm>>
        %dma_wait3A_418 = tpu.memref_squeeze %dma_wait3A_417 : memref<1x128xi32, #tpu.memory_space<hbm>> -> memref<128xi32, #tpu.memory_space<hbm>>
        %dma_wait3A_419 = arith.constant 0 : i32
        %dma_wait3A_420 = tpu.memref_slice %arg3[%mul3A_17, %dma_wait3A_419] : memref<25600x128xi32, #tpu.memory_space<hbm>> -> memref<1x128xi32, #tpu.memory_space<hbm>>
        %dma_wait3A_421 = tpu.memref_squeeze %dma_wait3A_420 : memref<1x128xi32, #tpu.memory_space<hbm>> -> memref<128xi32, #tpu.memory_space<hbm>>
        tpu.wait_dma2 semaphore(%arg35 : memref<!tpu.dma_semaphore, #tpu.memory_space<semaphore_mem>>) src(%dma_wait3A_421 : memref<128xi32, #tpu.memory_space<hbm>>) dst(%arg19 : memref<128xi32, #tpu.memory_space<vmem>>)
        %dma_start3A_422 = arith.constant 0 : i32
        %dma_start3A_423 = arith.constant 0 : i32
        %dma_start3A_424 = tpu.memref_slice %arg2[%dma_start3A_422, %dma_start3A_423] : memref<102400x16xf32, #tpu.memory_space<hbm>> -> memref<102400x16xf32, #tpu.memory_space<hbm>>
        tpu.enqueue_indirect_dma source(%dma_start3A_424 : memref<102400x16xf32, #tpu.memory_space<hbm>>) target(%arg27 : memref<128x16xf32, #tpu.memory_space<vmem>>) offsets(%arg11 : memref<128xi32, #tpu.memory_space<vmem>>) semaphore(%arg43 : memref<!tpu.dma_semaphore, #tpu.memory_space<semaphore_mem>>)
      } else {
      }
      %mul3A_367 = arith.constant 8 : i32
      %mul3A_368 = arith.muli %scan3A_242, %mul3A_367 : i32
      %add3A_369 = arith.constant 6 : i32
      %add3A_370 = arith.addi %mul3A_368, %add3A_369 : i32
      %dma_wait3A_371 = arith.constant 0 : i32
      %dma_wait3A_372 = arith.constant 0 : i32
      %dma_wait3A_373 = tpu.memref_slice %arg2[%dma_wait3A_371, %dma_wait3A_372] : memref<102400x16xf32, #tpu.memory_space<hbm>> -> memref<102400x16xf32, #tpu.memory_space<hbm>>
      tpu.wait_indirect_dma semaphore(%arg46 : memref<!tpu.dma_semaphore, #tpu.memory_space<semaphore_mem>>) src(%dma_wait3A_373 : memref<102400x16xf32, #tpu.memory_space<hbm>>) dst(%arg30 : memref<128x16xf32, #tpu.memory_space<vmem>>)
      "tpu.region"() ({
        %run_scoped3A = tpu.sem_alloc : memref<!tpu.dma_semaphore, #tpu.memory_space<semaphore_mem>>
        %dma_start3A_410 = arith.constant 0 : i32
        %dma_start3A_411 = arith.constant 0 : i32
        %dma_start3A_412 = tpu.memref_slice %arg6[%dma_start3A_410, %dma_start3A_411] : memref<102400x16xf32, #tpu.memory_space<vmem_shared>> -> memref<102400x16xf32, #tpu.memory_space<vmem_shared>>
        tpu.enqueue_indirect_dma source(%arg30 : memref<128x16xf32, #tpu.memory_space<vmem>>) target(%dma_start3A_412 : memref<102400x16xf32, #tpu.memory_space<vmem_shared>>) offsets(%arg22 : memref<128xi32, #tpu.memory_space<vmem>>) semaphore(%run_scoped3A : memref<!tpu.dma_semaphore, #tpu.memory_space<semaphore_mem>>) {add = true}
        %dma_wait3A_413 = arith.constant 0 : i32
        %dma_wait3A_414 = arith.constant 0 : i32
        %dma_wait3A_415 = tpu.memref_slice %arg6[%dma_wait3A_413, %dma_wait3A_414] : memref<102400x16xf32, #tpu.memory_space<vmem_shared>> -> memref<102400x16xf32, #tpu.memory_space<vmem_shared>>
        tpu.wait_indirect_dma semaphore(%run_scoped3A : memref<!tpu.dma_semaphore, #tpu.memory_space<semaphore_mem>>) src(%arg30 : memref<128x16xf32, #tpu.memory_space<vmem>>) dst(%dma_wait3A_415 : memref<102400x16xf32, #tpu.memory_space<vmem_shared>>)
        tpu.yield
      }) : () -> ()
      %add3A_374 = arith.constant 8 : i32
      %add3A_375 = arith.addi %add3A_370, %add3A_374 : i32
      %lt3A_376 = arith.constant 800 : i32
      %lt3A_377 = arith.cmpi slt, %add3A_375, %lt3A_376 : i32
      %convert_element_type3A_378 = arith.extui %lt3A_377 : i1 to i32
      %cond3A_379 = arith.constant 0 : i32
      %cond3A_380 = arith.cmpi ne, %convert_element_type3A_378, %cond3A_379 : i32
      scf.if %cond3A_380 {
        %add3A_410 = arith.addi %mul3A_17, %add3A_370 : i32
        %add3A_411 = arith.constant 8 : i32
        %add3A_412 = arith.addi %add3A_410, %add3A_411 : i32
        %dma_start3A_413 = arith.constant 0 : i32
        %dma_start3A_414 = tpu.memref_slice %arg3[%add3A_412, %dma_start3A_413] : memref<25600x128xi32, #tpu.memory_space<hbm>> -> memref<1x128xi32, #tpu.memory_space<hbm>>
        %dma_start3A_415 = tpu.memref_squeeze %dma_start3A_414 : memref<1x128xi32, #tpu.memory_space<hbm>> -> memref<128xi32, #tpu.memory_space<hbm>>
        %dma_start3A_416 = arith.constant 0 : i32
        %dma_start3A_417 = tpu.memref_slice %arg3[%add3A_412, %dma_start3A_416] : memref<25600x128xi32, #tpu.memory_space<hbm>> -> memref<1x128xi32, #tpu.memory_space<hbm>>
        %dma_start3A_418 = tpu.memref_squeeze %dma_start3A_417 : memref<1x128xi32, #tpu.memory_space<hbm>> -> memref<128xi32, #tpu.memory_space<hbm>>
        tpu.enqueue_dma source(%dma_start3A_418 : memref<128xi32, #tpu.memory_space<hbm>>) target(%arg14 : memref<128xi32, #tpu.memory_space<vmem>>) target_semaphore(%arg38 : memref<!tpu.dma_semaphore, #tpu.memory_space<semaphore_mem>>)
        %add3A_419 = arith.addi %mul3A_17, %add3A_370 : i32
        %add3A_420 = arith.constant 8 : i32
        %add3A_421 = arith.addi %add3A_419, %add3A_420 : i32
        %dma_start3A_422 = arith.constant 0 : i32
        %dma_start3A_423 = tpu.memref_slice %arg4[%add3A_421, %dma_start3A_422] : memref<25600x128xi32, #tpu.memory_space<hbm>> -> memref<1x128xi32, #tpu.memory_space<hbm>>
        %dma_start3A_424 = tpu.memref_squeeze %dma_start3A_423 : memref<1x128xi32, #tpu.memory_space<hbm>> -> memref<128xi32, #tpu.memory_space<hbm>>
        %dma_start3A_425 = arith.constant 0 : i32
        %dma_start3A_426 = tpu.memref_slice %arg4[%add3A_421, %dma_start3A_425] : memref<25600x128xi32, #tpu.memory_space<hbm>> -> memref<1x128xi32, #tpu.memory_space<hbm>>
        %dma_start3A_427 = tpu.memref_squeeze %dma_start3A_426 : memref<1x128xi32, #tpu.memory_space<hbm>> -> memref<128xi32, #tpu.memory_space<hbm>>
        tpu.enqueue_dma source(%dma_start3A_427 : memref<128xi32, #tpu.memory_space<hbm>>) target(%arg22 : memref<128xi32, #tpu.memory_space<vmem>>) target_semaphore(%arg38 : memref<!tpu.dma_semaphore, #tpu.memory_space<semaphore_mem>>)
      } else {
      }
      %add3A_381 = arith.constant 6 : i32
      %add3A_382 = arith.addi %add3A_370, %add3A_381 : i32
      %lt3A_383 = arith.constant 800 : i32
      %lt3A_384 = arith.cmpi slt, %add3A_382, %lt3A_383 : i32
      %convert_element_type3A_385 = arith.extui %lt3A_384 : i1 to i32
      %cond3A_386 = arith.constant 0 : i32
      %cond3A_387 = arith.cmpi ne, %convert_element_type3A_385, %cond3A_386 : i32
      scf.if %cond3A_387 {
        %dma_wait3A_410 = arith.constant 0 : i32
        %dma_wait3A_411 = tpu.memref_slice %arg3[%mul3A_17, %dma_wait3A_410] : memref<25600x128xi32, #tpu.memory_space<hbm>> -> memref<1x128xi32, #tpu.memory_space<hbm>>
        %dma_wait3A_412 = tpu.memref_squeeze %dma_wait3A_411 : memref<1x128xi32, #tpu.memory_space<hbm>> -> memref<128xi32, #tpu.memory_space<hbm>>
        %dma_wait3A_413 = arith.constant 0 : i32
        %dma_wait3A_414 = tpu.memref_slice %arg3[%mul3A_17, %dma_wait3A_413] : memref<25600x128xi32, #tpu.memory_space<hbm>> -> memref<1x128xi32, #tpu.memory_space<hbm>>
        %dma_wait3A_415 = tpu.memref_squeeze %dma_wait3A_414 : memref<1x128xi32, #tpu.memory_space<hbm>> -> memref<128xi32, #tpu.memory_space<hbm>>
        tpu.wait_dma2 semaphore(%arg36 : memref<!tpu.dma_semaphore, #tpu.memory_space<semaphore_mem>>) src(%dma_wait3A_415 : memref<128xi32, #tpu.memory_space<hbm>>) dst(%arg12 : memref<128xi32, #tpu.memory_space<vmem>>)
        %dma_wait3A_416 = arith.constant 0 : i32
        %dma_wait3A_417 = tpu.memref_slice %arg3[%mul3A_17, %dma_wait3A_416] : memref<25600x128xi32, #tpu.memory_space<hbm>> -> memref<1x128xi32, #tpu.memory_space<hbm>>
        %dma_wait3A_418 = tpu.memref_squeeze %dma_wait3A_417 : memref<1x128xi32, #tpu.memory_space<hbm>> -> memref<128xi32, #tpu.memory_space<hbm>>
        %dma_wait3A_419 = arith.constant 0 : i32
        %dma_wait3A_420 = tpu.memref_slice %arg3[%mul3A_17, %dma_wait3A_419] : memref<25600x128xi32, #tpu.memory_space<hbm>> -> memref<1x128xi32, #tpu.memory_space<hbm>>
        %dma_wait3A_421 = tpu.memref_squeeze %dma_wait3A_420 : memref<1x128xi32, #tpu.memory_space<hbm>> -> memref<128xi32, #tpu.memory_space<hbm>>
        tpu.wait_dma2 semaphore(%arg36 : memref<!tpu.dma_semaphore, #tpu.memory_space<semaphore_mem>>) src(%dma_wait3A_421 : memref<128xi32, #tpu.memory_space<hbm>>) dst(%arg20 : memref<128xi32, #tpu.memory_space<vmem>>)
        %dma_start3A_422 = arith.constant 0 : i32
        %dma_start3A_423 = arith.constant 0 : i32
        %dma_start3A_424 = tpu.memref_slice %arg2[%dma_start3A_422, %dma_start3A_423] : memref<102400x16xf32, #tpu.memory_space<hbm>> -> memref<102400x16xf32, #tpu.memory_space<hbm>>
        tpu.enqueue_indirect_dma source(%dma_start3A_424 : memref<102400x16xf32, #tpu.memory_space<hbm>>) target(%arg28 : memref<128x16xf32, #tpu.memory_space<vmem>>) offsets(%arg12 : memref<128xi32, #tpu.memory_space<vmem>>) semaphore(%arg44 : memref<!tpu.dma_semaphore, #tpu.memory_space<semaphore_mem>>)
      } else {
      }
      %mul3A_388 = arith.constant 8 : i32
      %mul3A_389 = arith.muli %scan3A_242, %mul3A_388 : i32
      %add3A_390 = arith.constant 7 : i32
      %add3A_391 = arith.addi %mul3A_389, %add3A_390 : i32
      %dma_wait3A_392 = arith.constant 0 : i32
      %dma_wait3A_393 = arith.constant 0 : i32
      %dma_wait3A_394 = tpu.memref_slice %arg2[%dma_wait3A_392, %dma_wait3A_393] : memref<102400x16xf32, #tpu.memory_space<hbm>> -> memref<102400x16xf32, #tpu.memory_space<hbm>>
      tpu.wait_indirect_dma semaphore(%arg47 : memref<!tpu.dma_semaphore, #tpu.memory_space<semaphore_mem>>) src(%dma_wait3A_394 : memref<102400x16xf32, #tpu.memory_space<hbm>>) dst(%arg31 : memref<128x16xf32, #tpu.memory_space<vmem>>)
      "tpu.region"() ({
        %run_scoped3A = tpu.sem_alloc : memref<!tpu.dma_semaphore, #tpu.memory_space<semaphore_mem>>
        %dma_start3A_410 = arith.constant 0 : i32
        %dma_start3A_411 = arith.constant 0 : i32
        %dma_start3A_412 = tpu.memref_slice %arg6[%dma_start3A_410, %dma_start3A_411] : memref<102400x16xf32, #tpu.memory_space<vmem_shared>> -> memref<102400x16xf32, #tpu.memory_space<vmem_shared>>
        tpu.enqueue_indirect_dma source(%arg31 : memref<128x16xf32, #tpu.memory_space<vmem>>) target(%dma_start3A_412 : memref<102400x16xf32, #tpu.memory_space<vmem_shared>>) offsets(%arg23 : memref<128xi32, #tpu.memory_space<vmem>>) semaphore(%run_scoped3A : memref<!tpu.dma_semaphore, #tpu.memory_space<semaphore_mem>>) {add = true}
        %dma_wait3A_413 = arith.constant 0 : i32
        %dma_wait3A_414 = arith.constant 0 : i32
        %dma_wait3A_415 = tpu.memref_slice %arg6[%dma_wait3A_413, %dma_wait3A_414] : memref<102400x16xf32, #tpu.memory_space<vmem_shared>> -> memref<102400x16xf32, #tpu.memory_space<vmem_shared>>
        tpu.wait_indirect_dma semaphore(%run_scoped3A : memref<!tpu.dma_semaphore, #tpu.memory_space<semaphore_mem>>) src(%arg31 : memref<128x16xf32, #tpu.memory_space<vmem>>) dst(%dma_wait3A_415 : memref<102400x16xf32, #tpu.memory_space<vmem_shared>>)
        tpu.yield
      }) : () -> ()
      %add3A_395 = arith.constant 8 : i32
      %add3A_396 = arith.addi %add3A_391, %add3A_395 : i32
      %lt3A_397 = arith.constant 800 : i32
      %lt3A_398 = arith.cmpi slt, %add3A_396, %lt3A_397 : i32
      %convert_element_type3A_399 = arith.extui %lt3A_398 : i1 to i32
      %cond3A_400 = arith.constant 0 : i32
      %cond3A_401 = arith.cmpi ne, %convert_element_type3A_399, %cond3A_400 : i32
      scf.if %cond3A_401 {
        %add3A_410 = arith.addi %mul3A_17, %add3A_391 : i32
        %add3A_411 = arith.constant 8 : i32
        %add3A_412 = arith.addi %add3A_410, %add3A_411 : i32
        %dma_start3A_413 = arith.constant 0 : i32
        %dma_start3A_414 = tpu.memref_slice %arg3[%add3A_412, %dma_start3A_413] : memref<25600x128xi32, #tpu.memory_space<hbm>> -> memref<1x128xi32, #tpu.memory_space<hbm>>
        %dma_start3A_415 = tpu.memref_squeeze %dma_start3A_414 : memref<1x128xi32, #tpu.memory_space<hbm>> -> memref<128xi32, #tpu.memory_space<hbm>>
        %dma_start3A_416 = arith.constant 0 : i32
        %dma_start3A_417 = tpu.memref_slice %arg3[%add3A_412, %dma_start3A_416] : memref<25600x128xi32, #tpu.memory_space<hbm>> -> memref<1x128xi32, #tpu.memory_space<hbm>>
        %dma_start3A_418 = tpu.memref_squeeze %dma_start3A_417 : memref<1x128xi32, #tpu.memory_space<hbm>> -> memref<128xi32, #tpu.memory_space<hbm>>
        tpu.enqueue_dma source(%dma_start3A_418 : memref<128xi32, #tpu.memory_space<hbm>>) target(%arg15 : memref<128xi32, #tpu.memory_space<vmem>>) target_semaphore(%arg39 : memref<!tpu.dma_semaphore, #tpu.memory_space<semaphore_mem>>)
        %add3A_419 = arith.addi %mul3A_17, %add3A_391 : i32
        %add3A_420 = arith.constant 8 : i32
        %add3A_421 = arith.addi %add3A_419, %add3A_420 : i32
        %dma_start3A_422 = arith.constant 0 : i32
        %dma_start3A_423 = tpu.memref_slice %arg4[%add3A_421, %dma_start3A_422] : memref<25600x128xi32, #tpu.memory_space<hbm>> -> memref<1x128xi32, #tpu.memory_space<hbm>>
        %dma_start3A_424 = tpu.memref_squeeze %dma_start3A_423 : memref<1x128xi32, #tpu.memory_space<hbm>> -> memref<128xi32, #tpu.memory_space<hbm>>
        %dma_start3A_425 = arith.constant 0 : i32
        %dma_start3A_426 = tpu.memref_slice %arg4[%add3A_421, %dma_start3A_425] : memref<25600x128xi32, #tpu.memory_space<hbm>> -> memref<1x128xi32, #tpu.memory_space<hbm>>
        %dma_start3A_427 = tpu.memref_squeeze %dma_start3A_426 : memref<1x128xi32, #tpu.memory_space<hbm>> -> memref<128xi32, #tpu.memory_space<hbm>>
        tpu.enqueue_dma source(%dma_start3A_427 : memref<128xi32, #tpu.memory_space<hbm>>) target(%arg23 : memref<128xi32, #tpu.memory_space<vmem>>) target_semaphore(%arg39 : memref<!tpu.dma_semaphore, #tpu.memory_space<semaphore_mem>>)
      } else {
      }
      %add3A_402 = arith.constant 6 : i32
      %add3A_403 = arith.addi %add3A_391, %add3A_402 : i32
      %lt3A_404 = arith.constant 800 : i32
      %lt3A_405 = arith.cmpi slt, %add3A_403, %lt3A_404 : i32
      %convert_element_type3A_406 = arith.extui %lt3A_405 : i1 to i32
      %cond3A_407 = arith.constant 0 : i32
      %cond3A_408 = arith.cmpi ne, %convert_element_type3A_406, %cond3A_407 : i32
      scf.if %cond3A_408 {
        %dma_wait3A_410 = arith.constant 0 : i32
        %dma_wait3A_411 = tpu.memref_slice %arg3[%mul3A_17, %dma_wait3A_410] : memref<25600x128xi32, #tpu.memory_space<hbm>> -> memref<1x128xi32, #tpu.memory_space<hbm>>
        %dma_wait3A_412 = tpu.memref_squeeze %dma_wait3A_411 : memref<1x128xi32, #tpu.memory_space<hbm>> -> memref<128xi32, #tpu.memory_space<hbm>>
        %dma_wait3A_413 = arith.constant 0 : i32
        %dma_wait3A_414 = tpu.memref_slice %arg3[%mul3A_17, %dma_wait3A_413] : memref<25600x128xi32, #tpu.memory_space<hbm>> -> memref<1x128xi32, #tpu.memory_space<hbm>>
        %dma_wait3A_415 = tpu.memref_squeeze %dma_wait3A_414 : memref<1x128xi32, #tpu.memory_space<hbm>> -> memref<128xi32, #tpu.memory_space<hbm>>
        tpu.wait_dma2 semaphore(%arg37 : memref<!tpu.dma_semaphore, #tpu.memory_space<semaphore_mem>>) src(%dma_wait3A_415 : memref<128xi32, #tpu.memory_space<hbm>>) dst(%arg13 : memref<128xi32, #tpu.memory_space<vmem>>)
        %dma_wait3A_416 = arith.constant 0 : i32
        %dma_wait3A_417 = tpu.memref_slice %arg3[%mul3A_17, %dma_wait3A_416] : memref<25600x128xi32, #tpu.memory_space<hbm>> -> memref<1x128xi32, #tpu.memory_space<hbm>>
        %dma_wait3A_418 = tpu.memref_squeeze %dma_wait3A_417 : memref<1x128xi32, #tpu.memory_space<hbm>> -> memref<128xi32, #tpu.memory_space<hbm>>
        %dma_wait3A_419 = arith.constant 0 : i32
        %dma_wait3A_420 = tpu.memref_slice %arg3[%mul3A_17, %dma_wait3A_419] : memref<25600x128xi32, #tpu.memory_space<hbm>> -> memref<1x128xi32, #tpu.memory_space<hbm>>
        %dma_wait3A_421 = tpu.memref_squeeze %dma_wait3A_420 : memref<1x128xi32, #tpu.memory_space<hbm>> -> memref<128xi32, #tpu.memory_space<hbm>>
        tpu.wait_dma2 semaphore(%arg37 : memref<!tpu.dma_semaphore, #tpu.memory_space<semaphore_mem>>) src(%dma_wait3A_421 : memref<128xi32, #tpu.memory_space<hbm>>) dst(%arg21 : memref<128xi32, #tpu.memory_space<vmem>>)
        %dma_start3A_422 = arith.constant 0 : i32
        %dma_start3A_423 = arith.constant 0 : i32
        %dma_start3A_424 = tpu.memref_slice %arg2[%dma_start3A_422, %dma_start3A_423] : memref<102400x16xf32, #tpu.memory_space<hbm>> -> memref<102400x16xf32, #tpu.memory_space<hbm>>
        tpu.enqueue_indirect_dma source(%dma_start3A_424 : memref<102400x16xf32, #tpu.memory_space<hbm>>) target(%arg29 : memref<128x16xf32, #tpu.memory_space<vmem>>) offsets(%arg13 : memref<128xi32, #tpu.memory_space<vmem>>) semaphore(%arg45 : memref<!tpu.dma_semaphore, #tpu.memory_space<semaphore_mem>>)
      } else {
      }
      %scan3A_409 = arith.constant 0 : i32
      scf.yield %scan3A_409 : i32
    }
    %scan3A_240 = arith.constant 100 : i32
    %barrier3A_241 = arith.constant 0 : index
    tpu.barrier barrier_id(%barrier3A_241)
    "tpu.region"() ({
      %run_scoped3A = tpu.sem_alloc : memref<!tpu.dma_semaphore, #tpu.memory_space<semaphore_mem>>
      %dma_start3A_242 = arith.constant 0 : i32
      %dma_start3A_243 = tpu.memref_slice %arg5[%arg0, %mul3A_8, %dma_start3A_242] : memref<2x102400x16xf32, #tpu.memory_space<hbm>> -> memref<1x6400x16xf32, #tpu.memory_space<hbm>>
      %dma_start3A_244 = tpu.memref_squeeze %dma_start3A_243 : memref<1x6400x16xf32, #tpu.memory_space<hbm>> -> memref<6400x16xf32, #tpu.memory_space<hbm>>
      %dma_start3A_245 = arith.constant 0 : i32
      %dma_start3A_246 = tpu.memref_slice %arg6[%mul3A_8, %dma_start3A_245] : memref<102400x16xf32, #tpu.memory_space<vmem_shared>> -> memref<6400x16xf32, #tpu.memory_space<vmem_shared>>
      tpu.enqueue_dma source(%dma_start3A_246 : memref<6400x16xf32, #tpu.memory_space<vmem_shared>>) target(%dma_start3A_244 : memref<6400x16xf32, #tpu.memory_space<hbm>>) target_semaphore(%run_scoped3A : memref<!tpu.dma_semaphore, #tpu.memory_space<semaphore_mem>>)
      %dma_wait3A_247 = arith.constant 0 : i32
      %dma_wait3A_248 = tpu.memref_slice %arg5[%arg0, %mul3A_8, %dma_wait3A_247] : memref<2x102400x16xf32, #tpu.memory_space<hbm>> -> memref<1x6400x16xf32, #tpu.memory_space<hbm>>
      %dma_wait3A_249 = tpu.memref_squeeze %dma_wait3A_248 : memref<1x6400x16xf32, #tpu.memory_space<hbm>> -> memref<6400x16xf32, #tpu.memory_space<hbm>>
      %dma_wait3A_250 = arith.constant 0 : i32
      %dma_wait3A_251 = tpu.memref_slice %arg6[%mul3A_8, %dma_wait3A_250] : memref<102400x16xf32, #tpu.memory_space<vmem_shared>> -> memref<6400x16xf32, #tpu.memory_space<vmem_shared>>
      tpu.wait_dma2 semaphore(%run_scoped3A : memref<!tpu.dma_semaphore, #tpu.memory_space<semaphore_mem>>) src(%dma_wait3A_251 : memref<6400x16xf32, #tpu.memory_space<vmem_shared>>) dst(%dma_wait3A_249 : memref<6400x16xf32, #tpu.memory_space<hbm>>)
      tpu.yield
    }) : () -> ()
    return
  }
}

#map = affine_map<(d0, d1) -> (0)>
#map1 = affine_map<(d0, d1) -> (0, 0)>
module attributes {stable_mosaic.version = 14 : i64} {
  func.func @_emb_body(%arg0: i32, %arg1: i32, %arg2: memref<102400xi32, #tpu.memory_space<hbm>>, %arg3: memref<102400xi32, #tpu.memory_space<hbm>>, %arg4: memref<102400xi32, #tpu.memory_space<hbm>>, %arg5: memref<16x16xf32, #tpu.memory_space<hbm>>, %arg6: memref<16x16xf32, #tpu.memory_space<hbm>>, %arg7: memref<1024x16xf32, #tpu.memory_space<hbm>>, %arg8: memref<102400x16xf32, #tpu.memory_space<hbm>>, %arg9: memref<128xi32, #tpu.memory_space<vmem>>, %arg10: memref<128xi32, #tpu.memory_space<vmem>>, %arg11: memref<128xi32, #tpu.memory_space<vmem>>, %arg12: memref<128x16xf32, #tpu.memory_space<vmem>>, %arg13: memref<128x16xf32, #tpu.memory_space<vmem>>, %arg14: memref<128x16xf32, #tpu.memory_space<vmem>>, %arg15: memref<!tpu.dma_semaphore, #tpu.memory_space<semaphore_mem>>) attributes {dimension_semantics = [#tpu.dimension_semantics<core_parallel>, #tpu.dimension_semantics<subcore_parallel>], iteration_bounds = array<i64: 2, 16>, scalar_prefetch = 0 : i64, scratch_operands = 7 : i64, tpu.core_type = #tpu.core_type<sc_vector_subcore>, window_params = [{transform_indices = #map}, {transform_indices = #map}, {transform_indices = #map}, {transform_indices = #map1}, {transform_indices = #map1}, {transform_indices = #map1}, {transform_indices = #map1}]} {
    %mul3A = arith.constant 16 : i32
    %mul3A_0 = arith.muli %arg0, %mul3A : i32
    %add3A = arith.addi %mul3A_0, %arg1 : i32
    %mul3A_1 = arith.constant 3200 : i32
    %mul3A_2 = arith.muli %add3A, %mul3A_1 : i32
    %scan3A = arith.constant 0 : i32
    %scan3A_3 = arith.constant 0 : i32
    %scan3A_4 = arith.constant 25 : i32
    %scan3A_5 = arith.addi %scan3A_3, %scan3A_4 : i32
    %scan3A_6 = arith.constant 1 : i32
    %scan3A_7 = scf.for %scan3A_9 = %scan3A_3 to %scan3A_5 step %scan3A_6 iter_args(%scan3A_10 = %scan3A) -> (i32)  : i32 {
      %mul3A_11 = arith.constant 128 : i32
      %mul3A_12 = arith.muli %scan3A_9, %mul3A_11 : i32
      %add3A_13 = arith.addi %mul3A_2, %mul3A_12 : i32
      "tpu.region"() ({
        %run_scoped3A = tpu.sem_alloc : memref<!tpu.dma_semaphore, #tpu.memory_space<semaphore_mem>>
        %dma_start3A_38 = tpu.memref_slice %arg2[%add3A_13] : memref<102400xi32, #tpu.memory_space<hbm>> -> memref<128xi32, #tpu.memory_space<hbm>>
        %dma_start3A_39 = tpu.memref_slice %arg2[%add3A_13] : memref<102400xi32, #tpu.memory_space<hbm>> -> memref<128xi32, #tpu.memory_space<hbm>>
        tpu.enqueue_dma source(%dma_start3A_39 : memref<128xi32, #tpu.memory_space<hbm>>) target(%arg9 : memref<128xi32, #tpu.memory_space<vmem>>) target_semaphore(%run_scoped3A : memref<!tpu.dma_semaphore, #tpu.memory_space<semaphore_mem>>)
        %dma_wait3A_40 = tpu.memref_slice %arg2[%add3A_13] : memref<102400xi32, #tpu.memory_space<hbm>> -> memref<128xi32, #tpu.memory_space<hbm>>
        %dma_wait3A_41 = tpu.memref_slice %arg2[%add3A_13] : memref<102400xi32, #tpu.memory_space<hbm>> -> memref<128xi32, #tpu.memory_space<hbm>>
        tpu.wait_dma2 semaphore(%run_scoped3A : memref<!tpu.dma_semaphore, #tpu.memory_space<semaphore_mem>>) src(%dma_wait3A_41 : memref<128xi32, #tpu.memory_space<hbm>>) dst(%arg9 : memref<128xi32, #tpu.memory_space<vmem>>)
        tpu.yield
      }) : () -> ()
      "tpu.region"() ({
        %run_scoped3A = tpu.sem_alloc : memref<!tpu.dma_semaphore, #tpu.memory_space<semaphore_mem>>
        %dma_start3A_38 = tpu.memref_slice %arg3[%add3A_13] : memref<102400xi32, #tpu.memory_space<hbm>> -> memref<128xi32, #tpu.memory_space<hbm>>
        %dma_start3A_39 = tpu.memref_slice %arg3[%add3A_13] : memref<102400xi32, #tpu.memory_space<hbm>> -> memref<128xi32, #tpu.memory_space<hbm>>
        tpu.enqueue_dma source(%dma_start3A_39 : memref<128xi32, #tpu.memory_space<hbm>>) target(%arg10 : memref<128xi32, #tpu.memory_space<vmem>>) target_semaphore(%run_scoped3A : memref<!tpu.dma_semaphore, #tpu.memory_space<semaphore_mem>>)
        %dma_wait3A_40 = tpu.memref_slice %arg3[%add3A_13] : memref<102400xi32, #tpu.memory_space<hbm>> -> memref<128xi32, #tpu.memory_space<hbm>>
        %dma_wait3A_41 = tpu.memref_slice %arg3[%add3A_13] : memref<102400xi32, #tpu.memory_space<hbm>> -> memref<128xi32, #tpu.memory_space<hbm>>
        tpu.wait_dma2 semaphore(%run_scoped3A : memref<!tpu.dma_semaphore, #tpu.memory_space<semaphore_mem>>) src(%dma_wait3A_41 : memref<128xi32, #tpu.memory_space<hbm>>) dst(%arg10 : memref<128xi32, #tpu.memory_space<vmem>>)
        tpu.yield
      }) : () -> ()
      "tpu.region"() ({
        %run_scoped3A = tpu.sem_alloc : memref<!tpu.dma_semaphore, #tpu.memory_space<semaphore_mem>>
        %dma_start3A_38 = tpu.memref_slice %arg4[%add3A_13] : memref<102400xi32, #tpu.memory_space<hbm>> -> memref<128xi32, #tpu.memory_space<hbm>>
        %dma_start3A_39 = tpu.memref_slice %arg4[%add3A_13] : memref<102400xi32, #tpu.memory_space<hbm>> -> memref<128xi32, #tpu.memory_space<hbm>>
        tpu.enqueue_dma source(%dma_start3A_39 : memref<128xi32, #tpu.memory_space<hbm>>) target(%arg11 : memref<128xi32, #tpu.memory_space<vmem>>) target_semaphore(%run_scoped3A : memref<!tpu.dma_semaphore, #tpu.memory_space<semaphore_mem>>)
        %dma_wait3A_40 = tpu.memref_slice %arg4[%add3A_13] : memref<102400xi32, #tpu.memory_space<hbm>> -> memref<128xi32, #tpu.memory_space<hbm>>
        %dma_wait3A_41 = tpu.memref_slice %arg4[%add3A_13] : memref<102400xi32, #tpu.memory_space<hbm>> -> memref<128xi32, #tpu.memory_space<hbm>>
        tpu.wait_dma2 semaphore(%run_scoped3A : memref<!tpu.dma_semaphore, #tpu.memory_space<semaphore_mem>>) src(%dma_wait3A_41 : memref<128xi32, #tpu.memory_space<hbm>>) dst(%arg11 : memref<128xi32, #tpu.memory_space<vmem>>)
        tpu.yield
      }) : () -> ()
      %dma_start3A = arith.constant 0 : i32
      %dma_start3A_14 = arith.constant 0 : i32
      %dma_start3A_15 = tpu.memref_slice %arg5[%dma_start3A, %dma_start3A_14] : memref<16x16xf32, #tpu.memory_space<hbm>> -> memref<16x16xf32, #tpu.memory_space<hbm>>
      tpu.enqueue_indirect_dma source(%dma_start3A_15 : memref<16x16xf32, #tpu.memory_space<hbm>>) target(%arg12 : memref<128x16xf32, #tpu.memory_space<vmem>>) offsets(%arg9 : memref<128xi32, #tpu.memory_space<vmem>>) semaphore(%arg15 : memref<!tpu.dma_semaphore, #tpu.memory_space<semaphore_mem>>)
      %dma_wait3A = arith.constant 0 : i32
      %dma_wait3A_16 = arith.constant 0 : i32
      %dma_wait3A_17 = tpu.memref_slice %arg5[%dma_wait3A, %dma_wait3A_16] : memref<16x16xf32, #tpu.memory_space<hbm>> -> memref<16x16xf32, #tpu.memory_space<hbm>>
      tpu.wait_indirect_dma semaphore(%arg15 : memref<!tpu.dma_semaphore, #tpu.memory_space<semaphore_mem>>) src(%dma_wait3A_17 : memref<16x16xf32, #tpu.memory_space<hbm>>) dst(%arg12 : memref<128x16xf32, #tpu.memory_space<vmem>>)
      %dma_start3A_18 = arith.constant 0 : i32
      %dma_start3A_19 = arith.constant 0 : i32
      %dma_start3A_20 = tpu.memref_slice %arg6[%dma_start3A_18, %dma_start3A_19] : memref<16x16xf32, #tpu.memory_space<hbm>> -> memref<16x16xf32, #tpu.memory_space<hbm>>
      tpu.enqueue_indirect_dma source(%dma_start3A_20 : memref<16x16xf32, #tpu.memory_space<hbm>>) target(%arg13 : memref<128x16xf32, #tpu.memory_space<vmem>>) offsets(%arg10 : memref<128xi32, #tpu.memory_space<vmem>>) semaphore(%arg15 : memref<!tpu.dma_semaphore, #tpu.memory_space<semaphore_mem>>)
      %dma_wait3A_21 = arith.constant 0 : i32
      %dma_wait3A_22 = arith.constant 0 : i32
      %dma_wait3A_23 = tpu.memref_slice %arg6[%dma_wait3A_21, %dma_wait3A_22] : memref<16x16xf32, #tpu.memory_space<hbm>> -> memref<16x16xf32, #tpu.memory_space<hbm>>
      tpu.wait_indirect_dma semaphore(%arg15 : memref<!tpu.dma_semaphore, #tpu.memory_space<semaphore_mem>>) src(%dma_wait3A_23 : memref<16x16xf32, #tpu.memory_space<hbm>>) dst(%arg13 : memref<128x16xf32, #tpu.memory_space<vmem>>)
      %dma_start3A_24 = arith.constant 0 : i32
      %dma_start3A_25 = arith.constant 0 : i32
      %dma_start3A_26 = tpu.memref_slice %arg7[%dma_start3A_24, %dma_start3A_25] : memref<1024x16xf32, #tpu.memory_space<hbm>> -> memref<1024x16xf32, #tpu.memory_space<hbm>>
      tpu.enqueue_indirect_dma source(%dma_start3A_26 : memref<1024x16xf32, #tpu.memory_space<hbm>>) target(%arg14 : memref<128x16xf32, #tpu.memory_space<vmem>>) offsets(%arg11 : memref<128xi32, #tpu.memory_space<vmem>>) semaphore(%arg15 : memref<!tpu.dma_semaphore, #tpu.memory_space<semaphore_mem>>)
      %dma_wait3A_27 = arith.constant 0 : i32
      %dma_wait3A_28 = arith.constant 0 : i32
      %dma_wait3A_29 = tpu.memref_slice %arg7[%dma_wait3A_27, %dma_wait3A_28] : memref<1024x16xf32, #tpu.memory_space<hbm>> -> memref<1024x16xf32, #tpu.memory_space<hbm>>
      tpu.wait_indirect_dma semaphore(%arg15 : memref<!tpu.dma_semaphore, #tpu.memory_space<semaphore_mem>>) src(%dma_wait3A_29 : memref<1024x16xf32, #tpu.memory_space<hbm>>) dst(%arg14 : memref<128x16xf32, #tpu.memory_space<vmem>>)
      %scan3A_30 = arith.constant 0 : i32
      %scan3A_31 = arith.constant 0 : i32
      %scan3A_32 = arith.constant 128 : i32
      %scan3A_33 = arith.addi %scan3A_31, %scan3A_32 : i32
      %scan3A_34 = arith.constant 1 : i32
      %scan3A_35 = scf.for %scan3A_38 = %scan3A_31 to %scan3A_33 step %scan3A_34 iter_args(%scan3A_39 = %scan3A_30) -> (i32)  : i32 {
        %get3A = arith.index_cast %scan3A_38 : i32 to index
        %get3A_40 = arith.constant 0 : index
        %get3A_41 = tpu.vector_load %arg12[%get3A, %get3A_40] {strides = array<i32>} : memref<128x16xf32, #tpu.memory_space<vmem>>, vector<1x16xf32>,
        %get3A_42 = vector.shape_cast %get3A_41 : vector<1x16xf32> to vector<16xf32>
        %get3A_43 = arith.index_cast %scan3A_38 : i32 to index
        %get3A_44 = arith.constant 0 : index
        %get3A_45 = tpu.vector_load %arg13[%get3A_43, %get3A_44] {strides = array<i32>} : memref<128x16xf32, #tpu.memory_space<vmem>>, vector<1x16xf32>,
        %get3A_46 = vector.shape_cast %get3A_45 : vector<1x16xf32> to vector<16xf32>
        %add3A_47 = arith.addf %get3A_42, %get3A_46 : vector<16xf32>
        %get3A_48 = arith.index_cast %scan3A_38 : i32 to index
        %get3A_49 = arith.constant 0 : index
        %get3A_50 = tpu.vector_load %arg14[%get3A_48, %get3A_49] {strides = array<i32>} : memref<128x16xf32, #tpu.memory_space<vmem>>, vector<1x16xf32>,
        %get3A_51 = vector.shape_cast %get3A_50 : vector<1x16xf32> to vector<16xf32>
        %add3A_52 = arith.addf %add3A_47, %get3A_51 : vector<16xf32>
        %swap3A = arith.index_cast %scan3A_38 : i32 to index
        %swap3A_53 = arith.constant 0 : index
        %swap3A_54 = tpu.vector_load %arg12[%swap3A, %swap3A_53] {strides = array<i32>} : memref<128x16xf32, #tpu.memory_space<vmem>>, vector<1x16xf32>,
        %swap3A_55 = vector.shape_cast %swap3A_54 : vector<1x16xf32> to vector<16xf32>
        %swap3A_56 = vector.shape_cast %add3A_52 : vector<16xf32> to vector<1x16xf32>
        tpu.vector_store %arg12[%swap3A, %swap3A_53], %swap3A_56 {strides = array<i32>} : memref<128x16xf32, #tpu.memory_space<vmem>>, vector<1x16xf32>,
        %scan3A_57 = arith.constant 0 : i32
        scf.yield %scan3A_57 : i32
      }
      %scan3A_36 = arith.constant 128 : i32
      "tpu.region"() ({
        %run_scoped3A = tpu.sem_alloc : memref<!tpu.dma_semaphore, #tpu.memory_space<semaphore_mem>>
        %dma_start3A_38 = arith.constant 0 : i32
        %dma_start3A_39 = tpu.memref_slice %arg8[%add3A_13, %dma_start3A_38] : memref<102400x16xf32, #tpu.memory_space<hbm>> -> memref<128x16xf32, #tpu.memory_space<hbm>>
        %dma_start3A_40 = arith.constant 0 : i32
        %dma_start3A_41 = tpu.memref_slice %arg8[%add3A_13, %dma_start3A_40] : memref<102400x16xf32, #tpu.memory_space<hbm>> -> memref<128x16xf32, #tpu.memory_space<hbm>>
        tpu.enqueue_dma source(%arg12 : memref<128x16xf32, #tpu.memory_space<vmem>>) target(%dma_start3A_41 : memref<128x16xf32, #tpu.memory_space<hbm>>) target_semaphore(%run_scoped3A : memref<!tpu.dma_semaphore, #tpu.memory_space<semaphore_mem>>)
        %dma_wait3A_42 = arith.constant 0 : i32
        %dma_wait3A_43 = tpu.memref_slice %arg8[%add3A_13, %dma_wait3A_42] : memref<102400x16xf32, #tpu.memory_space<hbm>> -> memref<128x16xf32, #tpu.memory_space<hbm>>
        %dma_wait3A_44 = arith.constant 0 : i32
        %dma_wait3A_45 = tpu.memref_slice %arg8[%add3A_13, %dma_wait3A_44] : memref<102400x16xf32, #tpu.memory_space<hbm>> -> memref<128x16xf32, #tpu.memory_space<hbm>>
        tpu.wait_dma2 semaphore(%run_scoped3A : memref<!tpu.dma_semaphore, #tpu.memory_space<semaphore_mem>>) src(%arg12 : memref<128x16xf32, #tpu.memory_space<vmem>>) dst(%dma_wait3A_45 : memref<128x16xf32, #tpu.memory_space<hbm>>)
        tpu.yield
      }) : () -> ()
      %scan3A_37 = arith.constant 0 : i32
      scf.yield %scan3A_37 : i32
    }
    %scan3A_8 = arith.constant 25 : i32
    return
  }
}

module attributes {stable_mosaic.version = 14 : i64} {
  func.func @_dense_body(%arg0: i32, %arg1: memref<2x2048x16xf32, #tpu.memory_space<vmem>>, %arg2: memref<2x2048xf32, #tpu.memory_space<vmem>>, %arg3: memref<2048x16xf32, #tpu.memory_space<vmem>>, %arg4: memref<16x16xf32, #tpu.memory_space<vmem>>, %arg5: memref<16xf32, #tpu.memory_space<vmem>>, %arg6: memref<16x16xf32, #tpu.memory_space<vmem>>, %arg7: memref<2048x16xf32, #tpu.memory_space<vmem>>) attributes {dimension_semantics = [#tpu.dimension_semantics<arbitrary>], iteration_bounds = array<i64: 50>, scalar_prefetch = 0 : i64, scratch_operands = 0 : i64, tpu.core_type = #tpu.core_type<tc>, window_params = [{transform_indices = @transform_0, window_bounds = array<i64: 2, 2048, 16>}, {transform_indices = @transform_1, window_bounds = array<i64: 2, 2048>}, {transform_indices = @transform_2, window_bounds = array<i64: 2048, 16>}, {pipeline_mode = #tpu.pipeline_mode<synchronous>, transform_indices = @transform_3, window_bounds = array<i64: 16, 16>}, {pipeline_mode = #tpu.pipeline_mode<synchronous>, transform_indices = @transform_4, window_bounds = array<i64: 16>}, {pipeline_mode = #tpu.pipeline_mode<synchronous>, transform_indices = @transform_5, window_bounds = array<i64: 16, 16>}, {transform_indices = @transform_6, window_bounds = array<i64: 2048, 16>}]} {
    %get3A = arith.constant 0 : index
    %get3A_0 = arith.constant 0 : index
    %get3A_1 = arith.constant 0 : index
    %get3A_2 = vector.load %arg1[%get3A, %get3A_0, %get3A_1] : memref<2x2048x16xf32, #tpu.memory_space<vmem>>, vector<1x2048x16xf32>
    %get3A_3 = vector.shape_cast %get3A_2 : vector<1x2048x16xf32> to vector<2048x16xf32>
    %get3A_4 = arith.constant 1 : index
    %get3A_5 = arith.constant 0 : index
    %get3A_6 = arith.constant 0 : index
    %get3A_7 = vector.load %arg1[%get3A_4, %get3A_5, %get3A_6] : memref<2x2048x16xf32, #tpu.memory_space<vmem>>, vector<1x2048x16xf32>
    %get3A_8 = vector.shape_cast %get3A_7 : vector<1x2048x16xf32> to vector<2048x16xf32>
    %add3A = arith.addf %get3A_3, %get3A_8 : vector<2048x16xf32>
    %get3A_9 = arith.constant 0 : index
    %get3A_10 = arith.constant 0 : index
    %get3A_11 = vector.load %arg2[%get3A_9, %get3A_10] : memref<2x2048xf32, #tpu.memory_space<vmem>>, vector<1x2048xf32>
    %get3A_12 = vector.shape_cast %get3A_11 : vector<1x2048xf32> to vector<2048xf32>
    %get3A_13 = arith.constant 1 : index
    %get3A_14 = arith.constant 0 : index
    %get3A_15 = vector.load %arg2[%get3A_13, %get3A_14] : memref<2x2048xf32, #tpu.memory_space<vmem>>, vector<1x2048xf32>
    %get3A_16 = vector.shape_cast %get3A_15 : vector<1x2048xf32> to vector<2048xf32>
    %add3A_17 = arith.addf %get3A_12, %get3A_16 : vector<2048xf32>
    %max3A = arith.constant 1.000000e+00 : f32
    %max3A_18 = vector.broadcast %max3A : f32 to vector<2048xf32>
    %max3A_19 = arith.maximumf %add3A_17, %max3A_18 : vector<2048xf32>
    %broadcast_in_dim3A = vector.shape_cast %max3A_19 : vector<2048xf32> to vector<2048x1xf32>
    %div3A = vector.broadcast %broadcast_in_dim3A : vector<2048x1xf32> to vector<2048x16xf32>
    %div3A_20 = arith.divf %add3A, %div3A : vector<2048x16xf32>
    %get3A_21 = arith.constant 0 : index
    %get3A_22 = arith.constant 0 : index
    %get3A_23 = vector.load %arg4[%get3A_21, %get3A_22] : memref<16x16xf32, #tpu.memory_space<vmem>>, vector<16x16xf32>
    %transpose3A = tpu.transpose %get3A_23, [1, 0] : vector<16x16xf32> -> vector<16x16xf32>
    %dot_general3A = arith.constant dense<0.000000e+00> : vector<2048x16xf32>
    %dot_general3A_24 = tpu.matmul %div3A_20, %transpose3A, %dot_general3A {dimension_numbers = #tpu.dot_dimension_numbers<[1], [0], [0], [1], [0, 0, 1, 1], [], []>, transpose_lhs_hint = false} : vector<2048x16xf32>, vector<16x16xf32>, vector<2048x16xf32> -> vector<2048x16xf32>
    %get3A_25 = arith.constant 0 : index
    %get3A_26 = vector.load %arg5[%get3A_25] : memref<16xf32, #tpu.memory_space<vmem>>, vector<16xf32>
    %broadcast_in_dim3A_27 = vector.shape_cast %get3A_26 : vector<16xf32> to vector<1x16xf32>
    %add3A_28 = vector.broadcast %broadcast_in_dim3A_27 : vector<1x16xf32> to vector<2048x16xf32>
    %add3A_29 = arith.addf %dot_general3A_24, %add3A_28 : vector<2048x16xf32>
    %get3A_30 = arith.constant 0 : index
    %get3A_31 = arith.constant 0 : index
    %get3A_32 = vector.load %arg3[%get3A_30, %get3A_31] : memref<2048x16xf32, #tpu.memory_space<vmem>>, vector<2048x16xf32>
    %get3A_33 = arith.constant 0 : index
    %get3A_34 = arith.constant 0 : index
    %get3A_35 = vector.load %arg6[%get3A_33, %get3A_34] : memref<16x16xf32, #tpu.memory_space<vmem>>, vector<16x16xf32>
    %transpose3A_36 = tpu.transpose %get3A_35, [1, 0] : vector<16x16xf32> -> vector<16x16xf32>
    %dot_general3A_37 = arith.constant dense<0.000000e+00> : vector<2048x16xf32>
    %dot_general3A_38 = tpu.matmul %get3A_32, %transpose3A_36, %dot_general3A_37 {dimension_numbers = #tpu.dot_dimension_numbers<[1], [0], [0], [1], [0, 0, 1, 1], [], []>, transpose_lhs_hint = false} : vector<2048x16xf32>, vector<16x16xf32>, vector<2048x16xf32> -> vector<2048x16xf32>
    %add3A_39 = arith.addf %add3A_29, %dot_general3A_38 : vector<2048x16xf32>
    %max3A_40 = arith.constant 0.000000e+00 : f32
    %max3A_41 = vector.broadcast %max3A_40 : f32 to vector<2048x16xf32>
    %max3A_42 = arith.maximumf %add3A_39, %max3A_41 : vector<2048x16xf32>
    %swap3A = arith.constant 0 : index
    %swap3A_43 = arith.constant 0 : index
    %swap3A_44 = vector.load %arg7[%swap3A, %swap3A_43] : memref<2048x16xf32, #tpu.memory_space<vmem>>, vector<2048x16xf32>
    tpu.vector_store %arg7[%swap3A, %swap3A_43], %max3A_42 {strides = array<i32>} : memref<2048x16xf32, #tpu.memory_space<vmem>>, vector<2048x16xf32>,
    return
  }
  func.func @transform_0(%arg0: i32) -> (i32, i32, i32) {
    %c0_i32 = arith.constant 0 : i32
    %c0_i32_0 = arith.constant 0 : i32
    %c0_i32_1 = arith.constant 0 : i32
    return %c0_i32, %arg0, %c0_i32_0 : i32, i32, i32
  }
  func.func @transform_1(%arg0: i32) -> (i32, i32) {
    %c0_i32 = arith.constant 0 : i32
    %c0_i32_0 = arith.constant 0 : i32
    return %c0_i32, %arg0 : i32, i32
  }
  func.func @transform_2(%arg0: i32) -> (i32, i32) {
    %c0_i32 = arith.constant 0 : i32
    %c0_i32_0 = arith.constant 0 : i32
    return %arg0, %c0_i32 : i32, i32
  }
  func.func @transform_3(%arg0: i32) -> (i32, i32) {
    %c0_i32 = arith.constant 0 : i32
    %c0_i32_0 = arith.constant 0 : i32
    %c0_i32_1 = arith.constant 0 : i32
    return %c0_i32, %c0_i32_0 : i32, i32
  }
  func.func @transform_4(%arg0: i32) -> i32 {
    %c0_i32 = arith.constant 0 : i32
    %c0_i32_0 = arith.constant 0 : i32
    return %c0_i32 : i32
  }
  func.func @transform_5(%arg0: i32) -> (i32, i32) {
    %c0_i32 = arith.constant 0 : i32
    %c0_i32_0 = arith.constant 0 : i32
    %c0_i32_1 = arith.constant 0 : i32
    return %c0_i32, %c0_i32_0 : i32, i32
  }
  func.func @transform_6(%arg0: i32) -> (i32, i32) {
    %c0_i32 = arith.constant 0 : i32
    %c0_i32_0 = arith.constant 0 : i32
    return %arg0, %c0_i32 : i32, i32
  }
}

module attributes {stable_mosaic.version = 14 : i64} {
  func.func @_head_body(%arg0: memref<2x128x16xf32, #tpu.memory_space<vmem>>, %arg1: memref<2x128xf32, #tpu.memory_space<vmem>>, %arg2: memref<10x16xf32, #tpu.memory_space<vmem>>, %arg3: memref<10xf32, #tpu.memory_space<vmem>>, %arg4: memref<64x10xf32, #tpu.memory_space<vmem>>) attributes {dimension_semantics = [], scalar_prefetch = 0 : i64, scratch_operands = 0 : i64, tpu.core_type = #tpu.core_type<tc>} {
    %get3A = arith.constant 0 : index
    %get3A_0 = arith.constant 0 : index
    %get3A_1 = arith.constant 0 : index
    %get3A_2 = vector.load %arg0[%get3A, %get3A_0, %get3A_1] : memref<2x128x16xf32, #tpu.memory_space<vmem>>, vector<1x64x16xf32>
    %get3A_3 = vector.shape_cast %get3A_2 : vector<1x64x16xf32> to vector<64x16xf32>
    %get3A_4 = arith.constant 1 : index
    %get3A_5 = arith.constant 0 : index
    %get3A_6 = arith.constant 0 : index
    %get3A_7 = vector.load %arg0[%get3A_4, %get3A_5, %get3A_6] : memref<2x128x16xf32, #tpu.memory_space<vmem>>, vector<1x64x16xf32>
    %get3A_8 = vector.shape_cast %get3A_7 : vector<1x64x16xf32> to vector<64x16xf32>
    %add3A = arith.addf %get3A_3, %get3A_8 : vector<64x16xf32>
    %get3A_9 = arith.constant 0 : index
    %get3A_10 = arith.constant 0 : index
    %get3A_11 = vector.load %arg1[%get3A_9, %get3A_10] : memref<2x128xf32, #tpu.memory_space<vmem>>, vector<1x64xf32>
    %get3A_12 = vector.shape_cast %get3A_11 : vector<1x64xf32> to vector<64xf32>
    %get3A_13 = arith.constant 1 : index
    %get3A_14 = arith.constant 0 : index
    %get3A_15 = vector.load %arg1[%get3A_13, %get3A_14] : memref<2x128xf32, #tpu.memory_space<vmem>>, vector<1x64xf32>
    %get3A_16 = vector.shape_cast %get3A_15 : vector<1x64xf32> to vector<64xf32>
    %add3A_17 = arith.addf %get3A_12, %get3A_16 : vector<64xf32>
    %max3A = arith.constant 1.000000e+00 : f32
    %max3A_18 = vector.broadcast %max3A : f32 to vector<64xf32>
    %max3A_19 = arith.maximumf %add3A_17, %max3A_18 : vector<64xf32>
    %broadcast_in_dim3A = vector.shape_cast %max3A_19 : vector<64xf32> to vector<64x1xf32>
    %div3A = vector.broadcast %broadcast_in_dim3A : vector<64x1xf32> to vector<64x16xf32>
    %div3A_20 = arith.divf %add3A, %div3A : vector<64x16xf32>
    %get3A_21 = arith.constant 0 : index
    %get3A_22 = arith.constant 0 : index
    %get3A_23 = vector.load %arg2[%get3A_21, %get3A_22] : memref<10x16xf32, #tpu.memory_space<vmem>>, vector<10x16xf32>
    %transpose3A = tpu.transpose %get3A_23, [1, 0] : vector<10x16xf32> -> vector<16x10xf32>
    %dot_general3A = arith.constant dense<0.000000e+00> : vector<64x10xf32>
    %dot_general3A_24 = tpu.matmul %div3A_20, %transpose3A, %dot_general3A {dimension_numbers = #tpu.dot_dimension_numbers<[1], [0], [0], [1], [0, 0, 1, 1], [], []>, transpose_lhs_hint = false} : vector<64x16xf32>, vector<16x10xf32>, vector<64x10xf32> -> vector<64x10xf32>
    %get3A_25 = arith.constant 0 : index
    %get3A_26 = vector.load %arg3[%get3A_25] : memref<10xf32, #tpu.memory_space<vmem>>, vector<10xf32>
    %broadcast_in_dim3A_27 = vector.shape_cast %get3A_26 : vector<10xf32> to vector<1x10xf32>
    %add3A_28 = vector.broadcast %broadcast_in_dim3A_27 : vector<1x10xf32> to vector<64x10xf32>
    %add3A_29 = arith.addf %dot_general3A_24, %add3A_28 : vector<64x10xf32>
    %swap3A = arith.constant 0 : index
    %swap3A_30 = arith.constant 0 : index
    %swap3A_31 = vector.load %arg4[%swap3A, %swap3A_30] : memref<64x10xf32, #tpu.memory_space<vmem>>, vector<64x10xf32>
    tpu.vector_store %arg4[%swap3A, %swap3A_30], %add3A_29 {strides = array<i32>} : memref<64x10xf32, #tpu.memory_space<vmem>>, vector<64x10xf32>,
    return
  }
}

</mosaic_0001>

<sc_bundles>
// kernel: kernel.12.cloned.1.call-start
scs
__scs_entry_jumppad:
0x0: {  	(pc) =	sbr.rel $0x88, $3  }
0x1: {  	(tag) =	ssettag $0x0;
	lr =	simm.s32 $0x1  }
0x2: {  	[smem:$0x3F93] =	sst lr;
	_ =	strace $0xD0000000  }
0x3: {  	_ = 	snop  }
0x4: {  	_ = 	snop  }
0x5: {  	_ = 	snop  }
0x6: {  	_ = 	snop  }
0x7: {  	_ = 	snop  }
__scs_overlays_trampoline_lowered:
0x8: {  	[smem:$0x3FA2] =	sst s0  }
0x9: {  	[smem:$0x3FA3] =	sst s1  }
0xa: {  	[smem:$0x3FA4] =	sst s2  }
0xb: {  	[smem:$0x3FA5] =	sst s3  }
0xc: {  	[smem:$0x3FA6] =	sst s4  }
0xd: {  	[smem:$0x3FA7] =	sst s5  }
0xe: {  	[smem:$0x3FA8] =	sst s6  }
0xf: {  	[smem:$0x3FA9] =	sst s7  }
0x10: {  	[smem:$0x3FAA] =	sst s8  }
0x11: {  	[smem:$0x3FAB] =	sst s9;
	s0 =	simm.s32 @!p0 $0x0  }
0x12: {  	s1 =	sld [smem:$0x3F91];
	s0 =	simm.s32 @p0 $0x1  }
0x13: {  	[smem:$0x3FAC] =	sst s0;
	s0 =	simm.s32 @!p1 $0x0  }
0x14: {  	s2 =	sld [smem:$0x3F90];
	s0 =	simm.s32 @p1 $0x1  }
0x15: {  	[smem:$0x3FAD] =	sst s0;
	s0 =	simm.s32 @!p2 $0x0  }
0x16: {  	s3 =	sld [smem:$0x3FDB];
	s0 =	simm.s32 @p2 $0x1  }
0x17: {  	s4 =	simm.s32 $0x1BF5;
	[smem:$0x3FAF] =	sst s0  }
0x18: {  	s0 =	sld [smem:$0x3F92];
	_ =	swait.ge [sflag:s4], $0x0  }
0x19: {  	s7 =	sld [smem:$0x3F93]  }
0x1a: {  	s8 =	sadd.s32 $0xFFFFE003, lr  }
0x1b: {  	s9 =	sadd.s32 $0xFFFFFEF7, lr;
	s5 =	simm.s32 $0xFFFFFFFF;
	p2 =	slt.u32 s8, $0xFFFFF086  }
0x1c: {  	p1 =	slt.u32 s9, $0xF7A;
	s5 =	simm.s32 @!p2 $0x0  }
0x1d: {  	s5 =	simm.s32 @p1 $0x1;
	p0 =	seq.s32 s7, s2  }
0x1e: {  	s7 =	smul.u32 @!p0 $0xF7A, s2;
	p2 =	seq.s32 @!p0 s5, $0x0  }
0x1f: {  	s9 =	smul.u32 $0xF7A, s1;
	s8 =	simm.s32 @!p0 $0x1BF5;
	p2 =	por !p2, p0  }
0x20: {  	[sflag:s8] =	ssyncset.s32 @!p0 $0xFFFFF086;
	s6 =	sadd.s32 @!p0 s3, s7;
	s7 =	simm.s32 @!p0 $0x108  }
0x21: {  	s3 =	sadd.s32 s3, s9;
	s6 =	sadd.s32 @!p0 $0x88, s6;
	s7 =	simm.s32 @p2 $0x1082  }
0x22: {  	[simem:s7], [sflag:s8] =	dma.local @!p0 [hbm:s6], $0xF7A  }
0x23: {  	s9 =	sor.u32 $0xD0000000, s2;
	s6 =	simm.s32 $0x108;
	_ =	swait.ge @!p0 [sflag:s8], $0x0  }
0x24: {  	s3 =	sadd.s32 $0x88, s3;
	s6 =	simm.s32 @!p1 $0x1082;
	[sflag:s4] =	ssyncset.s32 $0xFFFFF086  }
0x25: {  	[simem:s6], [sflag:s4] =	dma.local [hbm:s3], $0xF7A  }
0x26: {  	[smem:$0x3F93] =	sst s1;
	(tag) =	ssettag s2;
	_ =	strace s9  }
0x27: {  	s1 =	sld [smem:$0x3FA3]  }
0x28: {  	s2 =	sld [smem:$0x3FA4]  }
0x29: {  	s4 =	sld [smem:$0x3FA6]  }
0x2a: {  	p0 =	seq.s32 s5, $0x0;
	s5 =	sld [smem:$0x3FA7]  }
0x2b: {  	s6 =	sld [smem:$0x3FA8]  }
0x2c: {  	s7 =	sld [smem:$0x3FA9]  }
0x2d: {  	s3 =	simm.s32 $0x108;
	s8 =	sld [smem:$0x3FAA]  }
0x2e: {  	s3 =	simm.s32 @!p0 $0x1082;
	s9 =	sld [smem:$0x3FAB]  }
0x2f: {  	lr =	sadd.s32 s0, s3;
	s0 =	sld [smem:$0x3FA2]  }
0x30: {  	s3 =	sld [smem:$0x3FA5]  }
0x31: {  	[smem:$0x3FAE] =	sst s10  }
0x32: {  	s10 =	sld [smem:$0x3FAC];
	_ =	sdelay $0x3  }
0x33: {  	p0 =	seq.s32 s10, $0x1;
	s10 =	sld [smem:$0x3FAE];
	_ =	sdelay $0x3  }
0x34: {  	[smem:$0x3FAE] =	sst s10  }
0x35: {  	s10 =	sld [smem:$0x3FAD];
	_ =	sdelay $0x3  }
0x36: {  	p1 =	seq.s32 s10, $0x1;
	s10 =	sld [smem:$0x3FAE];
	_ =	sdelay $0x3  }
0x37: {  	[smem:$0x3FAE] =	sst s10  }
0x38: {  	s10 =	sld [smem:$0x3FAF]  }
0x39: {  	_ = 	snop;
	(pc) =	sbr.ind lr, $3  }
0x3a: {  	_ = 	snop  }
0x3b: {  	_ = 	snop  }
0x3c: {  	p2 =	seq.s32 s10, $0x1;
	s10 =	sld [smem:$0x3FAE]  }
0x3d: {  	_ =	shalt  }
0x3e: {  	_ =	shalt  }
0x3f: {  	_ =	shalt  }
0x40: {  	_ =	shalt  }
0x41: {  	_ =	shalt  }
0x42: {  	_ =	shalt  }
0x43: {  	_ =	shalt  }
0x44: {  	_ =	shalt  }
0x45: {  	_ =	shalt  }
0x46: {  	_ =	shalt  }
0x47: {  	_ =	shalt  }
0x48: {  	_ =	shalt  }
0x49: {  	_ =	shalt  }
0x4a: {  	_ =	shalt  }
0x4b: {  	_ =	shalt  }
0x4c: {  	_ =	shalt  }
0x4d: {  	_ =	shalt  }
0x4e: {  	_ =	shalt  }
0x4f: {  	_ =	shalt  }
0x50: {  	_ =	shalt  }
0x51: {  	_ =	shalt  }
0x52: {  	_ =	shalt  }
0x53: {  	_ =	shalt  }
0x54: {  	_ =	shalt  }
0x55: {  	_ =	shalt  }
0x56: {  	_ =	shalt  }
0x57: {  	_ =	shalt  }
0x58: {  	_ =	shalt  }
0x59: {  	_ =	shalt  }
0x5a: {  	_ =	shalt  }
0x5b: {  	_ =	shalt  }
0x5c: {  	_ =	shalt  }
0x5d: {  	_ =	shalt  }
0x5e: {  	_ =	shalt  }
0x5f: {  	_ =	shalt  }
0x60: {  	_ =	shalt  }
0x61: {  	_ =	shalt  }
0x62: {  	_ =	shalt  }
0x63: {  	_ =	shalt  }
0x64: {  	_ =	shalt  }
0x65: {  	_ =	shalt  }
0x66: {  	_ =	shalt  }
0x67: {  	_ =	shalt  }
0x68: {  	_ =	shalt  }
0x69: {  	_ =	shalt  }
0x6a: {  	_ =	shalt  }
0x6b: {  	_ =	shalt  }
0x6c: {  	_ =	shalt  }
0x6d: {  	_ =	shalt  }
0x6e: {  	_ =	shalt  }
0x6f: {  	_ =	shalt  }
0x70: {  	_ =	shalt  }
0x71: {  	_ =	shalt  }
0x72: {  	_ =	shalt  }
0x73: {  	_ =	shalt  }
0x74: {  	_ =	shalt  }
0x75: {  	_ =	shalt  }
0x76: {  	_ =	shalt  }
0x77: {  	_ =	shalt  }
0x78: {  	_ =	shalt  }
0x79: {  	_ =	shalt  }
0x7a: {  	_ =	shalt  }
0x7b: {  	_ =	shalt  }
0x7c: {  	_ =	shalt  }
0x7d: {  	_ =	shalt  }
0x7e: {  	_ =	shalt  }
0x7f: {  	_ =	shalt  }
0x80: {  	_ =	shalt  }
0x81: {  	_ =	shalt  }
0x82: {  	_ =	shalt  }
0x83: {  	_ =	shalt  }
0x84: {  	_ =	shalt  }
0x85: {  	_ =	shalt  }
0x86: {  	_ =	shalt  }
0x87: {  	_ =	shalt  }
.Lfunc_end0:
.L_simem_size_0:
called_computation.1_lowered:
.L_overlay_start_0:
0x88: {  	s2 =	sld [smem:$0x3FD9]  }
0x89: {  	s3 =	sld [smem:$0x3FFE];
	_ =	sdelay $0x1  }
0x8a: {  	s1 =	srdreg.scid  }
0x8b: {  	s0 =	sand.u32 $0x1, s1  }
0x8c: {  	s16 =	sshll.u32 s0, $0xA;
	s2 =	sadd.s32 s3, s2  }
0x8d: {  	s2 =	sadd.s32 s2, s16  }
0x8e: {  	[smem:$0x3FBA] =	sst s2  }
0x8f: {  	_ = 	snop  }
0x90: {  	(tm) =	ssettm $0x1  }
0x91: {  	s17 =	sld [smem:$0x3FFB];
	_ =	sdelay $0x3  }
0x92: {  	_ =	strace s17  }
0x93: {  	s2 =	sld [smem:$0x3FFC];
	_ =	sdelay $0x3  }
0x94: {  	_ =	strace s2  }
0x95: {  	s2 =	sld [smem:$0x3FFD];
	_ =	sdelay $0x3  }
0x96: {  	_ =	strace s2  }
0x97: {  	_ =	strace $0x8FFFFFFF  }
0x98: {  	s18 =	sld [smem:$0x3FDB];
	_ =	sdelay $0x1  }
0x99: {  	s19 =	simm.s32 $_scs_section_size  }
0x9a: {  	s4 =	simm.s32 $_size__tile_overlayer_lowered;
	s5 =	simm.s32 $_tile_overlayer_lowered  }
0x9b: {  	s22 =	simm.s32 $0x1BFF;
	s21 =	sshll.u32 s5, $0x1;
	s2 =	sadd.s32 s19, s18  }
0x9c: {  	s6 =	simm.s32 $0x0;
	s20 =	sshll.u32 s4, $0x1;
	s4 =	sadd.s32 s21, s2  }
0x9d: {  	[timem:s6], [sflag:s22] =	dma.local [hbm:s4], s20  }
0x9e: {  	_ =	swait.ge [sflag:s22], s20  }
0x9f: {  	s3 =	ssub.s32 $0x0, s20;
	[sflag:s22] =	ssyncset.done $0x0  }
0xa0: {  	[sflag:s22] =	ssyncadd.s32 s3;
	_ =	sdelay $0x1  }
0xa1: {  	s23 =	simm.s32 $0x1B8B  }
0xa2: {  	_ =	swait.ge [sflag:s23], $0x1  }
0xa3: {  	[sflag:s23] =	ssyncset.done $0x0  }
0xa4: {  	s25 =	simm.s32 $0x1B8E;
	s24 =	sld [smem:$0x3FFE];
	[sflag:s23] =	ssyncadd.s32 $0xFFFFFFFF  }
0xa5: {  	s26 =	simm.s32 $execute0_lowered;
	[smem:$0x3FD2] =	sst s25  }
0xa6: {  	s4 =	sshll.u32 s26, $0x1;
	_ =	strace $0x80000049;
	[dreg:$0x1] =	wrdreg $0xFFFFFFFF  }
0xa7: {  	s28 =	simm.s32 $_size_execute0_lowered;
	s2 =	sadd.s32 s2, s4;
	[dreg:$0x0] =	wrdreg $0x0  }
0xa8: {  	s4 =	sshll.u32 s28, $0x1;
	[dreg:$0x2] =	wrdreg s2  }
0xa9: {  	[dreg:$0x3] =	wrdreg s4  }
0xaa: {  	[dreg:$0x4] =	wrdreg $0xC0  }
0xab: {  	_ =	task [dreg:s6], $0x5FFFF  }
0xac: {  	[dreg:$0x1] =	wrdreg $0xFFFFFFFF  }
0xad: {  	[dreg:$0x0] =	wrdreg $0x60  }
0xae: {  	[dreg:$0x2] =	wrdreg s24  }
0xaf: {  	[dreg:$0x3] =	wrdreg $0x0  }
0xb0: {  	[dreg:$0x4] =	wrdreg $0x190000  }
0xb1: {  	[dreg:$0x5] =	wrdreg $0x9  }
0xb2: {  	_ =	task.clear_ibuf [dreg:s6], $0x6FFFF;
	_ =	strace $0x90000049  }
0xb3: {  	s29 =	simm.s32 $0x9;
	_ =	strace $0x8000004B  }
0xb4: {  	_ =	swait.ge [sflag:s29], $0x1  }
0xb5: {  	[sflag:s29] =	ssyncadd.s32 $0xFFFFFFFF  }
0xb6: {  	_ =	strace $0x9000004B  }
0xb7: {  	_ =	sfence  }
0xb8: {  	s30 =	sld [smem:$0x0];
	_ =	sdelay $0x2  }
0xb9: {  	s31 =	sshll.u32 s1, $0xD;
	s1 =	sshrl.u32 s1, $0x2  }
0xba: {  	s3 =	sand.u32 $0x4000, s31;
	s1 =	sadd.s32 s1, s30  }
0xbb: {  	s0 =	sor.u32 s3, s0;
	s1 =	sshll.u32 s1, $0x11  }
0xbc: {  	s0 =	sor.u32 s1, s0  }
0xbd: {  	s0 =	sadd.s32 $0x8F2B, s0  }
0xbe: {  	[sflag:s0] =	ssyncadd.remote.s32 $0x1  }
0xbf: {  	_ =	sfence.sel $0xFFFF  }
0xc0: {  	[dreg:$0x0] =	wrdreg $0xFFFFFFFF;
	(pc) =	sbr.abs _section_cstart, $3  }
0xc1: {  	[dreg:$0x1] =	wrdreg $0xFFFFFFFF  }
0xc2: {  	_ =	task.clear_ibuf [dreg:s6], $0x2FFFF;
	_ =	strace $0x9FFFFFFF  }
0xc3: {  	(tm) =	ssettm $0x7FFFFFFF  }
tec
execute0_lowered:
.L_overlay_start_1:
0x0: {  	(tag) =	ssettag $0x1  }
0x1: {  	s0 =	srdreg.scid;
	s2 =	rddreg [dreg:$0x0]  }
0x2: {  	s1 =	rddreg [dreg:$0x1];
	s11 =	stileid.u32  }
0x3: {  	s12 =	simm.s32 $0x0;
	s31 =	simm.s32 $0x1B880;
	s0 =	sand.u32 $0x1, s0  }
0x4: {  	s29 =	simm.s32 $0x1B180;
	s30 =	simm.s32 $0x1EA00;
	s3 =	sshll.u32 s0, $0x4  }
0x5: {  	s5 =	sadd.s32 $0x3E200, s2;
	s4 =	smul.u32 $0x190000, s0;
	s3 =	sor.u32 s11, s3  }
0x6: {  	s7 =	sadd.s32 $0xA2200, s2;
	[smem:$0x7FF] =	sst s12;
	s3 =	smul.u32 $0x3200, s3  }
0x7: {  	s12 =	simm.s32 $0x1B680;
	s6 =	ssub.s32 $0x2, s0;
	s8 =	smul.u32 $0x19000, s0  }
0x8: {  	s0 =	smul.u32 $0x32000, s0;
	s9 =	sshrl.u32 s6, $0x1;
	s13 =	sadd.s32 s5, s3  }
0x9: {  	s14 =	sor.u32 $0x10, s3;
	s10 =	sadd.s32 s7, s3;
	[dreg:$0x4] =	wrdreg s13  }
0xa: {  	s6 =	ssub.s32 s6, s9;
	[dreg:$0x5] =	wrdreg s10;
	s15 =	sadd.s32 s5, s14  }
0xb: {  	s16 =	sor.u32 $0x20, s3;
	s9 =	sadd.s32 s7, s14;
	[dreg:$0x6] =	wrdreg s15  }
0xc: {  	s18 =	sor.u32 $0x30, s3;
	s17 =	sadd.s32 s5, s16;
	[dreg:$0x7] =	wrdreg s9  }
0xd: {  	s20 =	sor.u32 $0x40, s3;
	s10 =	sadd.s32 s7, s16;
	[dreg:$0x8] =	wrdreg s17  }
0xe: {  	s22 =	sor.u32 $0x50, s3;
	s19 =	sadd.s32 s5, s18;
	[dreg:$0x9] =	wrdreg s10  }
0xf: {  	s24 =	sor.u32 $0x60, s3;
	s21 =	sadd.s32 s5, s20;
	[dreg:$0xa] =	wrdreg s19  }
0x10: {  	s3 =	sor.u32 $0x70, s3;
	s23 =	sadd.s32 s5, s22;
	[dreg:$0xc] =	wrdreg s21  }
0x11: {  	s25 =	sadd.s32 s5, s24;
	s26 =	sadd.s32 s5, s3;
	[dreg:$0xe] =	wrdreg s23  }
0x12: {  	s3 =	sadd.s32 s7, s3;
	s13 =	smul.u32 $0x19000, s11;
	[dreg:$0x10] =	wrdreg s25  }
0x13: {  	s14 =	smul.u32 $0x1900, s11;
	s9 =	sadd.s32 s7, s18;
	[dreg:$0x12] =	wrdreg s26  }
0x14: {  	s10 =	sadd.s32 s7, s20;
	[dreg:$0x13] =	wrdreg s3;
	s17 =	smul.u32 $0x6400, s11  }
0x15: {  	s21 =	rddreg [dreg:$0x2];
	s23 =	sadd.s32 $0xC200, s2;
	s18 =	smul.u32 $0x64000, s11  }
0x16: {  	s25 =	smax.u32 s6, $0x1;
	s6 =	simm.s32 $0x8;
	[dreg:$0xb] =	wrdreg s9  }
0x17: {  	[dreg:$0xd] =	wrdreg s10;
	s9 =	sadd.s32 s7, s22;
	s10 =	smul.u32 $0x3200, s11  }
0x18: {  	s15 =	sadd.s32 s13, s4;
	s16 =	sadd.s32 s14, s8;
	s19 =	sadd.s32 s13, s1  }
0x19: {  	s3 =	sadd.s32 s14, s21;
	s14 =	simm.s32 $0x1F200;
	[dreg:$0xf] =	wrdreg s9  }
0x1a: {  	s9 =	sadd.s32 s7, s24;
	s4 =	sshrl.u32 s16, $0x3;
	s24 =	sshrl.u32 s17, $0x2  }
0x1b: {  	s26 =	sshrl.u32 s3, $0x3;
	s3 =	simm.s32 $0x1B100;
	s16 =	simm.s32 $0x1B900  }
0x1c: {  	s17 =	simm.s32 $0x1E200;
	[dreg:$0x11] =	wrdreg s9;
	s9 =	sadd.s32 s0, s5  }
0x1d: {  	s0 =	sadd.s32 s0, s7;
	s4 =	sadd.s32 s4, s2;
	s28 =	sadd.s32 s24, s21  }
0x1e: {  	s5 =	simm.s32 $0x1B800;
	s24 =	simm.s32 $0x1B580;
	s7 =	simm.s32 $0x0  }
0x1f: {  	s22 =	sadd.s32 s10, s9;
	s20 =	sadd.s32 s10, s0;
	_ =	strace $0x8000004A  }
0x20: {  	s0 =	sshrl.u32 s15, $0x3;
	s4 =	sadd.s32 $0x2200, s4;
	[dreg:$0x16] =	wrdreg s25  }
0x21: {  	[dreg:$0x19] =	wrdreg s26;
	s25 =	simm.s32 $0x1B700;
	s9 =	simm.s32 $0x1B980  }
.Ltmp0:
0x22: {  	s26 =	simm.s32 $0x80;
	s0 =	sadd.s32 s0, s2;
	(pc) =	sbr.rel .LBB2_1-.Ltmp0, $4  }
0x23: {  	[dreg:$0x15] =	wrdreg s4;
	s2 =	sshrl.u32 s18, $0x2;
	s0 =	sadd.s32 $0x106200, s0  }
0x24: {  	s4 =	simm.s32 $0x1B600;
	s2 =	sadd.s32 s2, s1;
	[dreg:$0x14] =	wrdreg s0  }
0x25: {  	[dreg:$0x17] =	wrdreg s2;
	s0 =	sshrl.u32 s19, $0x3;
	s19 =	simm.s32 $0x1A900  }
0x26: {  	v0 =	vimm.f32 $0.0e+00;
	v1 =	vimm.f32 $1.000000000e+00;
	s2 =	simm.s32 $0x1B780;
	[dreg:$0x18] =	wrdreg s0;
	s0 =	simm.s32 $0x11  }
.LBB2_8:
0x27: {  	s8 =	stileid.u32;
	[bflag:$0x0] =	sbarrier.arrive $0xFFFF  }
0x28: {  	s8 =	sshll.u32 s8, $0x6;
	s10 =	rddreg [dreg:$0x14]  }
0x29: {  	s11 =	rddreg [dreg:$0x18];
	s8 =	sor.u32 $0x1C11, s8  }
0x2a: {  	[hbm:s10], [sflag:s8] =	dma.local [spmem:s11], $0x3200  }
0x2b: {  	_ =	swait.ge [sflag:s0], $0x3200  }
0x2c: {  	[sflag:s0] =	ssyncset.done $0x0;
	s17 =	rddreg [dreg:$0x15]  }
0x2d: {  	s18 =	rddreg [dreg:$0x19];
	[sflag:s0] =	ssyncadd.s32 $0xFFFFCE00  }
0x2e: {  	[hbm:s17], [sflag:s8] =	dma.local [spmem:s18], $0x320  }
0x2f: {  	_ =	swait.ge [sflag:s0], $0x320  }
0x30: {  	s7 =	rddreg [dreg:$0x1a]  }
0x31: {  	s24 =	rddreg [dreg:$0x16];
	s7 =	sadd.s32 $0x1, s7  }
0x32: {  	p0 =	sne.s32 s7, s24  }
.Ltmp1:
0x33: {  	_ = 	snop;
	(pc) =	sbr.rel @!p0 .LBB2_9-.Ltmp1, $3  }
0x34: {  	_ =	sdelay $0x1  }
0x35: {  	[sflag:s0] =	ssyncset.done $0x0  }
0x36: {  	s17 =	simm.s32 $0x1E200;
	[sflag:s0] =	ssyncadd.s32 $0xFFFFFCE0;
	s24 =	simm.s32 $0x1B580  }
.LBB2_1:
0x37: {  	s8 =	simm.s32 $0x40;
	s11 =	simm.s32 $0x0  }
.LBB2_2:
0x38: {  	p0 =	sne.s32 s8, $0x1FC0;
	[tilespmem:s11+$0x1A900] =	vst v0;
	s11 =	smov.u32 s8;
	s8 =	sadd.s32 $0x40, s8  }
.Ltmp2:
0x39: {  	(pc) =	sbr.rel @p0 .LBB2_2-.Ltmp2, $2  }
0x3a: {  	_ =	sdelay $0x2  }
0x3b: {  	s11 =	sshra.s32 s11, $0x2  }
0x3c: {  	[tilespmem:s11+$0x1A900] =	vst v0  }
0x3d: {  	[tilespmem:$0x1B100] =	vst v0  }
0x3e: {  	[tilespmem:$0x1B110] =	vst v0  }
0x3f: {  	[tilespmem:$0x1B120] =	vst v0  }
0x40: {  	[tilespmem:$0x1B130] =	vst v0  }
0x41: {  	[tilespmem:$0x1B140] =	vst v0  }
0x42: {  	[tilespmem:$0x1B150] =	vst v0  }
0x43: {  	[tilespmem:$0x1B160] =	vst v0  }
0x44: {  	[tilespmem:$0x1B170] =	vst v0  }
0x45: {  	[tilespmem:$0x1B180] =	vst v1  }
0x46: {  	[tilespmem:$0x1B190] =	vst v1  }
0x47: {  	[tilespmem:$0x1B1A0] =	vst v1  }
0x48: {  	[tilespmem:$0x1B1B0] =	vst v1  }
0x49: {  	[tilespmem:$0x1B1C0] =	vst v1  }
0x4a: {  	[tilespmem:$0x1B1D0] =	vst v1  }
0x4b: {  	[dreg:$0x1a] =	wrdreg s7;
	[tilespmem:$0x1B1E0] =	vst v1  }
0x4c: {  	s11 =	rddreg [dreg:$0x17];
	[tilespmem:$0x1B1F0] =	vst v1  }
0x4d: {  	[spmem:s11] =	stream.linear.scatter [tilespmem:s19], [sflag:$0x11], $0x800, $0x38;
	[tilespmem:$0x1FA00] =	vst v63  }
0x4e: {  	_ =	swait.ge [sflag:s0], $0x800  }
0x4f: {  	[sflag:s0] =	ssyncset.done $0x0  }
0x50: {  	s8 =	sadd.s32 $0x0, s28;
	[sflag:s0] =	ssyncadd.s32 $0xFFFFF800  }
0x51: {  	[spmem:s8] =	stream.linear.scatter [tilespmem:s3], [sflag:$0x11], $0x80, $0x38;
	[tilespmem:$0x1FA00] =	vst v63  }
0x52: {  	_ =	swait.ge [sflag:s0], $0x80  }
0x53: {  	s8 =	simm.s32 $0x200;
	[sflag:s0] =	ssyncset.done $0x0  }
.LBB2_4:
0x54: {  	p0 =	sne.s32 s8, $0x6200;
	[sflag:s0] =	ssyncadd.s32 $0xFFFFFF80;
	s11 =	sadd.s32 $0x800, s11  }
0x55: {  	[spmem:s11] =	stream.linear.scatter [tilespmem:s19], [sflag:$0x11], $0x800, $0x38;
	[tilespmem:$0x1FA00] =	vst v63  }
0x56: {  	s13 =	smov.u32 s8;
	s8 =	sadd.s32 $0x200, s8;
	_ =	swait.ge [sflag:s0], $0x800  }
.Ltmp3:
0x57: {  	s13 =	sshra.s32 s13, $0x2;
	[sflag:s0] =	ssyncset.done $0x0;
	(pc) =	sbr.rel @p0 .LBB2_4-.Ltmp3, $4  }
0x58: {  	s13 =	sadd.s32 s13, s28;
	[sflag:s0] =	ssyncadd.s32 $0xFFFFF800  }
0x59: {  	[spmem:s13] =	stream.linear.scatter [tilespmem:s3], [sflag:$0x11], $0x80, $0x38;
	[tilespmem:$0x1FA00] =	vst v63  }
0x5a: {  	_ =	swait.ge [sflag:s0], $0x80  }
0x5b: {  	[sflag:s0] =	ssyncset.done $0x0  }
0x5c: {  	[sflag:s0] =	ssyncadd.s32 $0xFFFFFF80  }
0x5d: {  	[bflag:$0x0] =	sbarrier.arrive $0xFFFF  }
0x5e: {  	s11 =	simm.s32 $0x0;
	s10 =	simm.s32 $0x1B200;
	s8 =	rddreg [dreg:$0x4]  }
0x5f: {  	[tilespmem:s10], [sflag:$0x1] =	stream.linear.gather [hbm4b:s8+s11], $0x80, $0x38;
	[tilespmem:$0x1FA00] =	vst v63  }
0x60: {  	s15 =	rddreg [dreg:$0x5]  }
0x61: {  	[tilespmem:s4], [sflag:$0x1] =	stream.linear.gather [hbm4b:s15+s11], $0x80, $0x38;
	[tilespmem:$0x1FA00] =	vst v63  }
0x62: {  	s18 =	rddreg [dreg:$0x6];
	s4 =	simm.s32 $0x1B280  }
0x63: {  	[tilespmem:s4], [sflag:$0x2] =	stream.linear.gather [hbm4b:s18+s11], $0x80, $0x38;
	[tilespmem:$0x1FA00] =	vst v63  }
0x64: {  	s7 =	rddreg [dreg:$0x7]  }
0x65: {  	[tilespmem:s12], [sflag:$0x2] =	stream.linear.gather [hbm4b:s7+s11], $0x80, $0x38;
	[tilespmem:$0x1FA00] =	vst v63  }
0x66: {  	s13 =	rddreg [dreg:$0x8];
	s12 =	simm.s32 $0x1B300  }
0x67: {  	[tilespmem:s12], [sflag:$0x3] =	stream.linear.gather [hbm4b:s13+s11], $0x80, $0x38;
	[tilespmem:$0x1FA00] =	vst v63  }
0x68: {  	s15 =	rddreg [dreg:$0x9]  }
0x69: {  	[tilespmem:s25], [sflag:$0x3] =	stream.linear.gather [hbm4b:s15+s11], $0x80, $0x38;
	[tilespmem:$0x1FA00] =	vst v63  }
0x6a: {  	s18 =	rddreg [dreg:$0xa];
	s13 =	simm.s32 $0x1B380  }
0x6b: {  	[tilespmem:s13], [sflag:$0x4] =	stream.linear.gather [hbm4b:s18+s11], $0x80, $0x38;
	[tilespmem:$0x1FA00] =	vst v63  }
0x6c: {  	s25 =	rddreg [dreg:$0xb]  }
0x6d: {  	[tilespmem:s2], [sflag:$0x4] =	stream.linear.gather [hbm4b:s25+s11], $0x80, $0x38;
	[tilespmem:$0x1FA00] =	vst v63  }
0x6e: {  	s7 =	rddreg [dreg:$0xc];
	s2 =	simm.s32 $0x1B400  }
0x6f: {  	[tilespmem:s2], [sflag:$0x5] =	stream.linear.gather [hbm4b:s7+s11], $0x80, $0x38;
	[tilespmem:$0x1FA00] =	vst v63  }
0x70: {  	s15 =	rddreg [dreg:$0xd]  }
0x71: {  	[tilespmem:s5], [sflag:$0x5] =	stream.linear.gather [hbm4b:s15+s11], $0x80, $0x38;
	[tilespmem:$0x1FA00] =	vst v63  }
0x72: {  	s18 =	rddreg [dreg:$0xe];
	s5 =	simm.s32 $0x1B480  }
0x73: {  	[tilespmem:s5], [sflag:$0x6] =	stream.linear.gather [hbm4b:s18+s11], $0x80, $0x38;
	[tilespmem:$0x1FA00] =	vst v63  }
0x74: {  	s25 =	rddreg [dreg:$0xf]  }
0x75: {  	[tilespmem:s31], [sflag:$0x6] =	stream.linear.gather [hbm4b:s25+s11], $0x80, $0x38;
	[tilespmem:$0x1FA00] =	vst v63  }
0x76: {  	s7 =	rddreg [dreg:$0x10];
	s15 =	simm.s32 $0x1B500  }
0x77: {  	[tilespmem:s15], [sflag:$0x7] =	stream.linear.gather [hbm4b:s7+s11], $0x80, $0x38;
	[tilespmem:$0x1FA00] =	vst v63  }
0x78: {  	s15 =	rddreg [dreg:$0x11]  }
0x79: {  	[tilespmem:s16], [sflag:$0x7] =	stream.linear.gather [hbm4b:s15+s11], $0x80, $0x38;
	[tilespmem:$0x1FA00] =	vst v63  }
0x7a: {  	s16 =	rddreg [dreg:$0x12]  }
0x7b: {  	[tilespmem:s24], [sflag:$0x8] =	stream.linear.gather [hbm4b:s16+s11], $0x80, $0x38;
	[tilespmem:$0x1FA00] =	vst v63  }
0x7c: {  	s18 =	rddreg [dreg:$0x13];
	s7 =	simm.s32 $0x1  }
0x7d: {  	[tilespmem:s9], [sflag:$0x8] =	stream.linear.gather [hbm4b:s18+s11], $0x80, $0x38;
	[tilespmem:$0x1FA00] =	vst v63  }
0x7e: {  	_ =	swait.ge [sflag:s7], $0x80  }
0x7f: {  	[sflag:s7] =	ssyncset.done $0x0  }
0x80: {  	[sflag:s7] =	ssyncadd.s32 $0xFFFFFF80  }
0x81: {  	_ =	swait.ge [sflag:s7], $0x80  }
0x82: {  	[sflag:s7] =	ssyncset.done $0x0  }
0x83: {  	s25 =	simm.s32 $0x1BA00;
	s31 =	simm.s32 $0x2;
	[sflag:s7] =	ssyncadd.s32 $0xFFFFFF80  }
0x84: {  	[tilespmem:s25], [sflag:$0x9] =	stream.indirect.gather [hbm4b:s23+s26], $0x10, s10, s26, $0xb8;
	[tilespmem:$0x1FA00] =	vst v63  }
0x85: {  	_ =	swait.ge [sflag:s31], $0x80  }
0x86: {  	[sflag:s31] =	ssyncset.done $0x0  }
0x87: {  	[sflag:s31] =	ssyncadd.s32 $0xFFFFFF80  }
0x88: {  	_ =	swait.ge [sflag:s31], $0x80  }
0x89: {  	[sflag:s31] =	ssyncset.done $0x0  }
0x8a: {  	s8 =	simm.s32 $0x1C200;
	s9 =	simm.s32 $0x3;
	[sflag:s31] =	ssyncadd.s32 $0xFFFFFF80  }
0x8b: {  	[tilespmem:s8], [sflag:$0xA] =	stream.indirect.gather [hbm4b:s23+s26], $0x10, s4, s26, $0xb8;
	[tilespmem:$0x1FA00] =	vst v63  }
0x8c: {  	_ =	swait.ge [sflag:s9], $0x80  }
0x8d: {  	[sflag:s9] =	ssyncset.done $0x0  }
0x8e: {  	[sflag:s9] =	ssyncadd.s32 $0xFFFFFF80  }
0x8f: {  	_ =	swait.ge [sflag:s9], $0x80  }
0x90: {  	[sflag:s9] =	ssyncset.done $0x0  }
0x91: {  	s15 =	simm.s32 $0x4;
	s10 =	simm.s32 $0x1CA00;
	[sflag:s9] =	ssyncadd.s32 $0xFFFFFF80  }
0x92: {  	[tilespmem:s10], [sflag:$0xB] =	stream.indirect.gather [hbm4b:s23+s26], $0x10, s12, s26, $0xb8;
	[tilespmem:$0x1FA00] =	vst v63  }
0x93: {  	_ =	swait.ge [sflag:s15], $0x80  }
0x94: {  	[sflag:s15] =	ssyncset.done $0x0  }
0x95: {  	[sflag:s15] =	ssyncadd.s32 $0xFFFFFF80  }
0x96: {  	_ =	swait.ge [sflag:s15], $0x80  }
0x97: {  	[sflag:s15] =	ssyncset.done $0x0  }
0x98: {  	s16 =	simm.s32 $0x1D200;
	s18 =	simm.s32 $0x5;
	[sflag:s15] =	ssyncadd.s32 $0xFFFFFF80  }
0x99: {  	[tilespmem:s16], [sflag:$0xC] =	stream.indirect.gather [hbm4b:s23+s26], $0x10, s13, s26, $0xb8;
	[tilespmem:$0x1FA00] =	vst v63  }
0x9a: {  	_ =	swait.ge [sflag:s18], $0x80  }
0x9b: {  	[sflag:s18] =	ssyncset.done $0x0  }
0x9c: {  	[sflag:s18] =	ssyncadd.s32 $0xFFFFFF80  }
0x9d: {  	_ =	swait.ge [sflag:s18], $0x80  }
0x9e: {  	[sflag:s18] =	ssyncset.done $0x0  }
0x9f: {  	s25 =	simm.s32 $0x1DA00;
	s31 =	simm.s32 $0x6;
	[sflag:s18] =	ssyncadd.s32 $0xFFFFFF80  }
0xa0: {  	[tilespmem:s25], [sflag:$0xD] =	stream.indirect.gather [hbm4b:s23+s26], $0x10, s2, s26, $0xb8;
	[tilespmem:$0x1FA00] =	vst v63  }
0xa1: {  	_ =	swait.ge [sflag:s31], $0x80  }
0xa2: {  	[sflag:s31] =	ssyncset.done $0x0  }
0xa3: {  	[sflag:s31] =	ssyncadd.s32 $0xFFFFFF80  }
0xa4: {  	_ =	swait.ge [sflag:s31], $0x80  }
0xa5: {  	[sflag:s31] =	ssyncset.done $0x0  }
0xa6: {  	s9 =	simm.s32 $0x1B980;
	[sflag:s31] =	ssyncadd.s32 $0xFFFFFF80  }
0xa7: {  	[tilespmem:s17], [sflag:$0xE] =	stream.indirect.gather [hbm4b:s23+s26], $0x10, s5, s26, $0xb8;
	[tilespmem:$0x1FA00] =	vst v63  }
.LBB2_6:
0xa8: {  	s2 =	simm.s32 $0x9  }
0xa9: {  	_ =	swait.ge [sflag:s2], $0x800  }
0xaa: {  	[sflag:s2] =	ssyncset.done $0x0  }
0xab: {  	s8 =	simm.s32 $0x1B600;
	s10 =	simm.s32 $0x1BA00;
	[sflag:s2] =	ssyncadd.s32 $0xFFFFF800  }
0xac: {  	[spmem:s1] =	stream.indirect.scatter.add.f32 [tilespmem:s10], [sflag:$0x11], $0x10, s8, s26, $0xb8;
	[tilespmem:$0x1FA00] =	vst v63  }
0xad: {  	_ =	swait.ge [sflag:s0], $0x800  }
0xae: {  	[sflag:s0] =	ssyncset.done $0x0  }
0xaf: {  	p0 =	seq.s32 s11, $0x3180;
	[sflag:s0] =	ssyncadd.s32 $0xFFFFF800  }
0xb0: {  	[spmem:s21] =	stream.indirect.scatter.add.f32 [tilespmem:s29], [sflag:$0x11], $0x1, s8, s26, $0xb8;
	[tilespmem:$0x1FA00] =	vst v63  }
0xb1: {  	s13 =	sadd.s32 @!p0 s11, s22;
	_ =	swait.ge [sflag:s0], $0x80  }
0xb2: {  	s18 =	simm.s32 @!p0 $0x0;
	s16 =	simm.s32 @!p0 $0x1B200;
	[sflag:s0] =	ssyncset.done $0x0  }
0xb3: {  	s15 =	sadd.s32 @!p0 s11, s20;
	s8 =	sadd.s32 @!p0 $0x80, s13;
	[sflag:s0] =	ssyncadd.s32 $0xFFFFFF80  }
0xb4: {  	[tilespmem:s16], [sflag:$0x1] =	stream.linear.gather @!p0 [hbm4b:s8+s18], $0x80, $0x38;
	[tilespmem:$0x1FA00] =	vst v63  }
0xb5: {  	s12 =	simm.s32 $0x7;
	s17 =	simm.s32 @!p0 $0x1B600;
	s8 =	sadd.s32 @!p0 $0x80, s15  }
0xb6: {  	[tilespmem:s17], [sflag:$0x1] =	stream.linear.gather @!p0 [hbm4b:s8+s18], $0x80, $0x38;
	[tilespmem:$0x1FA00] =	vst v63  }
0xb7: {  	_ =	swait.ge [sflag:s12], $0x80  }
0xb8: {  	[sflag:s12] =	ssyncset.done $0x0  }
0xb9: {  	[sflag:s12] =	ssyncadd.s32 $0xFFFFFF80  }
0xba: {  	_ =	swait.ge [sflag:s12], $0x80  }
0xbb: {  	[sflag:s12] =	ssyncset.done $0x0  }
0xbc: {  	s25 =	simm.s32 $0xA;
	s17 =	simm.s32 $0x1B500;
	[sflag:s12] =	ssyncadd.s32 $0xFFFFFF80  }
0xbd: {  	[tilespmem:s30], [sflag:$0xF] =	stream.indirect.gather [hbm4b:s23+s26], $0x10, s17, s26, $0xb8;
	[tilespmem:$0x1FA00] =	vst v63  }
0xbe: {  	_ =	swait.ge [sflag:s25], $0x800  }
0xbf: {  	[sflag:s25] =	ssyncset.done $0x0  }
0xc0: {  	s5 =	simm.s32 $0x1B680;
	s7 =	simm.s32 $0x1C200;
	[sflag:s25] =	ssyncadd.s32 $0xFFFFF800  }
0xc1: {  	[spmem:s1] =	stream.indirect.scatter.add.f32 [tilespmem:s7], [sflag:$0x11], $0x10, s5, s26, $0xb8;
	[tilespmem:$0x1FA00] =	vst v63  }
0xc2: {  	_ =	swait.ge [sflag:s0], $0x800  }
0xc3: {  	[sflag:s0] =	ssyncset.done $0x0  }
0xc4: {  	[sflag:s0] =	ssyncadd.s32 $0xFFFFF800  }
0xc5: {  	[spmem:s21] =	stream.indirect.scatter.add.f32 [tilespmem:s29], [sflag:$0x11], $0x1, s5, s26, $0xb8;
	[tilespmem:$0x1FA00] =	vst v63  }
0xc6: {  	_ =	swait.ge [sflag:s0], $0x80  }
0xc7: {  	[sflag:s0] =	ssyncset.done $0x0  }
0xc8: {  	s8 =	simm.s32 @!p0 $0x1B280;
	s17 =	sadd.s32 @!p0 $0x90, s13;
	[sflag:s0] =	ssyncadd.s32 $0xFFFFFF80  }
0xc9: {  	[tilespmem:s8], [sflag:$0x2] =	stream.linear.gather @!p0 [hbm4b:s17+s18], $0x80, $0x38;
	[tilespmem:$0x1FA00] =	vst v63  }
0xca: {  	s31 =	simm.s32 @!p0 $0x1B680;
	s17 =	sadd.s32 @!p0 $0x90, s15  }
0xcb: {  	[tilespmem:s31], [sflag:$0x2] =	stream.linear.gather @!p0 [hbm4b:s17+s18], $0x80, $0x38;
	[tilespmem:$0x1FA00] =	vst v63  }
0xcc: {  	_ =	swait.ge [sflag:s6], $0x80  }
0xcd: {  	[sflag:s6] =	ssyncset.done $0x0  }
0xce: {  	[sflag:s6] =	ssyncadd.s32 $0xFFFFFF80  }
0xcf: {  	_ =	swait.ge [sflag:s6], $0x80  }
0xd0: {  	[sflag:s6] =	ssyncset.done $0x0  }
0xd1: {  	s10 =	simm.s32 $0xB;
	[sflag:s6] =	ssyncadd.s32 $0xFFFFFF80  }
0xd2: {  	[tilespmem:s14], [sflag:$0x10] =	stream.indirect.gather [hbm4b:s23+s26], $0x10, s24, s26, $0xb8;
	[tilespmem:$0x1FA00] =	vst v63  }
0xd3: {  	_ =	swait.ge [sflag:s10], $0x800  }
0xd4: {  	[sflag:s10] =	ssyncset.done $0x0  }
0xd5: {  	s17 =	simm.s32 $0x1CA00;
	[sflag:s10] =	ssyncadd.s32 $0xFFFFF800;
	s10 =	simm.s32 $0x1B700  }
0xd6: {  	[spmem:s1] =	stream.indirect.scatter.add.f32 [tilespmem:s17], [sflag:$0x11], $0x10, s10, s26, $0xb8;
	[tilespmem:$0x1FA00] =	vst v63  }
0xd7: {  	_ =	swait.ge [sflag:s0], $0x800  }
0xd8: {  	[sflag:s0] =	ssyncset.done $0x0  }
0xd9: {  	[sflag:s0] =	ssyncadd.s32 $0xFFFFF800  }
0xda: {  	[spmem:s21] =	stream.indirect.scatter.add.f32 [tilespmem:s29], [sflag:$0x11], $0x1, s10, s26, $0xb8;
	[tilespmem:$0x1FA00] =	vst v63  }
0xdb: {  	_ =	swait.ge [sflag:s0], $0x80  }
0xdc: {  	[sflag:s0] =	ssyncset.done $0x0  }
0xdd: {  	s31 =	simm.s32 @!p0 $0x1B300;
	s17 =	sadd.s32 @!p0 $0xA0, s13;
	[sflag:s0] =	ssyncadd.s32 $0xFFFFFF80  }
0xde: {  	[tilespmem:s31], [sflag:$0x3] =	stream.linear.gather @!p0 [hbm4b:s17+s18], $0x80, $0x38;
	[tilespmem:$0x1FA00] =	vst v63  }
0xdf: {  	s24 =	simm.s32 @!p0 $0x1B700;
	s17 =	sadd.s32 @!p0 $0xA0, s15  }
0xe0: {  	[tilespmem:s24], [sflag:$0x3] =	stream.linear.gather @!p0 [hbm4b:s17+s18], $0x80, $0x38;
	[tilespmem:$0x1FA00] =	vst v63  }
0xe1: {  	s17 =	simm.s32 @!p0 $0x1  }
0xe2: {  	_ =	swait.ge @!p0 [sflag:s17], $0x80  }
0xe3: {  	[sflag:s17] =	ssyncset.done @!p0 $0x0  }
0xe4: {  	[sflag:s17] =	ssyncadd.s32 @!p0 $0xFFFFFF80  }
0xe5: {  	_ =	swait.ge @!p0 [sflag:s17], $0x80  }
0xe6: {  	[sflag:s17] =	ssyncset.done @!p0 $0x0  }
0xe7: {  	s24 =	simm.s32 @!p0 $0x1BA00;
	[sflag:s17] =	ssyncadd.s32 @!p0 $0xFFFFFF80;
	s17 =	simm.s32 @!p0 $0x80  }
0xe8: {  	[tilespmem:s24], [sflag:$0x9] =	stream.indirect.gather @!p0 [hbm4b:s23+s17], $0x10, s16, s17, $0xb8;
	[tilespmem:$0x1FA00] =	vst v63  }
0xe9: {  	s24 =	simm.s32 $0xC  }
0xea: {  	_ =	swait.ge [sflag:s24], $0x800  }
0xeb: {  	[sflag:s24] =	ssyncset.done $0x0  }
0xec: {  	s5 =	simm.s32 $0x1B780;
	s16 =	simm.s32 $0x1D200;
	[sflag:s24] =	ssyncadd.s32 $0xFFFFF800  }
0xed: {  	[spmem:s1] =	stream.indirect.scatter.add.f32 [tilespmem:s16], [sflag:$0x11], $0x10, s5, s26, $0xb8;
	[tilespmem:$0x1FA00] =	vst v63  }
0xee: {  	_ =	swait.ge [sflag:s0], $0x800  }
0xef: {  	[sflag:s0] =	ssyncset.done $0x0  }
0xf0: {  	[sflag:s0] =	ssyncadd.s32 $0xFFFFF800  }
0xf1: {  	[spmem:s21] =	stream.indirect.scatter.add.f32 [tilespmem:s29], [sflag:$0x11], $0x1, s5, s26, $0xb8;
	[tilespmem:$0x1FA00] =	vst v63  }
0xf2: {  	_ =	swait.ge [sflag:s0], $0x80  }
0xf3: {  	[sflag:s0] =	ssyncset.done $0x0  }
0xf4: {  	s24 =	sadd.s32 @!p0 $0xB0, s13;
	s16 =	simm.s32 @!p0 $0x1B380;
	[sflag:s0] =	ssyncadd.s32 $0xFFFFFF80  }
0xf5: {  	[tilespmem:s16], [sflag:$0x4] =	stream.linear.gather @!p0 [hbm4b:s24+s18], $0x80, $0x38;
	[tilespmem:$0x1FA00] =	vst v63  }
0xf6: {  	s10 =	simm.s32 @!p0 $0x1B780;
	s24 =	sadd.s32 @!p0 $0xB0, s15  }
0xf7: {  	[tilespmem:s10], [sflag:$0x4] =	stream.linear.gather @!p0 [hbm4b:s24+s18], $0x80, $0x38;
	[tilespmem:$0x1FA00] =	vst v63  }
0xf8: {  	s10 =	simm.s32 @!p0 $0x2  }
0xf9: {  	_ =	swait.ge @!p0 [sflag:s10], $0x80  }
0xfa: {  	[sflag:s10] =	ssyncset.done @!p0 $0x0  }
0xfb: {  	[sflag:s10] =	ssyncadd.s32 @!p0 $0xFFFFFF80  }
0xfc: {  	_ =	swait.ge @!p0 [sflag:s10], $0x80  }
0xfd: {  	[sflag:s10] =	ssyncset.done @!p0 $0x0  }
0xfe: {  	s5 =	simm.s32 $0xD;
	[sflag:s10] =	ssyncadd.s32 @!p0 $0xFFFFFF80;
	s10 =	simm.s32 @!p0 $0x1C200  }
0xff: {  	[tilespmem:s10], [sflag:$0xA] =	stream.indirect.gather @!p0 [hbm4b:s23+s17], $0x10, s8, s17, $0xb8;
	[tilespmem:$0x1FA00] =	vst v63  }
0x100: {  	_ =	swait.ge [sflag:s5], $0x800  }
0x101: {  	[sflag:s5] =	ssyncset.done $0x0  }
0x102: {  	s24 =	simm.s32 $0x1B800;
	s10 =	simm.s32 $0x1DA00;
	[sflag:s5] =	ssyncadd.s32 $0xFFFFF800  }
0x103: {  	[spmem:s1] =	stream.indirect.scatter.add.f32 [tilespmem:s10], [sflag:$0x11], $0x10, s24, s26, $0xb8;
	[tilespmem:$0x1FA00] =	vst v63  }
0x104: {  	_ =	swait.ge [sflag:s0], $0x800  }
0x105: {  	[sflag:s0] =	ssyncset.done $0x0  }
0x106: {  	[sflag:s0] =	ssyncadd.s32 $0xFFFFF800  }
0x107: {  	[spmem:s21] =	stream.indirect.scatter.add.f32 [tilespmem:s29], [sflag:$0x11], $0x1, s24, s26, $0xb8;
	[tilespmem:$0x1FA00] =	vst v63  }
0x108: {  	_ =	swait.ge [sflag:s0], $0x80  }
0x109: {  	[sflag:s0] =	ssyncset.done $0x0  }
0x10a: {  	s8 =	simm.s32 @!p0 $0x1B400;
	s10 =	sadd.s32 @!p0 $0xC0, s13;
	[sflag:s0] =	ssyncadd.s32 $0xFFFFFF80  }
0x10b: {  	[tilespmem:s8], [sflag:$0x5] =	stream.linear.gather @!p0 [hbm4b:s10+s18], $0x80, $0x38;
	[tilespmem:$0x1FA00] =	vst v63  }
0x10c: {  	s24 =	simm.s32 @!p0 $0x1B800;
	s10 =	sadd.s32 @!p0 $0xC0, s15  }
0x10d: {  	[tilespmem:s24], [sflag:$0x5] =	stream.linear.gather @!p0 [hbm4b:s10+s18], $0x80, $0x38;
	[tilespmem:$0x1FA00] =	vst v63  }
0x10e: {  	s10 =	simm.s32 @!p0 $0x3  }
0x10f: {  	_ =	swait.ge @!p0 [sflag:s10], $0x80  }
0x110: {  	[sflag:s10] =	ssyncset.done @!p0 $0x0  }
0x111: {  	[sflag:s10] =	ssyncadd.s32 @!p0 $0xFFFFFF80  }
0x112: {  	_ =	swait.ge @!p0 [sflag:s10], $0x80  }
0x113: {  	[sflag:s10] =	ssyncset.done @!p0 $0x0  }
0x114: {  	s24 =	simm.s32 $0xE;
	[sflag:s10] =	ssyncadd.s32 @!p0 $0xFFFFFF80;
	s10 =	simm.s32 @!p0 $0x1CA00  }
0x115: {  	[tilespmem:s10], [sflag:$0xB] =	stream.indirect.gather @!p0 [hbm4b:s23+s17], $0x10, s31, s17, $0xb8;
	[tilespmem:$0x1FA00] =	vst v63  }
0x116: {  	_ =	swait.ge [sflag:s24], $0x800  }
0x117: {  	[sflag:s24] =	ssyncset.done $0x0  }
0x118: {  	s10 =	simm.s32 $0x1B880;
	[sflag:s24] =	ssyncadd.s32 $0xFFFFF800;
	s24 =	simm.s32 $0x1E200  }
0x119: {  	[spmem:s1] =	stream.indirect.scatter.add.f32 [tilespmem:s24], [sflag:$0x11], $0x10, s10, s26, $0xb8;
	[tilespmem:$0x1FA00] =	vst v63  }
0x11a: {  	_ =	swait.ge [sflag:s0], $0x800  }
0x11b: {  	[sflag:s0] =	ssyncset.done $0x0  }
0x11c: {  	[sflag:s0] =	ssyncadd.s32 $0xFFFFF800  }
0x11d: {  	[spmem:s21] =	stream.indirect.scatter.add.f32 [tilespmem:s29], [sflag:$0x11], $0x1, s10, s26, $0xb8;
	[tilespmem:$0x1FA00] =	vst v63  }
0x11e: {  	_ =	swait.ge [sflag:s0], $0x80  }
0x11f: {  	[sflag:s0] =	ssyncset.done $0x0  }
0x120: {  	s24 =	simm.s32 @!p0 $0x1B480;
	s10 =	sadd.s32 @!p0 $0xD0, s13;
	[sflag:s0] =	ssyncadd.s32 $0xFFFFFF80  }
0x121: {  	[tilespmem:s24], [sflag:$0x6] =	stream.linear.gather @!p0 [hbm4b:s10+s18], $0x80, $0x38;
	[tilespmem:$0x1FA00] =	vst v63  }
0x122: {  	s10 =	sadd.s32 @!p0 $0xD0, s15;
	s24 =	simm.s32 @!p0 $0x1B880  }
0x123: {  	[tilespmem:s24], [sflag:$0x6] =	stream.linear.gather @!p0 [hbm4b:s10+s18], $0x80, $0x38;
	[tilespmem:$0x1FA00] =	vst v63  }
0x124: {  	s10 =	simm.s32 @!p0 $0x4  }
0x125: {  	_ =	swait.ge @!p0 [sflag:s10], $0x80  }
0x126: {  	[sflag:s10] =	ssyncset.done @!p0 $0x0  }
0x127: {  	[sflag:s10] =	ssyncadd.s32 @!p0 $0xFFFFFF80  }
0x128: {  	_ =	swait.ge @!p0 [sflag:s10], $0x80  }
0x129: {  	[sflag:s10] =	ssyncset.done @!p0 $0x0  }
0x12a: {  	[sflag:s10] =	ssyncadd.s32 @!p0 $0xFFFFFF80;
	s10 =	simm.s32 @!p0 $0x1D200  }
0x12b: {  	[tilespmem:s10], [sflag:$0xC] =	stream.indirect.gather @!p0 [hbm4b:s23+s17], $0x10, s16, s17, $0xb8;
	[tilespmem:$0x1FA00] =	vst v63  }
0x12c: {  	s16 =	simm.s32 $0xF  }
0x12d: {  	_ =	swait.ge [sflag:s16], $0x800  }
0x12e: {  	[sflag:s16] =	ssyncset.done $0x0  }
0x12f: {  	s24 =	simm.s32 $0x1B900;
	[sflag:s16] =	ssyncadd.s32 $0xFFFFF800  }
0x130: {  	[spmem:s1] =	stream.indirect.scatter.add.f32 [tilespmem:s30], [sflag:$0x11], $0x10, s24, s26, $0xb8;
	[tilespmem:$0x1FA00] =	vst v63  }
0x131: {  	_ =	swait.ge [sflag:s0], $0x800  }
0x132: {  	[sflag:s0] =	ssyncset.done $0x0  }
0x133: {  	[sflag:s0] =	ssyncadd.s32 $0xFFFFF800  }
0x134: {  	[spmem:s21] =	stream.indirect.scatter.add.f32 [tilespmem:s29], [sflag:$0x11], $0x1, s24, s26, $0xb8;
	[tilespmem:$0x1FA00] =	vst v63  }
0x135: {  	_ =	swait.ge [sflag:s0], $0x80  }
0x136: {  	[sflag:s0] =	ssyncset.done $0x0  }
0x137: {  	s10 =	sadd.s32 @!p0 $0xE0, s13;
	s13 =	simm.s32 @!p0 $0x1B500;
	[sflag:s0] =	ssyncadd.s32 $0xFFFFFF80  }
0x138: {  	[tilespmem:s13], [sflag:$0x7] =	stream.linear.gather @!p0 [hbm4b:s10+s18], $0x80, $0x38;
	[tilespmem:$0x1FA00] =	vst v63  }
0x139: {  	s10 =	sadd.s32 @!p0 $0xE0, s15;
	s13 =	simm.s32 @!p0 $0x1B900  }
0x13a: {  	[tilespmem:s13], [sflag:$0x7] =	stream.linear.gather @!p0 [hbm4b:s10+s18], $0x80, $0x38;
	[tilespmem:$0x1FA00] =	vst v63  }
0x13b: {  	s10 =	simm.s32 @!p0 $0x5  }
0x13c: {  	_ =	swait.ge @!p0 [sflag:s10], $0x80  }
0x13d: {  	[sflag:s10] =	ssyncset.done @!p0 $0x0  }
0x13e: {  	[sflag:s10] =	ssyncadd.s32 @!p0 $0xFFFFFF80  }
0x13f: {  	_ =	swait.ge @!p0 [sflag:s10], $0x80  }
0x140: {  	[sflag:s10] =	ssyncset.done @!p0 $0x0  }
0x141: {  	s24 =	simm.s32 $0x10;
	[sflag:s10] =	ssyncadd.s32 @!p0 $0xFFFFFF80;
	s10 =	simm.s32 @!p0 $0x1DA00  }
0x142: {  	[tilespmem:s10], [sflag:$0xD] =	stream.indirect.gather @!p0 [hbm4b:s23+s17], $0x10, s8, s17, $0xb8;
	[tilespmem:$0x1FA00] =	vst v63  }
0x143: {  	_ =	swait.ge [sflag:s24], $0x800  }
0x144: {  	[sflag:s24] =	ssyncset.done $0x0  }
0x145: {  	[sflag:s24] =	ssyncadd.s32 $0xFFFFF800  }
0x146: {  	[spmem:s1] =	stream.indirect.scatter.add.f32 [tilespmem:s14], [sflag:$0x11], $0x10, s9, s26, $0xb8;
	[tilespmem:$0x1FA00] =	vst v63  }
0x147: {  	_ =	swait.ge [sflag:s0], $0x800  }
0x148: {  	s4 =	simm.s32 $0x1B600;
	s2 =	simm.s32 $0x1B780;
	[sflag:s0] =	ssyncset.done $0x0  }
.Ltmp4:
0x149: {  	s12 =	simm.s32 $0x1B680;
	[sflag:s0] =	ssyncadd.s32 $0xFFFFF800;
	(pc) =	sbr.rel @p0 .LBB2_8-.Ltmp4, $4  }
0x14a: {  	[spmem:s21] =	stream.indirect.scatter.add.f32 [tilespmem:s29], [sflag:$0x11], $0x1, s9, s26, $0xb8;
	[tilespmem:$0x1FA00] =	vst v63  }
0x14b: {  	s25 =	simm.s32 $0x1B700;
	s7 =	simm.s32 $0x1B580;
	_ =	swait.ge [sflag:s0], $0x80  }
0x14c: {  	s5 =	simm.s32 $0x1B800;
	s31 =	simm.s32 $0x1B880;
	[sflag:s0] =	ssyncset.done $0x0  }
0x14d: {  	s16 =	simm.s32 $0x1B900;
	s9 =	simm.s32 $0x1B980;
	[sflag:s0] =	ssyncadd.s32 $0xFFFFFF80  }
0x14e: {  	s8 =	sadd.s32 s11, s22  }
0x14f: {  	s10 =	simm.s32 $0x0;
	s25 =	sadd.s32 s11, s20;
	s8 =	sadd.s32 $0xF0, s8  }
0x150: {  	[tilespmem:s7], [sflag:$0x8] =	stream.linear.gather [hbm4b:s8+s10], $0x80, $0x38;
	[tilespmem:$0x1FA00] =	vst v63  }
0x151: {  	s2 =	simm.s32 $0x6;
	s8 =	sadd.s32 $0xF0, s25  }
0x152: {  	[tilespmem:s9], [sflag:$0x8] =	stream.linear.gather [hbm4b:s8+s10], $0x80, $0x38;
	[tilespmem:$0x1FA00] =	vst v63  }
0x153: {  	_ =	swait.ge [sflag:s2], $0x80  }
0x154: {  	[sflag:s2] =	ssyncset.done $0x0  }
.Ltmp5:
0x155: {  	[sflag:s2] =	ssyncadd.s32 $0xFFFFFF80;
	(pc) =	sbr.rel .LBB2_6-.Ltmp5, $4  }
0x156: {  	s31 =	simm.s32 $0x1B480;
	_ =	swait.ge [sflag:s2], $0x80  }
0x157: {  	s4 =	simm.s32 $0x1E200;
	s11 =	sadd.s32 $0x80, s11;
	[sflag:s2] =	ssyncset.done $0x0  }
0x158: {  	s24 =	simm.s32 $0x1B580;
	s9 =	simm.s32 $0x1B980;
	[sflag:s2] =	ssyncadd.s32 $0xFFFFFF80  }
0x159: {  	[tilespmem:s4], [sflag:$0xE] =	stream.indirect.gather [hbm4b:s23+s26], $0x10, s31, s26, $0xb8;
	[tilespmem:$0x1FA00] =	vst v63  }
.LBB2_9:
0x15a: {  	_ =	sfence.sel $0x180000  }
0x15b: {  	[bflag:$0x0] =	sbarrier.arrive $0xFFFF  }
0x15c: {  	_ =	strace $0x9000004A  }
0x15d: {  	s0 =	stileid.u32;
	[bflag:$0x2] =	sbarrier.arrive $0xFFFF  }
0x15e: {  	p0 =	sne.s32 s0, $0x0;
	s0 =	rddreg [dreg:$0x3]  }
0x15f: {  	s0 =	sadd.s32 @!p0 $0x100000, s0  }
0x160: {  	[sflag:s0] =	ssyncadd.tile.s32 @!p0 $0x1;
	_ =	shalt  }
.Lfunc_end2:
_tile_overlayer_lowered:
.L_overlay_start_2:
0x161: {  	(tag) =	ssettag $0x2  }
0x162: {  	s0 =	rddreg [dreg:$0x0];
	s2 =	stileid.u32  }
0x163: {  	s1 =	rddreg [dreg:$0x1];
	p0 =	sne.s32 s2, $0x0  }
0x164: {  	s3 =	rddreg [dreg:$0x2];
	[bflag:$0x3] =	sbarrier.arrive $0xFFFF;
	s2 =	simm.s32 @!p0 $0x1C11  }
0x165: {  	[timem:s3], [sflag:s2] =	dma.local @!p0 [hbm:s0], s1  }
0x166: {  	s0 =	simm.s32 @!p0 $0x11  }
0x167: {  	_ =	swait.ge @!p0 [sflag:s0], s1  }
0x168: {  	s1 =	ssub.s32 @!p0 $0x0, s1;
	[sflag:s0] =	ssyncset.done @!p0 $0x0  }
0x169: {  	[sflag:s0] =	ssyncadd.s32 @!p0 s1  }
0x16a: {  	[bflag:$0x3] =	sbarrier.arrive $0xFFFF  }
0x16b: {  	_ =	shalt  }

// kernel: kernel.15.cloned.1.call-start
scs
__scs_entry_jumppad:
0x0: {  	(pc) =	sbr.rel $0x88, $3  }
0x1: {  	(tag) =	ssettag $0x0;
	lr =	simm.s32 $0x1  }
0x2: {  	[smem:$0x3F93] =	sst lr;
	_ =	strace $0xD0000000  }
0x3: {  	_ = 	snop  }
0x4: {  	_ = 	snop  }
0x5: {  	_ = 	snop  }
0x6: {  	_ = 	snop  }
0x7: {  	_ = 	snop  }
__scs_overlays_trampoline_lowered:
0x8: {  	[smem:$0x3FA2] =	sst s0  }
0x9: {  	[smem:$0x3FA3] =	sst s1  }
0xa: {  	[smem:$0x3FA4] =	sst s2  }
0xb: {  	[smem:$0x3FA5] =	sst s3  }
0xc: {  	[smem:$0x3FA6] =	sst s4  }
0xd: {  	[smem:$0x3FA7] =	sst s5  }
0xe: {  	[smem:$0x3FA8] =	sst s6  }
0xf: {  	[smem:$0x3FA9] =	sst s7  }
0x10: {  	[smem:$0x3FAA] =	sst s8  }
0x11: {  	[smem:$0x3FAB] =	sst s9;
	s0 =	simm.s32 @!p0 $0x0  }
0x12: {  	s1 =	sld [smem:$0x3F91];
	s0 =	simm.s32 @p0 $0x1  }
0x13: {  	[smem:$0x3FAC] =	sst s0;
	s0 =	simm.s32 @!p1 $0x0  }
0x14: {  	s2 =	sld [smem:$0x3F90];
	s0 =	simm.s32 @p1 $0x1  }
0x15: {  	[smem:$0x3FAD] =	sst s0;
	s0 =	simm.s32 @!p2 $0x0  }
0x16: {  	s3 =	sld [smem:$0x3FDB];
	s0 =	simm.s32 @p2 $0x1  }
0x17: {  	s4 =	simm.s32 $0x1BF5;
	[smem:$0x3FAF] =	sst s0  }
0x18: {  	s0 =	sld [smem:$0x3F92];
	_ =	swait.ge [sflag:s4], $0x0  }
0x19: {  	s7 =	sld [smem:$0x3F93]  }
0x1a: {  	s8 =	sadd.s32 $0xFFFFE003, lr  }
0x1b: {  	s9 =	sadd.s32 $0xFFFFFEF7, lr;
	s5 =	simm.s32 $0xFFFFFFFF;
	p2 =	slt.u32 s8, $0xFFFFF086  }
0x1c: {  	p1 =	slt.u32 s9, $0xF7A;
	s5 =	simm.s32 @!p2 $0x0  }
0x1d: {  	s5 =	simm.s32 @p1 $0x1;
	p0 =	seq.s32 s7, s2  }
0x1e: {  	s7 =	smul.u32 @!p0 $0xF7A, s2;
	p2 =	seq.s32 @!p0 s5, $0x0  }
0x1f: {  	s9 =	smul.u32 $0xF7A, s1;
	s8 =	simm.s32 @!p0 $0x1BF5;
	p2 =	por !p2, p0  }
0x20: {  	[sflag:s8] =	ssyncset.s32 @!p0 $0xFFFFF086;
	s6 =	sadd.s32 @!p0 s3, s7;
	s7 =	simm.s32 @!p0 $0x108  }
0x21: {  	s3 =	sadd.s32 s3, s9;
	s6 =	sadd.s32 @!p0 $0x88, s6;
	s7 =	simm.s32 @p2 $0x1082  }
0x22: {  	[simem:s7], [sflag:s8] =	dma.local @!p0 [hbm:s6], $0xF7A  }
0x23: {  	s9 =	sor.u32 $0xD0000000, s2;
	s6 =	simm.s32 $0x108;
	_ =	swait.ge @!p0 [sflag:s8], $0x0  }
0x24: {  	s3 =	sadd.s32 $0x88, s3;
	s6 =	simm.s32 @!p1 $0x1082;
	[sflag:s4] =	ssyncset.s32 $0xFFFFF086  }
0x25: {  	[simem:s6], [sflag:s4] =	dma.local [hbm:s3], $0xF7A  }
0x26: {  	[smem:$0x3F93] =	sst s1;
	(tag) =	ssettag s2;
	_ =	strace s9  }
0x27: {  	s1 =	sld [smem:$0x3FA3]  }
0x28: {  	s2 =	sld [smem:$0x3FA4]  }
0x29: {  	s4 =	sld [smem:$0x3FA6]  }
0x2a: {  	p0 =	seq.s32 s5, $0x0;
	s5 =	sld [smem:$0x3FA7]  }
0x2b: {  	s6 =	sld [smem:$0x3FA8]  }
0x2c: {  	s7 =	sld [smem:$0x3FA9]  }
0x2d: {  	s3 =	simm.s32 $0x108;
	s8 =	sld [smem:$0x3FAA]  }
0x2e: {  	s3 =	simm.s32 @!p0 $0x1082;
	s9 =	sld [smem:$0x3FAB]  }
0x2f: {  	lr =	sadd.s32 s0, s3;
	s0 =	sld [smem:$0x3FA2]  }
0x30: {  	s3 =	sld [smem:$0x3FA5]  }
0x31: {  	[smem:$0x3FAE] =	sst s10  }
0x32: {  	s10 =	sld [smem:$0x3FAC];
	_ =	sdelay $0x3  }
0x33: {  	p0 =	seq.s32 s10, $0x1;
	s10 =	sld [smem:$0x3FAE];
	_ =	sdelay $0x3  }
0x34: {  	[smem:$0x3FAE] =	sst s10  }
0x35: {  	s10 =	sld [smem:$0x3FAD];
	_ =	sdelay $0x3  }
0x36: {  	p1 =	seq.s32 s10, $0x1;
	s10 =	sld [smem:$0x3FAE];
	_ =	sdelay $0x3  }
0x37: {  	[smem:$0x3FAE] =	sst s10  }
0x38: {  	s10 =	sld [smem:$0x3FAF]  }
0x39: {  	_ = 	snop;
	(pc) =	sbr.ind lr, $3  }
0x3a: {  	_ = 	snop  }
0x3b: {  	_ = 	snop  }
0x3c: {  	p2 =	seq.s32 s10, $0x1;
	s10 =	sld [smem:$0x3FAE]  }
0x3d: {  	_ =	shalt  }
0x3e: {  	_ =	shalt  }
0x3f: {  	_ =	shalt  }
0x40: {  	_ =	shalt  }
0x41: {  	_ =	shalt  }
0x42: {  	_ =	shalt  }
0x43: {  	_ =	shalt  }
0x44: {  	_ =	shalt  }
0x45: {  	_ =	shalt  }
0x46: {  	_ =	shalt  }
0x47: {  	_ =	shalt  }
0x48: {  	_ =	shalt  }
0x49: {  	_ =	shalt  }
0x4a: {  	_ =	shalt  }
0x4b: {  	_ =	shalt  }
0x4c: {  	_ =	shalt  }
0x4d: {  	_ =	shalt  }
0x4e: {  	_ =	shalt  }
0x4f: {  	_ =	shalt  }
0x50: {  	_ =	shalt  }
0x51: {  	_ =	shalt  }
0x52: {  	_ =	shalt  }
0x53: {  	_ =	shalt  }
0x54: {  	_ =	shalt  }
0x55: {  	_ =	shalt  }
0x56: {  	_ =	shalt  }
0x57: {  	_ =	shalt  }
0x58: {  	_ =	shalt  }
0x59: {  	_ =	shalt  }
0x5a: {  	_ =	shalt  }
0x5b: {  	_ =	shalt  }
0x5c: {  	_ =	shalt  }
0x5d: {  	_ =	shalt  }
0x5e: {  	_ =	shalt  }
0x5f: {  	_ =	shalt  }
0x60: {  	_ =	shalt  }
0x61: {  	_ =	shalt  }
0x62: {  	_ =	shalt  }
0x63: {  	_ =	shalt  }
0x64: {  	_ =	shalt  }
0x65: {  	_ =	shalt  }
0x66: {  	_ =	shalt  }
0x67: {  	_ =	shalt  }
0x68: {  	_ =	shalt  }
0x69: {  	_ =	shalt  }
0x6a: {  	_ =	shalt  }
0x6b: {  	_ =	shalt  }
0x6c: {  	_ =	shalt  }
0x6d: {  	_ =	shalt  }
0x6e: {  	_ =	shalt  }
0x6f: {  	_ =	shalt  }
0x70: {  	_ =	shalt  }
0x71: {  	_ =	shalt  }
0x72: {  	_ =	shalt  }
0x73: {  	_ =	shalt  }
0x74: {  	_ =	shalt  }
0x75: {  	_ =	shalt  }
0x76: {  	_ =	shalt  }
0x77: {  	_ =	shalt  }
0x78: {  	_ =	shalt  }
0x79: {  	_ =	shalt  }
0x7a: {  	_ =	shalt  }
0x7b: {  	_ =	shalt  }
0x7c: {  	_ =	shalt  }
0x7d: {  	_ =	shalt  }
0x7e: {  	_ =	shalt  }
0x7f: {  	_ =	shalt  }
0x80: {  	_ =	shalt  }
0x81: {  	_ =	shalt  }
0x82: {  	_ =	shalt  }
0x83: {  	_ =	shalt  }
0x84: {  	_ =	shalt  }
0x85: {  	_ =	shalt  }
0x86: {  	_ =	shalt  }
0x87: {  	_ =	shalt  }
.Lfunc_end0:
.L_simem_size_0:
called_computation.2_lowered:
.L_overlay_start_0:
0x88: {  	s2 =	sld [smem:$0x3FD9]  }
0x89: {  	s3 =	sld [smem:$0x3FFE];
	_ =	sdelay $0x1  }
0x8a: {  	s1 =	srdreg.scid  }
0x8b: {  	s0 =	sand.u32 $0x1, s1  }
0x8c: {  	s16 =	sshll.u32 s0, $0xA;
	s2 =	sadd.s32 s3, s2  }
0x8d: {  	s2 =	sadd.s32 s2, s16  }
0x8e: {  	[smem:$0x3FBA] =	sst s2  }
0x8f: {  	_ = 	snop  }
0x90: {  	(tm) =	ssettm $0x1  }
0x91: {  	s17 =	sld [smem:$0x3FFB];
	_ =	sdelay $0x3  }
0x92: {  	_ =	strace s17  }
0x93: {  	s2 =	sld [smem:$0x3FFC];
	_ =	sdelay $0x3  }
0x94: {  	_ =	strace s2  }
0x95: {  	s2 =	sld [smem:$0x3FFD];
	_ =	sdelay $0x3  }
0x96: {  	_ =	strace s2  }
0x97: {  	_ =	strace $0x8FFFFFFF  }
0x98: {  	s18 =	sld [smem:$0x3FDB];
	_ =	sdelay $0x1  }
0x99: {  	s19 =	simm.s32 $_scs_section_size  }
0x9a: {  	s4 =	simm.s32 $_size__tile_overlayer_lowered;
	s5 =	simm.s32 $_tile_overlayer_lowered  }
0x9b: {  	s22 =	simm.s32 $0x1BFF;
	s21 =	sshll.u32 s5, $0x1;
	s2 =	sadd.s32 s19, s18  }
0x9c: {  	s6 =	simm.s32 $0x0;
	s20 =	sshll.u32 s4, $0x1;
	s4 =	sadd.s32 s21, s2  }
0x9d: {  	[timem:s6], [sflag:s22] =	dma.local [hbm:s4], s20  }
0x9e: {  	_ =	swait.ge [sflag:s22], s20  }
0x9f: {  	s3 =	ssub.s32 $0x0, s20;
	[sflag:s22] =	ssyncset.done $0x0  }
0xa0: {  	[sflag:s22] =	ssyncadd.s32 s3;
	_ =	sdelay $0x1  }
0xa1: {  	s23 =	simm.s32 $0x1B8B  }
0xa2: {  	_ =	swait.ge [sflag:s23], $0x1  }
0xa3: {  	[sflag:s23] =	ssyncset.done $0x0  }
0xa4: {  	s25 =	simm.s32 $0x1B8E;
	s24 =	sld [smem:$0x3FFE];
	[sflag:s23] =	ssyncadd.s32 $0xFFFFFFFF  }
0xa5: {  	s26 =	simm.s32 $execute0_lowered;
	[smem:$0x3FD2] =	sst s25  }
0xa6: {  	s4 =	sshll.u32 s26, $0x1;
	_ =	strace $0x8000004C;
	[dreg:$0x1] =	wrdreg $0xFFFFFFFF  }
0xa7: {  	s28 =	simm.s32 $_size_execute0_lowered;
	s2 =	sadd.s32 s2, s4;
	[dreg:$0x0] =	wrdreg $0x0  }
0xa8: {  	s4 =	sshll.u32 s28, $0x1;
	[dreg:$0x2] =	wrdreg s2  }
0xa9: {  	[dreg:$0x3] =	wrdreg s4  }
0xaa: {  	[dreg:$0x4] =	wrdreg $0xC0  }
0xab: {  	_ =	task [dreg:s6], $0x5FFFF  }
0xac: {  	[dreg:$0x1] =	wrdreg $0xFFFFFFFF  }
0xad: {  	[dreg:$0x0] =	wrdreg $0x60  }
0xae: {  	[dreg:$0x2] =	wrdreg s24  }
0xaf: {  	[dreg:$0x3] =	wrdreg $0x0  }
0xb0: {  	[dreg:$0x4] =	wrdreg $0x9  }
0xb1: {  	_ =	task.clear_ibuf [dreg:s6], $0x5FFFF;
	_ =	strace $0x9000004C  }
0xb2: {  	s29 =	simm.s32 $0x9;
	_ =	strace $0x8000004E  }
0xb3: {  	_ =	swait.ge [sflag:s29], $0x1  }
0xb4: {  	[sflag:s29] =	ssyncadd.s32 $0xFFFFFFFF  }
0xb5: {  	_ =	strace $0x9000004E  }
0xb6: {  	_ =	sfence  }
0xb7: {  	s30 =	sld [smem:$0x0];
	_ =	sdelay $0x2  }
0xb8: {  	s31 =	sshll.u32 s1, $0xD;
	s1 =	sshrl.u32 s1, $0x2  }
0xb9: {  	s3 =	sand.u32 $0x4000, s31;
	s1 =	sadd.s32 s1, s30  }
0xba: {  	s0 =	sor.u32 s3, s0;
	s1 =	sshll.u32 s1, $0x11  }
0xbb: {  	s0 =	sor.u32 s1, s0  }
0xbc: {  	s0 =	sadd.s32 $0x8F2B, s0  }
0xbd: {  	[sflag:s0] =	ssyncadd.remote.s32 $0x1  }
0xbe: {  	_ =	sfence.sel $0xFFFF  }
0xbf: {  	[dreg:$0x0] =	wrdreg $0xFFFFFFFF;
	(pc) =	sbr.abs _section_cstart, $3  }
0xc0: {  	[dreg:$0x1] =	wrdreg $0xFFFFFFFF  }
0xc1: {  	_ =	task.clear_ibuf [dreg:s6], $0x2FFFF;
	_ =	strace $0x9FFFFFFF  }
0xc2: {  	(tm) =	ssettm $0x7FFFFFFF  }
0xc3: {  	_ =	shalt  }
tec
execute0_lowered:
.L_overlay_start_1:
0x0: {  	(tag) =	ssettag $0x1  }
0x1: {  	s0 =	srdreg.scid;
	s3 =	rddreg [dreg:$0x0]  }
0x2: {  	s12 =	stileid.u32;
	s1 =	rddreg [dreg:$0x1]  }
0x3: {  	s2 =	simm.s32 $0x0;
	s28 =	simm.s32 $0x19000;
	s0 =	sand.u32 $0x1, s0  }
0x4: {  	s29 =	simm.s32 $0x11;
	s5 =	sadd.s32 $0x3E200, s3;
	s4 =	sshll.u32 s0, $0x4  }
0x5: {  	s7 =	sadd.s32 $0xA2200, s3;
	s10 =	smul.u32 $0x19000, s12;
	s4 =	sor.u32 s12, s4  }
0x6: {  	[smem:$0x7FF] =	sst s2;
	s6 =	ssub.s32 $0x2, s0;
	s4 =	smul.u32 $0x3200, s4  }
0x7: {  	s2 =	simm.s32 $0x0;
	s8 =	smul.u32 $0x190000, s0;
	s9 =	sshrl.u32 s6, $0x1  }
0x8: {  	s0 =	smul.u32 $0x32000, s0;
	s6 =	ssub.s32 s6, s9;
	s19 =	sadd.s32 s5, s4  }
0x9: {  	s20 =	sadd.s32 s7, s4;
	s21 =	sor.u32 $0x10, s4;
	[dreg:$0x3] =	wrdreg s19  }
0xa: {  	s11 =	sor.u32 $0x20, s4;
	[dreg:$0x4] =	wrdreg s20;
	s13 =	sadd.s32 s5, s21  }
0xb: {  	s24 =	sor.u32 $0x30, s4;
	s9 =	sadd.s32 s7, s21;
	[dreg:$0x5] =	wrdreg s13  }
0xc: {  	s25 =	sor.u32 $0x40, s4;
	s22 =	sadd.s32 s5, s11;
	[dreg:$0x6] =	wrdreg s9  }
0xd: {  	s14 =	sor.u32 $0x60, s4;
	s23 =	sadd.s32 s7, s11;
	[dreg:$0x7] =	wrdreg s22  }
0xe: {  	s26 =	sadd.s32 s5, s24;
	s30 =	sadd.s32 s5, s25;
	[dreg:$0x8] =	wrdreg s23  }
0xf: {  	s31 =	sadd.s32 s7, s25;
	s11 =	sor.u32 $0x50, s4;
	[dreg:$0x9] =	wrdreg s26  }
0x10: {  	s16 =	sadd.s32 s5, s14;
	s17 =	sadd.s32 s7, s14;
	[dreg:$0xb] =	wrdreg s30  }
0x11: {  	s4 =	sor.u32 $0x70, s4;
	s19 =	smul.u32 $0x3200, s12;
	[dreg:$0xc] =	wrdreg s31  }
0x12: {  	s20 =	sadd.s32 s10, s8;
	s14 =	simm.s32 $0x80;
	[dreg:$0xf] =	wrdreg s16  }
0x13: {  	s9 =	sadd.s32 s7, s24;
	s15 =	sadd.s32 s5, s11;
	[dreg:$0x10] =	wrdreg s17  }
0x14: {  	s18 =	sadd.s32 s5, s4;
	s4 =	sadd.s32 s7, s4;
	s5 =	sadd.s32 s0, s5  }
0x15: {  	s0 =	sadd.s32 s0, s7;
	s22 =	smul.u32 $0x64000, s12;
	s23 =	sshrl.u32 s20, $0x3  }
0x16: {  	s26 =	sadd.s32 s10, s1;
	s30 =	smax.u32 s6, $0x1;
	[dreg:$0xa] =	wrdreg s9  }
0x17: {  	s17 =	simm.s32 $0x1C000;
	s13 =	simm.s32 $0x7;
	[dreg:$0xd] =	wrdreg s15  }
0x18: {  	s20 =	simm.s32 $0x1D800;
	s9 =	sadd.s32 s7, s11;
	[dreg:$0x11] =	wrdreg s18  }
0x19: {  	[dreg:$0x12] =	wrdreg s4;
	s21 =	sadd.s32 s19, s5;
	s25 =	sadd.s32 s19, s0  }
0x1a: {  	s0 =	sadd.s32 s23, s3;
	s31 =	sshrl.u32 s26, $0x3;
	s18 =	simm.s32 $0x19B00  }
.Ltmp0:
0x1b: {  	s4 =	simm.s32 $0x19F00;
	s26 =	simm.s32 $0x6;
	(pc) =	sbr.rel .LBB2_1-.Ltmp0, $4  }
0x1c: {  	s19 =	simm.s32 $0x1D800;
	[dreg:$0xe] =	wrdreg s9;
	s0 =	sadd.s32 $0x106200, s0  }
0x1d: {  	s24 =	sshrl.u32 s22, $0x2;
	_ =	strace $0x8000004D;
	[dreg:$0x13] =	wrdreg s0  }
0x1e: {  	s22 =	sadd.s32 $0x2200, s3;
	s23 =	sadd.s32 s24, s1;
	[dreg:$0x14] =	wrdreg s30  }
0x1f: {  	v0 =	vimm.f32 $0.0e+00;
	[dreg:$0x15] =	wrdreg s31;
	s0 =	simm.s32 $0x19B80;
	s24 =	simm.s32 $0x8  }
.LBB2_8:
0x20: {  	s0 =	simm.s32 $0x10  }
0x21: {  	_ =	swait.ge [sflag:s0], $0x800  }
0x22: {  	[sflag:s0] =	ssyncset.done $0x0  }
0x23: {  	s30 =	simm.s32 $0x19F80;
	[sflag:s0] =	ssyncadd.s32 $0xFFFFF800  }
0x24: {  	[spmem:s1] =	stream.indirect.scatter.add.f32 [tilespmem:s20], [sflag:$0x11], $0x10, s30, s14, $0xb8;
	[tilespmem:$0x1E000] =	vst v63  }
0x25: {  	_ =	swait.ge [sflag:s29], $0x800  }
0x26: {  	[sflag:s29] =	ssyncset.done $0x0  }
0x27: {  	[sflag:s29] =	ssyncadd.s32 $0xFFFFF800  }
0x28: {  	s3 =	stileid.u32;
	[bflag:$0x0] =	sbarrier.arrive $0xFFFF  }
0x29: {  	s3 =	sshll.u32 s3, $0x6;
	s5 =	rddreg [dreg:$0x13]  }
0x2a: {  	s3 =	sor.u32 $0x1C11, s3;
	s8 =	rddreg [dreg:$0x15]  }
0x2b: {  	[hbm:s5], [sflag:s3] =	dma.local [spmem:s8], $0x3200  }
0x2c: {  	_ =	swait.ge [sflag:s29], $0x3200  }
0x2d: {  	s2 =	rddreg [dreg:$0x16]  }
0x2e: {  	s31 =	rddreg [dreg:$0x14];
	s2 =	sadd.s32 $0x1, s2  }
0x2f: {  	p0 =	sne.s32 s2, s31  }
.Ltmp1:
0x30: {  	_ = 	snop;
	(pc) =	sbr.rel @!p0 .LBB2_9-.Ltmp1, $3  }
0x31: {  	_ =	sdelay $0x1  }
0x32: {  	s18 =	simm.s32 $0x19B00;
	[sflag:s29] =	ssyncset.done $0x0  }
0x33: {  	s19 =	simm.s32 $0x1D800;
	s0 =	simm.s32 $0x19B80;
	[sflag:s29] =	ssyncadd.s32 $0xFFFFCE00  }
.LBB2_1:
0x34: {  	s3 =	simm.s32 $0x0  }
.LBB2_2:
0x35: {  	p0 =	sne.s32 s3, $0x1FC0  }
.Ltmp2:
0x36: {  	_ = 	snop;
	(pc) =	sbr.rel @p0 .LBB2_2-.Ltmp2, $3  }
0x37: {  	_ =	sdelay $0x1  }
0x38: {  	s8 =	sshra.s32 s3, $0x2  }
0x39: {  	s3 =	sadd.s32 $0x40, s3;
	[tilespmem:s8+$0x19000] =	vst v0  }
0x3a: {  	[dreg:$0x16] =	wrdreg s2;
	s3 =	sadd.s32 $0x0, s23  }
0x3b: {  	[spmem:s3] =	stream.linear.scatter [tilespmem:s28], [sflag:$0x11], $0x800, $0x38;
	[tilespmem:$0x1E000] =	vst v63  }
0x3c: {  	s3 =	simm.s32 $0x2000;
	_ =	swait.ge [sflag:s29], $0x800  }
.LBB2_4:
0x3d: {  	s8 =	sshra.s32 s3, $0x2;
	[sflag:s29] =	ssyncset.done $0x0;
	p0 =	sne.s32 s3, $0x62000  }
.Ltmp3:
0x3e: {  	s8 =	sadd.s32 s8, s23;
	[sflag:s29] =	ssyncadd.s32 $0xFFFFF800;
	(pc) =	sbr.rel @p0 .LBB2_4-.Ltmp3, $3  }
0x3f: {  	[spmem:s8] =	stream.linear.scatter [tilespmem:s28], [sflag:$0x11], $0x800, $0x38;
	[tilespmem:$0x1E000] =	vst v63  }
0x40: {  	s3 =	sadd.s32 $0x2000, s3;
	_ =	sdelay $0x1  }
0x41: {  	_ =	swait.ge [sflag:s29], $0x800  }
0x42: {  	[sflag:s29] =	ssyncset.done $0x0  }
0x43: {  	[sflag:s29] =	ssyncadd.s32 $0xFFFFF800  }
0x44: {  	[bflag:$0x0] =	sbarrier.arrive $0xFFFF  }
0x45: {  	s8 =	simm.s32 $0x0;
	s5 =	simm.s32 $0x19800;
	s3 =	rddreg [dreg:$0x3]  }
0x46: {  	[tilespmem:s5], [sflag:$0x1] =	stream.linear.gather [hbm4b:s3+s8], $0x80, $0x38;
	[tilespmem:$0x1E000] =	vst v63  }
0x47: {  	s9 =	simm.s32 $0x19C00;
	s30 =	rddreg [dreg:$0x4]  }
0x48: {  	[tilespmem:s9], [sflag:$0x1] =	stream.linear.gather [hbm4b:s30+s8], $0x80, $0x38;
	[tilespmem:$0x1E000] =	vst v63  }
0x49: {  	s31 =	rddreg [dreg:$0x5];
	s9 =	simm.s32 $0x19880  }
0x4a: {  	[tilespmem:s9], [sflag:$0x2] =	stream.linear.gather [hbm4b:s31+s8], $0x80, $0x38;
	[tilespmem:$0x1E000] =	vst v63  }
0x4b: {  	s10 =	simm.s32 $0x19C80;
	s2 =	rddreg [dreg:$0x6]  }
0x4c: {  	[tilespmem:s10], [sflag:$0x2] =	stream.linear.gather [hbm4b:s2+s8], $0x80, $0x38;
	[tilespmem:$0x1E000] =	vst v63  }
0x4d: {  	s6 =	rddreg [dreg:$0x7];
	s10 =	simm.s32 $0x19900  }
0x4e: {  	[tilespmem:s10], [sflag:$0x3] =	stream.linear.gather [hbm4b:s6+s8], $0x80, $0x38;
	[tilespmem:$0x1E000] =	vst v63  }
0x4f: {  	s11 =	simm.s32 $0x19D00;
	s7 =	rddreg [dreg:$0x8]  }
0x50: {  	[tilespmem:s11], [sflag:$0x3] =	stream.linear.gather [hbm4b:s7+s8], $0x80, $0x38;
	[tilespmem:$0x1E000] =	vst v63  }
0x51: {  	s12 =	rddreg [dreg:$0x9];
	s11 =	simm.s32 $0x19980  }
0x52: {  	[tilespmem:s11], [sflag:$0x4] =	stream.linear.gather [hbm4b:s12+s8], $0x80, $0x38;
	[tilespmem:$0x1E000] =	vst v63  }
0x53: {  	s15 =	rddreg [dreg:$0xa];
	s12 =	simm.s32 $0x19D80  }
0x54: {  	[tilespmem:s12], [sflag:$0x4] =	stream.linear.gather [hbm4b:s15+s8], $0x80, $0x38;
	[tilespmem:$0x1E000] =	vst v63  }
0x55: {  	s16 =	rddreg [dreg:$0xb];
	s12 =	simm.s32 $0x19A00  }
0x56: {  	[tilespmem:s12], [sflag:$0x5] =	stream.linear.gather [hbm4b:s16+s8], $0x80, $0x38;
	[tilespmem:$0x1E000] =	vst v63  }
0x57: {  	s30 =	rddreg [dreg:$0xc];
	s15 =	simm.s32 $0x19E00  }
0x58: {  	[tilespmem:s15], [sflag:$0x5] =	stream.linear.gather [hbm4b:s30+s8], $0x80, $0x38;
	[tilespmem:$0x1E000] =	vst v63  }
0x59: {  	s31 =	rddreg [dreg:$0xd];
	s15 =	simm.s32 $0x19A80  }
0x5a: {  	[tilespmem:s15], [sflag:$0x6] =	stream.linear.gather [hbm4b:s31+s8], $0x80, $0x38;
	[tilespmem:$0x1E000] =	vst v63  }
0x5b: {  	s2 =	rddreg [dreg:$0xe];
	s16 =	simm.s32 $0x19E80  }
0x5c: {  	[tilespmem:s16], [sflag:$0x6] =	stream.linear.gather [hbm4b:s2+s8], $0x80, $0x38;
	[tilespmem:$0x1E000] =	vst v63  }
0x5d: {  	s6 =	rddreg [dreg:$0xf]  }
0x5e: {  	[tilespmem:s18], [sflag:$0x7] =	stream.linear.gather [hbm4b:s6+s8], $0x80, $0x38;
	[tilespmem:$0x1E000] =	vst v63  }
0x5f: {  	s7 =	rddreg [dreg:$0x10]  }
0x60: {  	[tilespmem:s4], [sflag:$0x7] =	stream.linear.gather [hbm4b:s7+s8], $0x80, $0x38;
	[tilespmem:$0x1E000] =	vst v63  }
0x61: {  	s16 =	rddreg [dreg:$0x11]  }
0x62: {  	[tilespmem:s0], [sflag:$0x8] =	stream.linear.gather [hbm4b:s16+s8], $0x80, $0x38;
	[tilespmem:$0x1E000] =	vst v63  }
0x63: {  	s30 =	rddreg [dreg:$0x12];
	s31 =	simm.s32 $0x19F80;
	s2 =	simm.s32 $0x1  }
0x64: {  	[tilespmem:s31], [sflag:$0x8] =	stream.linear.gather [hbm4b:s30+s8], $0x80, $0x38;
	[tilespmem:$0x1E000] =	vst v63  }
0x65: {  	_ =	swait.ge [sflag:s2], $0x80  }
0x66: {  	[sflag:s2] =	ssyncset.done $0x0  }
0x67: {  	[sflag:s2] =	ssyncadd.s32 $0xFFFFFF80  }
0x68: {  	_ =	swait.ge [sflag:s2], $0x80  }
0x69: {  	[sflag:s2] =	ssyncset.done $0x0  }
0x6a: {  	s4 =	simm.s32 $0x1A000;
	[sflag:s2] =	ssyncadd.s32 $0xFFFFFF80  }
0x6b: {  	[tilespmem:s4], [sflag:$0x9] =	stream.indirect.gather [hbm4b:s22+s14], $0x10, s5, s14, $0xb8;
	[tilespmem:$0x1E000] =	vst v63  }
0x6c: {  	s5 =	simm.s32 $0x2  }
0x6d: {  	_ =	swait.ge [sflag:s5], $0x80  }
0x6e: {  	[sflag:s5] =	ssyncset.done $0x0  }
0x6f: {  	[sflag:s5] =	ssyncadd.s32 $0xFFFFFF80  }
0x70: {  	_ =	swait.ge [sflag:s5], $0x80  }
0x71: {  	[sflag:s5] =	ssyncset.done $0x0  }
0x72: {  	s6 =	simm.s32 $0x1A800;
	s7 =	simm.s32 $0x3;
	[sflag:s5] =	ssyncadd.s32 $0xFFFFFF80  }
0x73: {  	[tilespmem:s6], [sflag:$0xA] =	stream.indirect.gather [hbm4b:s22+s14], $0x10, s9, s14, $0xb8;
	[tilespmem:$0x1E000] =	vst v63  }
0x74: {  	_ =	swait.ge [sflag:s7], $0x80  }
0x75: {  	[sflag:s7] =	ssyncset.done $0x0  }
0x76: {  	[sflag:s7] =	ssyncadd.s32 $0xFFFFFF80  }
0x77: {  	_ =	swait.ge [sflag:s7], $0x80  }
0x78: {  	[sflag:s7] =	ssyncset.done $0x0  }
0x79: {  	s16 =	simm.s32 $0x4;
	s9 =	simm.s32 $0x1B000;
	[sflag:s7] =	ssyncadd.s32 $0xFFFFFF80  }
0x7a: {  	[tilespmem:s9], [sflag:$0xB] =	stream.indirect.gather [hbm4b:s22+s14], $0x10, s10, s14, $0xb8;
	[tilespmem:$0x1E000] =	vst v63  }
0x7b: {  	_ =	swait.ge [sflag:s16], $0x80  }
0x7c: {  	[sflag:s16] =	ssyncset.done $0x0  }
0x7d: {  	[sflag:s16] =	ssyncadd.s32 $0xFFFFFF80  }
0x7e: {  	_ =	swait.ge [sflag:s16], $0x80  }
0x7f: {  	[sflag:s16] =	ssyncset.done $0x0  }
0x80: {  	s30 =	simm.s32 $0x1B800;
	s2 =	simm.s32 $0x5;
	[sflag:s16] =	ssyncadd.s32 $0xFFFFFF80  }
0x81: {  	[tilespmem:s30], [sflag:$0xC] =	stream.indirect.gather [hbm4b:s22+s14], $0x10, s11, s14, $0xb8;
	[tilespmem:$0x1E000] =	vst v63  }
0x82: {  	_ =	swait.ge [sflag:s2], $0x80  }
0x83: {  	[sflag:s2] =	ssyncset.done $0x0  }
0x84: {  	[sflag:s2] =	ssyncadd.s32 $0xFFFFFF80  }
0x85: {  	_ =	swait.ge [sflag:s2], $0x80  }
0x86: {  	[sflag:s2] =	ssyncset.done $0x0  }
0x87: {  	[sflag:s2] =	ssyncadd.s32 $0xFFFFFF80  }
0x88: {  	[tilespmem:s17], [sflag:$0xD] =	stream.indirect.gather [hbm4b:s22+s14], $0x10, s12, s14, $0xb8;
	[tilespmem:$0x1E000] =	vst v63  }
0x89: {  	_ =	swait.ge [sflag:s26], $0x80  }
0x8a: {  	[sflag:s26] =	ssyncset.done $0x0  }
0x8b: {  	[sflag:s26] =	ssyncadd.s32 $0xFFFFFF80  }
0x8c: {  	_ =	swait.ge [sflag:s26], $0x80  }
0x8d: {  	s31 =	simm.s32 $0x1C800;
	[sflag:s26] =	ssyncset.done $0x0  }
0x8e: {  	s4 =	simm.s32 $0x19F00;
	s7 =	simm.s32 $0x1C000;
	[sflag:s26] =	ssyncadd.s32 $0xFFFFFF80  }
0x8f: {  	[tilespmem:s31], [sflag:$0xE] =	stream.indirect.gather [hbm4b:s22+s14], $0x10, s15, s14, $0xb8;
	[tilespmem:$0x1E000] =	vst v63  }
.LBB2_6:
0x90: {  	s3 =	simm.s32 $0x9  }
0x91: {  	_ =	swait.ge [sflag:s3], $0x800  }
0x92: {  	s11 =	simm.s32 $0x19C00;
	[sflag:s3] =	ssyncset.done $0x0  }
0x93: {  	s5 =	simm.s32 $0x1A000;
	p0 =	seq.s32 s8, $0x3180;
	[sflag:s3] =	ssyncadd.s32 $0xFFFFF800  }
0x94: {  	[spmem:s1] =	stream.indirect.scatter.add.f32 [tilespmem:s5], [sflag:$0x11], $0x10, s11, s14, $0xb8;
	[tilespmem:$0x1E000] =	vst v63  }
0x95: {  	s15 =	sadd.s32 @!p0 s8, s21;
	_ =	swait.ge [sflag:s29], $0x800  }
0x96: {  	s9 =	simm.s32 @!p0 $0x19800;
	s17 =	sadd.s32 @!p0 s8, s25;
	[sflag:s29] =	ssyncset.done $0x0  }
0x97: {  	s10 =	sadd.s32 @!p0 $0x80, s15;
	s3 =	simm.s32 @!p0 $0x0;
	[sflag:s29] =	ssyncadd.s32 $0xFFFFF800  }
0x98: {  	[tilespmem:s9], [sflag:$0x1] =	stream.linear.gather @!p0 [hbm4b:s10+s3], $0x80, $0x38;
	[tilespmem:$0x1E000] =	vst v63  }
0x99: {  	s11 =	simm.s32 @!p0 $0x19C00;
	s10 =	sadd.s32 @!p0 $0x80, s17  }
0x9a: {  	[tilespmem:s11], [sflag:$0x1] =	stream.linear.gather @!p0 [hbm4b:s10+s3], $0x80, $0x38;
	[tilespmem:$0x1E000] =	vst v63  }
0x9b: {  	_ =	swait.ge [sflag:s13], $0x80  }
0x9c: {  	[sflag:s13] =	ssyncset.done $0x0  }
0x9d: {  	[sflag:s13] =	ssyncadd.s32 $0xFFFFFF80  }
0x9e: {  	_ =	swait.ge [sflag:s13], $0x80  }
0x9f: {  	[sflag:s13] =	ssyncset.done $0x0  }
0xa0: {  	s2 =	simm.s32 $0x1D000;
	s12 =	simm.s32 $0xA;
	[sflag:s13] =	ssyncadd.s32 $0xFFFFFF80  }
0xa1: {  	[tilespmem:s2], [sflag:$0xF] =	stream.indirect.gather [hbm4b:s22+s14], $0x10, s18, s14, $0xb8;
	[tilespmem:$0x1E000] =	vst v63  }
0xa2: {  	_ =	swait.ge [sflag:s12], $0x800  }
0xa3: {  	[sflag:s12] =	ssyncset.done $0x0  }
0xa4: {  	s16 =	simm.s32 $0x19C80;
	s6 =	simm.s32 $0x1A800;
	[sflag:s12] =	ssyncadd.s32 $0xFFFFF800  }
0xa5: {  	[spmem:s1] =	stream.indirect.scatter.add.f32 [tilespmem:s6], [sflag:$0x11], $0x10, s16, s14, $0xb8;
	[tilespmem:$0x1E000] =	vst v63  }
0xa6: {  	_ =	swait.ge [sflag:s29], $0x800  }
0xa7: {  	[sflag:s29] =	ssyncset.done $0x0  }
0xa8: {  	s11 =	sadd.s32 @!p0 $0x90, s15;
	s10 =	simm.s32 @!p0 $0x19880;
	[sflag:s29] =	ssyncadd.s32 $0xFFFFF800  }
0xa9: {  	[tilespmem:s10], [sflag:$0x2] =	stream.linear.gather @!p0 [hbm4b:s11+s3], $0x80, $0x38;
	[tilespmem:$0x1E000] =	vst v63  }
0xaa: {  	s12 =	simm.s32 @!p0 $0x19C80;
	s11 =	sadd.s32 @!p0 $0x90, s17  }
0xab: {  	[tilespmem:s12], [sflag:$0x2] =	stream.linear.gather @!p0 [hbm4b:s11+s3], $0x80, $0x38;
	[tilespmem:$0x1E000] =	vst v63  }
0xac: {  	_ =	swait.ge [sflag:s24], $0x80  }
0xad: {  	[sflag:s24] =	ssyncset.done $0x0  }
0xae: {  	[sflag:s24] =	ssyncadd.s32 $0xFFFFFF80  }
0xaf: {  	_ =	swait.ge [sflag:s24], $0x80  }
0xb0: {  	[sflag:s24] =	ssyncset.done $0x0  }
0xb1: {  	s18 =	simm.s32 $0xB;
	[sflag:s24] =	ssyncadd.s32 $0xFFFFFF80  }
0xb2: {  	[tilespmem:s19], [sflag:$0x10] =	stream.indirect.gather [hbm4b:s22+s14], $0x10, s0, s14, $0xb8;
	[tilespmem:$0x1E000] =	vst v63  }
0xb3: {  	_ =	swait.ge [sflag:s18], $0x800  }
0xb4: {  	[sflag:s18] =	ssyncset.done $0x0  }
0xb5: {  	s30 =	simm.s32 $0x1B000;
	s19 =	simm.s32 $0x19D00;
	[sflag:s18] =	ssyncadd.s32 $0xFFFFF800  }
0xb6: {  	[spmem:s1] =	stream.indirect.scatter.add.f32 [tilespmem:s30], [sflag:$0x11], $0x10, s19, s14, $0xb8;
	[tilespmem:$0x1E000] =	vst v63  }
0xb7: {  	_ =	swait.ge [sflag:s29], $0x800  }
0xb8: {  	[sflag:s29] =	ssyncset.done $0x0  }
0xb9: {  	s11 =	simm.s32 @p0 $0xC;
	[sflag:s29] =	ssyncadd.s32 $0xFFFFF800  }
0xba: {  	_ =	swait.ge @p0 [sflag:s11], $0x800  }
0xbb: {  	s16 =	simm.s32 @p0 $0x11;
	s12 =	simm.s32 @p0 $0x1B800;
	[sflag:s11] =	ssyncset.done @p0 $0x0  }
0xbc: {  	s19 =	simm.s32 @p0 $0x80;
	[sflag:s11] =	ssyncadd.s32 @p0 $0xFFFFF800;
	s11 =	simm.s32 @p0 $0x19D80  }
0xbd: {  	[spmem:s1] =	stream.indirect.scatter.add.f32 @p0 [tilespmem:s12], [sflag:$0x11], $0x10, s11, s19, $0xb8;
	[tilespmem:$0x1E000] =	vst v63  }
0xbe: {  	_ =	swait.ge @p0 [sflag:s16], $0x800  }
0xbf: {  	[sflag:s16] =	ssyncset.done @p0 $0x0  }
0xc0: {  	s12 =	sadd.s32 @!p0 $0xA0, s15;
	s11 =	simm.s32 @!p0 $0x19900;
	[sflag:s16] =	ssyncadd.s32 @p0 $0xFFFFF800  }
0xc1: {  	[tilespmem:s11], [sflag:$0x3] =	stream.linear.gather @!p0 [hbm4b:s12+s3], $0x80, $0x38;
	[tilespmem:$0x1E000] =	vst v63  }
0xc2: {  	s30 =	simm.s32 @!p0 $0x19D00;
	s12 =	sadd.s32 @!p0 $0xA0, s17  }
0xc3: {  	[tilespmem:s30], [sflag:$0x3] =	stream.linear.gather @!p0 [hbm4b:s12+s3], $0x80, $0x38;
	[tilespmem:$0x1E000] =	vst v63  }
0xc4: {  	s12 =	simm.s32 @!p0 $0x1  }
0xc5: {  	_ =	swait.ge @!p0 [sflag:s12], $0x80  }
0xc6: {  	[sflag:s12] =	ssyncset.done @!p0 $0x0  }
0xc7: {  	[sflag:s12] =	ssyncadd.s32 @!p0 $0xFFFFFF80  }
0xc8: {  	_ =	swait.ge @!p0 [sflag:s12], $0x80  }
0xc9: {  	[sflag:s12] =	ssyncset.done @!p0 $0x0  }
0xca: {  	s30 =	simm.s32 @!p0 $0x80;
	[sflag:s12] =	ssyncadd.s32 @!p0 $0xFFFFFF80;
	s12 =	simm.s32 @!p0 $0x1A000  }
0xcb: {  	[tilespmem:s12], [sflag:$0x9] =	stream.indirect.gather @!p0 [hbm4b:s22+s30], $0x10, s9, s30, $0xb8;
	[tilespmem:$0x1E000] =	vst v63  }
0xcc: {  	s9 =	simm.s32 @!p0 $0xC  }
0xcd: {  	_ =	swait.ge @!p0 [sflag:s9], $0x800  }
0xce: {  	s31 =	simm.s32 @!p0 $0x19D80;
	[sflag:s9] =	ssyncset.done @!p0 $0x0  }
0xcf: {  	s5 =	simm.s32 @!p0 $0x11;
	[sflag:s9] =	ssyncadd.s32 @!p0 $0xFFFFF800;
	s9 =	simm.s32 @!p0 $0x1B800  }
0xd0: {  	[spmem:s1] =	stream.indirect.scatter.add.f32 @!p0 [tilespmem:s9], [sflag:$0x11], $0x10, s31, s30, $0xb8;
	[tilespmem:$0x1E000] =	vst v63  }
0xd1: {  	_ =	swait.ge @!p0 [sflag:s5], $0x800  }
0xd2: {  	[sflag:s5] =	ssyncset.done @!p0 $0x0  }
0xd3: {  	s18 =	sadd.s32 @!p0 $0xB0, s15;
	s12 =	simm.s32 @!p0 $0x19980;
	[sflag:s5] =	ssyncadd.s32 @!p0 $0xFFFFF800  }
0xd4: {  	[tilespmem:s12], [sflag:$0x4] =	stream.linear.gather @!p0 [hbm4b:s18+s3], $0x80, $0x38;
	[tilespmem:$0x1E000] =	vst v63  }
0xd5: {  	s18 =	sadd.s32 @!p0 $0xB0, s17  }
0xd6: {  	[tilespmem:s31], [sflag:$0x4] =	stream.linear.gather @!p0 [hbm4b:s18+s3], $0x80, $0x38;
	[tilespmem:$0x1E000] =	vst v63  }
0xd7: {  	s18 =	simm.s32 @!p0 $0x2  }
0xd8: {  	_ =	swait.ge @!p0 [sflag:s18], $0x80  }
0xd9: {  	[sflag:s18] =	ssyncset.done @!p0 $0x0  }
0xda: {  	[sflag:s18] =	ssyncadd.s32 @!p0 $0xFFFFFF80  }
0xdb: {  	_ =	swait.ge @!p0 [sflag:s18], $0x80  }
0xdc: {  	[sflag:s18] =	ssyncset.done @!p0 $0x0  }
0xdd: {  	s31 =	simm.s32 $0xD;
	[sflag:s18] =	ssyncadd.s32 @!p0 $0xFFFFFF80;
	s18 =	simm.s32 @!p0 $0x1A800  }
0xde: {  	[tilespmem:s18], [sflag:$0xA] =	stream.indirect.gather @!p0 [hbm4b:s22+s30], $0x10, s10, s30, $0xb8;
	[tilespmem:$0x1E000] =	vst v63  }
0xdf: {  	_ =	swait.ge [sflag:s31], $0x800  }
0xe0: {  	[sflag:s31] =	ssyncset.done $0x0  }
0xe1: {  	s18 =	simm.s32 $0x19E00;
	[sflag:s31] =	ssyncadd.s32 $0xFFFFF800  }
0xe2: {  	[spmem:s1] =	stream.indirect.scatter.add.f32 [tilespmem:s7], [sflag:$0x11], $0x10, s18, s14, $0xb8;
	[tilespmem:$0x1E000] =	vst v63  }
0xe3: {  	_ =	swait.ge [sflag:s29], $0x800  }
0xe4: {  	[sflag:s29] =	ssyncset.done $0x0  }
0xe5: {  	s10 =	simm.s32 @p0 $0xE;
	[sflag:s29] =	ssyncadd.s32 $0xFFFFF800  }
0xe6: {  	_ =	swait.ge @p0 [sflag:s10], $0x800  }
0xe7: {  	[sflag:s10] =	ssyncset.done @p0 $0x0  }
0xe8: {  	s18 =	simm.s32 @p0 $0x1C800;
	[sflag:s10] =	ssyncadd.s32 @p0 $0xFFFFF800;
	s10 =	simm.s32 @p0 $0x19E80  }
0xe9: {  	[spmem:s1] =	stream.indirect.scatter.add.f32 @p0 [tilespmem:s18], [sflag:$0x11], $0x10, s10, s19, $0xb8;
	[tilespmem:$0x1E000] =	vst v63  }
0xea: {  	_ =	swait.ge @p0 [sflag:s16], $0x800  }
0xeb: {  	[sflag:s16] =	ssyncset.done @p0 $0x0  }
0xec: {  	s10 =	sadd.s32 @!p0 $0xC0, s15;
	[sflag:s16] =	ssyncadd.s32 @p0 $0xFFFFF800;
	s16 =	simm.s32 @!p0 $0x19A00  }
0xed: {  	[tilespmem:s16], [sflag:$0x5] =	stream.linear.gather @!p0 [hbm4b:s10+s3], $0x80, $0x38;
	[tilespmem:$0x1E000] =	vst v63  }
0xee: {  	s10 =	sadd.s32 @!p0 $0xC0, s17;
	s16 =	simm.s32 @!p0 $0x19E00  }
0xef: {  	[tilespmem:s16], [sflag:$0x5] =	stream.linear.gather @!p0 [hbm4b:s10+s3], $0x80, $0x38;
	[tilespmem:$0x1E000] =	vst v63  }
0xf0: {  	s10 =	simm.s32 @!p0 $0x3  }
0xf1: {  	_ =	swait.ge @!p0 [sflag:s10], $0x80  }
0xf2: {  	[sflag:s10] =	ssyncset.done @!p0 $0x0  }
0xf3: {  	[sflag:s10] =	ssyncadd.s32 @!p0 $0xFFFFFF80  }
0xf4: {  	_ =	swait.ge @!p0 [sflag:s10], $0x80  }
0xf5: {  	[sflag:s10] =	ssyncset.done @!p0 $0x0  }
0xf6: {  	[sflag:s10] =	ssyncadd.s32 @!p0 $0xFFFFFF80;
	s10 =	simm.s32 @!p0 $0x1B000  }
0xf7: {  	[tilespmem:s10], [sflag:$0xB] =	stream.indirect.gather @!p0 [hbm4b:s22+s30], $0x10, s11, s30, $0xb8;
	[tilespmem:$0x1E000] =	vst v63  }
0xf8: {  	s10 =	simm.s32 @!p0 $0xE  }
0xf9: {  	_ =	swait.ge @!p0 [sflag:s10], $0x800  }
0xfa: {  	[sflag:s10] =	ssyncset.done @!p0 $0x0  }
0xfb: {  	s11 =	simm.s32 @!p0 $0x1C800;
	[sflag:s10] =	ssyncadd.s32 @!p0 $0xFFFFF800;
	s10 =	simm.s32 @!p0 $0x19E80  }
0xfc: {  	[spmem:s1] =	stream.indirect.scatter.add.f32 @!p0 [tilespmem:s11], [sflag:$0x11], $0x10, s10, s30, $0xb8;
	[tilespmem:$0x1E000] =	vst v63  }
0xfd: {  	_ =	swait.ge @!p0 [sflag:s5], $0x800  }
0xfe: {  	[sflag:s5] =	ssyncset.done @!p0 $0x0  }
0xff: {  	s11 =	simm.s32 @!p0 $0x19A80;
	[sflag:s5] =	ssyncadd.s32 @!p0 $0xFFFFF800;
	s5 =	sadd.s32 @!p0 $0xD0, s15  }
0x100: {  	[tilespmem:s11], [sflag:$0x6] =	stream.linear.gather @!p0 [hbm4b:s5+s3], $0x80, $0x38;
	[tilespmem:$0x1E000] =	vst v63  }
0x101: {  	s5 =	sadd.s32 @!p0 $0xD0, s17  }
0x102: {  	[tilespmem:s10], [sflag:$0x6] =	stream.linear.gather @!p0 [hbm4b:s5+s3], $0x80, $0x38;
	[tilespmem:$0x1E000] =	vst v63  }
0x103: {  	s3 =	simm.s32 @!p0 $0x4  }
0x104: {  	_ =	swait.ge @!p0 [sflag:s3], $0x80  }
0x105: {  	[sflag:s3] =	ssyncset.done @!p0 $0x0  }
0x106: {  	[sflag:s3] =	ssyncadd.s32 @!p0 $0xFFFFFF80  }
0x107: {  	_ =	swait.ge @!p0 [sflag:s3], $0x80  }
0x108: {  	[sflag:s3] =	ssyncset.done @!p0 $0x0  }
0x109: {  	s31 =	simm.s32 $0xF;
	[sflag:s3] =	ssyncadd.s32 @!p0 $0xFFFFFF80  }
0x10a: {  	[tilespmem:s9], [sflag:$0xC] =	stream.indirect.gather @!p0 [hbm4b:s22+s30], $0x10, s12, s30, $0xb8;
	[tilespmem:$0x1E000] =	vst v63  }
0x10b: {  	_ =	swait.ge [sflag:s31], $0x800  }
0x10c: {  	[sflag:s31] =	ssyncset.done $0x0  }
.Ltmp4:
0x10d: {  	[sflag:s31] =	ssyncadd.s32 $0xFFFFF800;
	(pc) =	sbr.rel @p0 .LBB2_8-.Ltmp4, $4  }
0x10e: {  	[spmem:s1] =	stream.indirect.scatter.add.f32 [tilespmem:s2], [sflag:$0x11], $0x10, s4, s14, $0xb8;
	[tilespmem:$0x1E000] =	vst v63  }
0x10f: {  	_ =	swait.ge [sflag:s29], $0x800  }
0x110: {  	s6 =	simm.s32 $0x19B80;
	s0 =	simm.s32 $0x19B00;
	[sflag:s29] =	ssyncset.done $0x0  }
0x111: {  	s17 =	simm.s32 $0x1C000;
	s4 =	simm.s32 $0x19F00;
	[sflag:s29] =	ssyncadd.s32 $0xFFFFF800  }
0x112: {  	s3 =	sadd.s32 s8, s21  }
0x113: {  	s2 =	simm.s32 $0x0;
	s12 =	sadd.s32 s8, s25;
	s5 =	sadd.s32 $0xE0, s3  }
0x114: {  	[tilespmem:s0], [sflag:$0x7] =	stream.linear.gather [hbm4b:s5+s2], $0x80, $0x38;
	[tilespmem:$0x1E000] =	vst v63  }
0x115: {  	s15 =	simm.s32 $0x5;
	s9 =	sadd.s32 $0xE0, s12  }
0x116: {  	[tilespmem:s4], [sflag:$0x7] =	stream.linear.gather [hbm4b:s9+s2], $0x80, $0x38;
	[tilespmem:$0x1E000] =	vst v63  }
0x117: {  	_ =	swait.ge [sflag:s15], $0x80  }
0x118: {  	[sflag:s15] =	ssyncset.done $0x0  }
0x119: {  	[sflag:s15] =	ssyncadd.s32 $0xFFFFFF80  }
0x11a: {  	_ =	swait.ge [sflag:s15], $0x80  }
0x11b: {  	[sflag:s15] =	ssyncset.done $0x0  }
0x11c: {  	s16 =	simm.s32 $0x19A00;
	[sflag:s15] =	ssyncadd.s32 $0xFFFFFF80  }
0x11d: {  	[tilespmem:s17], [sflag:$0xD] =	stream.indirect.gather [hbm4b:s22+s14], $0x10, s16, s14, $0xb8;
	[tilespmem:$0x1E000] =	vst v63  }
0x11e: {  	s17 =	simm.s32 $0x10  }
0x11f: {  	_ =	swait.ge [sflag:s17], $0x800  }
0x120: {  	[sflag:s17] =	ssyncset.done $0x0  }
0x121: {  	s18 =	simm.s32 $0x19F80;
	[sflag:s17] =	ssyncadd.s32 $0xFFFFF800  }
0x122: {  	[spmem:s1] =	stream.indirect.scatter.add.f32 [tilespmem:s20], [sflag:$0x11], $0x10, s18, s14, $0xb8;
	[tilespmem:$0x1E000] =	vst v63  }
0x123: {  	_ =	swait.ge [sflag:s29], $0x800  }
0x124: {  	[sflag:s29] =	ssyncset.done $0x0  }
0x125: {  	s3 =	sadd.s32 $0xF0, s3;
	[sflag:s29] =	ssyncadd.s32 $0xFFFFF800  }
0x126: {  	[tilespmem:s6], [sflag:$0x8] =	stream.linear.gather [hbm4b:s3+s2], $0x80, $0x38;
	[tilespmem:$0x1E000] =	vst v63  }
0x127: {  	s19 =	sadd.s32 $0xF0, s12  }
0x128: {  	[tilespmem:s18], [sflag:$0x8] =	stream.linear.gather [hbm4b:s19+s2], $0x80, $0x38;
	[tilespmem:$0x1E000] =	vst v63  }
0x129: {  	_ =	swait.ge [sflag:s26], $0x80  }
0x12a: {  	s30 =	simm.s32 $0x19A80;
	[sflag:s26] =	ssyncset.done $0x0  }
.Ltmp5:
0x12b: {  	s31 =	simm.s32 $0x1C800;
	[sflag:s26] =	ssyncadd.s32 $0xFFFFFF80;
	(pc) =	sbr.rel .LBB2_6-.Ltmp5, $4  }
0x12c: {  	s8 =	sadd.s32 $0x80, s8;
	s7 =	simm.s32 $0x1C000;
	_ =	swait.ge [sflag:s26], $0x80  }
0x12d: {  	s0 =	simm.s32 $0x19B80;
	s4 =	simm.s32 $0x19F00;
	[sflag:s26] =	ssyncset.done $0x0  }
0x12e: {  	s18 =	simm.s32 $0x19B00;
	s19 =	simm.s32 $0x1D800;
	[sflag:s26] =	ssyncadd.s32 $0xFFFFFF80  }
0x12f: {  	[tilespmem:s31], [sflag:$0xE] =	stream.indirect.gather [hbm4b:s22+s14], $0x10, s30, s14, $0xb8;
	[tilespmem:$0x1E000] =	vst v63  }
.LBB2_9:
0x130: {  	_ =	sfence.sel $0x180000  }
0x131: {  	[bflag:$0x0] =	sbarrier.arrive $0xFFFF  }
0x132: {  	_ =	strace $0x9000004D  }
0x133: {  	s0 =	stileid.u32;
	[bflag:$0x2] =	sbarrier.arrive $0xFFFF  }
0x134: {  	p0 =	sne.s32 s0, $0x0;
	s0 =	rddreg [dreg:$0x2]  }
0x135: {  	s0 =	sadd.s32 @!p0 $0x100000, s0  }
0x136: {  	[sflag:s0] =	ssyncadd.tile.s32 @!p0 $0x1;
	_ =	shalt  }
.Lfunc_end2:
_tile_overlayer_lowered:
.L_overlay_start_2:
0x137: {  	(tag) =	ssettag $0x2  }
0x138: {  	s0 =	rddreg [dreg:$0x0];
	s2 =	stileid.u32  }
0x139: {  	s1 =	rddreg [dreg:$0x1];
	p0 =	sne.s32 s2, $0x0  }
0x13a: {  	s3 =	rddreg [dreg:$0x2];
	[bflag:$0x3] =	sbarrier.arrive $0xFFFF;
	s2 =	simm.s32 @!p0 $0x1C11  }
0x13b: {  	[timem:s3], [sflag:s2] =	dma.local @!p0 [hbm:s0], s1  }
0x13c: {  	s0 =	simm.s32 @!p0 $0x11  }
0x13d: {  	_ =	swait.ge @!p0 [sflag:s0], s1  }
0x13e: {  	s1 =	ssub.s32 @!p0 $0x0, s1;
	[sflag:s0] =	ssyncset.done @!p0 $0x0  }
0x13f: {  	[sflag:s0] =	ssyncadd.s32 @!p0 s1  }
0x140: {  	[bflag:$0x3] =	sbarrier.arrive $0xFFFF  }
0x141: {  	_ =	shalt  }

// kernel: kernel.18.cloned.1.call-start
scs
__scs_entry_jumppad:
0x0: {  	(pc) =	sbr.rel $0x88, $3  }
0x1: {  	(tag) =	ssettag $0x0;
	lr =	simm.s32 $0x1  }
0x2: {  	[smem:$0x3F93] =	sst lr;
	_ =	strace $0xD0000000  }
0x3: {  	_ = 	snop  }
0x4: {  	_ = 	snop  }
0x5: {  	_ = 	snop  }
0x6: {  	_ = 	snop  }
0x7: {  	_ = 	snop  }
__scs_overlays_trampoline_lowered:
0x8: {  	[smem:$0x3FA2] =	sst s0  }
0x9: {  	[smem:$0x3FA3] =	sst s1  }
0xa: {  	[smem:$0x3FA4] =	sst s2  }
0xb: {  	[smem:$0x3FA5] =	sst s3  }
0xc: {  	[smem:$0x3FA6] =	sst s4  }
0xd: {  	[smem:$0x3FA7] =	sst s5  }
0xe: {  	[smem:$0x3FA8] =	sst s6  }
0xf: {  	[smem:$0x3FA9] =	sst s7  }
0x10: {  	[smem:$0x3FAA] =	sst s8  }
0x11: {  	[smem:$0x3FAB] =	sst s9;
	s0 =	simm.s32 @!p0 $0x0  }
0x12: {  	s1 =	sld [smem:$0x3F91];
	s0 =	simm.s32 @p0 $0x1  }
0x13: {  	[smem:$0x3FAC] =	sst s0;
	s0 =	simm.s32 @!p1 $0x0  }
0x14: {  	s2 =	sld [smem:$0x3F90];
	s0 =	simm.s32 @p1 $0x1  }
0x15: {  	[smem:$0x3FAD] =	sst s0;
	s0 =	simm.s32 @!p2 $0x0  }
0x16: {  	s3 =	sld [smem:$0x3FDB];
	s0 =	simm.s32 @p2 $0x1  }
0x17: {  	s4 =	simm.s32 $0x1BF5;
	[smem:$0x3FAF] =	sst s0  }
0x18: {  	s0 =	sld [smem:$0x3F92];
	_ =	swait.ge [sflag:s4], $0x0  }
0x19: {  	s7 =	sld [smem:$0x3F93]  }
0x1a: {  	s8 =	sadd.s32 $0xFFFFE003, lr  }
0x1b: {  	s9 =	sadd.s32 $0xFFFFFEF7, lr;
	s5 =	simm.s32 $0xFFFFFFFF;
	p2 =	slt.u32 s8, $0xFFFFF086  }
0x1c: {  	p1 =	slt.u32 s9, $0xF7A;
	s5 =	simm.s32 @!p2 $0x0  }
0x1d: {  	s5 =	simm.s32 @p1 $0x1;
	p0 =	seq.s32 s7, s2  }
0x1e: {  	s7 =	smul.u32 @!p0 $0xF7A, s2;
	p2 =	seq.s32 @!p0 s5, $0x0  }
0x1f: {  	s9 =	smul.u32 $0xF7A, s1;
	s8 =	simm.s32 @!p0 $0x1BF5;
	p2 =	por !p2, p0  }
0x20: {  	[sflag:s8] =	ssyncset.s32 @!p0 $0xFFFFF086;
	s6 =	sadd.s32 @!p0 s3, s7;
	s7 =	simm.s32 @!p0 $0x108  }
0x21: {  	s3 =	sadd.s32 s3, s9;
	s6 =	sadd.s32 @!p0 $0x88, s6;
	s7 =	simm.s32 @p2 $0x1082  }
0x22: {  	[simem:s7], [sflag:s8] =	dma.local @!p0 [hbm:s6], $0xF7A  }
0x23: {  	s9 =	sor.u32 $0xD0000000, s2;
	s6 =	simm.s32 $0x108;
	_ =	swait.ge @!p0 [sflag:s8], $0x0  }
0x24: {  	s3 =	sadd.s32 $0x88, s3;
	s6 =	simm.s32 @!p1 $0x1082;
	[sflag:s4] =	ssyncset.s32 $0xFFFFF086  }
0x25: {  	[simem:s6], [sflag:s4] =	dma.local [hbm:s3], $0xF7A  }
0x26: {  	[smem:$0x3F93] =	sst s1;
	(tag) =	ssettag s2;
	_ =	strace s9  }
0x27: {  	s1 =	sld [smem:$0x3FA3]  }
0x28: {  	s2 =	sld [smem:$0x3FA4]  }
0x29: {  	s4 =	sld [smem:$0x3FA6]  }
0x2a: {  	p0 =	seq.s32 s5, $0x0;
	s5 =	sld [smem:$0x3FA7]  }
0x2b: {  	s6 =	sld [smem:$0x3FA8]  }
0x2c: {  	s7 =	sld [smem:$0x3FA9]  }
0x2d: {  	s3 =	simm.s32 $0x108;
	s8 =	sld [smem:$0x3FAA]  }
0x2e: {  	s3 =	simm.s32 @!p0 $0x1082;
	s9 =	sld [smem:$0x3FAB]  }
0x2f: {  	lr =	sadd.s32 s0, s3;
	s0 =	sld [smem:$0x3FA2]  }
0x30: {  	s3 =	sld [smem:$0x3FA5]  }
0x31: {  	[smem:$0x3FAE] =	sst s10  }
0x32: {  	s10 =	sld [smem:$0x3FAC];
	_ =	sdelay $0x3  }
0x33: {  	p0 =	seq.s32 s10, $0x1;
	s10 =	sld [smem:$0x3FAE];
	_ =	sdelay $0x3  }
0x34: {  	[smem:$0x3FAE] =	sst s10  }
0x35: {  	s10 =	sld [smem:$0x3FAD];
	_ =	sdelay $0x3  }
0x36: {  	p1 =	seq.s32 s10, $0x1;
	s10 =	sld [smem:$0x3FAE];
	_ =	sdelay $0x3  }
0x37: {  	[smem:$0x3FAE] =	sst s10  }
0x38: {  	s10 =	sld [smem:$0x3FAF]  }
0x39: {  	_ = 	snop;
	(pc) =	sbr.ind lr, $3  }
0x3a: {  	_ = 	snop  }
0x3b: {  	_ = 	snop  }
0x3c: {  	p2 =	seq.s32 s10, $0x1;
	s10 =	sld [smem:$0x3FAE]  }
0x3d: {  	_ =	shalt  }
0x3e: {  	_ =	shalt  }
0x3f: {  	_ =	shalt  }
0x40: {  	_ =	shalt  }
0x41: {  	_ =	shalt  }
0x42: {  	_ =	shalt  }
0x43: {  	_ =	shalt  }
0x44: {  	_ =	shalt  }
0x45: {  	_ =	shalt  }
0x46: {  	_ =	shalt  }
0x47: {  	_ =	shalt  }
0x48: {  	_ =	shalt  }
0x49: {  	_ =	shalt  }
0x4a: {  	_ =	shalt  }
0x4b: {  	_ =	shalt  }
0x4c: {  	_ =	shalt  }
0x4d: {  	_ =	shalt  }
0x4e: {  	_ =	shalt  }
0x4f: {  	_ =	shalt  }
0x50: {  	_ =	shalt  }
0x51: {  	_ =	shalt  }
0x52: {  	_ =	shalt  }
0x53: {  	_ =	shalt  }
0x54: {  	_ =	shalt  }
0x55: {  	_ =	shalt  }
0x56: {  	_ =	shalt  }
0x57: {  	_ =	shalt  }
0x58: {  	_ =	shalt  }
0x59: {  	_ =	shalt  }
0x5a: {  	_ =	shalt  }
0x5b: {  	_ =	shalt  }
0x5c: {  	_ =	shalt  }
0x5d: {  	_ =	shalt  }
0x5e: {  	_ =	shalt  }
0x5f: {  	_ =	shalt  }
0x60: {  	_ =	shalt  }
0x61: {  	_ =	shalt  }
0x62: {  	_ =	shalt  }
0x63: {  	_ =	shalt  }
0x64: {  	_ =	shalt  }
0x65: {  	_ =	shalt  }
0x66: {  	_ =	shalt  }
0x67: {  	_ =	shalt  }
0x68: {  	_ =	shalt  }
0x69: {  	_ =	shalt  }
0x6a: {  	_ =	shalt  }
0x6b: {  	_ =	shalt  }
0x6c: {  	_ =	shalt  }
0x6d: {  	_ =	shalt  }
0x6e: {  	_ =	shalt  }
0x6f: {  	_ =	shalt  }
0x70: {  	_ =	shalt  }
0x71: {  	_ =	shalt  }
0x72: {  	_ =	shalt  }
0x73: {  	_ =	shalt  }
0x74: {  	_ =	shalt  }
0x75: {  	_ =	shalt  }
0x76: {  	_ =	shalt  }
0x77: {  	_ =	shalt  }
0x78: {  	_ =	shalt  }
0x79: {  	_ =	shalt  }
0x7a: {  	_ =	shalt  }
0x7b: {  	_ =	shalt  }
0x7c: {  	_ =	shalt  }
0x7d: {  	_ =	shalt  }
0x7e: {  	_ =	shalt  }
0x7f: {  	_ =	shalt  }
0x80: {  	_ =	shalt  }
0x81: {  	_ =	shalt  }
0x82: {  	_ =	shalt  }
0x83: {  	_ =	shalt  }
0x84: {  	_ =	shalt  }
0x85: {  	_ =	shalt  }
0x86: {  	_ =	shalt  }
0x87: {  	_ =	shalt  }
.Lfunc_end0:
.L_simem_size_0:
called_computation.3_lowered:
.L_overlay_start_0:
0x88: {  	s2 =	sld [smem:$0x3FD9]  }
0x89: {  	s3 =	sld [smem:$0x3FFE];
	_ =	sdelay $0x1  }
0x8a: {  	s1 =	srdreg.scid  }
0x8b: {  	s0 =	sand.u32 $0x1, s1  }
0x8c: {  	s17 =	sshll.u32 s0, $0xA;
	s2 =	sadd.s32 s3, s2  }
0x8d: {  	s2 =	sadd.s32 s2, s17  }
0x8e: {  	[smem:$0x3FBA] =	sst s2  }
0x8f: {  	_ = 	snop  }
0x90: {  	s2 =	sld [smem:$0x3FD0];
	(tm) =	ssettm $0x1  }
0x91: {  	s18 =	sld [smem:$0x3FFB];
	_ =	sdelay $0x3  }
0x92: {  	_ =	strace s18  }
0x93: {  	s3 =	sld [smem:$0x3FFC];
	_ =	sdelay $0x3  }
0x94: {  	_ =	strace s3  }
0x95: {  	s3 =	sld [smem:$0x3FFD];
	_ =	sdelay $0x3  }
0x96: {  	_ =	strace s3  }
0x97: {  	_ =	strace $0x8FFFFFFF  }
0x98: {  	s19 =	sld [smem:$0x3FDB];
	_ =	sdelay $0x1  }
0x99: {  	s4 =	simm.s32 $_scs_section_size  }
0x9a: {  	s5 =	simm.s32 $_size__tile_overlayer_lowered;
	s6 =	simm.s32 $_tile_overlayer_lowered  }
0x9b: {  	s22 =	simm.s32 $0x1BFF;
	s21 =	sshll.u32 s6, $0x1;
	s3 =	sadd.s32 s4, s19  }
0x9c: {  	s7 =	simm.s32 $0x0;
	s20 =	sshll.u32 s5, $0x1;
	s5 =	sadd.s32 s21, s3  }
0x9d: {  	[timem:s7], [sflag:s22] =	dma.local [hbm:s5], s20  }
0x9e: {  	_ =	swait.ge [sflag:s22], s20  }
0x9f: {  	s4 =	ssub.s32 $0x0, s20;
	[sflag:s22] =	ssyncset.done $0x0  }
0xa0: {  	[sflag:s22] =	ssyncadd.s32 s4;
	_ =	sdelay $0x1  }
0xa1: {  	s23 =	simm.s32 $0x1B8B  }
0xa2: {  	_ =	swait.ge [sflag:s23], $0x1  }
0xa3: {  	[sflag:s23] =	ssyncset.done $0x0  }
0xa4: {  	s25 =	simm.s32 $0x1B8E;
	s24 =	sld [smem:$0x3FFE];
	[sflag:s23] =	ssyncadd.s32 $0xFFFFFFFF  }
0xa5: {  	s26 =	simm.s32 $execute0_lowered;
	[smem:$0x3FD2] =	sst s25  }
0xa6: {  	s5 =	sshll.u32 s26, $0x1;
	_ =	strace $0x8000004F;
	[dreg:$0x1] =	wrdreg $0xFFFFFFFF  }
0xa7: {  	s28 =	simm.s32 $_size_execute0_lowered;
	s3 =	sadd.s32 s3, s5;
	[dreg:$0x0] =	wrdreg $0x0  }
0xa8: {  	s5 =	sshll.u32 s28, $0x1;
	[dreg:$0x2] =	wrdreg s3  }
0xa9: {  	[dreg:$0x3] =	wrdreg s5  }
0xaa: {  	[dreg:$0x4] =	wrdreg $0xC0  }
0xab: {  	_ =	task [dreg:s7], $0x5FFFF  }
0xac: {  	[dreg:$0x1] =	wrdreg $0xFFFFFFFF  }
0xad: {  	[dreg:$0x0] =	wrdreg $0x60  }
0xae: {  	[dreg:$0x2] =	wrdreg s24  }
0xaf: {  	[dreg:$0x3] =	wrdreg s2  }
0xb0: {  	[dreg:$0x4] =	wrdreg $0x0  }
0xb1: {  	[dreg:$0x5] =	wrdreg $0x800  }
0xb2: {  	[dreg:$0x6] =	wrdreg $0x9  }
0xb3: {  	_ =	task.clear_ibuf [dreg:s7], $0x7FFFF;
	_ =	strace $0x9000004F  }
0xb4: {  	s29 =	simm.s32 $0x9;
	_ =	strace $0x80000051  }
0xb5: {  	_ =	swait.ge [sflag:s29], $0x1  }
0xb6: {  	[sflag:s29] =	ssyncadd.s32 $0xFFFFFFFF  }
0xb7: {  	_ =	strace $0x90000051  }
0xb8: {  	_ =	sfence  }
0xb9: {  	s30 =	sld [smem:$0x0];
	_ =	sdelay $0x2  }
0xba: {  	s31 =	sshll.u32 s1, $0xD;
	s1 =	sshrl.u32 s1, $0x2  }
0xbb: {  	s3 =	sand.u32 $0x4000, s31;
	s1 =	sadd.s32 s1, s30  }
0xbc: {  	s0 =	sor.u32 s3, s0;
	s1 =	sshll.u32 s1, $0x11  }
0xbd: {  	s0 =	sor.u32 s1, s0  }
0xbe: {  	s0 =	sadd.s32 $0x8F2B, s0  }
0xbf: {  	[sflag:s0] =	ssyncadd.remote.s32 $0x1  }
0xc0: {  	_ =	sfence.sel $0xFFFF  }
0xc1: {  	[dreg:$0x0] =	wrdreg $0xFFFFFFFF;
	(pc) =	sbr.abs _section_cstart, $3  }
0xc2: {  	[dreg:$0x1] =	wrdreg $0xFFFFFFFF  }
0xc3: {  	_ =	task.clear_ibuf [dreg:s7], $0x2FFFF;
	_ =	strace $0x9FFFFFFF  }
0xc4: {  	(tm) =	ssettm $0x7FFFFFFF  }
0xc5: {  	_ =	shalt  }
tec
execute0_lowered:
.L_overlay_start_1:
0x0: {  	(tag) =	ssettag $0x1  }
0x1: {  	s4 =	rddreg [dreg:$0x0]  }
0x2: {  	s5 =	rddreg [dreg:$0x1]  }
0x3: {  	s1 =	srdreg.scid;
	s0 =	rddreg [dreg:$0x2]  }
0x4: {  	s9 =	stileid.u32;
	s2 =	rddreg [dreg:$0x3];
	s3 =	simm.s32 $0x0  }
0x5: {  	s6 =	sand.u32 $0x1, s1;
	s8 =	smul.u32 $0xC80, s9;
	s1 =	rddreg [dreg:$0x4]  }
0x6: {  	s16 =	simm.s32 $0x0;
	[smem:$0x7FF] =	sst s3;
	s13 =	smul.u32 $0x1900, s9  }
0x7: {  	p0 =	sne.s32 s9, $0x0;
	s9 =	simm.s32 $0x88;
	s7 =	smul.u32 $0xC800, s6  }
0x8: {  	s10 =	smul.u32 $0x19000, s6;
	_ =	strace $0x80000050;
	s31 =	ssub.s32 $0x2, s6  }
0x9: {  	s11 =	sshll.u32 s6, $0x8;
	s6 =	sshll.u32 s6, $0x4;
	s14 =	sshrl.u32 @!p0 s0, $0x3  }
0xa: {  	s15 =	sshrl.u32 @!p0 s2, $0x3;
	s12 =	sshrl.u32 s31, $0x1;
	s5 =	sadd.s32 s5, s6  }
0xb: {  	s7 =	sadd.s32 s8, s7;
	s30 =	sadd.s32 s10, s4;
	s10 =	ssub.s32 s31, s12  }
0xc: {  	s12 =	simm.s32 $0x80;
	s7 =	sshrl.u32 s7, $0x3;
	s8 =	sadd.s32 s13, s30  }
0xd: {  	s6 =	smax.u32 s10, $0x1;
	s10 =	simm.s32 $0x1;
	s13 =	simm.s32 $0x1188  }
0xe: {  	s7 =	sadd.s32 s7, s4;
	s4 =	sadd.s32 s11, s4;
	s8 =	sadd.s32 $0x2200, s8  }
0xf: {  	v0 =	vimm.f32 $0.0e+00;
	v1 =	vimm.f32 $1.000000000e+00;
	s11 =	simm.s32 $0x888;
	s4 =	sadd.s32 $0x37400, s4;
	s7 =	sadd.s32 $0x34200, s7  }
.LBB2_1:
0x10: {  	s17 =	simm.s32 $0x40;
	s18 =	simm.s32 $0x0  }
.LBB2_2:
0x11: {  	p1 =	sne.s32 s17, $0x1FC0;
	[tilespmem:s18+$0x908] =	vst v0;
	s18 =	smov.u32 s17;
	s17 =	sadd.s32 $0x40, s17  }
.Ltmp0:
0x12: {  	(pc) =	sbr.rel @p1 .LBB2_2-.Ltmp0, $2  }
0x13: {  	_ =	sdelay $0x2  }
0x14: {  	s18 =	sshra.s32 s18, $0x2  }
0x15: {  	[tilespmem:s18+$0x908] =	vst v0  }
0x16: {  	[tilespmem:$0x1108] =	vst v0  }
0x17: {  	[tilespmem:$0x1118] =	vst v0  }
0x18: {  	[tilespmem:$0x1128] =	vst v0  }
0x19: {  	[tilespmem:$0x1138] =	vst v0  }
0x1a: {  	[tilespmem:$0x1148] =	vst v0  }
0x1b: {  	[tilespmem:$0x1158] =	vst v0  }
0x1c: {  	[tilespmem:$0x1168] =	vst v0  }
0x1d: {  	[tilespmem:$0x1178] =	vst v0  }
0x1e: {  	[tilespmem:$0x1188] =	vst v1  }
0x1f: {  	[tilespmem:$0x1198] =	vst v1  }
0x20: {  	[tilespmem:$0x11A8] =	vst v1  }
0x21: {  	[tilespmem:$0x11B8] =	vst v1  }
0x22: {  	[tilespmem:$0x11C8] =	vst v1  }
0x23: {  	[tilespmem:$0x11D8] =	vst v1  }
0x24: {  	[tilespmem:$0x11E8] =	vst v1  }
0x25: {  	s17 =	simm.s32 @!p0 $0x908;
	[tilespmem:$0x11F8] =	vst v1  }
0x26: {  	[spmem:s0] =	stream.linear.scatter @!p0 [tilespmem:s17], [sflag:$0x1], $0x800, $0x38;
	[tilespmem:$0x1208] =	vst v63  }
0x27: {  	s17 =	simm.s32 @!p0 $0x1  }
0x28: {  	_ =	swait.ge @!p0 [sflag:s17], $0x800  }
0x29: {  	[sflag:s17] =	ssyncset.done @!p0 $0x0  }
0x2a: {  	s18 =	simm.s32 @!p0 $0x1108;
	[sflag:s17] =	ssyncadd.s32 @!p0 $0xFFFFF800  }
0x2b: {  	[spmem:s2] =	stream.linear.scatter @!p0 [tilespmem:s18], [sflag:$0x1], $0x80, $0x38;
	[tilespmem:$0x1208] =	vst v63  }
0x2c: {  	_ =	swait.ge @!p0 [sflag:s17], $0x80  }
0x2d: {  	[sflag:s17] =	ssyncset.done @!p0 $0x0  }
0x2e: {  	[sflag:s17] =	ssyncadd.s32 @!p0 $0xFFFFFF80  }
0x2f: {  	[bflag:$0x0] =	sbarrier.arrive $0xFFFF  }
0x30: {  	[tilespmem:s9], [sflag:$0x1] =	stream.linear.gather [hbm4b:s8+s3], $0x800, $0x38;
	[tilespmem:$0x1208] =	vst v63  }
0x31: {  	_ =	swait.ge [sflag:s10], $0x800  }
0x32: {  	[sflag:s10] =	ssyncset.done $0x0  }
0x33: {  	s31 =	sadd.s32 $0x0, s7;
	[sflag:s10] =	ssyncadd.s32 $0xFFFFF800  }
0x34: {  	[tilespmem:s11], [sflag:$0x1] =	stream.linear.gather [hbm4b:s31+s3], $0x80, $0x38;
	[tilespmem:$0x1208] =	vst v63  }
0x35: {  	_ =	swait.ge [sflag:s10], $0x80  }
0x36: {  	[sflag:s10] =	ssyncset.done $0x0  }
0x37: {  	[sflag:s10] =	ssyncadd.s32 $0xFFFFFF80  }
0x38: {  	[spmem:s0] =	stream.indirect.scatter.add.f32 [tilespmem:s9], [sflag:$0x1], $0x10, s11, s12, $0xb8;
	[tilespmem:$0x1208] =	vst v63  }
0x39: {  	_ =	swait.ge [sflag:s10], $0x800  }
0x3a: {  	[sflag:s10] =	ssyncset.done $0x0  }
0x3b: {  	[sflag:s10] =	ssyncadd.s32 $0xFFFFF800  }
0x3c: {  	[spmem:s2] =	stream.indirect.scatter.add.f32 [tilespmem:s13], [sflag:$0x1], $0x1, s11, s12, $0xb8;
	[tilespmem:$0x1208] =	vst v63  }
0x3d: {  	_ =	swait.ge [sflag:s10], $0x80  }
0x3e: {  	s18 =	smov.u32 s8;
	s17 =	simm.s32 $0x10;
	[sflag:s10] =	ssyncset.done $0x0  }
.LBB2_4:
0x3f: {  	p1 =	sne.s32 s17, $0x180;
	[sflag:s10] =	ssyncadd.s32 $0xFFFFFF80;
	s18 =	sadd.s32 $0x100, s18  }
0x40: {  	[tilespmem:s9], [sflag:$0x1] =	stream.linear.gather [hbm4b:s18+s3], $0x800, $0x38;
	[tilespmem:$0x1208] =	vst v63  }
0x41: {  	s19 =	smov.u32 s17;
	s17 =	sadd.s32 $0x10, s17;
	_ =	swait.ge [sflag:s10], $0x800  }
0x42: {  	[sflag:s10] =	ssyncset.done $0x0  }
0x43: {  	s19 =	sadd.s32 s19, s7;
	[sflag:s10] =	ssyncadd.s32 $0xFFFFF800  }
0x44: {  	[tilespmem:s11], [sflag:$0x1] =	stream.linear.gather [hbm4b:s19+s3], $0x80, $0x38;
	[tilespmem:$0x1208] =	vst v63  }
0x45: {  	_ =	swait.ge [sflag:s10], $0x80  }
0x46: {  	[sflag:s10] =	ssyncset.done $0x0  }
0x47: {  	[sflag:s10] =	ssyncadd.s32 $0xFFFFFF80  }
0x48: {  	[spmem:s0] =	stream.indirect.scatter.add.f32 [tilespmem:s9], [sflag:$0x1], $0x10, s11, s12, $0xb8;
	[tilespmem:$0x1208] =	vst v63  }
0x49: {  	_ =	swait.ge [sflag:s10], $0x800  }
.Ltmp1:
0x4a: {  	[sflag:s10] =	ssyncset.done $0x0;
	(pc) =	sbr.rel @p1 .LBB2_4-.Ltmp1, $4  }
0x4b: {  	[sflag:s10] =	ssyncadd.s32 $0xFFFFF800  }
0x4c: {  	[spmem:s2] =	stream.indirect.scatter.add.f32 [tilespmem:s13], [sflag:$0x1], $0x1, s11, s12, $0xb8;
	[tilespmem:$0x1208] =	vst v63  }
0x4d: {  	_ =	swait.ge [sflag:s10], $0x80  }
0x4e: {  	[sflag:s10] =	ssyncset.done $0x0  }
0x4f: {  	[sflag:s10] =	ssyncadd.s32 $0xFFFFFF80  }
0x50: {  	s17 =	simm.s32 @!p0 $0x1C01;
	s18 =	simm.s32 @!p0 $0x1;
	[bflag:$0x0] =	sbarrier.arrive $0xFFFF  }
0x51: {  	[hbm:s4], [sflag:s17] =	dma.local @!p0 [spmem:s14], $0x100  }
0x52: {  	s16 =	sadd.s32 $0x1, s16;
	_ =	swait.ge @!p0 [sflag:s18], $0x100  }
0x53: {  	p1 =	sne.s32 s16, s6;
	[sflag:s18] =	ssyncset.done @!p0 $0x0  }
.Ltmp2:
0x54: {  	[sflag:s18] =	ssyncadd.s32 @!p0 $0xFFFFFF00;
	(pc) =	sbr.rel @p1 .LBB2_1-.Ltmp2, $4  }
0x55: {  	[hbm:s5], [sflag:s17] =	dma.local @!p0 [spmem:s15], $0x10  }
0x56: {  	_ =	swait.ge @!p0 [sflag:s18], $0x10  }
0x57: {  	[sflag:s18] =	ssyncset.done @!p0 $0x0  }
0x58: {  	[sflag:s18] =	ssyncadd.s32 @!p0 $0xFFFFFFF0  }
0x59: {  	_ =	sfence.sel $0x180000  }
0x5a: {  	[bflag:$0x0] =	sbarrier.arrive $0xFFFF  }
0x5b: {  	_ =	strace $0x90000050  }
0x5c: {  	s0 =	sadd.s32 @!p0 $0x100000, s1;
	[bflag:$0x2] =	sbarrier.arrive $0xFFFF  }
0x5d: {  	[sflag:s0] =	ssyncadd.tile.s32 @!p0 $0x1;
	_ =	shalt  }
.Lfunc_end2:
_tile_overlayer_lowered:
.L_overlay_start_2:
0x5e: {  	(tag) =	ssettag $0x2  }
0x5f: {  	s0 =	rddreg [dreg:$0x0];
	s2 =	stileid.u32  }
0x60: {  	s1 =	rddreg [dreg:$0x1];
	p0 =	sne.s32 s2, $0x0  }
0x61: {  	s3 =	rddreg [dreg:$0x2];
	[bflag:$0x3] =	sbarrier.arrive $0xFFFF;
	s2 =	simm.s32 @!p0 $0x1C01  }
0x62: {  	[timem:s3], [sflag:s2] =	dma.local @!p0 [hbm:s0], s1  }
0x63: {  	s0 =	simm.s32 @!p0 $0x1  }
0x64: {  	_ =	swait.ge @!p0 [sflag:s0], s1  }
0x65: {  	s1 =	ssub.s32 @!p0 $0x0, s1;
	[sflag:s0] =	ssyncset.done @!p0 $0x0  }
0x66: {  	[sflag:s0] =	ssyncadd.s32 @!p0 s1  }
0x67: {  	[bflag:$0x3] =	sbarrier.arrive $0xFFFF  }
0x68: {  	_ =	shalt  }

// kernel: kernel.9.cloned.1.call-start
scs
__scs_entry_jumppad:
0x0: {  	(pc) =	sbr.rel $0x88, $3  }
0x1: {  	(tag) =	ssettag $0x0;
	lr =	simm.s32 $0x1  }
0x2: {  	[smem:$0x3F93] =	sst lr;
	_ =	strace $0xD0000000  }
0x3: {  	_ = 	snop  }
0x4: {  	_ = 	snop  }
0x5: {  	_ = 	snop  }
0x6: {  	_ = 	snop  }
0x7: {  	_ = 	snop  }
__scs_overlays_trampoline_lowered:
0x8: {  	[smem:$0x3FA2] =	sst s0  }
0x9: {  	[smem:$0x3FA3] =	sst s1  }
0xa: {  	[smem:$0x3FA4] =	sst s2  }
0xb: {  	[smem:$0x3FA5] =	sst s3  }
0xc: {  	[smem:$0x3FA6] =	sst s4  }
0xd: {  	[smem:$0x3FA7] =	sst s5  }
0xe: {  	[smem:$0x3FA8] =	sst s6  }
0xf: {  	[smem:$0x3FA9] =	sst s7  }
0x10: {  	[smem:$0x3FAA] =	sst s8  }
0x11: {  	[smem:$0x3FAB] =	sst s9;
	s0 =	simm.s32 @!p0 $0x0  }
0x12: {  	s1 =	sld [smem:$0x3F91];
	s0 =	simm.s32 @p0 $0x1  }
0x13: {  	[smem:$0x3FAC] =	sst s0;
	s0 =	simm.s32 @!p1 $0x0  }
0x14: {  	s2 =	sld [smem:$0x3F90];
	s0 =	simm.s32 @p1 $0x1  }
0x15: {  	[smem:$0x3FAD] =	sst s0;
	s0 =	simm.s32 @!p2 $0x0  }
0x16: {  	s3 =	sld [smem:$0x3FDB];
	s0 =	simm.s32 @p2 $0x1  }
0x17: {  	s4 =	simm.s32 $0x1BF5;
	[smem:$0x3FAF] =	sst s0  }
0x18: {  	s0 =	sld [smem:$0x3F92];
	_ =	swait.ge [sflag:s4], $0x0  }
0x19: {  	s7 =	sld [smem:$0x3F93]  }
0x1a: {  	s8 =	sadd.s32 $0xFFFFE003, lr  }
0x1b: {  	s9 =	sadd.s32 $0xFFFFFEF7, lr;
	s5 =	simm.s32 $0xFFFFFFFF;
	p2 =	slt.u32 s8, $0xFFFFF086  }
0x1c: {  	p1 =	slt.u32 s9, $0xF7A;
	s5 =	simm.s32 @!p2 $0x0  }
0x1d: {  	s5 =	simm.s32 @p1 $0x1;
	p0 =	seq.s32 s7, s2  }
0x1e: {  	s7 =	smul.u32 @!p0 $0xF7A, s2;
	p2 =	seq.s32 @!p0 s5, $0x0  }
0x1f: {  	s9 =	smul.u32 $0xF7A, s1;
	s8 =	simm.s32 @!p0 $0x1BF5;
	p2 =	por !p2, p0  }
0x20: {  	[sflag:s8] =	ssyncset.s32 @!p0 $0xFFFFF086;
	s6 =	sadd.s32 @!p0 s3, s7;
	s7 =	simm.s32 @!p0 $0x108  }
0x21: {  	s3 =	sadd.s32 s3, s9;
	s6 =	sadd.s32 @!p0 $0x88, s6;
	s7 =	simm.s32 @p2 $0x1082  }
0x22: {  	[simem:s7], [sflag:s8] =	dma.local @!p0 [hbm:s6], $0xF7A  }
0x23: {  	s9 =	sor.u32 $0xD0000000, s2;
	s6 =	simm.s32 $0x108;
	_ =	swait.ge @!p0 [sflag:s8], $0x0  }
0x24: {  	s3 =	sadd.s32 $0x88, s3;
	s6 =	simm.s32 @!p1 $0x1082;
	[sflag:s4] =	ssyncset.s32 $0xFFFFF086  }
0x25: {  	[simem:s6], [sflag:s4] =	dma.local [hbm:s3], $0xF7A  }
0x26: {  	[smem:$0x3F93] =	sst s1;
	(tag) =	ssettag s2;
	_ =	strace s9  }
0x27: {  	s1 =	sld [smem:$0x3FA3]  }
0x28: {  	s2 =	sld [smem:$0x3FA4]  }
0x29: {  	s4 =	sld [smem:$0x3FA6]  }
0x2a: {  	p0 =	seq.s32 s5, $0x0;
	s5 =	sld [smem:$0x3FA7]  }
0x2b: {  	s6 =	sld [smem:$0x3FA8]  }
0x2c: {  	s7 =	sld [smem:$0x3FA9]  }
0x2d: {  	s3 =	simm.s32 $0x108;
	s8 =	sld [smem:$0x3FAA]  }
0x2e: {  	s3 =	simm.s32 @!p0 $0x1082;
	s9 =	sld [smem:$0x3FAB]  }
0x2f: {  	lr =	sadd.s32 s0, s3;
	s0 =	sld [smem:$0x3FA2]  }
0x30: {  	s3 =	sld [smem:$0x3FA5]  }
0x31: {  	[smem:$0x3FAE] =	sst s10  }
0x32: {  	s10 =	sld [smem:$0x3FAC];
	_ =	sdelay $0x3  }
0x33: {  	p0 =	seq.s32 s10, $0x1;
	s10 =	sld [smem:$0x3FAE];
	_ =	sdelay $0x3  }
0x34: {  	[smem:$0x3FAE] =	sst s10  }
0x35: {  	s10 =	sld [smem:$0x3FAD];
	_ =	sdelay $0x3  }
0x36: {  	p1 =	seq.s32 s10, $0x1;
	s10 =	sld [smem:$0x3FAE];
	_ =	sdelay $0x3  }
0x37: {  	[smem:$0x3FAE] =	sst s10  }
0x38: {  	s10 =	sld [smem:$0x3FAF]  }
0x39: {  	_ = 	snop;
	(pc) =	sbr.ind lr, $3  }
0x3a: {  	_ = 	snop  }
0x3b: {  	_ = 	snop  }
0x3c: {  	p2 =	seq.s32 s10, $0x1;
	s10 =	sld [smem:$0x3FAE]  }
0x3d: {  	_ =	shalt  }
0x3e: {  	_ =	shalt  }
0x3f: {  	_ =	shalt  }
0x40: {  	_ =	shalt  }
0x41: {  	_ =	shalt  }
0x42: {  	_ =	shalt  }
0x43: {  	_ =	shalt  }
0x44: {  	_ =	shalt  }
0x45: {  	_ =	shalt  }
0x46: {  	_ =	shalt  }
0x47: {  	_ =	shalt  }
0x48: {  	_ =	shalt  }
0x49: {  	_ =	shalt  }
0x4a: {  	_ =	shalt  }
0x4b: {  	_ =	shalt  }
0x4c: {  	_ =	shalt  }
0x4d: {  	_ =	shalt  }
0x4e: {  	_ =	shalt  }
0x4f: {  	_ =	shalt  }
0x50: {  	_ =	shalt  }
0x51: {  	_ =	shalt  }
0x52: {  	_ =	shalt  }
0x53: {  	_ =	shalt  }
0x54: {  	_ =	shalt  }
0x55: {  	_ =	shalt  }
0x56: {  	_ =	shalt  }
0x57: {  	_ =	shalt  }
0x58: {  	_ =	shalt  }
0x59: {  	_ =	shalt  }
0x5a: {  	_ =	shalt  }
0x5b: {  	_ =	shalt  }
0x5c: {  	_ =	shalt  }
0x5d: {  	_ =	shalt  }
0x5e: {  	_ =	shalt  }
0x5f: {  	_ =	shalt  }
0x60: {  	_ =	shalt  }
0x61: {  	_ =	shalt  }
0x62: {  	_ =	shalt  }
0x63: {  	_ =	shalt  }
0x64: {  	_ =	shalt  }
0x65: {  	_ =	shalt  }
0x66: {  	_ =	shalt  }
0x67: {  	_ =	shalt  }
0x68: {  	_ =	shalt  }
0x69: {  	_ =	shalt  }
0x6a: {  	_ =	shalt  }
0x6b: {  	_ =	shalt  }
0x6c: {  	_ =	shalt  }
0x6d: {  	_ =	shalt  }
0x6e: {  	_ =	shalt  }
0x6f: {  	_ =	shalt  }
0x70: {  	_ =	shalt  }
0x71: {  	_ =	shalt  }
0x72: {  	_ =	shalt  }
0x73: {  	_ =	shalt  }
0x74: {  	_ =	shalt  }
0x75: {  	_ =	shalt  }
0x76: {  	_ =	shalt  }
0x77: {  	_ =	shalt  }
0x78: {  	_ =	shalt  }
0x79: {  	_ =	shalt  }
0x7a: {  	_ =	shalt  }
0x7b: {  	_ =	shalt  }
0x7c: {  	_ =	shalt  }
0x7d: {  	_ =	shalt  }
0x7e: {  	_ =	shalt  }
0x7f: {  	_ =	shalt  }
0x80: {  	_ =	shalt  }
0x81: {  	_ =	shalt  }
0x82: {  	_ =	shalt  }
0x83: {  	_ =	shalt  }
0x84: {  	_ =	shalt  }
0x85: {  	_ =	shalt  }
0x86: {  	_ =	shalt  }
0x87: {  	_ =	shalt  }
.Lfunc_end0:
.L_simem_size_0:
called_computation_lowered:
.L_overlay_start_0:
0x88: {  	s2 =	sld [smem:$0x3FD9]  }
0x89: {  	s3 =	sld [smem:$0x3FFE];
	_ =	sdelay $0x1  }
0x8a: {  	s1 =	srdreg.scid  }
0x8b: {  	s0 =	sand.u32 $0x1, s1  }
0x8c: {  	s17 =	sshll.u32 s0, $0xA;
	s2 =	sadd.s32 s3, s2  }
0x8d: {  	s2 =	sadd.s32 s2, s17  }
0x8e: {  	[smem:$0x3FBA] =	sst s2  }
0x8f: {  	_ = 	snop  }
0x90: {  	s2 =	sld [smem:$0x3FD0];
	(tm) =	ssettm $0x1  }
0x91: {  	s18 =	sld [smem:$0x3FFB];
	_ =	sdelay $0x3  }
0x92: {  	_ =	strace s18  }
0x93: {  	s3 =	sld [smem:$0x3FFC];
	_ =	sdelay $0x3  }
0x94: {  	_ =	strace s3  }
0x95: {  	s3 =	sld [smem:$0x3FFD];
	_ =	sdelay $0x3  }
0x96: {  	_ =	strace s3  }
0x97: {  	_ =	strace $0x8FFFFFFF  }
0x98: {  	s19 =	sld [smem:$0x3FDB];
	_ =	sdelay $0x1  }
0x99: {  	s4 =	simm.s32 $_scs_section_size  }
0x9a: {  	s5 =	simm.s32 $_size__tile_overlayer_lowered;
	s6 =	simm.s32 $_tile_overlayer_lowered  }
0x9b: {  	s22 =	simm.s32 $0x1BFF;
	s21 =	sshll.u32 s6, $0x1;
	s3 =	sadd.s32 s4, s19  }
0x9c: {  	s7 =	simm.s32 $0x0;
	s20 =	sshll.u32 s5, $0x1;
	s5 =	sadd.s32 s21, s3  }
0x9d: {  	[timem:s7], [sflag:s22] =	dma.local [hbm:s5], s20  }
0x9e: {  	_ =	swait.ge [sflag:s22], s20  }
0x9f: {  	s4 =	ssub.s32 $0x0, s20;
	[sflag:s22] =	ssyncset.done $0x0  }
0xa0: {  	[sflag:s22] =	ssyncadd.s32 s4;
	_ =	sdelay $0x1  }
0xa1: {  	s23 =	simm.s32 $0x1B8B  }
0xa2: {  	_ =	swait.ge [sflag:s23], $0x1  }
0xa3: {  	[sflag:s23] =	ssyncset.done $0x0  }
0xa4: {  	s25 =	simm.s32 $0x1B8E;
	s24 =	sld [smem:$0x3FFE];
	[sflag:s23] =	ssyncadd.s32 $0xFFFFFFFF  }
0xa5: {  	s26 =	simm.s32 $execute0_lowered;
	[smem:$0x3FD2] =	sst s25  }
0xa6: {  	s5 =	sshll.u32 s26, $0x1;
	_ =	strace $0x80000046;
	[dreg:$0x1] =	wrdreg $0xFFFFFFFF  }
0xa7: {  	s28 =	simm.s32 $_size_execute0_lowered;
	s3 =	sadd.s32 s3, s5;
	[dreg:$0x0] =	wrdreg $0x0  }
0xa8: {  	s5 =	sshll.u32 s28, $0x1;
	[dreg:$0x2] =	wrdreg s3  }
0xa9: {  	[dreg:$0x3] =	wrdreg s5  }
0xaa: {  	[dreg:$0x4] =	wrdreg $0xC0  }
0xab: {  	_ =	task [dreg:s7], $0x5FFFF  }
0xac: {  	[dreg:$0x1] =	wrdreg $0xFFFFFFFF  }
0xad: {  	[dreg:$0x0] =	wrdreg $0x60  }
0xae: {  	[dreg:$0x2] =	wrdreg s24  }
0xaf: {  	[dreg:$0x3] =	wrdreg s2  }
0xb0: {  	[dreg:$0x4] =	wrdreg $0x9  }
0xb1: {  	_ =	task.clear_ibuf [dreg:s7], $0x5FFFF;
	_ =	strace $0x90000046  }
0xb2: {  	s29 =	simm.s32 $0x9;
	_ =	strace $0x80000048  }
0xb3: {  	_ =	swait.ge [sflag:s29], $0x1  }
0xb4: {  	[sflag:s29] =	ssyncadd.s32 $0xFFFFFFFF  }
0xb5: {  	_ =	strace $0x90000048  }
0xb6: {  	_ =	sfence  }
0xb7: {  	s30 =	sld [smem:$0x0];
	_ =	sdelay $0x2  }
0xb8: {  	s31 =	sshll.u32 s1, $0xD;
	s1 =	sshrl.u32 s1, $0x2  }
0xb9: {  	s3 =	sand.u32 $0x4000, s31;
	s1 =	sadd.s32 s1, s30  }
0xba: {  	s0 =	sor.u32 s3, s0;
	s1 =	sshll.u32 s1, $0x11  }
0xbb: {  	s0 =	sor.u32 s1, s0  }
0xbc: {  	s0 =	sadd.s32 $0x8F2B, s0  }
0xbd: {  	[sflag:s0] =	ssyncadd.remote.s32 $0x1  }
0xbe: {  	_ =	sfence.sel $0xFFFF  }
0xbf: {  	[dreg:$0x0] =	wrdreg $0xFFFFFFFF;
	(pc) =	sbr.abs _section_cstart, $3  }
0xc0: {  	[dreg:$0x1] =	wrdreg $0xFFFFFFFF  }
0xc1: {  	_ =	task.clear_ibuf [dreg:s7], $0x2FFFF;
	_ =	strace $0x9FFFFFFF  }
0xc2: {  	(tm) =	ssettm $0x7FFFFFFF  }
0xc3: {  	_ =	shalt  }
tec
execute0_lowered:
.L_overlay_start_1:
0x0: {  	(tag) =	ssettag $0x1  }
0x1: {  	s9 =	rddreg [dreg:$0x0]  }
0x2: {  	s1 =	rddreg [dreg:$0x1]  }
0x3: {  	s0 =	rddreg [dreg:$0x2]  }
0x4: {  	s2 =	simm.s32 $0x0;
	s5 =	srdreg.scid;
	s13 =	simm.s32 $0x80  }
0x5: {  	s14 =	simm.s32 $0x100;
	s15 =	simm.s32 $0x180;
	s16 =	simm.s32 $0x1  }
0x6: {  	s17 =	simm.s32 $0x980;
	s18 =	simm.s32 $0x1180;
	s19 =	simm.s32 $0x0  }
0x7: {  	[smem:$0x7FF] =	sst s2;
	s3 =	sadd.s32 $0x8600, s9;
	s4 =	sadd.s32 $0x5400, s9  }
0x8: {  	s6 =	sadd.s32 $0x2200, s9;
	s7 =	sadd.s32 $0xC000, s9;
	s8 =	sand.u32 $0x1, s5  }
0x9: {  	s5 =	stileid.u32;
	_ =	strace $0x80000047;
	s10 =	ssub.s32 $0x2, s8  }
0xa: {  	s11 =	sshll.u32 s8, $0x4;
	s8 =	sadd.s32 $0xB800, s9;
	s12 =	sshrl.u32 s10, $0x1  }
0xb: {  	s9 =	sadd.s32 $0xC200, s9;
	s11 =	sor.u32 s5, s11;
	s12 =	ssub.s32 s10, s12  }
0xc: {  	s10 =	smul.u32 $0xC80, s11;
	s11 =	smax.u32 s12, $0x1;
	s12 =	simm.s32 $0x2  }
.LBB2_1:
0xd: {  	s20 =	simm.s32 $0x0  }
.LBB2_2:
0xe: {  	s21 =	sshll.u32 s20, $0x7  }
0xf: {  	s21 =	sadd.s32 s10, s21  }
0x10: {  	s22 =	sshrl.u32 s21, $0x3  }
0x11: {  	s24 =	simm.s32 $0x0;
	s23 =	sadd.s32 s3, s22  }
0x12: {  	[tilespmem:s24], [sflag:$0x2] =	stream.linear.gather [hbm4b:s23+s24], $0x80, $0x38;
	[tilespmem:$0x1980] =	vst v63  }
0x13: {  	_ =	swait.ge [sflag:s12], $0x80  }
0x14: {  	[sflag:s12] =	ssyncset.done $0x0  }
0x15: {  	s31 =	sadd.s32 s4, s22;
	[sflag:s12] =	ssyncadd.s32 $0xFFFFFF80  }
0x16: {  	[tilespmem:s13], [sflag:$0x2] =	stream.linear.gather [hbm4b:s31+s24], $0x80, $0x38;
	[tilespmem:$0x1980] =	vst v63  }
0x17: {  	_ =	swait.ge [sflag:s12], $0x80  }
0x18: {  	[sflag:s12] =	ssyncset.done $0x0  }
0x19: {  	s22 =	sadd.s32 s6, s22;
	[sflag:s12] =	ssyncadd.s32 $0xFFFFFF80  }
0x1a: {  	[tilespmem:s14], [sflag:$0x2] =	stream.linear.gather [hbm4b:s22+s24], $0x80, $0x38;
	[tilespmem:$0x1980] =	vst v63  }
0x1b: {  	_ =	swait.ge [sflag:s12], $0x80  }
0x1c: {  	[sflag:s12] =	ssyncset.done $0x0  }
0x1d: {  	[sflag:s12] =	ssyncadd.s32 $0xFFFFFF80  }
0x1e: {  	[tilespmem:s15], [sflag:$0x1] =	stream.indirect.gather [hbm4b:s1+s13], $0x10, s24, s13, $0xb8;
	[tilespmem:$0x1980] =	vst v63  }
0x1f: {  	_ =	swait.ge [sflag:s16], $0x800  }
0x20: {  	[sflag:s16] =	ssyncset.done $0x0  }
0x21: {  	[sflag:s16] =	ssyncadd.s32 $0xFFFFF800  }
0x22: {  	[tilespmem:s17], [sflag:$0x1] =	stream.indirect.gather [hbm4b:s7+s13], $0x10, s13, s13, $0xb8;
	[tilespmem:$0x1980] =	vst v63  }
0x23: {  	_ =	swait.ge [sflag:s16], $0x800  }
0x24: {  	[sflag:s16] =	ssyncset.done $0x0  }
0x25: {  	[sflag:s16] =	ssyncadd.s32 $0xFFFFF800  }
0x26: {  	[tilespmem:s18], [sflag:$0x1] =	stream.indirect.gather [hbm4b:s8+s13], $0x10, s14, s13, $0xb8;
	[tilespmem:$0x1980] =	vst v63  }
0x27: {  	_ =	swait.ge [sflag:s16], $0x800  }
0x28: {  	[sflag:s16] =	ssyncset.done $0x0  }
0x29: {  	s22 =	simm.s32 $0x0;
	[sflag:s16] =	ssyncadd.s32 $0xFFFFF800  }
0x2a: {  	s23 =	simm.s32 $0x40;
	v0 =	vld [tilespmem:s22+$0x980]  }
.LBB2_3:
0x2b: {  	p0 =	sne.s32 s23, $0x1FC0;
	v1 =	vld [tilespmem:s22+$0x180];
	_ =	sdelay $0x1  }
0x2c: {  	v2 =	vld [tilespmem:s22+$0x1180];
	_ =	sdelay $0x2  }
.Ltmp0:
0x2d: {  	v0 =	vadd.f32 v0, v1;
	(pc) =	sbr.rel @p0 .LBB2_3-.Ltmp0, $4  }
0x2e: {  	_ = 	snop  }
0x2f: {  	v1 =	vadd.f32 v2, v0  }
0x30: {  	s24 =	sshra.s32 s23, $0x2  }
0x31: {  	s23 =	sadd.s32 $0x40, s23;
	v0 =	vld [tilespmem:s24+$0x980];
	[tilespmem:s22+$0x180] =	vst v1;
	s22 =	smov.u32 s24  }
0x32: {  	v1 =	vld [tilespmem:s22+$0x180];
	_ =	sdelay $0x1  }
0x33: {  	v2 =	vld [tilespmem:s22+$0x1180];
	_ =	sdelay $0x2  }
0x34: {  	v0 =	vadd.f32 v0, v1;
	_ =	sdelay $0x1  }
0x35: {  	s20 =	sadd.s32 $0x1, s20;
	v0 =	vadd.f32 v2, v0  }
0x36: {  	s21 =	sshll.u32 s21, $0x1;
	p0 =	sne.s32 s20, $0x19  }
.Ltmp1:
0x37: {  	s21 =	sadd.s32 s9, s21;
	[tilespmem:s22+$0x180] =	vst v0;
	(pc) =	sbr.rel @p0 .LBB2_2-.Ltmp1, $4  }
0x38: {  	[hbm4b:s21+s2] =	stream.linear.scatter [tilespmem:s15], [sflag:$0x2], $0x800, $0x38;
	[tilespmem:$0x1980] =	vst v63  }
0x39: {  	_ =	swait.ge [sflag:s12], $0x800  }
0x3a: {  	[sflag:s12] =	ssyncset.done $0x0  }
0x3b: {  	[sflag:s12] =	ssyncadd.s32 $0xFFFFF800  }
0x3c: {  	s19 =	sadd.s32 $0x1, s19  }
0x3d: {  	p0 =	sne.s32 s19, s11  }
.Ltmp2:
0x3e: {  	_ = 	snop;
	(pc) =	sbr.rel @p0 .LBB2_1-.Ltmp2, $1  }
0x3f: {  	_ =	sdelay $0x3  }
0x40: {  	_ =	sfence.sel $0x180000  }
0x41: {  	[bflag:$0x0] =	sbarrier.arrive $0xFFFF  }
0x42: {  	p0 =	sne.s32 s5, $0x0;
	_ =	strace $0x90000047  }
0x43: {  	s0 =	sadd.s32 @!p0 $0x100000, s0;
	[bflag:$0x2] =	sbarrier.arrive $0xFFFF  }
0x44: {  	[sflag:s0] =	ssyncadd.tile.s32 @!p0 $0x1;
	_ =	shalt  }
.Lfunc_end2:
_tile_overlayer_lowered:
.L_overlay_start_2:
0x45: {  	(tag) =	ssettag $0x2  }
0x46: {  	s0 =	rddreg [dreg:$0x0];
	s2 =	stileid.u32  }
0x47: {  	s1 =	rddreg [dreg:$0x1];
	p0 =	sne.s32 s2, $0x0  }
0x48: {  	s3 =	rddreg [dreg:$0x2];
	[bflag:$0x3] =	sbarrier.arrive $0xFFFF;
	s2 =	simm.s32 @!p0 $0x1C02  }
0x49: {  	[timem:s3], [sflag:s2] =	dma.local @!p0 [hbm:s0], s1  }
0x4a: {  	s0 =	simm.s32 @!p0 $0x2  }
0x4b: {  	_ =	swait.ge @!p0 [sflag:s0], s1  }
0x4c: {  	s1 =	ssub.s32 @!p0 $0x0, s1;
	[sflag:s0] =	ssyncset.done @!p0 $0x0  }
0x4d: {  	[sflag:s0] =	ssyncadd.s32 @!p0 s1  }
0x4e: {  	[bflag:$0x3] =	sbarrier.arrive $0xFFFF  }
0x4f: {  	_ =	shalt  }

</sc_bundles>
